<compile_context>
chip_gen: v7x
topology: tpu7x:2x2x1
jax: 0.10.2.dev20260603
libtpu: 0.0.44.dev20260713+nightly
codegen_flags: <defaults>
</compile_context>

<pallas_src>
import jax
import jax.numpy as jnp
from jax import lax
from jax.experimental import pallas as pl
from jax.experimental.pallas import tpu as pltpu
from jax.experimental.pallas import tpu_sc as plsc

_N_EMBD = 768
_N_TOKEN = 77
_BATCH = 1024
_LANES = 16
_PANEL = 128
_NPANEL = _N_EMBD // _PANEL
_BLK = 32
_NBLK = _BATCH // _BLK
_NUM_CORES = 2
_NUM_SUBCORES = 16
_NW = _NUM_CORES * _NUM_SUBCORES
_PAIRS_PER_W = _N_TOKEN * _NBLK // _NW


def _embed_body(tok_hbm, table_hbm, pos_hbm, out_hbm, pos_v, idx_v,
                *rest):
    bufs = rest[:12]
    gsem = rest[12:24]
    wsem = rest[24:36]
    si = rest[36]

    wid = lax.axis_index("subcore") * _NUM_CORES + lax.axis_index("core")
    base_pair = wid * _PAIRS_PER_W

    pltpu.sync_copy(pos_hbm, pos_v)
    pltpu.async_copy(
        tok_hbm.at[pl.ds(base_pair * _BLK, _PAIRS_PER_W * _BLK)],
        idx_v, si).wait()

    def slot(q_parity, cb):
        return q_parity * _NPANEL + cb

    def g_start(q, s):
        pltpu.async_copy(
            table_hbm.at[idx_v.at[pl.ds(q * _BLK, _BLK)],
                         pl.ds((s % _NPANEL) * _PANEL, _PANEL)],
            bufs[s], gsem[s])

    def g_wait(q, s):
        pltpu.make_async_copy(
            table_hbm.at[idx_v.at[pl.ds(q * _BLK, _BLK)],
                         pl.ds((s % _NPANEL) * _PANEL, _PANEL)],
            bufs[s], gsem[s]).wait()

    def w_pair(q, s):
        pair = base_pair + q
        t = pair // _NBLK
        bb = lax.rem(pair, _NBLK)
        return (bufs[s],
                out_hbm.at[t, pl.ds(bb * _BLK, _BLK),
                           pl.ds((s % _NPANEL) * _PANEL, _PANEL)])

    def w_start(q, s):
        src, dst = w_pair(q, s)
        pltpu.async_copy(src, dst, wsem[s])

    def w_wait(q, s):
        src, dst = w_pair(q, s)
        pltpu.make_async_copy(src, dst, wsem[s]).wait()

    def chunk(q, h, cb, q2):
        s = slot(h, cb)
        sn = slot(1 - h, cb)
        g_wait(q, s)

        if h == 0:
            @pl.when(q2 >= 1)
            def _():
                w_wait(q - 1, sn)
        else:
            w_wait(q - 1, sn)

        @pl.when(q2 <= _PAIRS_PER_W // 2 - 1)
        def _():
            g_start(q + 1, sn)

        t = (base_pair + q) // _NBLK
        vals = [pos_v[t, pl.ds(cb * _PANEL + c, _LANES)]
                for c in range(0, _PANEL, _LANES)]

        @pl.loop(0, _BLK)
        def _(r):
            for k, c in enumerate(range(0, _PANEL, _LANES)):
                plsc.addupdate(bufs[s].at[r, pl.ds(c, _LANES)], vals[k])

        w_start(q, s)

    for cb in range(_NPANEL):
        g_start(0, slot(0, cb))

    @pl.loop(0, (_PAIRS_PER_W + 1) // 2)
    def _(q2):
        for cb in range(_NPANEL):
            chunk(2 * q2, 0, cb, q2)
        @pl.when(q2 <= _PAIRS_PER_W // 2 - 1)
        def _():
            for cb in range(_NPANEL):
                chunk(2 * q2 + 1, 1, cb, q2)

    for cb in range(_NPANEL):
        w_wait(_PAIRS_PER_W - 1, slot(0, cb))


@jax.jit
def _embed(tokens, token_embedding, position_embedding):
    tok_flat = tokens.T.reshape(_N_TOKEN * _BATCH)
    mesh = plsc.VectorSubcoreMesh(
        core_axis_name="core", subcore_axis_name="subcore")
    kern = pl.kernel(
        _embed_body,
        out_type=jax.ShapeDtypeStruct((_N_TOKEN, _BATCH, _N_EMBD),
                                      jnp.float32),
        mesh=mesh,
        scratch_types=(
            [pltpu.VMEM((_N_TOKEN, _N_EMBD), jnp.float32),
             pltpu.VMEM((_PAIRS_PER_W * _BLK,), jnp.int32)]
            + [pltpu.VMEM((_BLK, _PANEL), jnp.float32) for _ in range(12)]
            + [pltpu.SemaphoreType.DMA for _ in range(25)]
        ),
    )
    out_t = kern(tok_flat, token_embedding, position_embedding)
    return jnp.transpose(out_t, (1, 0, 2))


def kernel(tokens, token_embedding, position_embedding):
    return _embed(tokens, token_embedding, position_embedding)

# --- scband reference (transcript-rebuilt; emitter-appended) ---
"""Pipeline reference for scband-clipembeding-44976897524355 (READ-ONLY COPY).

The authoritative reference and input builder live on the scoring server;
editing this copy changes nothing except your own understanding.
"""

import jax, jax.numpy as jnp
import numpy as np

N_VOCAB = 49408
N_EMBD = 768
N_TOKEN = 77
BATCH = 1024


def setup_inputs(seed: int = 0) -> dict:
    key = jax.random.key(seed)
    k1, k2, k3 = jax.random.split(key, 3)
    tokens = jax.random.randint(k1, (BATCH, N_TOKEN), 0, N_VOCAB, dtype=jnp.int64 if jax.config.jax_enable_x64 else jnp.int32)
    token_embedding = jax.random.normal(k2, (N_VOCAB, N_EMBD), dtype=jnp.float32) * 0.02
    position_embedding = jax.random.normal(k3, (N_TOKEN, N_EMBD), dtype=jnp.float32) * 0.01
    return {"tokens": tokens, "token_embedding": token_embedding, "position_embedding": position_embedding}


def reference(tokens, token_embedding, position_embedding):
    # x = self.token_embedding(tokens)  -> gather rows from table
    x = jnp.take(token_embedding, tokens, axis=0)
    # x += self.position_embedding  (broadcast over batch)
    x = x + position_embedding
    return x

if __name__ == "__main__":
    import jax
    _d = setup_inputs()
    print(jax.jit(kernel)(*tuple(_d.values())))

</pallas_src>

<mosaic_0001>
#map = affine_map<(d0, d1) -> (0)>
#map1 = affine_map<(d0, d1) -> (0, 0)>
#map2 = affine_map<(d0, d1) -> (0, 0, 0)>
module attributes {stable_mosaic.version = 14 : i64} {
  func.func @_embed_body(%arg0: i32, %arg1: i32, %arg2: memref<78848xi32, #tpu.memory_space<hbm>>, %arg3: memref<49408x768xf32, #tpu.memory_space<hbm>>, %arg4: memref<77x768xf32, #tpu.memory_space<hbm>>, %arg5: memref<77x1024x768xf32, #tpu.memory_space<hbm>>, %arg6: memref<77x768xf32, #tpu.memory_space<vmem>>, %arg7: memref<2464xi32, #tpu.memory_space<vmem>>, %arg8: memref<32x128xf32, #tpu.memory_space<vmem>>, %arg9: memref<32x128xf32, #tpu.memory_space<vmem>>, %arg10: memref<32x128xf32, #tpu.memory_space<vmem>>, %arg11: memref<32x128xf32, #tpu.memory_space<vmem>>, %arg12: memref<32x128xf32, #tpu.memory_space<vmem>>, %arg13: memref<32x128xf32, #tpu.memory_space<vmem>>, %arg14: memref<32x128xf32, #tpu.memory_space<vmem>>, %arg15: memref<32x128xf32, #tpu.memory_space<vmem>>, %arg16: memref<32x128xf32, #tpu.memory_space<vmem>>, %arg17: memref<32x128xf32, #tpu.memory_space<vmem>>, %arg18: memref<32x128xf32, #tpu.memory_space<vmem>>, %arg19: memref<32x128xf32, #tpu.memory_space<vmem>>, %arg20: memref<!tpu.dma_semaphore, #tpu.memory_space<semaphore_mem>>, %arg21: memref<!tpu.dma_semaphore, #tpu.memory_space<semaphore_mem>>, %arg22: memref<!tpu.dma_semaphore, #tpu.memory_space<semaphore_mem>>, %arg23: memref<!tpu.dma_semaphore, #tpu.memory_space<semaphore_mem>>, %arg24: memref<!tpu.dma_semaphore, #tpu.memory_space<semaphore_mem>>, %arg25: memref<!tpu.dma_semaphore, #tpu.memory_space<semaphore_mem>>, %arg26: memref<!tpu.dma_semaphore, #tpu.memory_space<semaphore_mem>>, %arg27: memref<!tpu.dma_semaphore, #tpu.memory_space<semaphore_mem>>, %arg28: memref<!tpu.dma_semaphore, #tpu.memory_space<semaphore_mem>>, %arg29: memref<!tpu.dma_semaphore, #tpu.memory_space<semaphore_mem>>, %arg30: memref<!tpu.dma_semaphore, #tpu.memory_space<semaphore_mem>>, %arg31: memref<!tpu.dma_semaphore, #tpu.memory_space<semaphore_mem>>, %arg32: memref<!tpu.dma_semaphore, #tpu.memory_space<semaphore_mem>>, %arg33: memref<!tpu.dma_semaphore, #tpu.memory_space<semaphore_mem>>, %arg34: memref<!tpu.dma_semaphore, #tpu.memory_space<semaphore_mem>>, %arg35: memref<!tpu.dma_semaphore, #tpu.memory_space<semaphore_mem>>, %arg36: memref<!tpu.dma_semaphore, #tpu.memory_space<semaphore_mem>>, %arg37: memref<!tpu.dma_semaphore, #tpu.memory_space<semaphore_mem>>, %arg38: memref<!tpu.dma_semaphore, #tpu.memory_space<semaphore_mem>>, %arg39: memref<!tpu.dma_semaphore, #tpu.memory_space<semaphore_mem>>, %arg40: memref<!tpu.dma_semaphore, #tpu.memory_space<semaphore_mem>>, %arg41: memref<!tpu.dma_semaphore, #tpu.memory_space<semaphore_mem>>, %arg42: memref<!tpu.dma_semaphore, #tpu.memory_space<semaphore_mem>>, %arg43: memref<!tpu.dma_semaphore, #tpu.memory_space<semaphore_mem>>, %arg44: memref<!tpu.dma_semaphore, #tpu.memory_space<semaphore_mem>>) attributes {dimension_semantics = [#tpu.dimension_semantics<core_parallel>, #tpu.dimension_semantics<subcore_parallel>], iteration_bounds = array<i64: 2, 16>, scalar_prefetch = 0 : i64, scratch_operands = 39 : i64, tpu.core_type = #tpu.core_type<sc_vector_subcore>, window_params = [{transform_indices = #map}, {transform_indices = #map1}, {transform_indices = #map1}, {transform_indices = #map2}]} {
    %mul3A = arith.constant 2 : i32
    %mul3A_0 = arith.muli %arg1, %mul3A : i32
    %add3A = arith.addi %mul3A_0, %arg0 : i32
    %mul3A_1 = arith.constant 77 : i32
    %mul3A_2 = arith.muli %add3A, %mul3A_1 : i32
    "tpu.region"() ({
      %run_scoped3A = tpu.sem_alloc : memref<!tpu.dma_semaphore, #tpu.memory_space<semaphore_mem>>
      tpu.enqueue_dma source(%arg4 : memref<77x768xf32, #tpu.memory_space<hbm>>) target(%arg6 : memref<77x768xf32, #tpu.memory_space<vmem>>) target_semaphore(%run_scoped3A : memref<!tpu.dma_semaphore, #tpu.memory_space<semaphore_mem>>)
      tpu.wait_dma2 semaphore(%run_scoped3A : memref<!tpu.dma_semaphore, #tpu.memory_space<semaphore_mem>>) src(%arg4 : memref<77x768xf32, #tpu.memory_space<hbm>>) dst(%arg6 : memref<77x768xf32, #tpu.memory_space<vmem>>)
      tpu.yield
    }) : () -> ()
    %mul3A_3 = arith.constant 32 : i32
    %mul3A_4 = arith.muli %mul3A_2, %mul3A_3 : i32
    %dma_start3A = tpu.memref_slice %arg2[%mul3A_4] : memref<78848xi32, #tpu.memory_space<hbm>> -> memref<2464xi32, #tpu.memory_space<hbm>>
    %dma_start3A_5 = tpu.memref_slice %arg2[%mul3A_4] : memref<78848xi32, #tpu.memory_space<hbm>> -> memref<2464xi32, #tpu.memory_space<hbm>>
    tpu.enqueue_dma source(%dma_start3A_5 : memref<2464xi32, #tpu.memory_space<hbm>>) target(%arg7 : memref<2464xi32, #tpu.memory_space<vmem>>) target_semaphore(%arg44 : memref<!tpu.dma_semaphore, #tpu.memory_space<semaphore_mem>>)
    %dma_wait3A = tpu.memref_slice %arg2[%mul3A_4] : memref<78848xi32, #tpu.memory_space<hbm>> -> memref<2464xi32, #tpu.memory_space<hbm>>
    %dma_wait3A_6 = tpu.memref_slice %arg2[%mul3A_4] : memref<78848xi32, #tpu.memory_space<hbm>> -> memref<2464xi32, #tpu.memory_space<hbm>>
    tpu.wait_dma2 semaphore(%arg44 : memref<!tpu.dma_semaphore, #tpu.memory_space<semaphore_mem>>) src(%dma_wait3A_6 : memref<2464xi32, #tpu.memory_space<hbm>>) dst(%arg7 : memref<2464xi32, #tpu.memory_space<vmem>>)
    %dma_start3A_7 = arith.constant 0 : i32
    %dma_start3A_8 = tpu.memref_slice %arg7[%dma_start3A_7] : memref<2464xi32, #tpu.memory_space<vmem>> -> memref<32xi32, #tpu.memory_space<vmem>>
    %dma_start3A_9 = arith.constant 0 : i32
    %dma_start3A_10 = arith.constant 0 : i32
    %dma_start3A_11 = tpu.memref_slice %arg3[%dma_start3A_9, %dma_start3A_10] : memref<49408x768xf32, #tpu.memory_space<hbm>> -> memref<49408x128xf32, #tpu.memory_space<hbm>>
    tpu.enqueue_indirect_dma source(%dma_start3A_11 : memref<49408x128xf32, #tpu.memory_space<hbm>>) target(%arg8 : memref<32x128xf32, #tpu.memory_space<vmem>>) offsets(%dma_start3A_8 : memref<32xi32, #tpu.memory_space<vmem>>) semaphore(%arg20 : memref<!tpu.dma_semaphore, #tpu.memory_space<semaphore_mem>>)
    %dma_start3A_12 = arith.constant 0 : i32
    %dma_start3A_13 = tpu.memref_slice %arg7[%dma_start3A_12] : memref<2464xi32, #tpu.memory_space<vmem>> -> memref<32xi32, #tpu.memory_space<vmem>>
    %dma_start3A_14 = arith.constant 0 : i32
    %dma_start3A_15 = arith.constant 128 : i32
    %dma_start3A_16 = tpu.memref_slice %arg3[%dma_start3A_14, %dma_start3A_15] : memref<49408x768xf32, #tpu.memory_space<hbm>> -> memref<49408x128xf32, #tpu.memory_space<hbm>>
    tpu.enqueue_indirect_dma source(%dma_start3A_16 : memref<49408x128xf32, #tpu.memory_space<hbm>>) target(%arg9 : memref<32x128xf32, #tpu.memory_space<vmem>>) offsets(%dma_start3A_13 : memref<32xi32, #tpu.memory_space<vmem>>) semaphore(%arg21 : memref<!tpu.dma_semaphore, #tpu.memory_space<semaphore_mem>>)
    %dma_start3A_17 = arith.constant 0 : i32
    %dma_start3A_18 = tpu.memref_slice %arg7[%dma_start3A_17] : memref<2464xi32, #tpu.memory_space<vmem>> -> memref<32xi32, #tpu.memory_space<vmem>>
    %dma_start3A_19 = arith.constant 0 : i32
    %dma_start3A_20 = arith.constant 256 : i32
    %dma_start3A_21 = tpu.memref_slice %arg3[%dma_start3A_19, %dma_start3A_20] : memref<49408x768xf32, #tpu.memory_space<hbm>> -> memref<49408x128xf32, #tpu.memory_space<hbm>>
    tpu.enqueue_indirect_dma source(%dma_start3A_21 : memref<49408x128xf32, #tpu.memory_space<hbm>>) target(%arg10 : memref<32x128xf32, #tpu.memory_space<vmem>>) offsets(%dma_start3A_18 : memref<32xi32, #tpu.memory_space<vmem>>) semaphore(%arg22 : memref<!tpu.dma_semaphore, #tpu.memory_space<semaphore_mem>>)
    %dma_start3A_22 = arith.constant 0 : i32
    %dma_start3A_23 = tpu.memref_slice %arg7[%dma_start3A_22] : memref<2464xi32, #tpu.memory_space<vmem>> -> memref<32xi32, #tpu.memory_space<vmem>>
    %dma_start3A_24 = arith.constant 0 : i32
    %dma_start3A_25 = arith.constant 384 : i32
    %dma_start3A_26 = tpu.memref_slice %arg3[%dma_start3A_24, %dma_start3A_25] : memref<49408x768xf32, #tpu.memory_space<hbm>> -> memref<49408x128xf32, #tpu.memory_space<hbm>>
    tpu.enqueue_indirect_dma source(%dma_start3A_26 : memref<49408x128xf32, #tpu.memory_space<hbm>>) target(%arg11 : memref<32x128xf32, #tpu.memory_space<vmem>>) offsets(%dma_start3A_23 : memref<32xi32, #tpu.memory_space<vmem>>) semaphore(%arg23 : memref<!tpu.dma_semaphore, #tpu.memory_space<semaphore_mem>>)
    %dma_start3A_27 = arith.constant 0 : i32
    %dma_start3A_28 = tpu.memref_slice %arg7[%dma_start3A_27] : memref<2464xi32, #tpu.memory_space<vmem>> -> memref<32xi32, #tpu.memory_space<vmem>>
    %dma_start3A_29 = arith.constant 0 : i32
    %dma_start3A_30 = arith.constant 512 : i32
    %dma_start3A_31 = tpu.memref_slice %arg3[%dma_start3A_29, %dma_start3A_30] : memref<49408x768xf32, #tpu.memory_space<hbm>> -> memref<49408x128xf32, #tpu.memory_space<hbm>>
    tpu.enqueue_indirect_dma source(%dma_start3A_31 : memref<49408x128xf32, #tpu.memory_space<hbm>>) target(%arg12 : memref<32x128xf32, #tpu.memory_space<vmem>>) offsets(%dma_start3A_28 : memref<32xi32, #tpu.memory_space<vmem>>) semaphore(%arg24 : memref<!tpu.dma_semaphore, #tpu.memory_space<semaphore_mem>>)
    %dma_start3A_32 = arith.constant 0 : i32
    %dma_start3A_33 = tpu.memref_slice %arg7[%dma_start3A_32] : memref<2464xi32, #tpu.memory_space<vmem>> -> memref<32xi32, #tpu.memory_space<vmem>>
    %dma_start3A_34 = arith.constant 0 : i32
    %dma_start3A_35 = arith.constant 640 : i32
    %dma_start3A_36 = tpu.memref_slice %arg3[%dma_start3A_34, %dma_start3A_35] : memref<49408x768xf32, #tpu.memory_space<hbm>> -> memref<49408x128xf32, #tpu.memory_space<hbm>>
    tpu.enqueue_indirect_dma source(%dma_start3A_36 : memref<49408x128xf32, #tpu.memory_space<hbm>>) target(%arg13 : memref<32x128xf32, #tpu.memory_space<vmem>>) offsets(%dma_start3A_33 : memref<32xi32, #tpu.memory_space<vmem>>) semaphore(%arg25 : memref<!tpu.dma_semaphore, #tpu.memory_space<semaphore_mem>>)
    %scan3A = arith.constant 0 : i32
    %scan3A_37 = arith.constant 39 : i32
    %scan3A_38 = arith.addi %scan3A, %scan3A_37 : i32
    %scan3A_39 = arith.constant 1 : i32
    scf.for %scan3A_249 = %scan3A to %scan3A_38 step %scan3A_39  : i32 {
      %mul3A_250 = arith.constant 1 : i32
      %mul3A_251 = arith.muli %scan3A_249, %mul3A_250 : i32
      %add3A_252 = arith.constant 0 : i32
      %add3A_253 = arith.addi %add3A_252, %mul3A_251 : i32
      %mul3A_254 = arith.constant 2 : i32
      %mul3A_255 = arith.muli %mul3A_254, %add3A_253 : i32
      %mul3A_256 = arith.constant 32 : i32
      %mul3A_257 = arith.muli %mul3A_255, %mul3A_256 : i32
      %dma_wait3A_258 = tpu.memref_slice %arg7[%mul3A_257] : memref<2464xi32, #tpu.memory_space<vmem>> -> memref<32xi32, #tpu.memory_space<vmem>>
      %dma_wait3A_259 = arith.constant 0 : i32
      %dma_wait3A_260 = arith.constant 0 : i32
      %dma_wait3A_261 = tpu.memref_slice %arg3[%dma_wait3A_259, %dma_wait3A_260] : memref<49408x768xf32, #tpu.memory_space<hbm>> -> memref<49408x128xf32, #tpu.memory_space<hbm>>
      tpu.wait_indirect_dma semaphore(%arg20 : memref<!tpu.dma_semaphore, #tpu.memory_space<semaphore_mem>>) src(%dma_wait3A_261 : memref<49408x128xf32, #tpu.memory_space<hbm>>) dst(%arg8 : memref<32x128xf32, #tpu.memory_space<vmem>>)
      %ge3A = arith.constant 1 : i32
      %ge3A_262 = arith.cmpi sge, %add3A_253, %ge3A : i32
      %convert_element_type3A = arith.extui %ge3A_262 : i1 to i32
      %cond3A = arith.constant 0 : i32
      %cond3A_263 = arith.cmpi ne, %convert_element_type3A, %cond3A : i32
      scf.if %cond3A_263 {
        %sub3A_944 = arith.constant 1 : i32
        %sub3A_945 = arith.subi %mul3A_255, %sub3A_944 : i32
        %add3A_946 = arith.addi %mul3A_2, %sub3A_945 : i32
        %jit3A_947 = arith.constant 32 : i32
        %div3A_948 = arith.divsi %add3A_946, %jit3A_947 : i32
        %sign3A_949 = arith.constant 0 : i32
        %sign3A_950 = arith.cmpi sgt, %add3A_946, %sign3A_949 : i32
        %sign3A_951 = arith.extui %sign3A_950 : i1 to i32
        %sign3A_952 = arith.constant 0 : i32
        %sign3A_953 = arith.cmpi slt, %add3A_946, %sign3A_952 : i32
        %sign3A_954 = arith.extui %sign3A_953 : i1 to i32
        %sign3A_955 = arith.subi %sign3A_951, %sign3A_954 : i32
        %sign3A_956 = arith.constant 0 : i32
        %sign3A_957 = arith.cmpi sgt, %jit3A_947, %sign3A_956 : i32
        %sign3A_958 = arith.extui %sign3A_957 : i1 to i32
        %sign3A_959 = arith.constant 0 : i32
        %sign3A_960 = arith.cmpi slt, %jit3A_947, %sign3A_959 : i32
        %sign3A_961 = arith.extui %sign3A_960 : i1 to i32
        %sign3A_962 = arith.subi %sign3A_958, %sign3A_961 : i32
        %ne3A_963 = arith.cmpi ne, %sign3A_955, %sign3A_962 : i32
        %rem3A_964 = arith.remsi %add3A_946, %jit3A_947 : i32
        %ne3A_965 = arith.constant 0 : i32
        %ne3A_966 = arith.cmpi ne, %rem3A_964, %ne3A_965 : i32
        %and3A_967 = arith.andi %ne3A_963, %ne3A_966 : i1
        %sub3A_968 = arith.constant 1 : i32
        %sub3A_969 = arith.subi %div3A_948, %sub3A_968 : i32
        %select_n3A_970 = arith.select %and3A_967, %sub3A_969, %div3A_948 : i32
        %rem3A_971 = arith.constant 32 : i32
        %rem3A_972 = arith.remsi %add3A_946, %rem3A_971 : i32
        %mul3A_973 = arith.constant 32 : i32
        %mul3A_974 = arith.muli %rem3A_972, %mul3A_973 : i32
        %dma_wait3A_975 = arith.constant 0 : i32
        %dma_wait3A_976 = tpu.memref_slice %arg5[%select_n3A_970, %mul3A_974, %dma_wait3A_975] : memref<77x1024x768xf32, #tpu.memory_space<hbm>> -> memref<1x32x128xf32, #tpu.memory_space<hbm>>
        %dma_wait3A_977 = tpu.memref_squeeze %dma_wait3A_976 : memref<1x32x128xf32, #tpu.memory_space<hbm>> -> memref<32x128xf32, #tpu.memory_space<hbm>>
        %dma_wait3A_978 = arith.constant 0 : i32
        %dma_wait3A_979 = tpu.memref_slice %arg5[%select_n3A_970, %mul3A_974, %dma_wait3A_978] : memref<77x1024x768xf32, #tpu.memory_space<hbm>> -> memref<1x32x128xf32, #tpu.memory_space<hbm>>
        %dma_wait3A_980 = tpu.memref_squeeze %dma_wait3A_979 : memref<1x32x128xf32, #tpu.memory_space<hbm>> -> memref<32x128xf32, #tpu.memory_space<hbm>>
        tpu.wait_dma2 semaphore(%arg38 : memref<!tpu.dma_semaphore, #tpu.memory_space<semaphore_mem>>) src(%arg14 : memref<32x128xf32, #tpu.memory_space<vmem>>) dst(%dma_wait3A_980 : memref<32x128xf32, #tpu.memory_space<hbm>>)
      } else {
      }
      %le3A = arith.constant 37 : i32
      %le3A_264 = arith.cmpi sle, %add3A_253, %le3A : i32
      %convert_element_type3A_265 = arith.extui %le3A_264 : i1 to i32
      %cond3A_266 = arith.constant 0 : i32
      %cond3A_267 = arith.cmpi ne, %convert_element_type3A_265, %cond3A_266 : i32
      scf.if %cond3A_267 {
        %add3A_944 = arith.constant 1 : i32
        %add3A_945 = arith.addi %mul3A_255, %add3A_944 : i32
        %mul3A_946 = arith.constant 32 : i32
        %mul3A_947 = arith.muli %add3A_945, %mul3A_946 : i32
        %dma_start3A_948 = tpu.memref_slice %arg7[%mul3A_947] : memref<2464xi32, #tpu.memory_space<vmem>> -> memref<32xi32, #tpu.memory_space<vmem>>
        %dma_start3A_949 = arith.constant 0 : i32
        %dma_start3A_950 = arith.constant 0 : i32
        %dma_start3A_951 = tpu.memref_slice %arg3[%dma_start3A_949, %dma_start3A_950] : memref<49408x768xf32, #tpu.memory_space<hbm>> -> memref<49408x128xf32, #tpu.memory_space<hbm>>
        tpu.enqueue_indirect_dma source(%dma_start3A_951 : memref<49408x128xf32, #tpu.memory_space<hbm>>) target(%arg14 : memref<32x128xf32, #tpu.memory_space<vmem>>) offsets(%dma_start3A_948 : memref<32xi32, #tpu.memory_space<vmem>>) semaphore(%arg26 : memref<!tpu.dma_semaphore, #tpu.memory_space<semaphore_mem>>)
      } else {
      }
      %add3A_268 = arith.addi %mul3A_2, %mul3A_255 : i32
      %jit3A_269 = arith.constant 32 : i32
      %div3A_270 = arith.divsi %add3A_268, %jit3A_269 : i32
      %sign3A_271 = arith.constant 0 : i32
      %sign3A_272 = arith.cmpi sgt, %add3A_268, %sign3A_271 : i32
      %sign3A_273 = arith.extui %sign3A_272 : i1 to i32
      %sign3A_274 = arith.constant 0 : i32
      %sign3A_275 = arith.cmpi slt, %add3A_268, %sign3A_274 : i32
      %sign3A_276 = arith.extui %sign3A_275 : i1 to i32
      %sign3A_277 = arith.subi %sign3A_273, %sign3A_276 : i32
      %sign3A_278 = arith.constant 0 : i32
      %sign3A_279 = arith.cmpi sgt, %jit3A_269, %sign3A_278 : i32
      %sign3A_280 = arith.extui %sign3A_279 : i1 to i32
      %sign3A_281 = arith.constant 0 : i32
      %sign3A_282 = arith.cmpi slt, %jit3A_269, %sign3A_281 : i32
      %sign3A_283 = arith.extui %sign3A_282 : i1 to i32
      %sign3A_284 = arith.subi %sign3A_280, %sign3A_283 : i32
      %ne3A_285 = arith.cmpi ne, %sign3A_277, %sign3A_284 : i32
      %rem3A_286 = arith.remsi %add3A_268, %jit3A_269 : i32
      %ne3A_287 = arith.constant 0 : i32
      %ne3A_288 = arith.cmpi ne, %rem3A_286, %ne3A_287 : i32
      %and3A_289 = arith.andi %ne3A_285, %ne3A_288 : i1
      %sub3A_290 = arith.constant 1 : i32
      %sub3A_291 = arith.subi %div3A_270, %sub3A_290 : i32
      %select_n3A_292 = arith.select %and3A_289, %sub3A_291, %div3A_270 : i32
      %get3A = arith.index_cast %select_n3A_292 : i32 to index
      %get3A_293 = arith.constant 0 : index
      %get3A_294 = tpu.vector_load %arg6[%get3A, %get3A_293] {strides = array<i32>} : memref<77x768xf32, #tpu.memory_space<vmem>>, vector<1x16xf32>,
      %get3A_295 = vector.shape_cast %get3A_294 : vector<1x16xf32> to vector<16xf32>
      %get3A_296 = arith.index_cast %select_n3A_292 : i32 to index
      %get3A_297 = arith.constant 16 : index
      %get3A_298 = tpu.vector_load %arg6[%get3A_296, %get3A_297] {strides = array<i32>} : memref<77x768xf32, #tpu.memory_space<vmem>>, vector<1x16xf32>,
      %get3A_299 = vector.shape_cast %get3A_298 : vector<1x16xf32> to vector<16xf32>
      %get3A_300 = arith.index_cast %select_n3A_292 : i32 to index
      %get3A_301 = arith.constant 32 : index
      %get3A_302 = tpu.vector_load %arg6[%get3A_300, %get3A_301] {strides = array<i32>} : memref<77x768xf32, #tpu.memory_space<vmem>>, vector<1x16xf32>,
      %get3A_303 = vector.shape_cast %get3A_302 : vector<1x16xf32> to vector<16xf32>
      %get3A_304 = arith.index_cast %select_n3A_292 : i32 to index
      %get3A_305 = arith.constant 48 : index
      %get3A_306 = tpu.vector_load %arg6[%get3A_304, %get3A_305] {strides = array<i32>} : memref<77x768xf32, #tpu.memory_space<vmem>>, vector<1x16xf32>,
      %get3A_307 = vector.shape_cast %get3A_306 : vector<1x16xf32> to vector<16xf32>
      %get3A_308 = arith.index_cast %select_n3A_292 : i32 to index
      %get3A_309 = arith.constant 64 : index
      %get3A_310 = tpu.vector_load %arg6[%get3A_308, %get3A_309] {strides = array<i32>} : memref<77x768xf32, #tpu.memory_space<vmem>>, vector<1x16xf32>,
      %get3A_311 = vector.shape_cast %get3A_310 : vector<1x16xf32> to vector<16xf32>
      %get3A_312 = arith.index_cast %select_n3A_292 : i32 to index
      %get3A_313 = arith.constant 80 : index
      %get3A_314 = tpu.vector_load %arg6[%get3A_312, %get3A_313] {strides = array<i32>} : memref<77x768xf32, #tpu.memory_space<vmem>>, vector<1x16xf32>,
      %get3A_315 = vector.shape_cast %get3A_314 : vector<1x16xf32> to vector<16xf32>
      %get3A_316 = arith.index_cast %select_n3A_292 : i32 to index
      %get3A_317 = arith.constant 96 : index
      %get3A_318 = tpu.vector_load %arg6[%get3A_316, %get3A_317] {strides = array<i32>} : memref<77x768xf32, #tpu.memory_space<vmem>>, vector<1x16xf32>,
      %get3A_319 = vector.shape_cast %get3A_318 : vector<1x16xf32> to vector<16xf32>
      %get3A_320 = arith.index_cast %select_n3A_292 : i32 to index
      %get3A_321 = arith.constant 112 : index
      %get3A_322 = tpu.vector_load %arg6[%get3A_320, %get3A_321] {strides = array<i32>} : memref<77x768xf32, #tpu.memory_space<vmem>>, vector<1x16xf32>,
      %get3A_323 = vector.shape_cast %get3A_322 : vector<1x16xf32> to vector<16xf32>
      %scan3A_324 = arith.constant 0 : i32
      %scan3A_325 = arith.constant 32 : i32
      %scan3A_326 = arith.addi %scan3A_324, %scan3A_325 : i32
      %scan3A_327 = arith.constant 1 : i32
      scf.for %scan3A_944 = %scan3A_324 to %scan3A_326 step %scan3A_327  : i32 {
        %mul3A_945 = arith.constant 1 : i32
        %mul3A_946 = arith.muli %scan3A_944, %mul3A_945 : i32
        %add3A_947 = arith.constant 0 : i32
        %add3A_948 = arith.addi %add3A_947, %mul3A_946 : i32
        %swap3A = arith.index_cast %add3A_948 : i32 to index
        %swap3A_949 = arith.constant 0 : index
        %swap3A_950 = tpu.vector_load %arg8[%swap3A, %swap3A_949] {strides = array<i32>} : memref<32x128xf32, #tpu.memory_space<vmem>>, vector<1x16xf32>,
        %swap3A_951 = vector.shape_cast %swap3A_950 : vector<1x16xf32> to vector<16xf32>
        %swap3A_952 = vector.shape_cast %get3A_295 : vector<16xf32> to vector<1x16xf32>
        tpu.vector_store %arg8[%swap3A, %swap3A_949], %swap3A_952 {add = true, strides = array<i32>} : memref<32x128xf32, #tpu.memory_space<vmem>>, vector<1x16xf32>,
        %swap3A_953 = arith.index_cast %add3A_948 : i32 to index
        %swap3A_954 = arith.constant 16 : index
        %swap3A_955 = tpu.vector_load %arg8[%swap3A_953, %swap3A_954] {strides = array<i32>} : memref<32x128xf32, #tpu.memory_space<vmem>>, vector<1x16xf32>,
        %swap3A_956 = vector.shape_cast %swap3A_955 : vector<1x16xf32> to vector<16xf32>
        %swap3A_957 = vector.shape_cast %get3A_299 : vector<16xf32> to vector<1x16xf32>
        tpu.vector_store %arg8[%swap3A_953, %swap3A_954], %swap3A_957 {add = true, strides = array<i32>} : memref<32x128xf32, #tpu.memory_space<vmem>>, vector<1x16xf32>,
        %swap3A_958 = arith.index_cast %add3A_948 : i32 to index
        %swap3A_959 = arith.constant 32 : index
        %swap3A_960 = tpu.vector_load %arg8[%swap3A_958, %swap3A_959] {strides = array<i32>} : memref<32x128xf32, #tpu.memory_space<vmem>>, vector<1x16xf32>,
        %swap3A_961 = vector.shape_cast %swap3A_960 : vector<1x16xf32> to vector<16xf32>
        %swap3A_962 = vector.shape_cast %get3A_303 : vector<16xf32> to vector<1x16xf32>
        tpu.vector_store %arg8[%swap3A_958, %swap3A_959], %swap3A_962 {add = true, strides = array<i32>} : memref<32x128xf32, #tpu.memory_space<vmem>>, vector<1x16xf32>,
        %swap3A_963 = arith.index_cast %add3A_948 : i32 to index
        %swap3A_964 = arith.constant 48 : index
        %swap3A_965 = tpu.vector_load %arg8[%swap3A_963, %swap3A_964] {strides = array<i32>} : memref<32x128xf32, #tpu.memory_space<vmem>>, vector<1x16xf32>,
        %swap3A_966 = vector.shape_cast %swap3A_965 : vector<1x16xf32> to vector<16xf32>
        %swap3A_967 = vector.shape_cast %get3A_307 : vector<16xf32> to vector<1x16xf32>
        tpu.vector_store %arg8[%swap3A_963, %swap3A_964], %swap3A_967 {add = true, strides = array<i32>} : memref<32x128xf32, #tpu.memory_space<vmem>>, vector<1x16xf32>,
        %swap3A_968 = arith.index_cast %add3A_948 : i32 to index
        %swap3A_969 = arith.constant 64 : index
        %swap3A_970 = tpu.vector_load %arg8[%swap3A_968, %swap3A_969] {strides = array<i32>} : memref<32x128xf32, #tpu.memory_space<vmem>>, vector<1x16xf32>,
        %swap3A_971 = vector.shape_cast %swap3A_970 : vector<1x16xf32> to vector<16xf32>
        %swap3A_972 = vector.shape_cast %get3A_311 : vector<16xf32> to vector<1x16xf32>
        tpu.vector_store %arg8[%swap3A_968, %swap3A_969], %swap3A_972 {add = true, strides = array<i32>} : memref<32x128xf32, #tpu.memory_space<vmem>>, vector<1x16xf32>,
        %swap3A_973 = arith.index_cast %add3A_948 : i32 to index
        %swap3A_974 = arith.constant 80 : index
        %swap3A_975 = tpu.vector_load %arg8[%swap3A_973, %swap3A_974] {strides = array<i32>} : memref<32x128xf32, #tpu.memory_space<vmem>>, vector<1x16xf32>,
        %swap3A_976 = vector.shape_cast %swap3A_975 : vector<1x16xf32> to vector<16xf32>
        %swap3A_977 = vector.shape_cast %get3A_315 : vector<16xf32> to vector<1x16xf32>
        tpu.vector_store %arg8[%swap3A_973, %swap3A_974], %swap3A_977 {add = true, strides = array<i32>} : memref<32x128xf32, #tpu.memory_space<vmem>>, vector<1x16xf32>,
        %swap3A_978 = arith.index_cast %add3A_948 : i32 to index
        %swap3A_979 = arith.constant 96 : index
        %swap3A_980 = tpu.vector_load %arg8[%swap3A_978, %swap3A_979] {strides = array<i32>} : memref<32x128xf32, #tpu.memory_space<vmem>>, vector<1x16xf32>,
        %swap3A_981 = vector.shape_cast %swap3A_980 : vector<1x16xf32> to vector<16xf32>
        %swap3A_982 = vector.shape_cast %get3A_319 : vector<16xf32> to vector<1x16xf32>
        tpu.vector_store %arg8[%swap3A_978, %swap3A_979], %swap3A_982 {add = true, strides = array<i32>} : memref<32x128xf32, #tpu.memory_space<vmem>>, vector<1x16xf32>,
        %swap3A_983 = arith.index_cast %add3A_948 : i32 to index
        %swap3A_984 = arith.constant 112 : index
        %swap3A_985 = tpu.vector_load %arg8[%swap3A_983, %swap3A_984] {strides = array<i32>} : memref<32x128xf32, #tpu.memory_space<vmem>>, vector<1x16xf32>,
        %swap3A_986 = vector.shape_cast %swap3A_985 : vector<1x16xf32> to vector<16xf32>
        %swap3A_987 = vector.shape_cast %get3A_323 : vector<16xf32> to vector<1x16xf32>
        tpu.vector_store %arg8[%swap3A_983, %swap3A_984], %swap3A_987 {add = true, strides = array<i32>} : memref<32x128xf32, #tpu.memory_space<vmem>>, vector<1x16xf32>,
      }
      %scan3A_328 = arith.constant 32 : i32
      %add3A_329 = arith.addi %mul3A_2, %mul3A_255 : i32
      %jit3A_330 = arith.constant 32 : i32
      %div3A_331 = arith.divsi %add3A_329, %jit3A_330 : i32
      %sign3A_332 = arith.constant 0 : i32
      %sign3A_333 = arith.cmpi sgt, %add3A_329, %sign3A_332 : i32
      %sign3A_334 = arith.extui %sign3A_333 : i1 to i32
      %sign3A_335 = arith.constant 0 : i32
      %sign3A_336 = arith.cmpi slt, %add3A_329, %sign3A_335 : i32
      %sign3A_337 = arith.extui %sign3A_336 : i1 to i32
      %sign3A_338 = arith.subi %sign3A_334, %sign3A_337 : i32
      %sign3A_339 = arith.constant 0 : i32
      %sign3A_340 = arith.cmpi sgt, %jit3A_330, %sign3A_339 : i32
      %sign3A_341 = arith.extui %sign3A_340 : i1 to i32
      %sign3A_342 = arith.constant 0 : i32
      %sign3A_343 = arith.cmpi slt, %jit3A_330, %sign3A_342 : i32
      %sign3A_344 = arith.extui %sign3A_343 : i1 to i32
      %sign3A_345 = arith.subi %sign3A_341, %sign3A_344 : i32
      %ne3A_346 = arith.cmpi ne, %sign3A_338, %sign3A_345 : i32
      %rem3A_347 = arith.remsi %add3A_329, %jit3A_330 : i32
      %ne3A_348 = arith.constant 0 : i32
      %ne3A_349 = arith.cmpi ne, %rem3A_347, %ne3A_348 : i32
      %and3A_350 = arith.andi %ne3A_346, %ne3A_349 : i1
      %sub3A_351 = arith.constant 1 : i32
      %sub3A_352 = arith.subi %div3A_331, %sub3A_351 : i32
      %select_n3A_353 = arith.select %and3A_350, %sub3A_352, %div3A_331 : i32
      %rem3A_354 = arith.constant 32 : i32
      %rem3A_355 = arith.remsi %add3A_329, %rem3A_354 : i32
      %mul3A_356 = arith.constant 32 : i32
      %mul3A_357 = arith.muli %rem3A_355, %mul3A_356 : i32
      %dma_start3A_358 = arith.constant 0 : i32
      %dma_start3A_359 = tpu.memref_slice %arg5[%select_n3A_353, %mul3A_357, %dma_start3A_358] : memref<77x1024x768xf32, #tpu.memory_space<hbm>> -> memref<1x32x128xf32, #tpu.memory_space<hbm>>
      %dma_start3A_360 = tpu.memref_squeeze %dma_start3A_359 : memref<1x32x128xf32, #tpu.memory_space<hbm>> -> memref<32x128xf32, #tpu.memory_space<hbm>>
      %dma_start3A_361 = arith.constant 0 : i32
      %dma_start3A_362 = tpu.memref_slice %arg5[%select_n3A_353, %mul3A_357, %dma_start3A_361] : memref<77x1024x768xf32, #tpu.memory_space<hbm>> -> memref<1x32x128xf32, #tpu.memory_space<hbm>>
      %dma_start3A_363 = tpu.memref_squeeze %dma_start3A_362 : memref<1x32x128xf32, #tpu.memory_space<hbm>> -> memref<32x128xf32, #tpu.memory_space<hbm>>
      tpu.enqueue_dma source(%arg8 : memref<32x128xf32, #tpu.memory_space<vmem>>) target(%dma_start3A_363 : memref<32x128xf32, #tpu.memory_space<hbm>>) target_semaphore(%arg32 : memref<!tpu.dma_semaphore, #tpu.memory_space<semaphore_mem>>)
      %mul3A_364 = arith.constant 2 : i32
      %mul3A_365 = arith.muli %mul3A_364, %add3A_253 : i32
      %mul3A_366 = arith.constant 32 : i32
      %mul3A_367 = arith.muli %mul3A_365, %mul3A_366 : i32
      %dma_wait3A_368 = tpu.memref_slice %arg7[%mul3A_367] : memref<2464xi32, #tpu.memory_space<vmem>> -> memref<32xi32, #tpu.memory_space<vmem>>
      %dma_wait3A_369 = arith.constant 0 : i32
      %dma_wait3A_370 = arith.constant 128 : i32
      %dma_wait3A_371 = tpu.memref_slice %arg3[%dma_wait3A_369, %dma_wait3A_370] : memref<49408x768xf32, #tpu.memory_space<hbm>> -> memref<49408x128xf32, #tpu.memory_space<hbm>>
      tpu.wait_indirect_dma semaphore(%arg21 : memref<!tpu.dma_semaphore, #tpu.memory_space<semaphore_mem>>) src(%dma_wait3A_371 : memref<49408x128xf32, #tpu.memory_space<hbm>>) dst(%arg9 : memref<32x128xf32, #tpu.memory_space<vmem>>)
      %ge3A_372 = arith.constant 1 : i32
      %ge3A_373 = arith.cmpi sge, %add3A_253, %ge3A_372 : i32
      %convert_element_type3A_374 = arith.extui %ge3A_373 : i1 to i32
      %cond3A_375 = arith.constant 0 : i32
      %cond3A_376 = arith.cmpi ne, %convert_element_type3A_374, %cond3A_375 : i32
      scf.if %cond3A_376 {
        %sub3A_944 = arith.constant 1 : i32
        %sub3A_945 = arith.subi %mul3A_365, %sub3A_944 : i32
        %add3A_946 = arith.addi %mul3A_2, %sub3A_945 : i32
        %jit3A_947 = arith.constant 32 : i32
        %div3A_948 = arith.divsi %add3A_946, %jit3A_947 : i32
        %sign3A_949 = arith.constant 0 : i32
        %sign3A_950 = arith.cmpi sgt, %add3A_946, %sign3A_949 : i32
        %sign3A_951 = arith.extui %sign3A_950 : i1 to i32
        %sign3A_952 = arith.constant 0 : i32
        %sign3A_953 = arith.cmpi slt, %add3A_946, %sign3A_952 : i32
        %sign3A_954 = arith.extui %sign3A_953 : i1 to i32
        %sign3A_955 = arith.subi %sign3A_951, %sign3A_954 : i32
        %sign3A_956 = arith.constant 0 : i32
        %sign3A_957 = arith.cmpi sgt, %jit3A_947, %sign3A_956 : i32
        %sign3A_958 = arith.extui %sign3A_957 : i1 to i32
        %sign3A_959 = arith.constant 0 : i32
        %sign3A_960 = arith.cmpi slt, %jit3A_947, %sign3A_959 : i32
        %sign3A_961 = arith.extui %sign3A_960 : i1 to i32
        %sign3A_962 = arith.subi %sign3A_958, %sign3A_961 : i32
        %ne3A_963 = arith.cmpi ne, %sign3A_955, %sign3A_962 : i32
        %rem3A_964 = arith.remsi %add3A_946, %jit3A_947 : i32
        %ne3A_965 = arith.constant 0 : i32
        %ne3A_966 = arith.cmpi ne, %rem3A_964, %ne3A_965 : i32
        %and3A_967 = arith.andi %ne3A_963, %ne3A_966 : i1
        %sub3A_968 = arith.constant 1 : i32
        %sub3A_969 = arith.subi %div3A_948, %sub3A_968 : i32
        %select_n3A_970 = arith.select %and3A_967, %sub3A_969, %div3A_948 : i32
        %rem3A_971 = arith.constant 32 : i32
        %rem3A_972 = arith.remsi %add3A_946, %rem3A_971 : i32
        %mul3A_973 = arith.constant 32 : i32
        %mul3A_974 = arith.muli %rem3A_972, %mul3A_973 : i32
        %dma_wait3A_975 = arith.constant 128 : i32
        %dma_wait3A_976 = tpu.memref_slice %arg5[%select_n3A_970, %mul3A_974, %dma_wait3A_975] : memref<77x1024x768xf32, #tpu.memory_space<hbm>> -> memref<1x32x128xf32, #tpu.memory_space<hbm>>
        %dma_wait3A_977 = tpu.memref_squeeze %dma_wait3A_976 : memref<1x32x128xf32, #tpu.memory_space<hbm>> -> memref<32x128xf32, #tpu.memory_space<hbm>>
        %dma_wait3A_978 = arith.constant 128 : i32
        %dma_wait3A_979 = tpu.memref_slice %arg5[%select_n3A_970, %mul3A_974, %dma_wait3A_978] : memref<77x1024x768xf32, #tpu.memory_space<hbm>> -> memref<1x32x128xf32, #tpu.memory_space<hbm>>
        %dma_wait3A_980 = tpu.memref_squeeze %dma_wait3A_979 : memref<1x32x128xf32, #tpu.memory_space<hbm>> -> memref<32x128xf32, #tpu.memory_space<hbm>>
        tpu.wait_dma2 semaphore(%arg39 : memref<!tpu.dma_semaphore, #tpu.memory_space<semaphore_mem>>) src(%arg15 : memref<32x128xf32, #tpu.memory_space<vmem>>) dst(%dma_wait3A_980 : memref<32x128xf32, #tpu.memory_space<hbm>>)
      } else {
      }
      %le3A_377 = arith.constant 37 : i32
      %le3A_378 = arith.cmpi sle, %add3A_253, %le3A_377 : i32
      %convert_element_type3A_379 = arith.extui %le3A_378 : i1 to i32
      %cond3A_380 = arith.constant 0 : i32
      %cond3A_381 = arith.cmpi ne, %convert_element_type3A_379, %cond3A_380 : i32
      scf.if %cond3A_381 {
        %add3A_944 = arith.constant 1 : i32
        %add3A_945 = arith.addi %mul3A_365, %add3A_944 : i32
        %mul3A_946 = arith.constant 32 : i32
        %mul3A_947 = arith.muli %add3A_945, %mul3A_946 : i32
        %dma_start3A_948 = tpu.memref_slice %arg7[%mul3A_947] : memref<2464xi32, #tpu.memory_space<vmem>> -> memref<32xi32, #tpu.memory_space<vmem>>
        %dma_start3A_949 = arith.constant 0 : i32
        %dma_start3A_950 = arith.constant 128 : i32
        %dma_start3A_951 = tpu.memref_slice %arg3[%dma_start3A_949, %dma_start3A_950] : memref<49408x768xf32, #tpu.memory_space<hbm>> -> memref<49408x128xf32, #tpu.memory_space<hbm>>
        tpu.enqueue_indirect_dma source(%dma_start3A_951 : memref<49408x128xf32, #tpu.memory_space<hbm>>) target(%arg15 : memref<32x128xf32, #tpu.memory_space<vmem>>) offsets(%dma_start3A_948 : memref<32xi32, #tpu.memory_space<vmem>>) semaphore(%arg27 : memref<!tpu.dma_semaphore, #tpu.memory_space<semaphore_mem>>)
      } else {
      }
      %add3A_382 = arith.addi %mul3A_2, %mul3A_365 : i32
      %jit3A_383 = arith.constant 32 : i32
      %div3A_384 = arith.divsi %add3A_382, %jit3A_383 : i32
      %sign3A_385 = arith.constant 0 : i32
      %sign3A_386 = arith.cmpi sgt, %add3A_382, %sign3A_385 : i32
      %sign3A_387 = arith.extui %sign3A_386 : i1 to i32
      %sign3A_388 = arith.constant 0 : i32
      %sign3A_389 = arith.cmpi slt, %add3A_382, %sign3A_388 : i32
      %sign3A_390 = arith.extui %sign3A_389 : i1 to i32
      %sign3A_391 = arith.subi %sign3A_387, %sign3A_390 : i32
      %sign3A_392 = arith.constant 0 : i32
      %sign3A_393 = arith.cmpi sgt, %jit3A_383, %sign3A_392 : i32
      %sign3A_394 = arith.extui %sign3A_393 : i1 to i32
      %sign3A_395 = arith.constant 0 : i32
      %sign3A_396 = arith.cmpi slt, %jit3A_383, %sign3A_395 : i32
      %sign3A_397 = arith.extui %sign3A_396 : i1 to i32
      %sign3A_398 = arith.subi %sign3A_394, %sign3A_397 : i32
      %ne3A_399 = arith.cmpi ne, %sign3A_391, %sign3A_398 : i32
      %rem3A_400 = arith.remsi %add3A_382, %jit3A_383 : i32
      %ne3A_401 = arith.constant 0 : i32
      %ne3A_402 = arith.cmpi ne, %rem3A_400, %ne3A_401 : i32
      %and3A_403 = arith.andi %ne3A_399, %ne3A_402 : i1
      %sub3A_404 = arith.constant 1 : i32
      %sub3A_405 = arith.subi %div3A_384, %sub3A_404 : i32
      %select_n3A_406 = arith.select %and3A_403, %sub3A_405, %div3A_384 : i32
      %get3A_407 = arith.index_cast %select_n3A_406 : i32 to index
      %get3A_408 = arith.constant 128 : index
      %get3A_409 = tpu.vector_load %arg6[%get3A_407, %get3A_408] {strides = array<i32>} : memref<77x768xf32, #tpu.memory_space<vmem>>, vector<1x16xf32>,
      %get3A_410 = vector.shape_cast %get3A_409 : vector<1x16xf32> to vector<16xf32>
      %get3A_411 = arith.index_cast %select_n3A_406 : i32 to index
      %get3A_412 = arith.constant 144 : index
      %get3A_413 = tpu.vector_load %arg6[%get3A_411, %get3A_412] {strides = array<i32>} : memref<77x768xf32, #tpu.memory_space<vmem>>, vector<1x16xf32>,
      %get3A_414 = vector.shape_cast %get3A_413 : vector<1x16xf32> to vector<16xf32>
      %get3A_415 = arith.index_cast %select_n3A_406 : i32 to index
      %get3A_416 = arith.constant 160 : index
      %get3A_417 = tpu.vector_load %arg6[%get3A_415, %get3A_416] {strides = array<i32>} : memref<77x768xf32, #tpu.memory_space<vmem>>, vector<1x16xf32>,
      %get3A_418 = vector.shape_cast %get3A_417 : vector<1x16xf32> to vector<16xf32>
      %get3A_419 = arith.index_cast %select_n3A_406 : i32 to index
      %get3A_420 = arith.constant 176 : index
      %get3A_421 = tpu.vector_load %arg6[%get3A_419, %get3A_420] {strides = array<i32>} : memref<77x768xf32, #tpu.memory_space<vmem>>, vector<1x16xf32>,
      %get3A_422 = vector.shape_cast %get3A_421 : vector<1x16xf32> to vector<16xf32>
      %get3A_423 = arith.index_cast %select_n3A_406 : i32 to index
      %get3A_424 = arith.constant 192 : index
      %get3A_425 = tpu.vector_load %arg6[%get3A_423, %get3A_424] {strides = array<i32>} : memref<77x768xf32, #tpu.memory_space<vmem>>, vector<1x16xf32>,
      %get3A_426 = vector.shape_cast %get3A_425 : vector<1x16xf32> to vector<16xf32>
      %get3A_427 = arith.index_cast %select_n3A_406 : i32 to index
      %get3A_428 = arith.constant 208 : index
      %get3A_429 = tpu.vector_load %arg6[%get3A_427, %get3A_428] {strides = array<i32>} : memref<77x768xf32, #tpu.memory_space<vmem>>, vector<1x16xf32>,
      %get3A_430 = vector.shape_cast %get3A_429 : vector<1x16xf32> to vector<16xf32>
      %get3A_431 = arith.index_cast %select_n3A_406 : i32 to index
      %get3A_432 = arith.constant 224 : index
      %get3A_433 = tpu.vector_load %arg6[%get3A_431, %get3A_432] {strides = array<i32>} : memref<77x768xf32, #tpu.memory_space<vmem>>, vector<1x16xf32>,
      %get3A_434 = vector.shape_cast %get3A_433 : vector<1x16xf32> to vector<16xf32>
      %get3A_435 = arith.index_cast %select_n3A_406 : i32 to index
      %get3A_436 = arith.constant 240 : index
      %get3A_437 = tpu.vector_load %arg6[%get3A_435, %get3A_436] {strides = array<i32>} : memref<77x768xf32, #tpu.memory_space<vmem>>, vector<1x16xf32>,
      %get3A_438 = vector.shape_cast %get3A_437 : vector<1x16xf32> to vector<16xf32>
      %scan3A_439 = arith.constant 0 : i32
      %scan3A_440 = arith.constant 32 : i32
      %scan3A_441 = arith.addi %scan3A_439, %scan3A_440 : i32
      %scan3A_442 = arith.constant 1 : i32
      scf.for %scan3A_944 = %scan3A_439 to %scan3A_441 step %scan3A_442  : i32 {
        %mul3A_945 = arith.constant 1 : i32
        %mul3A_946 = arith.muli %scan3A_944, %mul3A_945 : i32
        %add3A_947 = arith.constant 0 : i32
        %add3A_948 = arith.addi %add3A_947, %mul3A_946 : i32
        %swap3A = arith.index_cast %add3A_948 : i32 to index
        %swap3A_949 = arith.constant 0 : index
        %swap3A_950 = tpu.vector_load %arg9[%swap3A, %swap3A_949] {strides = array<i32>} : memref<32x128xf32, #tpu.memory_space<vmem>>, vector<1x16xf32>,
        %swap3A_951 = vector.shape_cast %swap3A_950 : vector<1x16xf32> to vector<16xf32>
        %swap3A_952 = vector.shape_cast %get3A_410 : vector<16xf32> to vector<1x16xf32>
        tpu.vector_store %arg9[%swap3A, %swap3A_949], %swap3A_952 {add = true, strides = array<i32>} : memref<32x128xf32, #tpu.memory_space<vmem>>, vector<1x16xf32>,
        %swap3A_953 = arith.index_cast %add3A_948 : i32 to index
        %swap3A_954 = arith.constant 16 : index
        %swap3A_955 = tpu.vector_load %arg9[%swap3A_953, %swap3A_954] {strides = array<i32>} : memref<32x128xf32, #tpu.memory_space<vmem>>, vector<1x16xf32>,
        %swap3A_956 = vector.shape_cast %swap3A_955 : vector<1x16xf32> to vector<16xf32>
        %swap3A_957 = vector.shape_cast %get3A_414 : vector<16xf32> to vector<1x16xf32>
        tpu.vector_store %arg9[%swap3A_953, %swap3A_954], %swap3A_957 {add = true, strides = array<i32>} : memref<32x128xf32, #tpu.memory_space<vmem>>, vector<1x16xf32>,
        %swap3A_958 = arith.index_cast %add3A_948 : i32 to index
        %swap3A_959 = arith.constant 32 : index
        %swap3A_960 = tpu.vector_load %arg9[%swap3A_958, %swap3A_959] {strides = array<i32>} : memref<32x128xf32, #tpu.memory_space<vmem>>, vector<1x16xf32>,
        %swap3A_961 = vector.shape_cast %swap3A_960 : vector<1x16xf32> to vector<16xf32>
        %swap3A_962 = vector.shape_cast %get3A_418 : vector<16xf32> to vector<1x16xf32>
        tpu.vector_store %arg9[%swap3A_958, %swap3A_959], %swap3A_962 {add = true, strides = array<i32>} : memref<32x128xf32, #tpu.memory_space<vmem>>, vector<1x16xf32>,
        %swap3A_963 = arith.index_cast %add3A_948 : i32 to index
        %swap3A_964 = arith.constant 48 : index
        %swap3A_965 = tpu.vector_load %arg9[%swap3A_963, %swap3A_964] {strides = array<i32>} : memref<32x128xf32, #tpu.memory_space<vmem>>, vector<1x16xf32>,
        %swap3A_966 = vector.shape_cast %swap3A_965 : vector<1x16xf32> to vector<16xf32>
        %swap3A_967 = vector.shape_cast %get3A_422 : vector<16xf32> to vector<1x16xf32>
        tpu.vector_store %arg9[%swap3A_963, %swap3A_964], %swap3A_967 {add = true, strides = array<i32>} : memref<32x128xf32, #tpu.memory_space<vmem>>, vector<1x16xf32>,
        %swap3A_968 = arith.index_cast %add3A_948 : i32 to index
        %swap3A_969 = arith.constant 64 : index
        %swap3A_970 = tpu.vector_load %arg9[%swap3A_968, %swap3A_969] {strides = array<i32>} : memref<32x128xf32, #tpu.memory_space<vmem>>, vector<1x16xf32>,
        %swap3A_971 = vector.shape_cast %swap3A_970 : vector<1x16xf32> to vector<16xf32>
        %swap3A_972 = vector.shape_cast %get3A_426 : vector<16xf32> to vector<1x16xf32>
        tpu.vector_store %arg9[%swap3A_968, %swap3A_969], %swap3A_972 {add = true, strides = array<i32>} : memref<32x128xf32, #tpu.memory_space<vmem>>, vector<1x16xf32>,
        %swap3A_973 = arith.index_cast %add3A_948 : i32 to index
        %swap3A_974 = arith.constant 80 : index
        %swap3A_975 = tpu.vector_load %arg9[%swap3A_973, %swap3A_974] {strides = array<i32>} : memref<32x128xf32, #tpu.memory_space<vmem>>, vector<1x16xf32>,
        %swap3A_976 = vector.shape_cast %swap3A_975 : vector<1x16xf32> to vector<16xf32>
        %swap3A_977 = vector.shape_cast %get3A_430 : vector<16xf32> to vector<1x16xf32>
        tpu.vector_store %arg9[%swap3A_973, %swap3A_974], %swap3A_977 {add = true, strides = array<i32>} : memref<32x128xf32, #tpu.memory_space<vmem>>, vector<1x16xf32>,
        %swap3A_978 = arith.index_cast %add3A_948 : i32 to index
        %swap3A_979 = arith.constant 96 : index
        %swap3A_980 = tpu.vector_load %arg9[%swap3A_978, %swap3A_979] {strides = array<i32>} : memref<32x128xf32, #tpu.memory_space<vmem>>, vector<1x16xf32>,
        %swap3A_981 = vector.shape_cast %swap3A_980 : vector<1x16xf32> to vector<16xf32>
        %swap3A_982 = vector.shape_cast %get3A_434 : vector<16xf32> to vector<1x16xf32>
        tpu.vector_store %arg9[%swap3A_978, %swap3A_979], %swap3A_982 {add = true, strides = array<i32>} : memref<32x128xf32, #tpu.memory_space<vmem>>, vector<1x16xf32>,
        %swap3A_983 = arith.index_cast %add3A_948 : i32 to index
        %swap3A_984 = arith.constant 112 : index
        %swap3A_985 = tpu.vector_load %arg9[%swap3A_983, %swap3A_984] {strides = array<i32>} : memref<32x128xf32, #tpu.memory_space<vmem>>, vector<1x16xf32>,
        %swap3A_986 = vector.shape_cast %swap3A_985 : vector<1x16xf32> to vector<16xf32>
        %swap3A_987 = vector.shape_cast %get3A_438 : vector<16xf32> to vector<1x16xf32>
        tpu.vector_store %arg9[%swap3A_983, %swap3A_984], %swap3A_987 {add = true, strides = array<i32>} : memref<32x128xf32, #tpu.memory_space<vmem>>, vector<1x16xf32>,
      }
      %scan3A_443 = arith.constant 32 : i32
      %add3A_444 = arith.addi %mul3A_2, %mul3A_365 : i32
      %jit3A_445 = arith.constant 32 : i32
      %div3A_446 = arith.divsi %add3A_444, %jit3A_445 : i32
      %sign3A_447 = arith.constant 0 : i32
      %sign3A_448 = arith.cmpi sgt, %add3A_444, %sign3A_447 : i32
      %sign3A_449 = arith.extui %sign3A_448 : i1 to i32
      %sign3A_450 = arith.constant 0 : i32
      %sign3A_451 = arith.cmpi slt, %add3A_444, %sign3A_450 : i32
      %sign3A_452 = arith.extui %sign3A_451 : i1 to i32
      %sign3A_453 = arith.subi %sign3A_449, %sign3A_452 : i32
      %sign3A_454 = arith.constant 0 : i32
      %sign3A_455 = arith.cmpi sgt, %jit3A_445, %sign3A_454 : i32
      %sign3A_456 = arith.extui %sign3A_455 : i1 to i32
      %sign3A_457 = arith.constant 0 : i32
      %sign3A_458 = arith.cmpi slt, %jit3A_445, %sign3A_457 : i32
      %sign3A_459 = arith.extui %sign3A_458 : i1 to i32
      %sign3A_460 = arith.subi %sign3A_456, %sign3A_459 : i32
      %ne3A_461 = arith.cmpi ne, %sign3A_453, %sign3A_460 : i32
      %rem3A_462 = arith.remsi %add3A_444, %jit3A_445 : i32
      %ne3A_463 = arith.constant 0 : i32
      %ne3A_464 = arith.cmpi ne, %rem3A_462, %ne3A_463 : i32
      %and3A_465 = arith.andi %ne3A_461, %ne3A_464 : i1
      %sub3A_466 = arith.constant 1 : i32
      %sub3A_467 = arith.subi %div3A_446, %sub3A_466 : i32
      %select_n3A_468 = arith.select %and3A_465, %sub3A_467, %div3A_446 : i32
      %rem3A_469 = arith.constant 32 : i32
      %rem3A_470 = arith.remsi %add3A_444, %rem3A_469 : i32
      %mul3A_471 = arith.constant 32 : i32
      %mul3A_472 = arith.muli %rem3A_470, %mul3A_471 : i32
      %dma_start3A_473 = arith.constant 128 : i32
      %dma_start3A_474 = tpu.memref_slice %arg5[%select_n3A_468, %mul3A_472, %dma_start3A_473] : memref<77x1024x768xf32, #tpu.memory_space<hbm>> -> memref<1x32x128xf32, #tpu.memory_space<hbm>>
      %dma_start3A_475 = tpu.memref_squeeze %dma_start3A_474 : memref<1x32x128xf32, #tpu.memory_space<hbm>> -> memref<32x128xf32, #tpu.memory_space<hbm>>
      %dma_start3A_476 = arith.constant 128 : i32
      %dma_start3A_477 = tpu.memref_slice %arg5[%select_n3A_468, %mul3A_472, %dma_start3A_476] : memref<77x1024x768xf32, #tpu.memory_space<hbm>> -> memref<1x32x128xf32, #tpu.memory_space<hbm>>
      %dma_start3A_478 = tpu.memref_squeeze %dma_start3A_477 : memref<1x32x128xf32, #tpu.memory_space<hbm>> -> memref<32x128xf32, #tpu.memory_space<hbm>>
      tpu.enqueue_dma source(%arg9 : memref<32x128xf32, #tpu.memory_space<vmem>>) target(%dma_start3A_478 : memref<32x128xf32, #tpu.memory_space<hbm>>) target_semaphore(%arg33 : memref<!tpu.dma_semaphore, #tpu.memory_space<semaphore_mem>>)
      %mul3A_479 = arith.constant 2 : i32
      %mul3A_480 = arith.muli %mul3A_479, %add3A_253 : i32
      %mul3A_481 = arith.constant 32 : i32
      %mul3A_482 = arith.muli %mul3A_480, %mul3A_481 : i32
      %dma_wait3A_483 = tpu.memref_slice %arg7[%mul3A_482] : memref<2464xi32, #tpu.memory_space<vmem>> -> memref<32xi32, #tpu.memory_space<vmem>>
      %dma_wait3A_484 = arith.constant 0 : i32
      %dma_wait3A_485 = arith.constant 256 : i32
      %dma_wait3A_486 = tpu.memref_slice %arg3[%dma_wait3A_484, %dma_wait3A_485] : memref<49408x768xf32, #tpu.memory_space<hbm>> -> memref<49408x128xf32, #tpu.memory_space<hbm>>
      tpu.wait_indirect_dma semaphore(%arg22 : memref<!tpu.dma_semaphore, #tpu.memory_space<semaphore_mem>>) src(%dma_wait3A_486 : memref<49408x128xf32, #tpu.memory_space<hbm>>) dst(%arg10 : memref<32x128xf32, #tpu.memory_space<vmem>>)
      %ge3A_487 = arith.constant 1 : i32
      %ge3A_488 = arith.cmpi sge, %add3A_253, %ge3A_487 : i32
      %convert_element_type3A_489 = arith.extui %ge3A_488 : i1 to i32
      %cond3A_490 = arith.constant 0 : i32
      %cond3A_491 = arith.cmpi ne, %convert_element_type3A_489, %cond3A_490 : i32
      scf.if %cond3A_491 {
        %sub3A_944 = arith.constant 1 : i32
        %sub3A_945 = arith.subi %mul3A_480, %sub3A_944 : i32
        %add3A_946 = arith.addi %mul3A_2, %sub3A_945 : i32
        %jit3A_947 = arith.constant 32 : i32
        %div3A_948 = arith.divsi %add3A_946, %jit3A_947 : i32
        %sign3A_949 = arith.constant 0 : i32
        %sign3A_950 = arith.cmpi sgt, %add3A_946, %sign3A_949 : i32
        %sign3A_951 = arith.extui %sign3A_950 : i1 to i32
        %sign3A_952 = arith.constant 0 : i32
        %sign3A_953 = arith.cmpi slt, %add3A_946, %sign3A_952 : i32
        %sign3A_954 = arith.extui %sign3A_953 : i1 to i32
        %sign3A_955 = arith.subi %sign3A_951, %sign3A_954 : i32
        %sign3A_956 = arith.constant 0 : i32
        %sign3A_957 = arith.cmpi sgt, %jit3A_947, %sign3A_956 : i32
        %sign3A_958 = arith.extui %sign3A_957 : i1 to i32
        %sign3A_959 = arith.constant 0 : i32
        %sign3A_960 = arith.cmpi slt, %jit3A_947, %sign3A_959 : i32
        %sign3A_961 = arith.extui %sign3A_960 : i1 to i32
        %sign3A_962 = arith.subi %sign3A_958, %sign3A_961 : i32
        %ne3A_963 = arith.cmpi ne, %sign3A_955, %sign3A_962 : i32
        %rem3A_964 = arith.remsi %add3A_946, %jit3A_947 : i32
        %ne3A_965 = arith.constant 0 : i32
        %ne3A_966 = arith.cmpi ne, %rem3A_964, %ne3A_965 : i32
        %and3A_967 = arith.andi %ne3A_963, %ne3A_966 : i1
        %sub3A_968 = arith.constant 1 : i32
        %sub3A_969 = arith.subi %div3A_948, %sub3A_968 : i32
        %select_n3A_970 = arith.select %and3A_967, %sub3A_969, %div3A_948 : i32
        %rem3A_971 = arith.constant 32 : i32
        %rem3A_972 = arith.remsi %add3A_946, %rem3A_971 : i32
        %mul3A_973 = arith.constant 32 : i32
        %mul3A_974 = arith.muli %rem3A_972, %mul3A_973 : i32
        %dma_wait3A_975 = arith.constant 256 : i32
        %dma_wait3A_976 = tpu.memref_slice %arg5[%select_n3A_970, %mul3A_974, %dma_wait3A_975] : memref<77x1024x768xf32, #tpu.memory_space<hbm>> -> memref<1x32x128xf32, #tpu.memory_space<hbm>>
        %dma_wait3A_977 = tpu.memref_squeeze %dma_wait3A_976 : memref<1x32x128xf32, #tpu.memory_space<hbm>> -> memref<32x128xf32, #tpu.memory_space<hbm>>
        %dma_wait3A_978 = arith.constant 256 : i32
        %dma_wait3A_979 = tpu.memref_slice %arg5[%select_n3A_970, %mul3A_974, %dma_wait3A_978] : memref<77x1024x768xf32, #tpu.memory_space<hbm>> -> memref<1x32x128xf32, #tpu.memory_space<hbm>>
        %dma_wait3A_980 = tpu.memref_squeeze %dma_wait3A_979 : memref<1x32x128xf32, #tpu.memory_space<hbm>> -> memref<32x128xf32, #tpu.memory_space<hbm>>
        tpu.wait_dma2 semaphore(%arg40 : memref<!tpu.dma_semaphore, #tpu.memory_space<semaphore_mem>>) src(%arg16 : memref<32x128xf32, #tpu.memory_space<vmem>>) dst(%dma_wait3A_980 : memref<32x128xf32, #tpu.memory_space<hbm>>)
      } else {
      }
      %le3A_492 = arith.constant 37 : i32
      %le3A_493 = arith.cmpi sle, %add3A_253, %le3A_492 : i32
      %convert_element_type3A_494 = arith.extui %le3A_493 : i1 to i32
      %cond3A_495 = arith.constant 0 : i32
      %cond3A_496 = arith.cmpi ne, %convert_element_type3A_494, %cond3A_495 : i32
      scf.if %cond3A_496 {
        %add3A_944 = arith.constant 1 : i32
        %add3A_945 = arith.addi %mul3A_480, %add3A_944 : i32
        %mul3A_946 = arith.constant 32 : i32
        %mul3A_947 = arith.muli %add3A_945, %mul3A_946 : i32
        %dma_start3A_948 = tpu.memref_slice %arg7[%mul3A_947] : memref<2464xi32, #tpu.memory_space<vmem>> -> memref<32xi32, #tpu.memory_space<vmem>>
        %dma_start3A_949 = arith.constant 0 : i32
        %dma_start3A_950 = arith.constant 256 : i32
        %dma_start3A_951 = tpu.memref_slice %arg3[%dma_start3A_949, %dma_start3A_950] : memref<49408x768xf32, #tpu.memory_space<hbm>> -> memref<49408x128xf32, #tpu.memory_space<hbm>>
        tpu.enqueue_indirect_dma source(%dma_start3A_951 : memref<49408x128xf32, #tpu.memory_space<hbm>>) target(%arg16 : memref<32x128xf32, #tpu.memory_space<vmem>>) offsets(%dma_start3A_948 : memref<32xi32, #tpu.memory_space<vmem>>) semaphore(%arg28 : memref<!tpu.dma_semaphore, #tpu.memory_space<semaphore_mem>>)
      } else {
      }
      %add3A_497 = arith.addi %mul3A_2, %mul3A_480 : i32
      %jit3A_498 = arith.constant 32 : i32
      %div3A_499 = arith.divsi %add3A_497, %jit3A_498 : i32
      %sign3A_500 = arith.constant 0 : i32
      %sign3A_501 = arith.cmpi sgt, %add3A_497, %sign3A_500 : i32
      %sign3A_502 = arith.extui %sign3A_501 : i1 to i32
      %sign3A_503 = arith.constant 0 : i32
      %sign3A_504 = arith.cmpi slt, %add3A_497, %sign3A_503 : i32
      %sign3A_505 = arith.extui %sign3A_504 : i1 to i32
      %sign3A_506 = arith.subi %sign3A_502, %sign3A_505 : i32
      %sign3A_507 = arith.constant 0 : i32
      %sign3A_508 = arith.cmpi sgt, %jit3A_498, %sign3A_507 : i32
      %sign3A_509 = arith.extui %sign3A_508 : i1 to i32
      %sign3A_510 = arith.constant 0 : i32
      %sign3A_511 = arith.cmpi slt, %jit3A_498, %sign3A_510 : i32
      %sign3A_512 = arith.extui %sign3A_511 : i1 to i32
      %sign3A_513 = arith.subi %sign3A_509, %sign3A_512 : i32
      %ne3A_514 = arith.cmpi ne, %sign3A_506, %sign3A_513 : i32
      %rem3A_515 = arith.remsi %add3A_497, %jit3A_498 : i32
      %ne3A_516 = arith.constant 0 : i32
      %ne3A_517 = arith.cmpi ne, %rem3A_515, %ne3A_516 : i32
      %and3A_518 = arith.andi %ne3A_514, %ne3A_517 : i1
      %sub3A_519 = arith.constant 1 : i32
      %sub3A_520 = arith.subi %div3A_499, %sub3A_519 : i32
      %select_n3A_521 = arith.select %and3A_518, %sub3A_520, %div3A_499 : i32
      %get3A_522 = arith.index_cast %select_n3A_521 : i32 to index
      %get3A_523 = arith.constant 256 : index
      %get3A_524 = tpu.vector_load %arg6[%get3A_522, %get3A_523] {strides = array<i32>} : memref<77x768xf32, #tpu.memory_space<vmem>>, vector<1x16xf32>,
      %get3A_525 = vector.shape_cast %get3A_524 : vector<1x16xf32> to vector<16xf32>
      %get3A_526 = arith.index_cast %select_n3A_521 : i32 to index
      %get3A_527 = arith.constant 272 : index
      %get3A_528 = tpu.vector_load %arg6[%get3A_526, %get3A_527] {strides = array<i32>} : memref<77x768xf32, #tpu.memory_space<vmem>>, vector<1x16xf32>,
      %get3A_529 = vector.shape_cast %get3A_528 : vector<1x16xf32> to vector<16xf32>
      %get3A_530 = arith.index_cast %select_n3A_521 : i32 to index
      %get3A_531 = arith.constant 288 : index
      %get3A_532 = tpu.vector_load %arg6[%get3A_530, %get3A_531] {strides = array<i32>} : memref<77x768xf32, #tpu.memory_space<vmem>>, vector<1x16xf32>,
      %get3A_533 = vector.shape_cast %get3A_532 : vector<1x16xf32> to vector<16xf32>
      %get3A_534 = arith.index_cast %select_n3A_521 : i32 to index
      %get3A_535 = arith.constant 304 : index
      %get3A_536 = tpu.vector_load %arg6[%get3A_534, %get3A_535] {strides = array<i32>} : memref<77x768xf32, #tpu.memory_space<vmem>>, vector<1x16xf32>,
      %get3A_537 = vector.shape_cast %get3A_536 : vector<1x16xf32> to vector<16xf32>
      %get3A_538 = arith.index_cast %select_n3A_521 : i32 to index
      %get3A_539 = arith.constant 320 : index
      %get3A_540 = tpu.vector_load %arg6[%get3A_538, %get3A_539] {strides = array<i32>} : memref<77x768xf32, #tpu.memory_space<vmem>>, vector<1x16xf32>,
      %get3A_541 = vector.shape_cast %get3A_540 : vector<1x16xf32> to vector<16xf32>
      %get3A_542 = arith.index_cast %select_n3A_521 : i32 to index
      %get3A_543 = arith.constant 336 : index
      %get3A_544 = tpu.vector_load %arg6[%get3A_542, %get3A_543] {strides = array<i32>} : memref<77x768xf32, #tpu.memory_space<vmem>>, vector<1x16xf32>,
      %get3A_545 = vector.shape_cast %get3A_544 : vector<1x16xf32> to vector<16xf32>
      %get3A_546 = arith.index_cast %select_n3A_521 : i32 to index
      %get3A_547 = arith.constant 352 : index
      %get3A_548 = tpu.vector_load %arg6[%get3A_546, %get3A_547] {strides = array<i32>} : memref<77x768xf32, #tpu.memory_space<vmem>>, vector<1x16xf32>,
      %get3A_549 = vector.shape_cast %get3A_548 : vector<1x16xf32> to vector<16xf32>
      %get3A_550 = arith.index_cast %select_n3A_521 : i32 to index
      %get3A_551 = arith.constant 368 : index
      %get3A_552 = tpu.vector_load %arg6[%get3A_550, %get3A_551] {strides = array<i32>} : memref<77x768xf32, #tpu.memory_space<vmem>>, vector<1x16xf32>,
      %get3A_553 = vector.shape_cast %get3A_552 : vector<1x16xf32> to vector<16xf32>
      %scan3A_554 = arith.constant 0 : i32
      %scan3A_555 = arith.constant 32 : i32
      %scan3A_556 = arith.addi %scan3A_554, %scan3A_555 : i32
      %scan3A_557 = arith.constant 1 : i32
      scf.for %scan3A_944 = %scan3A_554 to %scan3A_556 step %scan3A_557  : i32 {
        %mul3A_945 = arith.constant 1 : i32
        %mul3A_946 = arith.muli %scan3A_944, %mul3A_945 : i32
        %add3A_947 = arith.constant 0 : i32
        %add3A_948 = arith.addi %add3A_947, %mul3A_946 : i32
        %swap3A = arith.index_cast %add3A_948 : i32 to index
        %swap3A_949 = arith.constant 0 : index
        %swap3A_950 = tpu.vector_load %arg10[%swap3A, %swap3A_949] {strides = array<i32>} : memref<32x128xf32, #tpu.memory_space<vmem>>, vector<1x16xf32>,
        %swap3A_951 = vector.shape_cast %swap3A_950 : vector<1x16xf32> to vector<16xf32>
        %swap3A_952 = vector.shape_cast %get3A_525 : vector<16xf32> to vector<1x16xf32>
        tpu.vector_store %arg10[%swap3A, %swap3A_949], %swap3A_952 {add = true, strides = array<i32>} : memref<32x128xf32, #tpu.memory_space<vmem>>, vector<1x16xf32>,
        %swap3A_953 = arith.index_cast %add3A_948 : i32 to index
        %swap3A_954 = arith.constant 16 : index
        %swap3A_955 = tpu.vector_load %arg10[%swap3A_953, %swap3A_954] {strides = array<i32>} : memref<32x128xf32, #tpu.memory_space<vmem>>, vector<1x16xf32>,
        %swap3A_956 = vector.shape_cast %swap3A_955 : vector<1x16xf32> to vector<16xf32>
        %swap3A_957 = vector.shape_cast %get3A_529 : vector<16xf32> to vector<1x16xf32>
        tpu.vector_store %arg10[%swap3A_953, %swap3A_954], %swap3A_957 {add = true, strides = array<i32>} : memref<32x128xf32, #tpu.memory_space<vmem>>, vector<1x16xf32>,
        %swap3A_958 = arith.index_cast %add3A_948 : i32 to index
        %swap3A_959 = arith.constant 32 : index
        %swap3A_960 = tpu.vector_load %arg10[%swap3A_958, %swap3A_959] {strides = array<i32>} : memref<32x128xf32, #tpu.memory_space<vmem>>, vector<1x16xf32>,
        %swap3A_961 = vector.shape_cast %swap3A_960 : vector<1x16xf32> to vector<16xf32>
        %swap3A_962 = vector.shape_cast %get3A_533 : vector<16xf32> to vector<1x16xf32>
        tpu.vector_store %arg10[%swap3A_958, %swap3A_959], %swap3A_962 {add = true, strides = array<i32>} : memref<32x128xf32, #tpu.memory_space<vmem>>, vector<1x16xf32>,
        %swap3A_963 = arith.index_cast %add3A_948 : i32 to index
        %swap3A_964 = arith.constant 48 : index
        %swap3A_965 = tpu.vector_load %arg10[%swap3A_963, %swap3A_964] {strides = array<i32>} : memref<32x128xf32, #tpu.memory_space<vmem>>, vector<1x16xf32>,
        %swap3A_966 = vector.shape_cast %swap3A_965 : vector<1x16xf32> to vector<16xf32>
        %swap3A_967 = vector.shape_cast %get3A_537 : vector<16xf32> to vector<1x16xf32>
        tpu.vector_store %arg10[%swap3A_963, %swap3A_964], %swap3A_967 {add = true, strides = array<i32>} : memref<32x128xf32, #tpu.memory_space<vmem>>, vector<1x16xf32>,
        %swap3A_968 = arith.index_cast %add3A_948 : i32 to index
        %swap3A_969 = arith.constant 64 : index
        %swap3A_970 = tpu.vector_load %arg10[%swap3A_968, %swap3A_969] {strides = array<i32>} : memref<32x128xf32, #tpu.memory_space<vmem>>, vector<1x16xf32>,
        %swap3A_971 = vector.shape_cast %swap3A_970 : vector<1x16xf32> to vector<16xf32>
        %swap3A_972 = vector.shape_cast %get3A_541 : vector<16xf32> to vector<1x16xf32>
        tpu.vector_store %arg10[%swap3A_968, %swap3A_969], %swap3A_972 {add = true, strides = array<i32>} : memref<32x128xf32, #tpu.memory_space<vmem>>, vector<1x16xf32>,
        %swap3A_973 = arith.index_cast %add3A_948 : i32 to index
        %swap3A_974 = arith.constant 80 : index
        %swap3A_975 = tpu.vector_load %arg10[%swap3A_973, %swap3A_974] {strides = array<i32>} : memref<32x128xf32, #tpu.memory_space<vmem>>, vector<1x16xf32>,
        %swap3A_976 = vector.shape_cast %swap3A_975 : vector<1x16xf32> to vector<16xf32>
        %swap3A_977 = vector.shape_cast %get3A_545 : vector<16xf32> to vector<1x16xf32>
        tpu.vector_store %arg10[%swap3A_973, %swap3A_974], %swap3A_977 {add = true, strides = array<i32>} : memref<32x128xf32, #tpu.memory_space<vmem>>, vector<1x16xf32>,
        %swap3A_978 = arith.index_cast %add3A_948 : i32 to index
        %swap3A_979 = arith.constant 96 : index
        %swap3A_980 = tpu.vector_load %arg10[%swap3A_978, %swap3A_979] {strides = array<i32>} : memref<32x128xf32, #tpu.memory_space<vmem>>, vector<1x16xf32>,
        %swap3A_981 = vector.shape_cast %swap3A_980 : vector<1x16xf32> to vector<16xf32>
        %swap3A_982 = vector.shape_cast %get3A_549 : vector<16xf32> to vector<1x16xf32>
        tpu.vector_store %arg10[%swap3A_978, %swap3A_979], %swap3A_982 {add = true, strides = array<i32>} : memref<32x128xf32, #tpu.memory_space<vmem>>, vector<1x16xf32>,
        %swap3A_983 = arith.index_cast %add3A_948 : i32 to index
        %swap3A_984 = arith.constant 112 : index
        %swap3A_985 = tpu.vector_load %arg10[%swap3A_983, %swap3A_984] {strides = array<i32>} : memref<32x128xf32, #tpu.memory_space<vmem>>, vector<1x16xf32>,
        %swap3A_986 = vector.shape_cast %swap3A_985 : vector<1x16xf32> to vector<16xf32>
        %swap3A_987 = vector.shape_cast %get3A_553 : vector<16xf32> to vector<1x16xf32>
        tpu.vector_store %arg10[%swap3A_983, %swap3A_984], %swap3A_987 {add = true, strides = array<i32>} : memref<32x128xf32, #tpu.memory_space<vmem>>, vector<1x16xf32>,
      }
      %scan3A_558 = arith.constant 32 : i32
      %add3A_559 = arith.addi %mul3A_2, %mul3A_480 : i32
      %jit3A_560 = arith.constant 32 : i32
      %div3A_561 = arith.divsi %add3A_559, %jit3A_560 : i32
      %sign3A_562 = arith.constant 0 : i32
      %sign3A_563 = arith.cmpi sgt, %add3A_559, %sign3A_562 : i32
      %sign3A_564 = arith.extui %sign3A_563 : i1 to i32
      %sign3A_565 = arith.constant 0 : i32
      %sign3A_566 = arith.cmpi slt, %add3A_559, %sign3A_565 : i32
      %sign3A_567 = arith.extui %sign3A_566 : i1 to i32
      %sign3A_568 = arith.subi %sign3A_564, %sign3A_567 : i32
      %sign3A_569 = arith.constant 0 : i32
      %sign3A_570 = arith.cmpi sgt, %jit3A_560, %sign3A_569 : i32
      %sign3A_571 = arith.extui %sign3A_570 : i1 to i32
      %sign3A_572 = arith.constant 0 : i32
      %sign3A_573 = arith.cmpi slt, %jit3A_560, %sign3A_572 : i32
      %sign3A_574 = arith.extui %sign3A_573 : i1 to i32
      %sign3A_575 = arith.subi %sign3A_571, %sign3A_574 : i32
      %ne3A_576 = arith.cmpi ne, %sign3A_568, %sign3A_575 : i32
      %rem3A_577 = arith.remsi %add3A_559, %jit3A_560 : i32
      %ne3A_578 = arith.constant 0 : i32
      %ne3A_579 = arith.cmpi ne, %rem3A_577, %ne3A_578 : i32
      %and3A_580 = arith.andi %ne3A_576, %ne3A_579 : i1
      %sub3A_581 = arith.constant 1 : i32
      %sub3A_582 = arith.subi %div3A_561, %sub3A_581 : i32
      %select_n3A_583 = arith.select %and3A_580, %sub3A_582, %div3A_561 : i32
      %rem3A_584 = arith.constant 32 : i32
      %rem3A_585 = arith.remsi %add3A_559, %rem3A_584 : i32
      %mul3A_586 = arith.constant 32 : i32
      %mul3A_587 = arith.muli %rem3A_585, %mul3A_586 : i32
      %dma_start3A_588 = arith.constant 256 : i32
      %dma_start3A_589 = tpu.memref_slice %arg5[%select_n3A_583, %mul3A_587, %dma_start3A_588] : memref<77x1024x768xf32, #tpu.memory_space<hbm>> -> memref<1x32x128xf32, #tpu.memory_space<hbm>>
      %dma_start3A_590 = tpu.memref_squeeze %dma_start3A_589 : memref<1x32x128xf32, #tpu.memory_space<hbm>> -> memref<32x128xf32, #tpu.memory_space<hbm>>
      %dma_start3A_591 = arith.constant 256 : i32
      %dma_start3A_592 = tpu.memref_slice %arg5[%select_n3A_583, %mul3A_587, %dma_start3A_591] : memref<77x1024x768xf32, #tpu.memory_space<hbm>> -> memref<1x32x128xf32, #tpu.memory_space<hbm>>
      %dma_start3A_593 = tpu.memref_squeeze %dma_start3A_592 : memref<1x32x128xf32, #tpu.memory_space<hbm>> -> memref<32x128xf32, #tpu.memory_space<hbm>>
      tpu.enqueue_dma source(%arg10 : memref<32x128xf32, #tpu.memory_space<vmem>>) target(%dma_start3A_593 : memref<32x128xf32, #tpu.memory_space<hbm>>) target_semaphore(%arg34 : memref<!tpu.dma_semaphore, #tpu.memory_space<semaphore_mem>>)
      %mul3A_594 = arith.constant 2 : i32
      %mul3A_595 = arith.muli %mul3A_594, %add3A_253 : i32
      %mul3A_596 = arith.constant 32 : i32
      %mul3A_597 = arith.muli %mul3A_595, %mul3A_596 : i32
      %dma_wait3A_598 = tpu.memref_slice %arg7[%mul3A_597] : memref<2464xi32, #tpu.memory_space<vmem>> -> memref<32xi32, #tpu.memory_space<vmem>>
      %dma_wait3A_599 = arith.constant 0 : i32
      %dma_wait3A_600 = arith.constant 384 : i32
      %dma_wait3A_601 = tpu.memref_slice %arg3[%dma_wait3A_599, %dma_wait3A_600] : memref<49408x768xf32, #tpu.memory_space<hbm>> -> memref<49408x128xf32, #tpu.memory_space<hbm>>
      tpu.wait_indirect_dma semaphore(%arg23 : memref<!tpu.dma_semaphore, #tpu.memory_space<semaphore_mem>>) src(%dma_wait3A_601 : memref<49408x128xf32, #tpu.memory_space<hbm>>) dst(%arg11 : memref<32x128xf32, #tpu.memory_space<vmem>>)
      %ge3A_602 = arith.constant 1 : i32
      %ge3A_603 = arith.cmpi sge, %add3A_253, %ge3A_602 : i32
      %convert_element_type3A_604 = arith.extui %ge3A_603 : i1 to i32
      %cond3A_605 = arith.constant 0 : i32
      %cond3A_606 = arith.cmpi ne, %convert_element_type3A_604, %cond3A_605 : i32
      scf.if %cond3A_606 {
        %sub3A_944 = arith.constant 1 : i32
        %sub3A_945 = arith.subi %mul3A_595, %sub3A_944 : i32
        %add3A_946 = arith.addi %mul3A_2, %sub3A_945 : i32
        %jit3A_947 = arith.constant 32 : i32
        %div3A_948 = arith.divsi %add3A_946, %jit3A_947 : i32
        %sign3A_949 = arith.constant 0 : i32
        %sign3A_950 = arith.cmpi sgt, %add3A_946, %sign3A_949 : i32
        %sign3A_951 = arith.extui %sign3A_950 : i1 to i32
        %sign3A_952 = arith.constant 0 : i32
        %sign3A_953 = arith.cmpi slt, %add3A_946, %sign3A_952 : i32
        %sign3A_954 = arith.extui %sign3A_953 : i1 to i32
        %sign3A_955 = arith.subi %sign3A_951, %sign3A_954 : i32
        %sign3A_956 = arith.constant 0 : i32
        %sign3A_957 = arith.cmpi sgt, %jit3A_947, %sign3A_956 : i32
        %sign3A_958 = arith.extui %sign3A_957 : i1 to i32
        %sign3A_959 = arith.constant 0 : i32
        %sign3A_960 = arith.cmpi slt, %jit3A_947, %sign3A_959 : i32
        %sign3A_961 = arith.extui %sign3A_960 : i1 to i32
        %sign3A_962 = arith.subi %sign3A_958, %sign3A_961 : i32
        %ne3A_963 = arith.cmpi ne, %sign3A_955, %sign3A_962 : i32
        %rem3A_964 = arith.remsi %add3A_946, %jit3A_947 : i32
        %ne3A_965 = arith.constant 0 : i32
        %ne3A_966 = arith.cmpi ne, %rem3A_964, %ne3A_965 : i32
        %and3A_967 = arith.andi %ne3A_963, %ne3A_966 : i1
        %sub3A_968 = arith.constant 1 : i32
        %sub3A_969 = arith.subi %div3A_948, %sub3A_968 : i32
        %select_n3A_970 = arith.select %and3A_967, %sub3A_969, %div3A_948 : i32
        %rem3A_971 = arith.constant 32 : i32
        %rem3A_972 = arith.remsi %add3A_946, %rem3A_971 : i32
        %mul3A_973 = arith.constant 32 : i32
        %mul3A_974 = arith.muli %rem3A_972, %mul3A_973 : i32
        %dma_wait3A_975 = arith.constant 384 : i32
        %dma_wait3A_976 = tpu.memref_slice %arg5[%select_n3A_970, %mul3A_974, %dma_wait3A_975] : memref<77x1024x768xf32, #tpu.memory_space<hbm>> -> memref<1x32x128xf32, #tpu.memory_space<hbm>>
        %dma_wait3A_977 = tpu.memref_squeeze %dma_wait3A_976 : memref<1x32x128xf32, #tpu.memory_space<hbm>> -> memref<32x128xf32, #tpu.memory_space<hbm>>
        %dma_wait3A_978 = arith.constant 384 : i32
        %dma_wait3A_979 = tpu.memref_slice %arg5[%select_n3A_970, %mul3A_974, %dma_wait3A_978] : memref<77x1024x768xf32, #tpu.memory_space<hbm>> -> memref<1x32x128xf32, #tpu.memory_space<hbm>>
        %dma_wait3A_980 = tpu.memref_squeeze %dma_wait3A_979 : memref<1x32x128xf32, #tpu.memory_space<hbm>> -> memref<32x128xf32, #tpu.memory_space<hbm>>
        tpu.wait_dma2 semaphore(%arg41 : memref<!tpu.dma_semaphore, #tpu.memory_space<semaphore_mem>>) src(%arg17 : memref<32x128xf32, #tpu.memory_space<vmem>>) dst(%dma_wait3A_980 : memref<32x128xf32, #tpu.memory_space<hbm>>)
      } else {
      }
      %le3A_607 = arith.constant 37 : i32
      %le3A_608 = arith.cmpi sle, %add3A_253, %le3A_607 : i32
      %convert_element_type3A_609 = arith.extui %le3A_608 : i1 to i32
      %cond3A_610 = arith.constant 0 : i32
      %cond3A_611 = arith.cmpi ne, %convert_element_type3A_609, %cond3A_610 : i32
      scf.if %cond3A_611 {
        %add3A_944 = arith.constant 1 : i32
        %add3A_945 = arith.addi %mul3A_595, %add3A_944 : i32
        %mul3A_946 = arith.constant 32 : i32
        %mul3A_947 = arith.muli %add3A_945, %mul3A_946 : i32
        %dma_start3A_948 = tpu.memref_slice %arg7[%mul3A_947] : memref<2464xi32, #tpu.memory_space<vmem>> -> memref<32xi32, #tpu.memory_space<vmem>>
        %dma_start3A_949 = arith.constant 0 : i32
        %dma_start3A_950 = arith.constant 384 : i32
        %dma_start3A_951 = tpu.memref_slice %arg3[%dma_start3A_949, %dma_start3A_950] : memref<49408x768xf32, #tpu.memory_space<hbm>> -> memref<49408x128xf32, #tpu.memory_space<hbm>>
        tpu.enqueue_indirect_dma source(%dma_start3A_951 : memref<49408x128xf32, #tpu.memory_space<hbm>>) target(%arg17 : memref<32x128xf32, #tpu.memory_space<vmem>>) offsets(%dma_start3A_948 : memref<32xi32, #tpu.memory_space<vmem>>) semaphore(%arg29 : memref<!tpu.dma_semaphore, #tpu.memory_space<semaphore_mem>>)
      } else {
      }
      %add3A_612 = arith.addi %mul3A_2, %mul3A_595 : i32
      %jit3A_613 = arith.constant 32 : i32
      %div3A_614 = arith.divsi %add3A_612, %jit3A_613 : i32
      %sign3A_615 = arith.constant 0 : i32
      %sign3A_616 = arith.cmpi sgt, %add3A_612, %sign3A_615 : i32
      %sign3A_617 = arith.extui %sign3A_616 : i1 to i32
      %sign3A_618 = arith.constant 0 : i32
      %sign3A_619 = arith.cmpi slt, %add3A_612, %sign3A_618 : i32
      %sign3A_620 = arith.extui %sign3A_619 : i1 to i32
      %sign3A_621 = arith.subi %sign3A_617, %sign3A_620 : i32
      %sign3A_622 = arith.constant 0 : i32
      %sign3A_623 = arith.cmpi sgt, %jit3A_613, %sign3A_622 : i32
      %sign3A_624 = arith.extui %sign3A_623 : i1 to i32
      %sign3A_625 = arith.constant 0 : i32
      %sign3A_626 = arith.cmpi slt, %jit3A_613, %sign3A_625 : i32
      %sign3A_627 = arith.extui %sign3A_626 : i1 to i32
      %sign3A_628 = arith.subi %sign3A_624, %sign3A_627 : i32
      %ne3A_629 = arith.cmpi ne, %sign3A_621, %sign3A_628 : i32
      %rem3A_630 = arith.remsi %add3A_612, %jit3A_613 : i32
      %ne3A_631 = arith.constant 0 : i32
      %ne3A_632 = arith.cmpi ne, %rem3A_630, %ne3A_631 : i32
      %and3A_633 = arith.andi %ne3A_629, %ne3A_632 : i1
      %sub3A_634 = arith.constant 1 : i32
      %sub3A_635 = arith.subi %div3A_614, %sub3A_634 : i32
      %select_n3A_636 = arith.select %and3A_633, %sub3A_635, %div3A_614 : i32
      %get3A_637 = arith.index_cast %select_n3A_636 : i32 to index
      %get3A_638 = arith.constant 384 : index
      %get3A_639 = tpu.vector_load %arg6[%get3A_637, %get3A_638] {strides = array<i32>} : memref<77x768xf32, #tpu.memory_space<vmem>>, vector<1x16xf32>,
      %get3A_640 = vector.shape_cast %get3A_639 : vector<1x16xf32> to vector<16xf32>
      %get3A_641 = arith.index_cast %select_n3A_636 : i32 to index
      %get3A_642 = arith.constant 400 : index
      %get3A_643 = tpu.vector_load %arg6[%get3A_641, %get3A_642] {strides = array<i32>} : memref<77x768xf32, #tpu.memory_space<vmem>>, vector<1x16xf32>,
      %get3A_644 = vector.shape_cast %get3A_643 : vector<1x16xf32> to vector<16xf32>
      %get3A_645 = arith.index_cast %select_n3A_636 : i32 to index
      %get3A_646 = arith.constant 416 : index
      %get3A_647 = tpu.vector_load %arg6[%get3A_645, %get3A_646] {strides = array<i32>} : memref<77x768xf32, #tpu.memory_space<vmem>>, vector<1x16xf32>,
      %get3A_648 = vector.shape_cast %get3A_647 : vector<1x16xf32> to vector<16xf32>
      %get3A_649 = arith.index_cast %select_n3A_636 : i32 to index
      %get3A_650 = arith.constant 432 : index
      %get3A_651 = tpu.vector_load %arg6[%get3A_649, %get3A_650] {strides = array<i32>} : memref<77x768xf32, #tpu.memory_space<vmem>>, vector<1x16xf32>,
      %get3A_652 = vector.shape_cast %get3A_651 : vector<1x16xf32> to vector<16xf32>
      %get3A_653 = arith.index_cast %select_n3A_636 : i32 to index
      %get3A_654 = arith.constant 448 : index
      %get3A_655 = tpu.vector_load %arg6[%get3A_653, %get3A_654] {strides = array<i32>} : memref<77x768xf32, #tpu.memory_space<vmem>>, vector<1x16xf32>,
      %get3A_656 = vector.shape_cast %get3A_655 : vector<1x16xf32> to vector<16xf32>
      %get3A_657 = arith.index_cast %select_n3A_636 : i32 to index
      %get3A_658 = arith.constant 464 : index
      %get3A_659 = tpu.vector_load %arg6[%get3A_657, %get3A_658] {strides = array<i32>} : memref<77x768xf32, #tpu.memory_space<vmem>>, vector<1x16xf32>,
      %get3A_660 = vector.shape_cast %get3A_659 : vector<1x16xf32> to vector<16xf32>
      %get3A_661 = arith.index_cast %select_n3A_636 : i32 to index
      %get3A_662 = arith.constant 480 : index
      %get3A_663 = tpu.vector_load %arg6[%get3A_661, %get3A_662] {strides = array<i32>} : memref<77x768xf32, #tpu.memory_space<vmem>>, vector<1x16xf32>,
      %get3A_664 = vector.shape_cast %get3A_663 : vector<1x16xf32> to vector<16xf32>
      %get3A_665 = arith.index_cast %select_n3A_636 : i32 to index
      %get3A_666 = arith.constant 496 : index
      %get3A_667 = tpu.vector_load %arg6[%get3A_665, %get3A_666] {strides = array<i32>} : memref<77x768xf32, #tpu.memory_space<vmem>>, vector<1x16xf32>,
      %get3A_668 = vector.shape_cast %get3A_667 : vector<1x16xf32> to vector<16xf32>
      %scan3A_669 = arith.constant 0 : i32
      %scan3A_670 = arith.constant 32 : i32
      %scan3A_671 = arith.addi %scan3A_669, %scan3A_670 : i32
      %scan3A_672 = arith.constant 1 : i32
      scf.for %scan3A_944 = %scan3A_669 to %scan3A_671 step %scan3A_672  : i32 {
        %mul3A_945 = arith.constant 1 : i32
        %mul3A_946 = arith.muli %scan3A_944, %mul3A_945 : i32
        %add3A_947 = arith.constant 0 : i32
        %add3A_948 = arith.addi %add3A_947, %mul3A_946 : i32
        %swap3A = arith.index_cast %add3A_948 : i32 to index
        %swap3A_949 = arith.constant 0 : index
        %swap3A_950 = tpu.vector_load %arg11[%swap3A, %swap3A_949] {strides = array<i32>} : memref<32x128xf32, #tpu.memory_space<vmem>>, vector<1x16xf32>,
        %swap3A_951 = vector.shape_cast %swap3A_950 : vector<1x16xf32> to vector<16xf32>
        %swap3A_952 = vector.shape_cast %get3A_640 : vector<16xf32> to vector<1x16xf32>
        tpu.vector_store %arg11[%swap3A, %swap3A_949], %swap3A_952 {add = true, strides = array<i32>} : memref<32x128xf32, #tpu.memory_space<vmem>>, vector<1x16xf32>,
        %swap3A_953 = arith.index_cast %add3A_948 : i32 to index
        %swap3A_954 = arith.constant 16 : index
        %swap3A_955 = tpu.vector_load %arg11[%swap3A_953, %swap3A_954] {strides = array<i32>} : memref<32x128xf32, #tpu.memory_space<vmem>>, vector<1x16xf32>,
        %swap3A_956 = vector.shape_cast %swap3A_955 : vector<1x16xf32> to vector<16xf32>
        %swap3A_957 = vector.shape_cast %get3A_644 : vector<16xf32> to vector<1x16xf32>
        tpu.vector_store %arg11[%swap3A_953, %swap3A_954], %swap3A_957 {add = true, strides = array<i32>} : memref<32x128xf32, #tpu.memory_space<vmem>>, vector<1x16xf32>,
        %swap3A_958 = arith.index_cast %add3A_948 : i32 to index
        %swap3A_959 = arith.constant 32 : index
        %swap3A_960 = tpu.vector_load %arg11[%swap3A_958, %swap3A_959] {strides = array<i32>} : memref<32x128xf32, #tpu.memory_space<vmem>>, vector<1x16xf32>,
        %swap3A_961 = vector.shape_cast %swap3A_960 : vector<1x16xf32> to vector<16xf32>
        %swap3A_962 = vector.shape_cast %get3A_648 : vector<16xf32> to vector<1x16xf32>
        tpu.vector_store %arg11[%swap3A_958, %swap3A_959], %swap3A_962 {add = true, strides = array<i32>} : memref<32x128xf32, #tpu.memory_space<vmem>>, vector<1x16xf32>,
        %swap3A_963 = arith.index_cast %add3A_948 : i32 to index
        %swap3A_964 = arith.constant 48 : index
        %swap3A_965 = tpu.vector_load %arg11[%swap3A_963, %swap3A_964] {strides = array<i32>} : memref<32x128xf32, #tpu.memory_space<vmem>>, vector<1x16xf32>,
        %swap3A_966 = vector.shape_cast %swap3A_965 : vector<1x16xf32> to vector<16xf32>
        %swap3A_967 = vector.shape_cast %get3A_652 : vector<16xf32> to vector<1x16xf32>
        tpu.vector_store %arg11[%swap3A_963, %swap3A_964], %swap3A_967 {add = true, strides = array<i32>} : memref<32x128xf32, #tpu.memory_space<vmem>>, vector<1x16xf32>,
        %swap3A_968 = arith.index_cast %add3A_948 : i32 to index
        %swap3A_969 = arith.constant 64 : index
        %swap3A_970 = tpu.vector_load %arg11[%swap3A_968, %swap3A_969] {strides = array<i32>} : memref<32x128xf32, #tpu.memory_space<vmem>>, vector<1x16xf32>,
        %swap3A_971 = vector.shape_cast %swap3A_970 : vector<1x16xf32> to vector<16xf32>
        %swap3A_972 = vector.shape_cast %get3A_656 : vector<16xf32> to vector<1x16xf32>
        tpu.vector_store %arg11[%swap3A_968, %swap3A_969], %swap3A_972 {add = true, strides = array<i32>} : memref<32x128xf32, #tpu.memory_space<vmem>>, vector<1x16xf32>,
        %swap3A_973 = arith.index_cast %add3A_948 : i32 to index
        %swap3A_974 = arith.constant 80 : index
        %swap3A_975 = tpu.vector_load %arg11[%swap3A_973, %swap3A_974] {strides = array<i32>} : memref<32x128xf32, #tpu.memory_space<vmem>>, vector<1x16xf32>,
        %swap3A_976 = vector.shape_cast %swap3A_975 : vector<1x16xf32> to vector<16xf32>
        %swap3A_977 = vector.shape_cast %get3A_660 : vector<16xf32> to vector<1x16xf32>
        tpu.vector_store %arg11[%swap3A_973, %swap3A_974], %swap3A_977 {add = true, strides = array<i32>} : memref<32x128xf32, #tpu.memory_space<vmem>>, vector<1x16xf32>,
        %swap3A_978 = arith.index_cast %add3A_948 : i32 to index
        %swap3A_979 = arith.constant 96 : index
        %swap3A_980 = tpu.vector_load %arg11[%swap3A_978, %swap3A_979] {strides = array<i32>} : memref<32x128xf32, #tpu.memory_space<vmem>>, vector<1x16xf32>,
        %swap3A_981 = vector.shape_cast %swap3A_980 : vector<1x16xf32> to vector<16xf32>
        %swap3A_982 = vector.shape_cast %get3A_664 : vector<16xf32> to vector<1x16xf32>
        tpu.vector_store %arg11[%swap3A_978, %swap3A_979], %swap3A_982 {add = true, strides = array<i32>} : memref<32x128xf32, #tpu.memory_space<vmem>>, vector<1x16xf32>,
        %swap3A_983 = arith.index_cast %add3A_948 : i32 to index
        %swap3A_984 = arith.constant 112 : index
        %swap3A_985 = tpu.vector_load %arg11[%swap3A_983, %swap3A_984] {strides = array<i32>} : memref<32x128xf32, #tpu.memory_space<vmem>>, vector<1x16xf32>,
        %swap3A_986 = vector.shape_cast %swap3A_985 : vector<1x16xf32> to vector<16xf32>
        %swap3A_987 = vector.shape_cast %get3A_668 : vector<16xf32> to vector<1x16xf32>
        tpu.vector_store %arg11[%swap3A_983, %swap3A_984], %swap3A_987 {add = true, strides = array<i32>} : memref<32x128xf32, #tpu.memory_space<vmem>>, vector<1x16xf32>,
      }
      %scan3A_673 = arith.constant 32 : i32
      %add3A_674 = arith.addi %mul3A_2, %mul3A_595 : i32
      %jit3A_675 = arith.constant 32 : i32
      %div3A_676 = arith.divsi %add3A_674, %jit3A_675 : i32
      %sign3A_677 = arith.constant 0 : i32
      %sign3A_678 = arith.cmpi sgt, %add3A_674, %sign3A_677 : i32
      %sign3A_679 = arith.extui %sign3A_678 : i1 to i32
      %sign3A_680 = arith.constant 0 : i32
      %sign3A_681 = arith.cmpi slt, %add3A_674, %sign3A_680 : i32
      %sign3A_682 = arith.extui %sign3A_681 : i1 to i32
      %sign3A_683 = arith.subi %sign3A_679, %sign3A_682 : i32
      %sign3A_684 = arith.constant 0 : i32
      %sign3A_685 = arith.cmpi sgt, %jit3A_675, %sign3A_684 : i32
      %sign3A_686 = arith.extui %sign3A_685 : i1 to i32
      %sign3A_687 = arith.constant 0 : i32
      %sign3A_688 = arith.cmpi slt, %jit3A_675, %sign3A_687 : i32
      %sign3A_689 = arith.extui %sign3A_688 : i1 to i32
      %sign3A_690 = arith.subi %sign3A_686, %sign3A_689 : i32
      %ne3A_691 = arith.cmpi ne, %sign3A_683, %sign3A_690 : i32
      %rem3A_692 = arith.remsi %add3A_674, %jit3A_675 : i32
      %ne3A_693 = arith.constant 0 : i32
      %ne3A_694 = arith.cmpi ne, %rem3A_692, %ne3A_693 : i32
      %and3A_695 = arith.andi %ne3A_691, %ne3A_694 : i1
      %sub3A_696 = arith.constant 1 : i32
      %sub3A_697 = arith.subi %div3A_676, %sub3A_696 : i32
      %select_n3A_698 = arith.select %and3A_695, %sub3A_697, %div3A_676 : i32
      %rem3A_699 = arith.constant 32 : i32
      %rem3A_700 = arith.remsi %add3A_674, %rem3A_699 : i32
      %mul3A_701 = arith.constant 32 : i32
      %mul3A_702 = arith.muli %rem3A_700, %mul3A_701 : i32
      %dma_start3A_703 = arith.constant 384 : i32
      %dma_start3A_704 = tpu.memref_slice %arg5[%select_n3A_698, %mul3A_702, %dma_start3A_703] : memref<77x1024x768xf32, #tpu.memory_space<hbm>> -> memref<1x32x128xf32, #tpu.memory_space<hbm>>
      %dma_start3A_705 = tpu.memref_squeeze %dma_start3A_704 : memref<1x32x128xf32, #tpu.memory_space<hbm>> -> memref<32x128xf32, #tpu.memory_space<hbm>>
      %dma_start3A_706 = arith.constant 384 : i32
      %dma_start3A_707 = tpu.memref_slice %arg5[%select_n3A_698, %mul3A_702, %dma_start3A_706] : memref<77x1024x768xf32, #tpu.memory_space<hbm>> -> memref<1x32x128xf32, #tpu.memory_space<hbm>>
      %dma_start3A_708 = tpu.memref_squeeze %dma_start3A_707 : memref<1x32x128xf32, #tpu.memory_space<hbm>> -> memref<32x128xf32, #tpu.memory_space<hbm>>
      tpu.enqueue_dma source(%arg11 : memref<32x128xf32, #tpu.memory_space<vmem>>) target(%dma_start3A_708 : memref<32x128xf32, #tpu.memory_space<hbm>>) target_semaphore(%arg35 : memref<!tpu.dma_semaphore, #tpu.memory_space<semaphore_mem>>)
      %mul3A_709 = arith.constant 2 : i32
      %mul3A_710 = arith.muli %mul3A_709, %add3A_253 : i32
      %mul3A_711 = arith.constant 32 : i32
      %mul3A_712 = arith.muli %mul3A_710, %mul3A_711 : i32
      %dma_wait3A_713 = tpu.memref_slice %arg7[%mul3A_712] : memref<2464xi32, #tpu.memory_space<vmem>> -> memref<32xi32, #tpu.memory_space<vmem>>
      %dma_wait3A_714 = arith.constant 0 : i32
      %dma_wait3A_715 = arith.constant 512 : i32
      %dma_wait3A_716 = tpu.memref_slice %arg3[%dma_wait3A_714, %dma_wait3A_715] : memref<49408x768xf32, #tpu.memory_space<hbm>> -> memref<49408x128xf32, #tpu.memory_space<hbm>>
      tpu.wait_indirect_dma semaphore(%arg24 : memref<!tpu.dma_semaphore, #tpu.memory_space<semaphore_mem>>) src(%dma_wait3A_716 : memref<49408x128xf32, #tpu.memory_space<hbm>>) dst(%arg12 : memref<32x128xf32, #tpu.memory_space<vmem>>)
      %ge3A_717 = arith.constant 1 : i32
      %ge3A_718 = arith.cmpi sge, %add3A_253, %ge3A_717 : i32
      %convert_element_type3A_719 = arith.extui %ge3A_718 : i1 to i32
      %cond3A_720 = arith.constant 0 : i32
      %cond3A_721 = arith.cmpi ne, %convert_element_type3A_719, %cond3A_720 : i32
      scf.if %cond3A_721 {
        %sub3A_944 = arith.constant 1 : i32
        %sub3A_945 = arith.subi %mul3A_710, %sub3A_944 : i32
        %add3A_946 = arith.addi %mul3A_2, %sub3A_945 : i32
        %jit3A_947 = arith.constant 32 : i32
        %div3A_948 = arith.divsi %add3A_946, %jit3A_947 : i32
        %sign3A_949 = arith.constant 0 : i32
        %sign3A_950 = arith.cmpi sgt, %add3A_946, %sign3A_949 : i32
        %sign3A_951 = arith.extui %sign3A_950 : i1 to i32
        %sign3A_952 = arith.constant 0 : i32
        %sign3A_953 = arith.cmpi slt, %add3A_946, %sign3A_952 : i32
        %sign3A_954 = arith.extui %sign3A_953 : i1 to i32
        %sign3A_955 = arith.subi %sign3A_951, %sign3A_954 : i32
        %sign3A_956 = arith.constant 0 : i32
        %sign3A_957 = arith.cmpi sgt, %jit3A_947, %sign3A_956 : i32
        %sign3A_958 = arith.extui %sign3A_957 : i1 to i32
        %sign3A_959 = arith.constant 0 : i32
        %sign3A_960 = arith.cmpi slt, %jit3A_947, %sign3A_959 : i32
        %sign3A_961 = arith.extui %sign3A_960 : i1 to i32
        %sign3A_962 = arith.subi %sign3A_958, %sign3A_961 : i32
        %ne3A_963 = arith.cmpi ne, %sign3A_955, %sign3A_962 : i32
        %rem3A_964 = arith.remsi %add3A_946, %jit3A_947 : i32
        %ne3A_965 = arith.constant 0 : i32
        %ne3A_966 = arith.cmpi ne, %rem3A_964, %ne3A_965 : i32
        %and3A_967 = arith.andi %ne3A_963, %ne3A_966 : i1
        %sub3A_968 = arith.constant 1 : i32
        %sub3A_969 = arith.subi %div3A_948, %sub3A_968 : i32
        %select_n3A_970 = arith.select %and3A_967, %sub3A_969, %div3A_948 : i32
        %rem3A_971 = arith.constant 32 : i32
        %rem3A_972 = arith.remsi %add3A_946, %rem3A_971 : i32
        %mul3A_973 = arith.constant 32 : i32
        %mul3A_974 = arith.muli %rem3A_972, %mul3A_973 : i32
        %dma_wait3A_975 = arith.constant 512 : i32
        %dma_wait3A_976 = tpu.memref_slice %arg5[%select_n3A_970, %mul3A_974, %dma_wait3A_975] : memref<77x1024x768xf32, #tpu.memory_space<hbm>> -> memref<1x32x128xf32, #tpu.memory_space<hbm>>
        %dma_wait3A_977 = tpu.memref_squeeze %dma_wait3A_976 : memref<1x32x128xf32, #tpu.memory_space<hbm>> -> memref<32x128xf32, #tpu.memory_space<hbm>>
        %dma_wait3A_978 = arith.constant 512 : i32
        %dma_wait3A_979 = tpu.memref_slice %arg5[%select_n3A_970, %mul3A_974, %dma_wait3A_978] : memref<77x1024x768xf32, #tpu.memory_space<hbm>> -> memref<1x32x128xf32, #tpu.memory_space<hbm>>
        %dma_wait3A_980 = tpu.memref_squeeze %dma_wait3A_979 : memref<1x32x128xf32, #tpu.memory_space<hbm>> -> memref<32x128xf32, #tpu.memory_space<hbm>>
        tpu.wait_dma2 semaphore(%arg42 : memref<!tpu.dma_semaphore, #tpu.memory_space<semaphore_mem>>) src(%arg18 : memref<32x128xf32, #tpu.memory_space<vmem>>) dst(%dma_wait3A_980 : memref<32x128xf32, #tpu.memory_space<hbm>>)
      } else {
      }
      %le3A_722 = arith.constant 37 : i32
      %le3A_723 = arith.cmpi sle, %add3A_253, %le3A_722 : i32
      %convert_element_type3A_724 = arith.extui %le3A_723 : i1 to i32
      %cond3A_725 = arith.constant 0 : i32
      %cond3A_726 = arith.cmpi ne, %convert_element_type3A_724, %cond3A_725 : i32
      scf.if %cond3A_726 {
        %add3A_944 = arith.constant 1 : i32
        %add3A_945 = arith.addi %mul3A_710, %add3A_944 : i32
        %mul3A_946 = arith.constant 32 : i32
        %mul3A_947 = arith.muli %add3A_945, %mul3A_946 : i32
        %dma_start3A_948 = tpu.memref_slice %arg7[%mul3A_947] : memref<2464xi32, #tpu.memory_space<vmem>> -> memref<32xi32, #tpu.memory_space<vmem>>
        %dma_start3A_949 = arith.constant 0 : i32
        %dma_start3A_950 = arith.constant 512 : i32
        %dma_start3A_951 = tpu.memref_slice %arg3[%dma_start3A_949, %dma_start3A_950] : memref<49408x768xf32, #tpu.memory_space<hbm>> -> memref<49408x128xf32, #tpu.memory_space<hbm>>
        tpu.enqueue_indirect_dma source(%dma_start3A_951 : memref<49408x128xf32, #tpu.memory_space<hbm>>) target(%arg18 : memref<32x128xf32, #tpu.memory_space<vmem>>) offsets(%dma_start3A_948 : memref<32xi32, #tpu.memory_space<vmem>>) semaphore(%arg30 : memref<!tpu.dma_semaphore, #tpu.memory_space<semaphore_mem>>)
      } else {
      }
      %add3A_727 = arith.addi %mul3A_2, %mul3A_710 : i32
      %jit3A_728 = arith.constant 32 : i32
      %div3A_729 = arith.divsi %add3A_727, %jit3A_728 : i32
      %sign3A_730 = arith.constant 0 : i32
      %sign3A_731 = arith.cmpi sgt, %add3A_727, %sign3A_730 : i32
      %sign3A_732 = arith.extui %sign3A_731 : i1 to i32
      %sign3A_733 = arith.constant 0 : i32
      %sign3A_734 = arith.cmpi slt, %add3A_727, %sign3A_733 : i32
      %sign3A_735 = arith.extui %sign3A_734 : i1 to i32
      %sign3A_736 = arith.subi %sign3A_732, %sign3A_735 : i32
      %sign3A_737 = arith.constant 0 : i32
      %sign3A_738 = arith.cmpi sgt, %jit3A_728, %sign3A_737 : i32
      %sign3A_739 = arith.extui %sign3A_738 : i1 to i32
      %sign3A_740 = arith.constant 0 : i32
      %sign3A_741 = arith.cmpi slt, %jit3A_728, %sign3A_740 : i32
      %sign3A_742 = arith.extui %sign3A_741 : i1 to i32
      %sign3A_743 = arith.subi %sign3A_739, %sign3A_742 : i32
      %ne3A_744 = arith.cmpi ne, %sign3A_736, %sign3A_743 : i32
      %rem3A_745 = arith.remsi %add3A_727, %jit3A_728 : i32
      %ne3A_746 = arith.constant 0 : i32
      %ne3A_747 = arith.cmpi ne, %rem3A_745, %ne3A_746 : i32
      %and3A_748 = arith.andi %ne3A_744, %ne3A_747 : i1
      %sub3A_749 = arith.constant 1 : i32
      %sub3A_750 = arith.subi %div3A_729, %sub3A_749 : i32
      %select_n3A_751 = arith.select %and3A_748, %sub3A_750, %div3A_729 : i32
      %get3A_752 = arith.index_cast %select_n3A_751 : i32 to index
      %get3A_753 = arith.constant 512 : index
      %get3A_754 = tpu.vector_load %arg6[%get3A_752, %get3A_753] {strides = array<i32>} : memref<77x768xf32, #tpu.memory_space<vmem>>, vector<1x16xf32>,
      %get3A_755 = vector.shape_cast %get3A_754 : vector<1x16xf32> to vector<16xf32>
      %get3A_756 = arith.index_cast %select_n3A_751 : i32 to index
      %get3A_757 = arith.constant 528 : index
      %get3A_758 = tpu.vector_load %arg6[%get3A_756, %get3A_757] {strides = array<i32>} : memref<77x768xf32, #tpu.memory_space<vmem>>, vector<1x16xf32>,
      %get3A_759 = vector.shape_cast %get3A_758 : vector<1x16xf32> to vector<16xf32>
      %get3A_760 = arith.index_cast %select_n3A_751 : i32 to index
      %get3A_761 = arith.constant 544 : index
      %get3A_762 = tpu.vector_load %arg6[%get3A_760, %get3A_761] {strides = array<i32>} : memref<77x768xf32, #tpu.memory_space<vmem>>, vector<1x16xf32>,
      %get3A_763 = vector.shape_cast %get3A_762 : vector<1x16xf32> to vector<16xf32>
      %get3A_764 = arith.index_cast %select_n3A_751 : i32 to index
      %get3A_765 = arith.constant 560 : index
      %get3A_766 = tpu.vector_load %arg6[%get3A_764, %get3A_765] {strides = array<i32>} : memref<77x768xf32, #tpu.memory_space<vmem>>, vector<1x16xf32>,
      %get3A_767 = vector.shape_cast %get3A_766 : vector<1x16xf32> to vector<16xf32>
      %get3A_768 = arith.index_cast %select_n3A_751 : i32 to index
      %get3A_769 = arith.constant 576 : index
      %get3A_770 = tpu.vector_load %arg6[%get3A_768, %get3A_769] {strides = array<i32>} : memref<77x768xf32, #tpu.memory_space<vmem>>, vector<1x16xf32>,
      %get3A_771 = vector.shape_cast %get3A_770 : vector<1x16xf32> to vector<16xf32>
      %get3A_772 = arith.index_cast %select_n3A_751 : i32 to index
      %get3A_773 = arith.constant 592 : index
      %get3A_774 = tpu.vector_load %arg6[%get3A_772, %get3A_773] {strides = array<i32>} : memref<77x768xf32, #tpu.memory_space<vmem>>, vector<1x16xf32>,
      %get3A_775 = vector.shape_cast %get3A_774 : vector<1x16xf32> to vector<16xf32>
      %get3A_776 = arith.index_cast %select_n3A_751 : i32 to index
      %get3A_777 = arith.constant 608 : index
      %get3A_778 = tpu.vector_load %arg6[%get3A_776, %get3A_777] {strides = array<i32>} : memref<77x768xf32, #tpu.memory_space<vmem>>, vector<1x16xf32>,
      %get3A_779 = vector.shape_cast %get3A_778 : vector<1x16xf32> to vector<16xf32>
      %get3A_780 = arith.index_cast %select_n3A_751 : i32 to index
      %get3A_781 = arith.constant 624 : index
      %get3A_782 = tpu.vector_load %arg6[%get3A_780, %get3A_781] {strides = array<i32>} : memref<77x768xf32, #tpu.memory_space<vmem>>, vector<1x16xf32>,
      %get3A_783 = vector.shape_cast %get3A_782 : vector<1x16xf32> to vector<16xf32>
      %scan3A_784 = arith.constant 0 : i32
      %scan3A_785 = arith.constant 32 : i32
      %scan3A_786 = arith.addi %scan3A_784, %scan3A_785 : i32
      %scan3A_787 = arith.constant 1 : i32
      scf.for %scan3A_944 = %scan3A_784 to %scan3A_786 step %scan3A_787  : i32 {
        %mul3A_945 = arith.constant 1 : i32
        %mul3A_946 = arith.muli %scan3A_944, %mul3A_945 : i32
        %add3A_947 = arith.constant 0 : i32
        %add3A_948 = arith.addi %add3A_947, %mul3A_946 : i32
        %swap3A = arith.index_cast %add3A_948 : i32 to index
        %swap3A_949 = arith.constant 0 : index
        %swap3A_950 = tpu.vector_load %arg12[%swap3A, %swap3A_949] {strides = array<i32>} : memref<32x128xf32, #tpu.memory_space<vmem>>, vector<1x16xf32>,
        %swap3A_951 = vector.shape_cast %swap3A_950 : vector<1x16xf32> to vector<16xf32>
        %swap3A_952 = vector.shape_cast %get3A_755 : vector<16xf32> to vector<1x16xf32>
        tpu.vector_store %arg12[%swap3A, %swap3A_949], %swap3A_952 {add = true, strides = array<i32>} : memref<32x128xf32, #tpu.memory_space<vmem>>, vector<1x16xf32>,
        %swap3A_953 = arith.index_cast %add3A_948 : i32 to index
        %swap3A_954 = arith.constant 16 : index
        %swap3A_955 = tpu.vector_load %arg12[%swap3A_953, %swap3A_954] {strides = array<i32>} : memref<32x128xf32, #tpu.memory_space<vmem>>, vector<1x16xf32>,
        %swap3A_956 = vector.shape_cast %swap3A_955 : vector<1x16xf32> to vector<16xf32>
        %swap3A_957 = vector.shape_cast %get3A_759 : vector<16xf32> to vector<1x16xf32>
        tpu.vector_store %arg12[%swap3A_953, %swap3A_954], %swap3A_957 {add = true, strides = array<i32>} : memref<32x128xf32, #tpu.memory_space<vmem>>, vector<1x16xf32>,
        %swap3A_958 = arith.index_cast %add3A_948 : i32 to index
        %swap3A_959 = arith.constant 32 : index
        %swap3A_960 = tpu.vector_load %arg12[%swap3A_958, %swap3A_959] {strides = array<i32>} : memref<32x128xf32, #tpu.memory_space<vmem>>, vector<1x16xf32>,
        %swap3A_961 = vector.shape_cast %swap3A_960 : vector<1x16xf32> to vector<16xf32>
        %swap3A_962 = vector.shape_cast %get3A_763 : vector<16xf32> to vector<1x16xf32>
        tpu.vector_store %arg12[%swap3A_958, %swap3A_959], %swap3A_962 {add = true, strides = array<i32>} : memref<32x128xf32, #tpu.memory_space<vmem>>, vector<1x16xf32>,
        %swap3A_963 = arith.index_cast %add3A_948 : i32 to index
        %swap3A_964 = arith.constant 48 : index
        %swap3A_965 = tpu.vector_load %arg12[%swap3A_963, %swap3A_964] {strides = array<i32>} : memref<32x128xf32, #tpu.memory_space<vmem>>, vector<1x16xf32>,
        %swap3A_966 = vector.shape_cast %swap3A_965 : vector<1x16xf32> to vector<16xf32>
        %swap3A_967 = vector.shape_cast %get3A_767 : vector<16xf32> to vector<1x16xf32>
        tpu.vector_store %arg12[%swap3A_963, %swap3A_964], %swap3A_967 {add = true, strides = array<i32>} : memref<32x128xf32, #tpu.memory_space<vmem>>, vector<1x16xf32>,
        %swap3A_968 = arith.index_cast %add3A_948 : i32 to index
        %swap3A_969 = arith.constant 64 : index
        %swap3A_970 = tpu.vector_load %arg12[%swap3A_968, %swap3A_969] {strides = array<i32>} : memref<32x128xf32, #tpu.memory_space<vmem>>, vector<1x16xf32>,
        %swap3A_971 = vector.shape_cast %swap3A_970 : vector<1x16xf32> to vector<16xf32>
        %swap3A_972 = vector.shape_cast %get3A_771 : vector<16xf32> to vector<1x16xf32>
        tpu.vector_store %arg12[%swap3A_968, %swap3A_969], %swap3A_972 {add = true, strides = array<i32>} : memref<32x128xf32, #tpu.memory_space<vmem>>, vector<1x16xf32>,
        %swap3A_973 = arith.index_cast %add3A_948 : i32 to index
        %swap3A_974 = arith.constant 80 : index
        %swap3A_975 = tpu.vector_load %arg12[%swap3A_973, %swap3A_974] {strides = array<i32>} : memref<32x128xf32, #tpu.memory_space<vmem>>, vector<1x16xf32>,
        %swap3A_976 = vector.shape_cast %swap3A_975 : vector<1x16xf32> to vector<16xf32>
        %swap3A_977 = vector.shape_cast %get3A_775 : vector<16xf32> to vector<1x16xf32>
        tpu.vector_store %arg12[%swap3A_973, %swap3A_974], %swap3A_977 {add = true, strides = array<i32>} : memref<32x128xf32, #tpu.memory_space<vmem>>, vector<1x16xf32>,
        %swap3A_978 = arith.index_cast %add3A_948 : i32 to index
        %swap3A_979 = arith.constant 96 : index
        %swap3A_980 = tpu.vector_load %arg12[%swap3A_978, %swap3A_979] {strides = array<i32>} : memref<32x128xf32, #tpu.memory_space<vmem>>, vector<1x16xf32>,
        %swap3A_981 = vector.shape_cast %swap3A_980 : vector<1x16xf32> to vector<16xf32>
        %swap3A_982 = vector.shape_cast %get3A_779 : vector<16xf32> to vector<1x16xf32>
        tpu.vector_store %arg12[%swap3A_978, %swap3A_979], %swap3A_982 {add = true, strides = array<i32>} : memref<32x128xf32, #tpu.memory_space<vmem>>, vector<1x16xf32>,
        %swap3A_983 = arith.index_cast %add3A_948 : i32 to index
        %swap3A_984 = arith.constant 112 : index
        %swap3A_985 = tpu.vector_load %arg12[%swap3A_983, %swap3A_984] {strides = array<i32>} : memref<32x128xf32, #tpu.memory_space<vmem>>, vector<1x16xf32>,
        %swap3A_986 = vector.shape_cast %swap3A_985 : vector<1x16xf32> to vector<16xf32>
        %swap3A_987 = vector.shape_cast %get3A_783 : vector<16xf32> to vector<1x16xf32>
        tpu.vector_store %arg12[%swap3A_983, %swap3A_984], %swap3A_987 {add = true, strides = array<i32>} : memref<32x128xf32, #tpu.memory_space<vmem>>, vector<1x16xf32>,
      }
      %scan3A_788 = arith.constant 32 : i32
      %add3A_789 = arith.addi %mul3A_2, %mul3A_710 : i32
      %jit3A_790 = arith.constant 32 : i32
      %div3A_791 = arith.divsi %add3A_789, %jit3A_790 : i32
      %sign3A_792 = arith.constant 0 : i32
      %sign3A_793 = arith.cmpi sgt, %add3A_789, %sign3A_792 : i32
      %sign3A_794 = arith.extui %sign3A_793 : i1 to i32
      %sign3A_795 = arith.constant 0 : i32
      %sign3A_796 = arith.cmpi slt, %add3A_789, %sign3A_795 : i32
      %sign3A_797 = arith.extui %sign3A_796 : i1 to i32
      %sign3A_798 = arith.subi %sign3A_794, %sign3A_797 : i32
      %sign3A_799 = arith.constant 0 : i32
      %sign3A_800 = arith.cmpi sgt, %jit3A_790, %sign3A_799 : i32
      %sign3A_801 = arith.extui %sign3A_800 : i1 to i32
      %sign3A_802 = arith.constant 0 : i32
      %sign3A_803 = arith.cmpi slt, %jit3A_790, %sign3A_802 : i32
      %sign3A_804 = arith.extui %sign3A_803 : i1 to i32
      %sign3A_805 = arith.subi %sign3A_801, %sign3A_804 : i32
      %ne3A_806 = arith.cmpi ne, %sign3A_798, %sign3A_805 : i32
      %rem3A_807 = arith.remsi %add3A_789, %jit3A_790 : i32
      %ne3A_808 = arith.constant 0 : i32
      %ne3A_809 = arith.cmpi ne, %rem3A_807, %ne3A_808 : i32
      %and3A_810 = arith.andi %ne3A_806, %ne3A_809 : i1
      %sub3A_811 = arith.constant 1 : i32
      %sub3A_812 = arith.subi %div3A_791, %sub3A_811 : i32
      %select_n3A_813 = arith.select %and3A_810, %sub3A_812, %div3A_791 : i32
      %rem3A_814 = arith.constant 32 : i32
      %rem3A_815 = arith.remsi %add3A_789, %rem3A_814 : i32
      %mul3A_816 = arith.constant 32 : i32
      %mul3A_817 = arith.muli %rem3A_815, %mul3A_816 : i32
      %dma_start3A_818 = arith.constant 512 : i32
      %dma_start3A_819 = tpu.memref_slice %arg5[%select_n3A_813, %mul3A_817, %dma_start3A_818] : memref<77x1024x768xf32, #tpu.memory_space<hbm>> -> memref<1x32x128xf32, #tpu.memory_space<hbm>>
      %dma_start3A_820 = tpu.memref_squeeze %dma_start3A_819 : memref<1x32x128xf32, #tpu.memory_space<hbm>> -> memref<32x128xf32, #tpu.memory_space<hbm>>
      %dma_start3A_821 = arith.constant 512 : i32
      %dma_start3A_822 = tpu.memref_slice %arg5[%select_n3A_813, %mul3A_817, %dma_start3A_821] : memref<77x1024x768xf32, #tpu.memory_space<hbm>> -> memref<1x32x128xf32, #tpu.memory_space<hbm>>
      %dma_start3A_823 = tpu.memref_squeeze %dma_start3A_822 : memref<1x32x128xf32, #tpu.memory_space<hbm>> -> memref<32x128xf32, #tpu.memory_space<hbm>>
      tpu.enqueue_dma source(%arg12 : memref<32x128xf32, #tpu.memory_space<vmem>>) target(%dma_start3A_823 : memref<32x128xf32, #tpu.memory_space<hbm>>) target_semaphore(%arg36 : memref<!tpu.dma_semaphore, #tpu.memory_space<semaphore_mem>>)
      %mul3A_824 = arith.constant 2 : i32
      %mul3A_825 = arith.muli %mul3A_824, %add3A_253 : i32
      %mul3A_826 = arith.constant 32 : i32
      %mul3A_827 = arith.muli %mul3A_825, %mul3A_826 : i32
      %dma_wait3A_828 = tpu.memref_slice %arg7[%mul3A_827] : memref<2464xi32, #tpu.memory_space<vmem>> -> memref<32xi32, #tpu.memory_space<vmem>>
      %dma_wait3A_829 = arith.constant 0 : i32
      %dma_wait3A_830 = arith.constant 640 : i32
      %dma_wait3A_831 = tpu.memref_slice %arg3[%dma_wait3A_829, %dma_wait3A_830] : memref<49408x768xf32, #tpu.memory_space<hbm>> -> memref<49408x128xf32, #tpu.memory_space<hbm>>
      tpu.wait_indirect_dma semaphore(%arg25 : memref<!tpu.dma_semaphore, #tpu.memory_space<semaphore_mem>>) src(%dma_wait3A_831 : memref<49408x128xf32, #tpu.memory_space<hbm>>) dst(%arg13 : memref<32x128xf32, #tpu.memory_space<vmem>>)
      %ge3A_832 = arith.constant 1 : i32
      %ge3A_833 = arith.cmpi sge, %add3A_253, %ge3A_832 : i32
      %convert_element_type3A_834 = arith.extui %ge3A_833 : i1 to i32
      %cond3A_835 = arith.constant 0 : i32
      %cond3A_836 = arith.cmpi ne, %convert_element_type3A_834, %cond3A_835 : i32
      scf.if %cond3A_836 {
        %sub3A_944 = arith.constant 1 : i32
        %sub3A_945 = arith.subi %mul3A_825, %sub3A_944 : i32
        %add3A_946 = arith.addi %mul3A_2, %sub3A_945 : i32
        %jit3A_947 = arith.constant 32 : i32
        %div3A_948 = arith.divsi %add3A_946, %jit3A_947 : i32
        %sign3A_949 = arith.constant 0 : i32
        %sign3A_950 = arith.cmpi sgt, %add3A_946, %sign3A_949 : i32
        %sign3A_951 = arith.extui %sign3A_950 : i1 to i32
        %sign3A_952 = arith.constant 0 : i32
        %sign3A_953 = arith.cmpi slt, %add3A_946, %sign3A_952 : i32
        %sign3A_954 = arith.extui %sign3A_953 : i1 to i32
        %sign3A_955 = arith.subi %sign3A_951, %sign3A_954 : i32
        %sign3A_956 = arith.constant 0 : i32
        %sign3A_957 = arith.cmpi sgt, %jit3A_947, %sign3A_956 : i32
        %sign3A_958 = arith.extui %sign3A_957 : i1 to i32
        %sign3A_959 = arith.constant 0 : i32
        %sign3A_960 = arith.cmpi slt, %jit3A_947, %sign3A_959 : i32
        %sign3A_961 = arith.extui %sign3A_960 : i1 to i32
        %sign3A_962 = arith.subi %sign3A_958, %sign3A_961 : i32
        %ne3A_963 = arith.cmpi ne, %sign3A_955, %sign3A_962 : i32
        %rem3A_964 = arith.remsi %add3A_946, %jit3A_947 : i32
        %ne3A_965 = arith.constant 0 : i32
        %ne3A_966 = arith.cmpi ne, %rem3A_964, %ne3A_965 : i32
        %and3A_967 = arith.andi %ne3A_963, %ne3A_966 : i1
        %sub3A_968 = arith.constant 1 : i32
        %sub3A_969 = arith.subi %div3A_948, %sub3A_968 : i32
        %select_n3A_970 = arith.select %and3A_967, %sub3A_969, %div3A_948 : i32
        %rem3A_971 = arith.constant 32 : i32
        %rem3A_972 = arith.remsi %add3A_946, %rem3A_971 : i32
        %mul3A_973 = arith.constant 32 : i32
        %mul3A_974 = arith.muli %rem3A_972, %mul3A_973 : i32
        %dma_wait3A_975 = arith.constant 640 : i32
        %dma_wait3A_976 = tpu.memref_slice %arg5[%select_n3A_970, %mul3A_974, %dma_wait3A_975] : memref<77x1024x768xf32, #tpu.memory_space<hbm>> -> memref<1x32x128xf32, #tpu.memory_space<hbm>>
        %dma_wait3A_977 = tpu.memref_squeeze %dma_wait3A_976 : memref<1x32x128xf32, #tpu.memory_space<hbm>> -> memref<32x128xf32, #tpu.memory_space<hbm>>
        %dma_wait3A_978 = arith.constant 640 : i32
        %dma_wait3A_979 = tpu.memref_slice %arg5[%select_n3A_970, %mul3A_974, %dma_wait3A_978] : memref<77x1024x768xf32, #tpu.memory_space<hbm>> -> memref<1x32x128xf32, #tpu.memory_space<hbm>>
        %dma_wait3A_980 = tpu.memref_squeeze %dma_wait3A_979 : memref<1x32x128xf32, #tpu.memory_space<hbm>> -> memref<32x128xf32, #tpu.memory_space<hbm>>
        tpu.wait_dma2 semaphore(%arg43 : memref<!tpu.dma_semaphore, #tpu.memory_space<semaphore_mem>>) src(%arg19 : memref<32x128xf32, #tpu.memory_space<vmem>>) dst(%dma_wait3A_980 : memref<32x128xf32, #tpu.memory_space<hbm>>)
      } else {
      }
      %le3A_837 = arith.constant 37 : i32
      %le3A_838 = arith.cmpi sle, %add3A_253, %le3A_837 : i32
      %convert_element_type3A_839 = arith.extui %le3A_838 : i1 to i32
      %cond3A_840 = arith.constant 0 : i32
      %cond3A_841 = arith.cmpi ne, %convert_element_type3A_839, %cond3A_840 : i32
      scf.if %cond3A_841 {
        %add3A_944 = arith.constant 1 : i32
        %add3A_945 = arith.addi %mul3A_825, %add3A_944 : i32
        %mul3A_946 = arith.constant 32 : i32
        %mul3A_947 = arith.muli %add3A_945, %mul3A_946 : i32
        %dma_start3A_948 = tpu.memref_slice %arg7[%mul3A_947] : memref<2464xi32, #tpu.memory_space<vmem>> -> memref<32xi32, #tpu.memory_space<vmem>>
        %dma_start3A_949 = arith.constant 0 : i32
        %dma_start3A_950 = arith.constant 640 : i32
        %dma_start3A_951 = tpu.memref_slice %arg3[%dma_start3A_949, %dma_start3A_950] : memref<49408x768xf32, #tpu.memory_space<hbm>> -> memref<49408x128xf32, #tpu.memory_space<hbm>>
        tpu.enqueue_indirect_dma source(%dma_start3A_951 : memref<49408x128xf32, #tpu.memory_space<hbm>>) target(%arg19 : memref<32x128xf32, #tpu.memory_space<vmem>>) offsets(%dma_start3A_948 : memref<32xi32, #tpu.memory_space<vmem>>) semaphore(%arg31 : memref<!tpu.dma_semaphore, #tpu.memory_space<semaphore_mem>>)
      } else {
      }
      %add3A_842 = arith.addi %mul3A_2, %mul3A_825 : i32
      %jit3A_843 = arith.constant 32 : i32
      %div3A_844 = arith.divsi %add3A_842, %jit3A_843 : i32
      %sign3A_845 = arith.constant 0 : i32
      %sign3A_846 = arith.cmpi sgt, %add3A_842, %sign3A_845 : i32
      %sign3A_847 = arith.extui %sign3A_846 : i1 to i32
      %sign3A_848 = arith.constant 0 : i32
      %sign3A_849 = arith.cmpi slt, %add3A_842, %sign3A_848 : i32
      %sign3A_850 = arith.extui %sign3A_849 : i1 to i32
      %sign3A_851 = arith.subi %sign3A_847, %sign3A_850 : i32
      %sign3A_852 = arith.constant 0 : i32
      %sign3A_853 = arith.cmpi sgt, %jit3A_843, %sign3A_852 : i32
      %sign3A_854 = arith.extui %sign3A_853 : i1 to i32
      %sign3A_855 = arith.constant 0 : i32
      %sign3A_856 = arith.cmpi slt, %jit3A_843, %sign3A_855 : i32
      %sign3A_857 = arith.extui %sign3A_856 : i1 to i32
      %sign3A_858 = arith.subi %sign3A_854, %sign3A_857 : i32
      %ne3A_859 = arith.cmpi ne, %sign3A_851, %sign3A_858 : i32
      %rem3A_860 = arith.remsi %add3A_842, %jit3A_843 : i32
      %ne3A_861 = arith.constant 0 : i32
      %ne3A_862 = arith.cmpi ne, %rem3A_860, %ne3A_861 : i32
      %and3A_863 = arith.andi %ne3A_859, %ne3A_862 : i1
      %sub3A_864 = arith.constant 1 : i32
      %sub3A_865 = arith.subi %div3A_844, %sub3A_864 : i32
      %select_n3A_866 = arith.select %and3A_863, %sub3A_865, %div3A_844 : i32
      %get3A_867 = arith.index_cast %select_n3A_866 : i32 to index
      %get3A_868 = arith.constant 640 : index
      %get3A_869 = tpu.vector_load %arg6[%get3A_867, %get3A_868] {strides = array<i32>} : memref<77x768xf32, #tpu.memory_space<vmem>>, vector<1x16xf32>,
      %get3A_870 = vector.shape_cast %get3A_869 : vector<1x16xf32> to vector<16xf32>
      %get3A_871 = arith.index_cast %select_n3A_866 : i32 to index
      %get3A_872 = arith.constant 656 : index
      %get3A_873 = tpu.vector_load %arg6[%get3A_871, %get3A_872] {strides = array<i32>} : memref<77x768xf32, #tpu.memory_space<vmem>>, vector<1x16xf32>,
      %get3A_874 = vector.shape_cast %get3A_873 : vector<1x16xf32> to vector<16xf32>
      %get3A_875 = arith.index_cast %select_n3A_866 : i32 to index
      %get3A_876 = arith.constant 672 : index
      %get3A_877 = tpu.vector_load %arg6[%get3A_875, %get3A_876] {strides = array<i32>} : memref<77x768xf32, #tpu.memory_space<vmem>>, vector<1x16xf32>,
      %get3A_878 = vector.shape_cast %get3A_877 : vector<1x16xf32> to vector<16xf32>
      %get3A_879 = arith.index_cast %select_n3A_866 : i32 to index
      %get3A_880 = arith.constant 688 : index
      %get3A_881 = tpu.vector_load %arg6[%get3A_879, %get3A_880] {strides = array<i32>} : memref<77x768xf32, #tpu.memory_space<vmem>>, vector<1x16xf32>,
      %get3A_882 = vector.shape_cast %get3A_881 : vector<1x16xf32> to vector<16xf32>
      %get3A_883 = arith.index_cast %select_n3A_866 : i32 to index
      %get3A_884 = arith.constant 704 : index
      %get3A_885 = tpu.vector_load %arg6[%get3A_883, %get3A_884] {strides = array<i32>} : memref<77x768xf32, #tpu.memory_space<vmem>>, vector<1x16xf32>,
      %get3A_886 = vector.shape_cast %get3A_885 : vector<1x16xf32> to vector<16xf32>
      %get3A_887 = arith.index_cast %select_n3A_866 : i32 to index
      %get3A_888 = arith.constant 720 : index
      %get3A_889 = tpu.vector_load %arg6[%get3A_887, %get3A_888] {strides = array<i32>} : memref<77x768xf32, #tpu.memory_space<vmem>>, vector<1x16xf32>,
      %get3A_890 = vector.shape_cast %get3A_889 : vector<1x16xf32> to vector<16xf32>
      %get3A_891 = arith.index_cast %select_n3A_866 : i32 to index
      %get3A_892 = arith.constant 736 : index
      %get3A_893 = tpu.vector_load %arg6[%get3A_891, %get3A_892] {strides = array<i32>} : memref<77x768xf32, #tpu.memory_space<vmem>>, vector<1x16xf32>,
      %get3A_894 = vector.shape_cast %get3A_893 : vector<1x16xf32> to vector<16xf32>
      %get3A_895 = arith.index_cast %select_n3A_866 : i32 to index
      %get3A_896 = arith.constant 752 : index
      %get3A_897 = tpu.vector_load %arg6[%get3A_895, %get3A_896] {strides = array<i32>} : memref<77x768xf32, #tpu.memory_space<vmem>>, vector<1x16xf32>,
      %get3A_898 = vector.shape_cast %get3A_897 : vector<1x16xf32> to vector<16xf32>
      %scan3A_899 = arith.constant 0 : i32
      %scan3A_900 = arith.constant 32 : i32
      %scan3A_901 = arith.addi %scan3A_899, %scan3A_900 : i32
      %scan3A_902 = arith.constant 1 : i32
      scf.for %scan3A_944 = %scan3A_899 to %scan3A_901 step %scan3A_902  : i32 {
        %mul3A_945 = arith.constant 1 : i32
        %mul3A_946 = arith.muli %scan3A_944, %mul3A_945 : i32
        %add3A_947 = arith.constant 0 : i32
        %add3A_948 = arith.addi %add3A_947, %mul3A_946 : i32
        %swap3A = arith.index_cast %add3A_948 : i32 to index
        %swap3A_949 = arith.constant 0 : index
        %swap3A_950 = tpu.vector_load %arg13[%swap3A, %swap3A_949] {strides = array<i32>} : memref<32x128xf32, #tpu.memory_space<vmem>>, vector<1x16xf32>,
        %swap3A_951 = vector.shape_cast %swap3A_950 : vector<1x16xf32> to vector<16xf32>
        %swap3A_952 = vector.shape_cast %get3A_870 : vector<16xf32> to vector<1x16xf32>
        tpu.vector_store %arg13[%swap3A, %swap3A_949], %swap3A_952 {add = true, strides = array<i32>} : memref<32x128xf32, #tpu.memory_space<vmem>>, vector<1x16xf32>,
        %swap3A_953 = arith.index_cast %add3A_948 : i32 to index
        %swap3A_954 = arith.constant 16 : index
        %swap3A_955 = tpu.vector_load %arg13[%swap3A_953, %swap3A_954] {strides = array<i32>} : memref<32x128xf32, #tpu.memory_space<vmem>>, vector<1x16xf32>,
        %swap3A_956 = vector.shape_cast %swap3A_955 : vector<1x16xf32> to vector<16xf32>
        %swap3A_957 = vector.shape_cast %get3A_874 : vector<16xf32> to vector<1x16xf32>
        tpu.vector_store %arg13[%swap3A_953, %swap3A_954], %swap3A_957 {add = true, strides = array<i32>} : memref<32x128xf32, #tpu.memory_space<vmem>>, vector<1x16xf32>,
        %swap3A_958 = arith.index_cast %add3A_948 : i32 to index
        %swap3A_959 = arith.constant 32 : index
        %swap3A_960 = tpu.vector_load %arg13[%swap3A_958, %swap3A_959] {strides = array<i32>} : memref<32x128xf32, #tpu.memory_space<vmem>>, vector<1x16xf32>,
        %swap3A_961 = vector.shape_cast %swap3A_960 : vector<1x16xf32> to vector<16xf32>
        %swap3A_962 = vector.shape_cast %get3A_878 : vector<16xf32> to vector<1x16xf32>
        tpu.vector_store %arg13[%swap3A_958, %swap3A_959], %swap3A_962 {add = true, strides = array<i32>} : memref<32x128xf32, #tpu.memory_space<vmem>>, vector<1x16xf32>,
        %swap3A_963 = arith.index_cast %add3A_948 : i32 to index
        %swap3A_964 = arith.constant 48 : index
        %swap3A_965 = tpu.vector_load %arg13[%swap3A_963, %swap3A_964] {strides = array<i32>} : memref<32x128xf32, #tpu.memory_space<vmem>>, vector<1x16xf32>,
        %swap3A_966 = vector.shape_cast %swap3A_965 : vector<1x16xf32> to vector<16xf32>
        %swap3A_967 = vector.shape_cast %get3A_882 : vector<16xf32> to vector<1x16xf32>
        tpu.vector_store %arg13[%swap3A_963, %swap3A_964], %swap3A_967 {add = true, strides = array<i32>} : memref<32x128xf32, #tpu.memory_space<vmem>>, vector<1x16xf32>,
        %swap3A_968 = arith.index_cast %add3A_948 : i32 to index
        %swap3A_969 = arith.constant 64 : index
        %swap3A_970 = tpu.vector_load %arg13[%swap3A_968, %swap3A_969] {strides = array<i32>} : memref<32x128xf32, #tpu.memory_space<vmem>>, vector<1x16xf32>,
        %swap3A_971 = vector.shape_cast %swap3A_970 : vector<1x16xf32> to vector<16xf32>
        %swap3A_972 = vector.shape_cast %get3A_886 : vector<16xf32> to vector<1x16xf32>
        tpu.vector_store %arg13[%swap3A_968, %swap3A_969], %swap3A_972 {add = true, strides = array<i32>} : memref<32x128xf32, #tpu.memory_space<vmem>>, vector<1x16xf32>,
        %swap3A_973 = arith.index_cast %add3A_948 : i32 to index
        %swap3A_974 = arith.constant 80 : index
        %swap3A_975 = tpu.vector_load %arg13[%swap3A_973, %swap3A_974] {strides = array<i32>} : memref<32x128xf32, #tpu.memory_space<vmem>>, vector<1x16xf32>,
        %swap3A_976 = vector.shape_cast %swap3A_975 : vector<1x16xf32> to vector<16xf32>
        %swap3A_977 = vector.shape_cast %get3A_890 : vector<16xf32> to vector<1x16xf32>
        tpu.vector_store %arg13[%swap3A_973, %swap3A_974], %swap3A_977 {add = true, strides = array<i32>} : memref<32x128xf32, #tpu.memory_space<vmem>>, vector<1x16xf32>,
        %swap3A_978 = arith.index_cast %add3A_948 : i32 to index
        %swap3A_979 = arith.constant 96 : index
        %swap3A_980 = tpu.vector_load %arg13[%swap3A_978, %swap3A_979] {strides = array<i32>} : memref<32x128xf32, #tpu.memory_space<vmem>>, vector<1x16xf32>,
        %swap3A_981 = vector.shape_cast %swap3A_980 : vector<1x16xf32> to vector<16xf32>
        %swap3A_982 = vector.shape_cast %get3A_894 : vector<16xf32> to vector<1x16xf32>
        tpu.vector_store %arg13[%swap3A_978, %swap3A_979], %swap3A_982 {add = true, strides = array<i32>} : memref<32x128xf32, #tpu.memory_space<vmem>>, vector<1x16xf32>,
        %swap3A_983 = arith.index_cast %add3A_948 : i32 to index
        %swap3A_984 = arith.constant 112 : index
        %swap3A_985 = tpu.vector_load %arg13[%swap3A_983, %swap3A_984] {strides = array<i32>} : memref<32x128xf32, #tpu.memory_space<vmem>>, vector<1x16xf32>,
        %swap3A_986 = vector.shape_cast %swap3A_985 : vector<1x16xf32> to vector<16xf32>
        %swap3A_987 = vector.shape_cast %get3A_898 : vector<16xf32> to vector<1x16xf32>
        tpu.vector_store %arg13[%swap3A_983, %swap3A_984], %swap3A_987 {add = true, strides = array<i32>} : memref<32x128xf32, #tpu.memory_space<vmem>>, vector<1x16xf32>,
      }
      %scan3A_903 = arith.constant 32 : i32
      %add3A_904 = arith.addi %mul3A_2, %mul3A_825 : i32
      %jit3A_905 = arith.constant 32 : i32
      %div3A_906 = arith.divsi %add3A_904, %jit3A_905 : i32
      %sign3A_907 = arith.constant 0 : i32
      %sign3A_908 = arith.cmpi sgt, %add3A_904, %sign3A_907 : i32
      %sign3A_909 = arith.extui %sign3A_908 : i1 to i32
      %sign3A_910 = arith.constant 0 : i32
      %sign3A_911 = arith.cmpi slt, %add3A_904, %sign3A_910 : i32
      %sign3A_912 = arith.extui %sign3A_911 : i1 to i32
      %sign3A_913 = arith.subi %sign3A_909, %sign3A_912 : i32
      %sign3A_914 = arith.constant 0 : i32
      %sign3A_915 = arith.cmpi sgt, %jit3A_905, %sign3A_914 : i32
      %sign3A_916 = arith.extui %sign3A_915 : i1 to i32
      %sign3A_917 = arith.constant 0 : i32
      %sign3A_918 = arith.cmpi slt, %jit3A_905, %sign3A_917 : i32
      %sign3A_919 = arith.extui %sign3A_918 : i1 to i32
      %sign3A_920 = arith.subi %sign3A_916, %sign3A_919 : i32
      %ne3A_921 = arith.cmpi ne, %sign3A_913, %sign3A_920 : i32
      %rem3A_922 = arith.remsi %add3A_904, %jit3A_905 : i32
      %ne3A_923 = arith.constant 0 : i32
      %ne3A_924 = arith.cmpi ne, %rem3A_922, %ne3A_923 : i32
      %and3A_925 = arith.andi %ne3A_921, %ne3A_924 : i1
      %sub3A_926 = arith.constant 1 : i32
      %sub3A_927 = arith.subi %div3A_906, %sub3A_926 : i32
      %select_n3A_928 = arith.select %and3A_925, %sub3A_927, %div3A_906 : i32
      %rem3A_929 = arith.constant 32 : i32
      %rem3A_930 = arith.remsi %add3A_904, %rem3A_929 : i32
      %mul3A_931 = arith.constant 32 : i32
      %mul3A_932 = arith.muli %rem3A_930, %mul3A_931 : i32
      %dma_start3A_933 = arith.constant 640 : i32
      %dma_start3A_934 = tpu.memref_slice %arg5[%select_n3A_928, %mul3A_932, %dma_start3A_933] : memref<77x1024x768xf32, #tpu.memory_space<hbm>> -> memref<1x32x128xf32, #tpu.memory_space<hbm>>
      %dma_start3A_935 = tpu.memref_squeeze %dma_start3A_934 : memref<1x32x128xf32, #tpu.memory_space<hbm>> -> memref<32x128xf32, #tpu.memory_space<hbm>>
      %dma_start3A_936 = arith.constant 640 : i32
      %dma_start3A_937 = tpu.memref_slice %arg5[%select_n3A_928, %mul3A_932, %dma_start3A_936] : memref<77x1024x768xf32, #tpu.memory_space<hbm>> -> memref<1x32x128xf32, #tpu.memory_space<hbm>>
      %dma_start3A_938 = tpu.memref_squeeze %dma_start3A_937 : memref<1x32x128xf32, #tpu.memory_space<hbm>> -> memref<32x128xf32, #tpu.memory_space<hbm>>
      tpu.enqueue_dma source(%arg13 : memref<32x128xf32, #tpu.memory_space<vmem>>) target(%dma_start3A_938 : memref<32x128xf32, #tpu.memory_space<hbm>>) target_semaphore(%arg37 : memref<!tpu.dma_semaphore, #tpu.memory_space<semaphore_mem>>)
      %le3A_939 = arith.constant 37 : i32
      %le3A_940 = arith.cmpi sle, %add3A_253, %le3A_939 : i32
      %convert_element_type3A_941 = arith.extui %le3A_940 : i1 to i32
      %cond3A_942 = arith.constant 0 : i32
      %cond3A_943 = arith.cmpi ne, %convert_element_type3A_941, %cond3A_942 : i32
      scf.if %cond3A_943 {
        %mul3A_944 = arith.constant 2 : i32
        %mul3A_945 = arith.muli %mul3A_944, %add3A_253 : i32
        %add3A_946 = arith.constant 1 : i32
        %add3A_947 = arith.addi %mul3A_945, %add3A_946 : i32
        %mul3A_948 = arith.constant 32 : i32
        %mul3A_949 = arith.muli %add3A_947, %mul3A_948 : i32
        %dma_wait3A_950 = tpu.memref_slice %arg7[%mul3A_949] : memref<2464xi32, #tpu.memory_space<vmem>> -> memref<32xi32, #tpu.memory_space<vmem>>
        %dma_wait3A_951 = arith.constant 0 : i32
        %dma_wait3A_952 = arith.constant 0 : i32
        %dma_wait3A_953 = tpu.memref_slice %arg3[%dma_wait3A_951, %dma_wait3A_952] : memref<49408x768xf32, #tpu.memory_space<hbm>> -> memref<49408x128xf32, #tpu.memory_space<hbm>>
        tpu.wait_indirect_dma semaphore(%arg26 : memref<!tpu.dma_semaphore, #tpu.memory_space<semaphore_mem>>) src(%dma_wait3A_953 : memref<49408x128xf32, #tpu.memory_space<hbm>>) dst(%arg14 : memref<32x128xf32, #tpu.memory_space<vmem>>)
        %sub3A_954 = arith.constant 1 : i32
        %sub3A_955 = arith.subi %add3A_947, %sub3A_954 : i32
        %add3A_956 = arith.addi %mul3A_2, %sub3A_955 : i32
        %jit3A_957 = arith.constant 32 : i32
        %div3A_958 = arith.divsi %add3A_956, %jit3A_957 : i32
        %sign3A_959 = arith.constant 0 : i32
        %sign3A_960 = arith.cmpi sgt, %add3A_956, %sign3A_959 : i32
        %sign3A_961 = arith.extui %sign3A_960 : i1 to i32
        %sign3A_962 = arith.constant 0 : i32
        %sign3A_963 = arith.cmpi slt, %add3A_956, %sign3A_962 : i32
        %sign3A_964 = arith.extui %sign3A_963 : i1 to i32
        %sign3A_965 = arith.subi %sign3A_961, %sign3A_964 : i32
        %sign3A_966 = arith.constant 0 : i32
        %sign3A_967 = arith.cmpi sgt, %jit3A_957, %sign3A_966 : i32
        %sign3A_968 = arith.extui %sign3A_967 : i1 to i32
        %sign3A_969 = arith.constant 0 : i32
        %sign3A_970 = arith.cmpi slt, %jit3A_957, %sign3A_969 : i32
        %sign3A_971 = arith.extui %sign3A_970 : i1 to i32
        %sign3A_972 = arith.subi %sign3A_968, %sign3A_971 : i32
        %ne3A_973 = arith.cmpi ne, %sign3A_965, %sign3A_972 : i32
        %rem3A_974 = arith.remsi %add3A_956, %jit3A_957 : i32
        %ne3A_975 = arith.constant 0 : i32
        %ne3A_976 = arith.cmpi ne, %rem3A_974, %ne3A_975 : i32
        %and3A_977 = arith.andi %ne3A_973, %ne3A_976 : i1
        %sub3A_978 = arith.constant 1 : i32
        %sub3A_979 = arith.subi %div3A_958, %sub3A_978 : i32
        %select_n3A_980 = arith.select %and3A_977, %sub3A_979, %div3A_958 : i32
        %rem3A_981 = arith.constant 32 : i32
        %rem3A_982 = arith.remsi %add3A_956, %rem3A_981 : i32
        %mul3A_983 = arith.constant 32 : i32
        %mul3A_984 = arith.muli %rem3A_982, %mul3A_983 : i32
        %dma_wait3A_985 = arith.constant 0 : i32
        %dma_wait3A_986 = tpu.memref_slice %arg5[%select_n3A_980, %mul3A_984, %dma_wait3A_985] : memref<77x1024x768xf32, #tpu.memory_space<hbm>> -> memref<1x32x128xf32, #tpu.memory_space<hbm>>
        %dma_wait3A_987 = tpu.memref_squeeze %dma_wait3A_986 : memref<1x32x128xf32, #tpu.memory_space<hbm>> -> memref<32x128xf32, #tpu.memory_space<hbm>>
        %dma_wait3A_988 = arith.constant 0 : i32
        %dma_wait3A_989 = tpu.memref_slice %arg5[%select_n3A_980, %mul3A_984, %dma_wait3A_988] : memref<77x1024x768xf32, #tpu.memory_space<hbm>> -> memref<1x32x128xf32, #tpu.memory_space<hbm>>
        %dma_wait3A_990 = tpu.memref_squeeze %dma_wait3A_989 : memref<1x32x128xf32, #tpu.memory_space<hbm>> -> memref<32x128xf32, #tpu.memory_space<hbm>>
        tpu.wait_dma2 semaphore(%arg32 : memref<!tpu.dma_semaphore, #tpu.memory_space<semaphore_mem>>) src(%arg8 : memref<32x128xf32, #tpu.memory_space<vmem>>) dst(%dma_wait3A_990 : memref<32x128xf32, #tpu.memory_space<hbm>>)
        %le3A_991 = arith.constant 37 : i32
        %le3A_992 = arith.cmpi sle, %add3A_253, %le3A_991 : i32
        %convert_element_type3A_993 = arith.extui %le3A_992 : i1 to i32
        %cond3A_994 = arith.constant 0 : i32
        %cond3A_995 = arith.cmpi ne, %convert_element_type3A_993, %cond3A_994 : i32
        scf.if %cond3A_995 {
          %add3A_1838 = arith.constant 1 : i32
          %add3A_1839 = arith.addi %add3A_947, %add3A_1838 : i32
          %mul3A_1840 = arith.constant 32 : i32
          %mul3A_1841 = arith.muli %add3A_1839, %mul3A_1840 : i32
          %dma_start3A_1842 = tpu.memref_slice %arg7[%mul3A_1841] : memref<2464xi32, #tpu.memory_space<vmem>> -> memref<32xi32, #tpu.memory_space<vmem>>
          %dma_start3A_1843 = arith.constant 0 : i32
          %dma_start3A_1844 = arith.constant 0 : i32
          %dma_start3A_1845 = tpu.memref_slice %arg3[%dma_start3A_1843, %dma_start3A_1844] : memref<49408x768xf32, #tpu.memory_space<hbm>> -> memref<49408x128xf32, #tpu.memory_space<hbm>>
          tpu.enqueue_indirect_dma source(%dma_start3A_1845 : memref<49408x128xf32, #tpu.memory_space<hbm>>) target(%arg8 : memref<32x128xf32, #tpu.memory_space<vmem>>) offsets(%dma_start3A_1842 : memref<32xi32, #tpu.memory_space<vmem>>) semaphore(%arg20 : memref<!tpu.dma_semaphore, #tpu.memory_space<semaphore_mem>>)
        } else {
        }
        %add3A_996 = arith.addi %mul3A_2, %add3A_947 : i32
        %jit3A_997 = arith.constant 32 : i32
        %div3A_998 = arith.divsi %add3A_996, %jit3A_997 : i32
        %sign3A_999 = arith.constant 0 : i32
        %sign3A_1000 = arith.cmpi sgt, %add3A_996, %sign3A_999 : i32
        %sign3A_1001 = arith.extui %sign3A_1000 : i1 to i32
        %sign3A_1002 = arith.constant 0 : i32
        %sign3A_1003 = arith.cmpi slt, %add3A_996, %sign3A_1002 : i32
        %sign3A_1004 = arith.extui %sign3A_1003 : i1 to i32
        %sign3A_1005 = arith.subi %sign3A_1001, %sign3A_1004 : i32
        %sign3A_1006 = arith.constant 0 : i32
        %sign3A_1007 = arith.cmpi sgt, %jit3A_997, %sign3A_1006 : i32
        %sign3A_1008 = arith.extui %sign3A_1007 : i1 to i32
        %sign3A_1009 = arith.constant 0 : i32
        %sign3A_1010 = arith.cmpi slt, %jit3A_997, %sign3A_1009 : i32
        %sign3A_1011 = arith.extui %sign3A_1010 : i1 to i32
        %sign3A_1012 = arith.subi %sign3A_1008, %sign3A_1011 : i32
        %ne3A_1013 = arith.cmpi ne, %sign3A_1005, %sign3A_1012 : i32
        %rem3A_1014 = arith.remsi %add3A_996, %jit3A_997 : i32
        %ne3A_1015 = arith.constant 0 : i32
        %ne3A_1016 = arith.cmpi ne, %rem3A_1014, %ne3A_1015 : i32
        %and3A_1017 = arith.andi %ne3A_1013, %ne3A_1016 : i1
        %sub3A_1018 = arith.constant 1 : i32
        %sub3A_1019 = arith.subi %div3A_998, %sub3A_1018 : i32
        %select_n3A_1020 = arith.select %and3A_1017, %sub3A_1019, %div3A_998 : i32
        %get3A_1021 = arith.index_cast %select_n3A_1020 : i32 to index
        %get3A_1022 = arith.constant 0 : index
        %get3A_1023 = tpu.vector_load %arg6[%get3A_1021, %get3A_1022] {strides = array<i32>} : memref<77x768xf32, #tpu.memory_space<vmem>>, vector<1x16xf32>,
        %get3A_1024 = vector.shape_cast %get3A_1023 : vector<1x16xf32> to vector<16xf32>
        %get3A_1025 = arith.index_cast %select_n3A_1020 : i32 to index
        %get3A_1026 = arith.constant 16 : index
        %get3A_1027 = tpu.vector_load %arg6[%get3A_1025, %get3A_1026] {strides = array<i32>} : memref<77x768xf32, #tpu.memory_space<vmem>>, vector<1x16xf32>,
        %get3A_1028 = vector.shape_cast %get3A_1027 : vector<1x16xf32> to vector<16xf32>
        %get3A_1029 = arith.index_cast %select_n3A_1020 : i32 to index
        %get3A_1030 = arith.constant 32 : index
        %get3A_1031 = tpu.vector_load %arg6[%get3A_1029, %get3A_1030] {strides = array<i32>} : memref<77x768xf32, #tpu.memory_space<vmem>>, vector<1x16xf32>,
        %get3A_1032 = vector.shape_cast %get3A_1031 : vector<1x16xf32> to vector<16xf32>
        %get3A_1033 = arith.index_cast %select_n3A_1020 : i32 to index
        %get3A_1034 = arith.constant 48 : index
        %get3A_1035 = tpu.vector_load %arg6[%get3A_1033, %get3A_1034] {strides = array<i32>} : memref<77x768xf32, #tpu.memory_space<vmem>>, vector<1x16xf32>,
        %get3A_1036 = vector.shape_cast %get3A_1035 : vector<1x16xf32> to vector<16xf32>
        %get3A_1037 = arith.index_cast %select_n3A_1020 : i32 to index
        %get3A_1038 = arith.constant 64 : index
        %get3A_1039 = tpu.vector_load %arg6[%get3A_1037, %get3A_1038] {strides = array<i32>} : memref<77x768xf32, #tpu.memory_space<vmem>>, vector<1x16xf32>,
        %get3A_1040 = vector.shape_cast %get3A_1039 : vector<1x16xf32> to vector<16xf32>
        %get3A_1041 = arith.index_cast %select_n3A_1020 : i32 to index
        %get3A_1042 = arith.constant 80 : index
        %get3A_1043 = tpu.vector_load %arg6[%get3A_1041, %get3A_1042] {strides = array<i32>} : memref<77x768xf32, #tpu.memory_space<vmem>>, vector<1x16xf32>,
        %get3A_1044 = vector.shape_cast %get3A_1043 : vector<1x16xf32> to vector<16xf32>
        %get3A_1045 = arith.index_cast %select_n3A_1020 : i32 to index
        %get3A_1046 = arith.constant 96 : index
        %get3A_1047 = tpu.vector_load %arg6[%get3A_1045, %get3A_1046] {strides = array<i32>} : memref<77x768xf32, #tpu.memory_space<vmem>>, vector<1x16xf32>,
        %get3A_1048 = vector.shape_cast %get3A_1047 : vector<1x16xf32> to vector<16xf32>
        %get3A_1049 = arith.index_cast %select_n3A_1020 : i32 to index
        %get3A_1050 = arith.constant 112 : index
        %get3A_1051 = tpu.vector_load %arg6[%get3A_1049, %get3A_1050] {strides = array<i32>} : memref<77x768xf32, #tpu.memory_space<vmem>>, vector<1x16xf32>,
        %get3A_1052 = vector.shape_cast %get3A_1051 : vector<1x16xf32> to vector<16xf32>
        %scan3A_1053 = arith.constant 0 : i32
        %scan3A_1054 = arith.constant 32 : i32
        %scan3A_1055 = arith.addi %scan3A_1053, %scan3A_1054 : i32
        %scan3A_1056 = arith.constant 1 : i32
        scf.for %scan3A_1838 = %scan3A_1053 to %scan3A_1055 step %scan3A_1056  : i32 {
          %mul3A_1839 = arith.constant 1 : i32
          %mul3A_1840 = arith.muli %scan3A_1838, %mul3A_1839 : i32
          %add3A_1841 = arith.constant 0 : i32
          %add3A_1842 = arith.addi %add3A_1841, %mul3A_1840 : i32
          %swap3A = arith.index_cast %add3A_1842 : i32 to index
          %swap3A_1843 = arith.constant 0 : index
          %swap3A_1844 = tpu.vector_load %arg14[%swap3A, %swap3A_1843] {strides = array<i32>} : memref<32x128xf32, #tpu.memory_space<vmem>>, vector<1x16xf32>,
          %swap3A_1845 = vector.shape_cast %swap3A_1844 : vector<1x16xf32> to vector<16xf32>
          %swap3A_1846 = vector.shape_cast %get3A_1024 : vector<16xf32> to vector<1x16xf32>
          tpu.vector_store %arg14[%swap3A, %swap3A_1843], %swap3A_1846 {add = true, strides = array<i32>} : memref<32x128xf32, #tpu.memory_space<vmem>>, vector<1x16xf32>,
          %swap3A_1847 = arith.index_cast %add3A_1842 : i32 to index
          %swap3A_1848 = arith.constant 16 : index
          %swap3A_1849 = tpu.vector_load %arg14[%swap3A_1847, %swap3A_1848] {strides = array<i32>} : memref<32x128xf32, #tpu.memory_space<vmem>>, vector<1x16xf32>,
          %swap3A_1850 = vector.shape_cast %swap3A_1849 : vector<1x16xf32> to vector<16xf32>
          %swap3A_1851 = vector.shape_cast %get3A_1028 : vector<16xf32> to vector<1x16xf32>
          tpu.vector_store %arg14[%swap3A_1847, %swap3A_1848], %swap3A_1851 {add = true, strides = array<i32>} : memref<32x128xf32, #tpu.memory_space<vmem>>, vector<1x16xf32>,
          %swap3A_1852 = arith.index_cast %add3A_1842 : i32 to index
          %swap3A_1853 = arith.constant 32 : index
          %swap3A_1854 = tpu.vector_load %arg14[%swap3A_1852, %swap3A_1853] {strides = array<i32>} : memref<32x128xf32, #tpu.memory_space<vmem>>, vector<1x16xf32>,
          %swap3A_1855 = vector.shape_cast %swap3A_1854 : vector<1x16xf32> to vector<16xf32>
          %swap3A_1856 = vector.shape_cast %get3A_1032 : vector<16xf32> to vector<1x16xf32>
          tpu.vector_store %arg14[%swap3A_1852, %swap3A_1853], %swap3A_1856 {add = true, strides = array<i32>} : memref<32x128xf32, #tpu.memory_space<vmem>>, vector<1x16xf32>,
          %swap3A_1857 = arith.index_cast %add3A_1842 : i32 to index
          %swap3A_1858 = arith.constant 48 : index
          %swap3A_1859 = tpu.vector_load %arg14[%swap3A_1857, %swap3A_1858] {strides = array<i32>} : memref<32x128xf32, #tpu.memory_space<vmem>>, vector<1x16xf32>,
          %swap3A_1860 = vector.shape_cast %swap3A_1859 : vector<1x16xf32> to vector<16xf32>
          %swap3A_1861 = vector.shape_cast %get3A_1036 : vector<16xf32> to vector<1x16xf32>
          tpu.vector_store %arg14[%swap3A_1857, %swap3A_1858], %swap3A_1861 {add = true, strides = array<i32>} : memref<32x128xf32, #tpu.memory_space<vmem>>, vector<1x16xf32>,
          %swap3A_1862 = arith.index_cast %add3A_1842 : i32 to index
          %swap3A_1863 = arith.constant 64 : index
          %swap3A_1864 = tpu.vector_load %arg14[%swap3A_1862, %swap3A_1863] {strides = array<i32>} : memref<32x128xf32, #tpu.memory_space<vmem>>, vector<1x16xf32>,
          %swap3A_1865 = vector.shape_cast %swap3A_1864 : vector<1x16xf32> to vector<16xf32>
          %swap3A_1866 = vector.shape_cast %get3A_1040 : vector<16xf32> to vector<1x16xf32>
          tpu.vector_store %arg14[%swap3A_1862, %swap3A_1863], %swap3A_1866 {add = true, strides = array<i32>} : memref<32x128xf32, #tpu.memory_space<vmem>>, vector<1x16xf32>,
          %swap3A_1867 = arith.index_cast %add3A_1842 : i32 to index
          %swap3A_1868 = arith.constant 80 : index
          %swap3A_1869 = tpu.vector_load %arg14[%swap3A_1867, %swap3A_1868] {strides = array<i32>} : memref<32x128xf32, #tpu.memory_space<vmem>>, vector<1x16xf32>,
          %swap3A_1870 = vector.shape_cast %swap3A_1869 : vector<1x16xf32> to vector<16xf32>
          %swap3A_1871 = vector.shape_cast %get3A_1044 : vector<16xf32> to vector<1x16xf32>
          tpu.vector_store %arg14[%swap3A_1867, %swap3A_1868], %swap3A_1871 {add = true, strides = array<i32>} : memref<32x128xf32, #tpu.memory_space<vmem>>, vector<1x16xf32>,
          %swap3A_1872 = arith.index_cast %add3A_1842 : i32 to index
          %swap3A_1873 = arith.constant 96 : index
          %swap3A_1874 = tpu.vector_load %arg14[%swap3A_1872, %swap3A_1873] {strides = array<i32>} : memref<32x128xf32, #tpu.memory_space<vmem>>, vector<1x16xf32>,
          %swap3A_1875 = vector.shape_cast %swap3A_1874 : vector<1x16xf32> to vector<16xf32>
          %swap3A_1876 = vector.shape_cast %get3A_1048 : vector<16xf32> to vector<1x16xf32>
          tpu.vector_store %arg14[%swap3A_1872, %swap3A_1873], %swap3A_1876 {add = true, strides = array<i32>} : memref<32x128xf32, #tpu.memory_space<vmem>>, vector<1x16xf32>,
          %swap3A_1877 = arith.index_cast %add3A_1842 : i32 to index
          %swap3A_1878 = arith.constant 112 : index
          %swap3A_1879 = tpu.vector_load %arg14[%swap3A_1877, %swap3A_1878] {strides = array<i32>} : memref<32x128xf32, #tpu.memory_space<vmem>>, vector<1x16xf32>,
          %swap3A_1880 = vector.shape_cast %swap3A_1879 : vector<1x16xf32> to vector<16xf32>
          %swap3A_1881 = vector.shape_cast %get3A_1052 : vector<16xf32> to vector<1x16xf32>
          tpu.vector_store %arg14[%swap3A_1877, %swap3A_1878], %swap3A_1881 {add = true, strides = array<i32>} : memref<32x128xf32, #tpu.memory_space<vmem>>, vector<1x16xf32>,
        }
        %scan3A_1057 = arith.constant 32 : i32
        %add3A_1058 = arith.addi %mul3A_2, %add3A_947 : i32
        %jit3A_1059 = arith.constant 32 : i32
        %div3A_1060 = arith.divsi %add3A_1058, %jit3A_1059 : i32
        %sign3A_1061 = arith.constant 0 : i32
        %sign3A_1062 = arith.cmpi sgt, %add3A_1058, %sign3A_1061 : i32
        %sign3A_1063 = arith.extui %sign3A_1062 : i1 to i32
        %sign3A_1064 = arith.constant 0 : i32
        %sign3A_1065 = arith.cmpi slt, %add3A_1058, %sign3A_1064 : i32
        %sign3A_1066 = arith.extui %sign3A_1065 : i1 to i32
        %sign3A_1067 = arith.subi %sign3A_1063, %sign3A_1066 : i32
        %sign3A_1068 = arith.constant 0 : i32
        %sign3A_1069 = arith.cmpi sgt, %jit3A_1059, %sign3A_1068 : i32
        %sign3A_1070 = arith.extui %sign3A_1069 : i1 to i32
        %sign3A_1071 = arith.constant 0 : i32
        %sign3A_1072 = arith.cmpi slt, %jit3A_1059, %sign3A_1071 : i32
        %sign3A_1073 = arith.extui %sign3A_1072 : i1 to i32
        %sign3A_1074 = arith.subi %sign3A_1070, %sign3A_1073 : i32
        %ne3A_1075 = arith.cmpi ne, %sign3A_1067, %sign3A_1074 : i32
        %rem3A_1076 = arith.remsi %add3A_1058, %jit3A_1059 : i32
        %ne3A_1077 = arith.constant 0 : i32
        %ne3A_1078 = arith.cmpi ne, %rem3A_1076, %ne3A_1077 : i32
        %and3A_1079 = arith.andi %ne3A_1075, %ne3A_1078 : i1
        %sub3A_1080 = arith.constant 1 : i32
        %sub3A_1081 = arith.subi %div3A_1060, %sub3A_1080 : i32
        %select_n3A_1082 = arith.select %and3A_1079, %sub3A_1081, %div3A_1060 : i32
        %rem3A_1083 = arith.constant 32 : i32
        %rem3A_1084 = arith.remsi %add3A_1058, %rem3A_1083 : i32
        %mul3A_1085 = arith.constant 32 : i32
        %mul3A_1086 = arith.muli %rem3A_1084, %mul3A_1085 : i32
        %dma_start3A_1087 = arith.constant 0 : i32
        %dma_start3A_1088 = tpu.memref_slice %arg5[%select_n3A_1082, %mul3A_1086, %dma_start3A_1087] : memref<77x1024x768xf32, #tpu.memory_space<hbm>> -> memref<1x32x128xf32, #tpu.memory_space<hbm>>
        %dma_start3A_1089 = tpu.memref_squeeze %dma_start3A_1088 : memref<1x32x128xf32, #tpu.memory_space<hbm>> -> memref<32x128xf32, #tpu.memory_space<hbm>>
        %dma_start3A_1090 = arith.constant 0 : i32
        %dma_start3A_1091 = tpu.memref_slice %arg5[%select_n3A_1082, %mul3A_1086, %dma_start3A_1090] : memref<77x1024x768xf32, #tpu.memory_space<hbm>> -> memref<1x32x128xf32, #tpu.memory_space<hbm>>
        %dma_start3A_1092 = tpu.memref_squeeze %dma_start3A_1091 : memref<1x32x128xf32, #tpu.memory_space<hbm>> -> memref<32x128xf32, #tpu.memory_space<hbm>>
        tpu.enqueue_dma source(%arg14 : memref<32x128xf32, #tpu.memory_space<vmem>>) target(%dma_start3A_1092 : memref<32x128xf32, #tpu.memory_space<hbm>>) target_semaphore(%arg38 : memref<!tpu.dma_semaphore, #tpu.memory_space<semaphore_mem>>)
        %mul3A_1093 = arith.constant 2 : i32
        %mul3A_1094 = arith.muli %mul3A_1093, %add3A_253 : i32
        %add3A_1095 = arith.constant 1 : i32
        %add3A_1096 = arith.addi %mul3A_1094, %add3A_1095 : i32
        %mul3A_1097 = arith.constant 32 : i32
        %mul3A_1098 = arith.muli %add3A_1096, %mul3A_1097 : i32
        %dma_wait3A_1099 = tpu.memref_slice %arg7[%mul3A_1098] : memref<2464xi32, #tpu.memory_space<vmem>> -> memref<32xi32, #tpu.memory_space<vmem>>
        %dma_wait3A_1100 = arith.constant 0 : i32
        %dma_wait3A_1101 = arith.constant 128 : i32
        %dma_wait3A_1102 = tpu.memref_slice %arg3[%dma_wait3A_1100, %dma_wait3A_1101] : memref<49408x768xf32, #tpu.memory_space<hbm>> -> memref<49408x128xf32, #tpu.memory_space<hbm>>
        tpu.wait_indirect_dma semaphore(%arg27 : memref<!tpu.dma_semaphore, #tpu.memory_space<semaphore_mem>>) src(%dma_wait3A_1102 : memref<49408x128xf32, #tpu.memory_space<hbm>>) dst(%arg15 : memref<32x128xf32, #tpu.memory_space<vmem>>)
        %sub3A_1103 = arith.constant 1 : i32
        %sub3A_1104 = arith.subi %add3A_1096, %sub3A_1103 : i32
        %add3A_1105 = arith.addi %mul3A_2, %sub3A_1104 : i32
        %jit3A_1106 = arith.constant 32 : i32
        %div3A_1107 = arith.divsi %add3A_1105, %jit3A_1106 : i32
        %sign3A_1108 = arith.constant 0 : i32
        %sign3A_1109 = arith.cmpi sgt, %add3A_1105, %sign3A_1108 : i32
        %sign3A_1110 = arith.extui %sign3A_1109 : i1 to i32
        %sign3A_1111 = arith.constant 0 : i32
        %sign3A_1112 = arith.cmpi slt, %add3A_1105, %sign3A_1111 : i32
        %sign3A_1113 = arith.extui %sign3A_1112 : i1 to i32
        %sign3A_1114 = arith.subi %sign3A_1110, %sign3A_1113 : i32
        %sign3A_1115 = arith.constant 0 : i32
        %sign3A_1116 = arith.cmpi sgt, %jit3A_1106, %sign3A_1115 : i32
        %sign3A_1117 = arith.extui %sign3A_1116 : i1 to i32
        %sign3A_1118 = arith.constant 0 : i32
        %sign3A_1119 = arith.cmpi slt, %jit3A_1106, %sign3A_1118 : i32
        %sign3A_1120 = arith.extui %sign3A_1119 : i1 to i32
        %sign3A_1121 = arith.subi %sign3A_1117, %sign3A_1120 : i32
        %ne3A_1122 = arith.cmpi ne, %sign3A_1114, %sign3A_1121 : i32
        %rem3A_1123 = arith.remsi %add3A_1105, %jit3A_1106 : i32
        %ne3A_1124 = arith.constant 0 : i32
        %ne3A_1125 = arith.cmpi ne, %rem3A_1123, %ne3A_1124 : i32
        %and3A_1126 = arith.andi %ne3A_1122, %ne3A_1125 : i1
        %sub3A_1127 = arith.constant 1 : i32
        %sub3A_1128 = arith.subi %div3A_1107, %sub3A_1127 : i32
        %select_n3A_1129 = arith.select %and3A_1126, %sub3A_1128, %div3A_1107 : i32
        %rem3A_1130 = arith.constant 32 : i32
        %rem3A_1131 = arith.remsi %add3A_1105, %rem3A_1130 : i32
        %mul3A_1132 = arith.constant 32 : i32
        %mul3A_1133 = arith.muli %rem3A_1131, %mul3A_1132 : i32
        %dma_wait3A_1134 = arith.constant 128 : i32
        %dma_wait3A_1135 = tpu.memref_slice %arg5[%select_n3A_1129, %mul3A_1133, %dma_wait3A_1134] : memref<77x1024x768xf32, #tpu.memory_space<hbm>> -> memref<1x32x128xf32, #tpu.memory_space<hbm>>
        %dma_wait3A_1136 = tpu.memref_squeeze %dma_wait3A_1135 : memref<1x32x128xf32, #tpu.memory_space<hbm>> -> memref<32x128xf32, #tpu.memory_space<hbm>>
        %dma_wait3A_1137 = arith.constant 128 : i32
        %dma_wait3A_1138 = tpu.memref_slice %arg5[%select_n3A_1129, %mul3A_1133, %dma_wait3A_1137] : memref<77x1024x768xf32, #tpu.memory_space<hbm>> -> memref<1x32x128xf32, #tpu.memory_space<hbm>>
        %dma_wait3A_1139 = tpu.memref_squeeze %dma_wait3A_1138 : memref<1x32x128xf32, #tpu.memory_space<hbm>> -> memref<32x128xf32, #tpu.memory_space<hbm>>
        tpu.wait_dma2 semaphore(%arg33 : memref<!tpu.dma_semaphore, #tpu.memory_space<semaphore_mem>>) src(%arg9 : memref<32x128xf32, #tpu.memory_space<vmem>>) dst(%dma_wait3A_1139 : memref<32x128xf32, #tpu.memory_space<hbm>>)
        %le3A_1140 = arith.constant 37 : i32
        %le3A_1141 = arith.cmpi sle, %add3A_253, %le3A_1140 : i32
        %convert_element_type3A_1142 = arith.extui %le3A_1141 : i1 to i32
        %cond3A_1143 = arith.constant 0 : i32
        %cond3A_1144 = arith.cmpi ne, %convert_element_type3A_1142, %cond3A_1143 : i32
        scf.if %cond3A_1144 {
          %add3A_1838 = arith.constant 1 : i32
          %add3A_1839 = arith.addi %add3A_1096, %add3A_1838 : i32
          %mul3A_1840 = arith.constant 32 : i32
          %mul3A_1841 = arith.muli %add3A_1839, %mul3A_1840 : i32
          %dma_start3A_1842 = tpu.memref_slice %arg7[%mul3A_1841] : memref<2464xi32, #tpu.memory_space<vmem>> -> memref<32xi32, #tpu.memory_space<vmem>>
          %dma_start3A_1843 = arith.constant 0 : i32
          %dma_start3A_1844 = arith.constant 128 : i32
          %dma_start3A_1845 = tpu.memref_slice %arg3[%dma_start3A_1843, %dma_start3A_1844] : memref<49408x768xf32, #tpu.memory_space<hbm>> -> memref<49408x128xf32, #tpu.memory_space<hbm>>
          tpu.enqueue_indirect_dma source(%dma_start3A_1845 : memref<49408x128xf32, #tpu.memory_space<hbm>>) target(%arg9 : memref<32x128xf32, #tpu.memory_space<vmem>>) offsets(%dma_start3A_1842 : memref<32xi32, #tpu.memory_space<vmem>>) semaphore(%arg21 : memref<!tpu.dma_semaphore, #tpu.memory_space<semaphore_mem>>)
        } else {
        }
        %add3A_1145 = arith.addi %mul3A_2, %add3A_1096 : i32
        %jit3A_1146 = arith.constant 32 : i32
        %div3A_1147 = arith.divsi %add3A_1145, %jit3A_1146 : i32
        %sign3A_1148 = arith.constant 0 : i32
        %sign3A_1149 = arith.cmpi sgt, %add3A_1145, %sign3A_1148 : i32
        %sign3A_1150 = arith.extui %sign3A_1149 : i1 to i32
        %sign3A_1151 = arith.constant 0 : i32
        %sign3A_1152 = arith.cmpi slt, %add3A_1145, %sign3A_1151 : i32
        %sign3A_1153 = arith.extui %sign3A_1152 : i1 to i32
        %sign3A_1154 = arith.subi %sign3A_1150, %sign3A_1153 : i32
        %sign3A_1155 = arith.constant 0 : i32
        %sign3A_1156 = arith.cmpi sgt, %jit3A_1146, %sign3A_1155 : i32
        %sign3A_1157 = arith.extui %sign3A_1156 : i1 to i32
        %sign3A_1158 = arith.constant 0 : i32
        %sign3A_1159 = arith.cmpi slt, %jit3A_1146, %sign3A_1158 : i32
        %sign3A_1160 = arith.extui %sign3A_1159 : i1 to i32
        %sign3A_1161 = arith.subi %sign3A_1157, %sign3A_1160 : i32
        %ne3A_1162 = arith.cmpi ne, %sign3A_1154, %sign3A_1161 : i32
        %rem3A_1163 = arith.remsi %add3A_1145, %jit3A_1146 : i32
        %ne3A_1164 = arith.constant 0 : i32
        %ne3A_1165 = arith.cmpi ne, %rem3A_1163, %ne3A_1164 : i32
        %and3A_1166 = arith.andi %ne3A_1162, %ne3A_1165 : i1
        %sub3A_1167 = arith.constant 1 : i32
        %sub3A_1168 = arith.subi %div3A_1147, %sub3A_1167 : i32
        %select_n3A_1169 = arith.select %and3A_1166, %sub3A_1168, %div3A_1147 : i32
        %get3A_1170 = arith.index_cast %select_n3A_1169 : i32 to index
        %get3A_1171 = arith.constant 128 : index
        %get3A_1172 = tpu.vector_load %arg6[%get3A_1170, %get3A_1171] {strides = array<i32>} : memref<77x768xf32, #tpu.memory_space<vmem>>, vector<1x16xf32>,
        %get3A_1173 = vector.shape_cast %get3A_1172 : vector<1x16xf32> to vector<16xf32>
        %get3A_1174 = arith.index_cast %select_n3A_1169 : i32 to index
        %get3A_1175 = arith.constant 144 : index
        %get3A_1176 = tpu.vector_load %arg6[%get3A_1174, %get3A_1175] {strides = array<i32>} : memref<77x768xf32, #tpu.memory_space<vmem>>, vector<1x16xf32>,
        %get3A_1177 = vector.shape_cast %get3A_1176 : vector<1x16xf32> to vector<16xf32>
        %get3A_1178 = arith.index_cast %select_n3A_1169 : i32 to index
        %get3A_1179 = arith.constant 160 : index
        %get3A_1180 = tpu.vector_load %arg6[%get3A_1178, %get3A_1179] {strides = array<i32>} : memref<77x768xf32, #tpu.memory_space<vmem>>, vector<1x16xf32>,
        %get3A_1181 = vector.shape_cast %get3A_1180 : vector<1x16xf32> to vector<16xf32>
        %get3A_1182 = arith.index_cast %select_n3A_1169 : i32 to index
        %get3A_1183 = arith.constant 176 : index
        %get3A_1184 = tpu.vector_load %arg6[%get3A_1182, %get3A_1183] {strides = array<i32>} : memref<77x768xf32, #tpu.memory_space<vmem>>, vector<1x16xf32>,
        %get3A_1185 = vector.shape_cast %get3A_1184 : vector<1x16xf32> to vector<16xf32>
        %get3A_1186 = arith.index_cast %select_n3A_1169 : i32 to index
        %get3A_1187 = arith.constant 192 : index
        %get3A_1188 = tpu.vector_load %arg6[%get3A_1186, %get3A_1187] {strides = array<i32>} : memref<77x768xf32, #tpu.memory_space<vmem>>, vector<1x16xf32>,
        %get3A_1189 = vector.shape_cast %get3A_1188 : vector<1x16xf32> to vector<16xf32>
        %get3A_1190 = arith.index_cast %select_n3A_1169 : i32 to index
        %get3A_1191 = arith.constant 208 : index
        %get3A_1192 = tpu.vector_load %arg6[%get3A_1190, %get3A_1191] {strides = array<i32>} : memref<77x768xf32, #tpu.memory_space<vmem>>, vector<1x16xf32>,
        %get3A_1193 = vector.shape_cast %get3A_1192 : vector<1x16xf32> to vector<16xf32>
        %get3A_1194 = arith.index_cast %select_n3A_1169 : i32 to index
        %get3A_1195 = arith.constant 224 : index
        %get3A_1196 = tpu.vector_load %arg6[%get3A_1194, %get3A_1195] {strides = array<i32>} : memref<77x768xf32, #tpu.memory_space<vmem>>, vector<1x16xf32>,
        %get3A_1197 = vector.shape_cast %get3A_1196 : vector<1x16xf32> to vector<16xf32>
        %get3A_1198 = arith.index_cast %select_n3A_1169 : i32 to index
        %get3A_1199 = arith.constant 240 : index
        %get3A_1200 = tpu.vector_load %arg6[%get3A_1198, %get3A_1199] {strides = array<i32>} : memref<77x768xf32, #tpu.memory_space<vmem>>, vector<1x16xf32>,
        %get3A_1201 = vector.shape_cast %get3A_1200 : vector<1x16xf32> to vector<16xf32>
        %scan3A_1202 = arith.constant 0 : i32
        %scan3A_1203 = arith.constant 32 : i32
        %scan3A_1204 = arith.addi %scan3A_1202, %scan3A_1203 : i32
        %scan3A_1205 = arith.constant 1 : i32
        scf.for %scan3A_1838 = %scan3A_1202 to %scan3A_1204 step %scan3A_1205  : i32 {
          %mul3A_1839 = arith.constant 1 : i32
          %mul3A_1840 = arith.muli %scan3A_1838, %mul3A_1839 : i32
          %add3A_1841 = arith.constant 0 : i32
          %add3A_1842 = arith.addi %add3A_1841, %mul3A_1840 : i32
          %swap3A = arith.index_cast %add3A_1842 : i32 to index
          %swap3A_1843 = arith.constant 0 : index
          %swap3A_1844 = tpu.vector_load %arg15[%swap3A, %swap3A_1843] {strides = array<i32>} : memref<32x128xf32, #tpu.memory_space<vmem>>, vector<1x16xf32>,
          %swap3A_1845 = vector.shape_cast %swap3A_1844 : vector<1x16xf32> to vector<16xf32>
          %swap3A_1846 = vector.shape_cast %get3A_1173 : vector<16xf32> to vector<1x16xf32>
          tpu.vector_store %arg15[%swap3A, %swap3A_1843], %swap3A_1846 {add = true, strides = array<i32>} : memref<32x128xf32, #tpu.memory_space<vmem>>, vector<1x16xf32>,
          %swap3A_1847 = arith.index_cast %add3A_1842 : i32 to index
          %swap3A_1848 = arith.constant 16 : index
          %swap3A_1849 = tpu.vector_load %arg15[%swap3A_1847, %swap3A_1848] {strides = array<i32>} : memref<32x128xf32, #tpu.memory_space<vmem>>, vector<1x16xf32>,
          %swap3A_1850 = vector.shape_cast %swap3A_1849 : vector<1x16xf32> to vector<16xf32>
          %swap3A_1851 = vector.shape_cast %get3A_1177 : vector<16xf32> to vector<1x16xf32>
          tpu.vector_store %arg15[%swap3A_1847, %swap3A_1848], %swap3A_1851 {add = true, strides = array<i32>} : memref<32x128xf32, #tpu.memory_space<vmem>>, vector<1x16xf32>,
          %swap3A_1852 = arith.index_cast %add3A_1842 : i32 to index
          %swap3A_1853 = arith.constant 32 : index
          %swap3A_1854 = tpu.vector_load %arg15[%swap3A_1852, %swap3A_1853] {strides = array<i32>} : memref<32x128xf32, #tpu.memory_space<vmem>>, vector<1x16xf32>,
          %swap3A_1855 = vector.shape_cast %swap3A_1854 : vector<1x16xf32> to vector<16xf32>
          %swap3A_1856 = vector.shape_cast %get3A_1181 : vector<16xf32> to vector<1x16xf32>
          tpu.vector_store %arg15[%swap3A_1852, %swap3A_1853], %swap3A_1856 {add = true, strides = array<i32>} : memref<32x128xf32, #tpu.memory_space<vmem>>, vector<1x16xf32>,
          %swap3A_1857 = arith.index_cast %add3A_1842 : i32 to index
          %swap3A_1858 = arith.constant 48 : index
          %swap3A_1859 = tpu.vector_load %arg15[%swap3A_1857, %swap3A_1858] {strides = array<i32>} : memref<32x128xf32, #tpu.memory_space<vmem>>, vector<1x16xf32>,
          %swap3A_1860 = vector.shape_cast %swap3A_1859 : vector<1x16xf32> to vector<16xf32>
          %swap3A_1861 = vector.shape_cast %get3A_1185 : vector<16xf32> to vector<1x16xf32>
          tpu.vector_store %arg15[%swap3A_1857, %swap3A_1858], %swap3A_1861 {add = true, strides = array<i32>} : memref<32x128xf32, #tpu.memory_space<vmem>>, vector<1x16xf32>,
          %swap3A_1862 = arith.index_cast %add3A_1842 : i32 to index
          %swap3A_1863 = arith.constant 64 : index
          %swap3A_1864 = tpu.vector_load %arg15[%swap3A_1862, %swap3A_1863] {strides = array<i32>} : memref<32x128xf32, #tpu.memory_space<vmem>>, vector<1x16xf32>,
          %swap3A_1865 = vector.shape_cast %swap3A_1864 : vector<1x16xf32> to vector<16xf32>
          %swap3A_1866 = vector.shape_cast %get3A_1189 : vector<16xf32> to vector<1x16xf32>
          tpu.vector_store %arg15[%swap3A_1862, %swap3A_1863], %swap3A_1866 {add = true, strides = array<i32>} : memref<32x128xf32, #tpu.memory_space<vmem>>, vector<1x16xf32>,
          %swap3A_1867 = arith.index_cast %add3A_1842 : i32 to index
          %swap3A_1868 = arith.constant 80 : index
          %swap3A_1869 = tpu.vector_load %arg15[%swap3A_1867, %swap3A_1868] {strides = array<i32>} : memref<32x128xf32, #tpu.memory_space<vmem>>, vector<1x16xf32>,
          %swap3A_1870 = vector.shape_cast %swap3A_1869 : vector<1x16xf32> to vector<16xf32>
          %swap3A_1871 = vector.shape_cast %get3A_1193 : vector<16xf32> to vector<1x16xf32>
          tpu.vector_store %arg15[%swap3A_1867, %swap3A_1868], %swap3A_1871 {add = true, strides = array<i32>} : memref<32x128xf32, #tpu.memory_space<vmem>>, vector<1x16xf32>,
          %swap3A_1872 = arith.index_cast %add3A_1842 : i32 to index
          %swap3A_1873 = arith.constant 96 : index
          %swap3A_1874 = tpu.vector_load %arg15[%swap3A_1872, %swap3A_1873] {strides = array<i32>} : memref<32x128xf32, #tpu.memory_space<vmem>>, vector<1x16xf32>,
          %swap3A_1875 = vector.shape_cast %swap3A_1874 : vector<1x16xf32> to vector<16xf32>
          %swap3A_1876 = vector.shape_cast %get3A_1197 : vector<16xf32> to vector<1x16xf32>
          tpu.vector_store %arg15[%swap3A_1872, %swap3A_1873], %swap3A_1876 {add = true, strides = array<i32>} : memref<32x128xf32, #tpu.memory_space<vmem>>, vector<1x16xf32>,
          %swap3A_1877 = arith.index_cast %add3A_1842 : i32 to index
          %swap3A_1878 = arith.constant 112 : index
          %swap3A_1879 = tpu.vector_load %arg15[%swap3A_1877, %swap3A_1878] {strides = array<i32>} : memref<32x128xf32, #tpu.memory_space<vmem>>, vector<1x16xf32>,
          %swap3A_1880 = vector.shape_cast %swap3A_1879 : vector<1x16xf32> to vector<16xf32>
          %swap3A_1881 = vector.shape_cast %get3A_1201 : vector<16xf32> to vector<1x16xf32>
          tpu.vector_store %arg15[%swap3A_1877, %swap3A_1878], %swap3A_1881 {add = true, strides = array<i32>} : memref<32x128xf32, #tpu.memory_space<vmem>>, vector<1x16xf32>,
        }
        %scan3A_1206 = arith.constant 32 : i32
        %add3A_1207 = arith.addi %mul3A_2, %add3A_1096 : i32
        %jit3A_1208 = arith.constant 32 : i32
        %div3A_1209 = arith.divsi %add3A_1207, %jit3A_1208 : i32
        %sign3A_1210 = arith.constant 0 : i32
        %sign3A_1211 = arith.cmpi sgt, %add3A_1207, %sign3A_1210 : i32
        %sign3A_1212 = arith.extui %sign3A_1211 : i1 to i32
        %sign3A_1213 = arith.constant 0 : i32
        %sign3A_1214 = arith.cmpi slt, %add3A_1207, %sign3A_1213 : i32
        %sign3A_1215 = arith.extui %sign3A_1214 : i1 to i32
        %sign3A_1216 = arith.subi %sign3A_1212, %sign3A_1215 : i32
        %sign3A_1217 = arith.constant 0 : i32
        %sign3A_1218 = arith.cmpi sgt, %jit3A_1208, %sign3A_1217 : i32
        %sign3A_1219 = arith.extui %sign3A_1218 : i1 to i32
        %sign3A_1220 = arith.constant 0 : i32
        %sign3A_1221 = arith.cmpi slt, %jit3A_1208, %sign3A_1220 : i32
        %sign3A_1222 = arith.extui %sign3A_1221 : i1 to i32
        %sign3A_1223 = arith.subi %sign3A_1219, %sign3A_1222 : i32
        %ne3A_1224 = arith.cmpi ne, %sign3A_1216, %sign3A_1223 : i32
        %rem3A_1225 = arith.remsi %add3A_1207, %jit3A_1208 : i32
        %ne3A_1226 = arith.constant 0 : i32
        %ne3A_1227 = arith.cmpi ne, %rem3A_1225, %ne3A_1226 : i32
        %and3A_1228 = arith.andi %ne3A_1224, %ne3A_1227 : i1
        %sub3A_1229 = arith.constant 1 : i32
        %sub3A_1230 = arith.subi %div3A_1209, %sub3A_1229 : i32
        %select_n3A_1231 = arith.select %and3A_1228, %sub3A_1230, %div3A_1209 : i32
        %rem3A_1232 = arith.constant 32 : i32
        %rem3A_1233 = arith.remsi %add3A_1207, %rem3A_1232 : i32
        %mul3A_1234 = arith.constant 32 : i32
        %mul3A_1235 = arith.muli %rem3A_1233, %mul3A_1234 : i32
        %dma_start3A_1236 = arith.constant 128 : i32
        %dma_start3A_1237 = tpu.memref_slice %arg5[%select_n3A_1231, %mul3A_1235, %dma_start3A_1236] : memref<77x1024x768xf32, #tpu.memory_space<hbm>> -> memref<1x32x128xf32, #tpu.memory_space<hbm>>
        %dma_start3A_1238 = tpu.memref_squeeze %dma_start3A_1237 : memref<1x32x128xf32, #tpu.memory_space<hbm>> -> memref<32x128xf32, #tpu.memory_space<hbm>>
        %dma_start3A_1239 = arith.constant 128 : i32
        %dma_start3A_1240 = tpu.memref_slice %arg5[%select_n3A_1231, %mul3A_1235, %dma_start3A_1239] : memref<77x1024x768xf32, #tpu.memory_space<hbm>> -> memref<1x32x128xf32, #tpu.memory_space<hbm>>
        %dma_start3A_1241 = tpu.memref_squeeze %dma_start3A_1240 : memref<1x32x128xf32, #tpu.memory_space<hbm>> -> memref<32x128xf32, #tpu.memory_space<hbm>>
        tpu.enqueue_dma source(%arg15 : memref<32x128xf32, #tpu.memory_space<vmem>>) target(%dma_start3A_1241 : memref<32x128xf32, #tpu.memory_space<hbm>>) target_semaphore(%arg39 : memref<!tpu.dma_semaphore, #tpu.memory_space<semaphore_mem>>)
        %mul3A_1242 = arith.constant 2 : i32
        %mul3A_1243 = arith.muli %mul3A_1242, %add3A_253 : i32
        %add3A_1244 = arith.constant 1 : i32
        %add3A_1245 = arith.addi %mul3A_1243, %add3A_1244 : i32
        %mul3A_1246 = arith.constant 32 : i32
        %mul3A_1247 = arith.muli %add3A_1245, %mul3A_1246 : i32
        %dma_wait3A_1248 = tpu.memref_slice %arg7[%mul3A_1247] : memref<2464xi32, #tpu.memory_space<vmem>> -> memref<32xi32, #tpu.memory_space<vmem>>
        %dma_wait3A_1249 = arith.constant 0 : i32
        %dma_wait3A_1250 = arith.constant 256 : i32
        %dma_wait3A_1251 = tpu.memref_slice %arg3[%dma_wait3A_1249, %dma_wait3A_1250] : memref<49408x768xf32, #tpu.memory_space<hbm>> -> memref<49408x128xf32, #tpu.memory_space<hbm>>
        tpu.wait_indirect_dma semaphore(%arg28 : memref<!tpu.dma_semaphore, #tpu.memory_space<semaphore_mem>>) src(%dma_wait3A_1251 : memref<49408x128xf32, #tpu.memory_space<hbm>>) dst(%arg16 : memref<32x128xf32, #tpu.memory_space<vmem>>)
        %sub3A_1252 = arith.constant 1 : i32
        %sub3A_1253 = arith.subi %add3A_1245, %sub3A_1252 : i32
        %add3A_1254 = arith.addi %mul3A_2, %sub3A_1253 : i32
        %jit3A_1255 = arith.constant 32 : i32
        %div3A_1256 = arith.divsi %add3A_1254, %jit3A_1255 : i32
        %sign3A_1257 = arith.constant 0 : i32
        %sign3A_1258 = arith.cmpi sgt, %add3A_1254, %sign3A_1257 : i32
        %sign3A_1259 = arith.extui %sign3A_1258 : i1 to i32
        %sign3A_1260 = arith.constant 0 : i32
        %sign3A_1261 = arith.cmpi slt, %add3A_1254, %sign3A_1260 : i32
        %sign3A_1262 = arith.extui %sign3A_1261 : i1 to i32
        %sign3A_1263 = arith.subi %sign3A_1259, %sign3A_1262 : i32
        %sign3A_1264 = arith.constant 0 : i32
        %sign3A_1265 = arith.cmpi sgt, %jit3A_1255, %sign3A_1264 : i32
        %sign3A_1266 = arith.extui %sign3A_1265 : i1 to i32
        %sign3A_1267 = arith.constant 0 : i32
        %sign3A_1268 = arith.cmpi slt, %jit3A_1255, %sign3A_1267 : i32
        %sign3A_1269 = arith.extui %sign3A_1268 : i1 to i32
        %sign3A_1270 = arith.subi %sign3A_1266, %sign3A_1269 : i32
        %ne3A_1271 = arith.cmpi ne, %sign3A_1263, %sign3A_1270 : i32
        %rem3A_1272 = arith.remsi %add3A_1254, %jit3A_1255 : i32
        %ne3A_1273 = arith.constant 0 : i32
        %ne3A_1274 = arith.cmpi ne, %rem3A_1272, %ne3A_1273 : i32
        %and3A_1275 = arith.andi %ne3A_1271, %ne3A_1274 : i1
        %sub3A_1276 = arith.constant 1 : i32
        %sub3A_1277 = arith.subi %div3A_1256, %sub3A_1276 : i32
        %select_n3A_1278 = arith.select %and3A_1275, %sub3A_1277, %div3A_1256 : i32
        %rem3A_1279 = arith.constant 32 : i32
        %rem3A_1280 = arith.remsi %add3A_1254, %rem3A_1279 : i32
        %mul3A_1281 = arith.constant 32 : i32
        %mul3A_1282 = arith.muli %rem3A_1280, %mul3A_1281 : i32
        %dma_wait3A_1283 = arith.constant 256 : i32
        %dma_wait3A_1284 = tpu.memref_slice %arg5[%select_n3A_1278, %mul3A_1282, %dma_wait3A_1283] : memref<77x1024x768xf32, #tpu.memory_space<hbm>> -> memref<1x32x128xf32, #tpu.memory_space<hbm>>
        %dma_wait3A_1285 = tpu.memref_squeeze %dma_wait3A_1284 : memref<1x32x128xf32, #tpu.memory_space<hbm>> -> memref<32x128xf32, #tpu.memory_space<hbm>>
        %dma_wait3A_1286 = arith.constant 256 : i32
        %dma_wait3A_1287 = tpu.memref_slice %arg5[%select_n3A_1278, %mul3A_1282, %dma_wait3A_1286] : memref<77x1024x768xf32, #tpu.memory_space<hbm>> -> memref<1x32x128xf32, #tpu.memory_space<hbm>>
        %dma_wait3A_1288 = tpu.memref_squeeze %dma_wait3A_1287 : memref<1x32x128xf32, #tpu.memory_space<hbm>> -> memref<32x128xf32, #tpu.memory_space<hbm>>
        tpu.wait_dma2 semaphore(%arg34 : memref<!tpu.dma_semaphore, #tpu.memory_space<semaphore_mem>>) src(%arg10 : memref<32x128xf32, #tpu.memory_space<vmem>>) dst(%dma_wait3A_1288 : memref<32x128xf32, #tpu.memory_space<hbm>>)
        %le3A_1289 = arith.constant 37 : i32
        %le3A_1290 = arith.cmpi sle, %add3A_253, %le3A_1289 : i32
        %convert_element_type3A_1291 = arith.extui %le3A_1290 : i1 to i32
        %cond3A_1292 = arith.constant 0 : i32
        %cond3A_1293 = arith.cmpi ne, %convert_element_type3A_1291, %cond3A_1292 : i32
        scf.if %cond3A_1293 {
          %add3A_1838 = arith.constant 1 : i32
          %add3A_1839 = arith.addi %add3A_1245, %add3A_1838 : i32
          %mul3A_1840 = arith.constant 32 : i32
          %mul3A_1841 = arith.muli %add3A_1839, %mul3A_1840 : i32
          %dma_start3A_1842 = tpu.memref_slice %arg7[%mul3A_1841] : memref<2464xi32, #tpu.memory_space<vmem>> -> memref<32xi32, #tpu.memory_space<vmem>>
          %dma_start3A_1843 = arith.constant 0 : i32
          %dma_start3A_1844 = arith.constant 256 : i32
          %dma_start3A_1845 = tpu.memref_slice %arg3[%dma_start3A_1843, %dma_start3A_1844] : memref<49408x768xf32, #tpu.memory_space<hbm>> -> memref<49408x128xf32, #tpu.memory_space<hbm>>
          tpu.enqueue_indirect_dma source(%dma_start3A_1845 : memref<49408x128xf32, #tpu.memory_space<hbm>>) target(%arg10 : memref<32x128xf32, #tpu.memory_space<vmem>>) offsets(%dma_start3A_1842 : memref<32xi32, #tpu.memory_space<vmem>>) semaphore(%arg22 : memref<!tpu.dma_semaphore, #tpu.memory_space<semaphore_mem>>)
        } else {
        }
        %add3A_1294 = arith.addi %mul3A_2, %add3A_1245 : i32
        %jit3A_1295 = arith.constant 32 : i32
        %div3A_1296 = arith.divsi %add3A_1294, %jit3A_1295 : i32
        %sign3A_1297 = arith.constant 0 : i32
        %sign3A_1298 = arith.cmpi sgt, %add3A_1294, %sign3A_1297 : i32
        %sign3A_1299 = arith.extui %sign3A_1298 : i1 to i32
        %sign3A_1300 = arith.constant 0 : i32
        %sign3A_1301 = arith.cmpi slt, %add3A_1294, %sign3A_1300 : i32
        %sign3A_1302 = arith.extui %sign3A_1301 : i1 to i32
        %sign3A_1303 = arith.subi %sign3A_1299, %sign3A_1302 : i32
        %sign3A_1304 = arith.constant 0 : i32
        %sign3A_1305 = arith.cmpi sgt, %jit3A_1295, %sign3A_1304 : i32
        %sign3A_1306 = arith.extui %sign3A_1305 : i1 to i32
        %sign3A_1307 = arith.constant 0 : i32
        %sign3A_1308 = arith.cmpi slt, %jit3A_1295, %sign3A_1307 : i32
        %sign3A_1309 = arith.extui %sign3A_1308 : i1 to i32
        %sign3A_1310 = arith.subi %sign3A_1306, %sign3A_1309 : i32
        %ne3A_1311 = arith.cmpi ne, %sign3A_1303, %sign3A_1310 : i32
        %rem3A_1312 = arith.remsi %add3A_1294, %jit3A_1295 : i32
        %ne3A_1313 = arith.constant 0 : i32
        %ne3A_1314 = arith.cmpi ne, %rem3A_1312, %ne3A_1313 : i32
        %and3A_1315 = arith.andi %ne3A_1311, %ne3A_1314 : i1
        %sub3A_1316 = arith.constant 1 : i32
        %sub3A_1317 = arith.subi %div3A_1296, %sub3A_1316 : i32
        %select_n3A_1318 = arith.select %and3A_1315, %sub3A_1317, %div3A_1296 : i32
        %get3A_1319 = arith.index_cast %select_n3A_1318 : i32 to index
        %get3A_1320 = arith.constant 256 : index
        %get3A_1321 = tpu.vector_load %arg6[%get3A_1319, %get3A_1320] {strides = array<i32>} : memref<77x768xf32, #tpu.memory_space<vmem>>, vector<1x16xf32>,
        %get3A_1322 = vector.shape_cast %get3A_1321 : vector<1x16xf32> to vector<16xf32>
        %get3A_1323 = arith.index_cast %select_n3A_1318 : i32 to index
        %get3A_1324 = arith.constant 272 : index
        %get3A_1325 = tpu.vector_load %arg6[%get3A_1323, %get3A_1324] {strides = array<i32>} : memref<77x768xf32, #tpu.memory_space<vmem>>, vector<1x16xf32>,
        %get3A_1326 = vector.shape_cast %get3A_1325 : vector<1x16xf32> to vector<16xf32>
        %get3A_1327 = arith.index_cast %select_n3A_1318 : i32 to index
        %get3A_1328 = arith.constant 288 : index
        %get3A_1329 = tpu.vector_load %arg6[%get3A_1327, %get3A_1328] {strides = array<i32>} : memref<77x768xf32, #tpu.memory_space<vmem>>, vector<1x16xf32>,
        %get3A_1330 = vector.shape_cast %get3A_1329 : vector<1x16xf32> to vector<16xf32>
        %get3A_1331 = arith.index_cast %select_n3A_1318 : i32 to index
        %get3A_1332 = arith.constant 304 : index
        %get3A_1333 = tpu.vector_load %arg6[%get3A_1331, %get3A_1332] {strides = array<i32>} : memref<77x768xf32, #tpu.memory_space<vmem>>, vector<1x16xf32>,
        %get3A_1334 = vector.shape_cast %get3A_1333 : vector<1x16xf32> to vector<16xf32>
        %get3A_1335 = arith.index_cast %select_n3A_1318 : i32 to index
        %get3A_1336 = arith.constant 320 : index
        %get3A_1337 = tpu.vector_load %arg6[%get3A_1335, %get3A_1336] {strides = array<i32>} : memref<77x768xf32, #tpu.memory_space<vmem>>, vector<1x16xf32>,
        %get3A_1338 = vector.shape_cast %get3A_1337 : vector<1x16xf32> to vector<16xf32>
        %get3A_1339 = arith.index_cast %select_n3A_1318 : i32 to index
        %get3A_1340 = arith.constant 336 : index
        %get3A_1341 = tpu.vector_load %arg6[%get3A_1339, %get3A_1340] {strides = array<i32>} : memref<77x768xf32, #tpu.memory_space<vmem>>, vector<1x16xf32>,
        %get3A_1342 = vector.shape_cast %get3A_1341 : vector<1x16xf32> to vector<16xf32>
        %get3A_1343 = arith.index_cast %select_n3A_1318 : i32 to index
        %get3A_1344 = arith.constant 352 : index
        %get3A_1345 = tpu.vector_load %arg6[%get3A_1343, %get3A_1344] {strides = array<i32>} : memref<77x768xf32, #tpu.memory_space<vmem>>, vector<1x16xf32>,
        %get3A_1346 = vector.shape_cast %get3A_1345 : vector<1x16xf32> to vector<16xf32>
        %get3A_1347 = arith.index_cast %select_n3A_1318 : i32 to index
        %get3A_1348 = arith.constant 368 : index
        %get3A_1349 = tpu.vector_load %arg6[%get3A_1347, %get3A_1348] {strides = array<i32>} : memref<77x768xf32, #tpu.memory_space<vmem>>, vector<1x16xf32>,
        %get3A_1350 = vector.shape_cast %get3A_1349 : vector<1x16xf32> to vector<16xf32>
        %scan3A_1351 = arith.constant 0 : i32
        %scan3A_1352 = arith.constant 32 : i32
        %scan3A_1353 = arith.addi %scan3A_1351, %scan3A_1352 : i32
        %scan3A_1354 = arith.constant 1 : i32
        scf.for %scan3A_1838 = %scan3A_1351 to %scan3A_1353 step %scan3A_1354  : i32 {
          %mul3A_1839 = arith.constant 1 : i32
          %mul3A_1840 = arith.muli %scan3A_1838, %mul3A_1839 : i32
          %add3A_1841 = arith.constant 0 : i32
          %add3A_1842 = arith.addi %add3A_1841, %mul3A_1840 : i32
          %swap3A = arith.index_cast %add3A_1842 : i32 to index
          %swap3A_1843 = arith.constant 0 : index
          %swap3A_1844 = tpu.vector_load %arg16[%swap3A, %swap3A_1843] {strides = array<i32>} : memref<32x128xf32, #tpu.memory_space<vmem>>, vector<1x16xf32>,
          %swap3A_1845 = vector.shape_cast %swap3A_1844 : vector<1x16xf32> to vector<16xf32>
          %swap3A_1846 = vector.shape_cast %get3A_1322 : vector<16xf32> to vector<1x16xf32>
          tpu.vector_store %arg16[%swap3A, %swap3A_1843], %swap3A_1846 {add = true, strides = array<i32>} : memref<32x128xf32, #tpu.memory_space<vmem>>, vector<1x16xf32>,
          %swap3A_1847 = arith.index_cast %add3A_1842 : i32 to index
          %swap3A_1848 = arith.constant 16 : index
          %swap3A_1849 = tpu.vector_load %arg16[%swap3A_1847, %swap3A_1848] {strides = array<i32>} : memref<32x128xf32, #tpu.memory_space<vmem>>, vector<1x16xf32>,
          %swap3A_1850 = vector.shape_cast %swap3A_1849 : vector<1x16xf32> to vector<16xf32>
          %swap3A_1851 = vector.shape_cast %get3A_1326 : vector<16xf32> to vector<1x16xf32>
          tpu.vector_store %arg16[%swap3A_1847, %swap3A_1848], %swap3A_1851 {add = true, strides = array<i32>} : memref<32x128xf32, #tpu.memory_space<vmem>>, vector<1x16xf32>,
          %swap3A_1852 = arith.index_cast %add3A_1842 : i32 to index
          %swap3A_1853 = arith.constant 32 : index
          %swap3A_1854 = tpu.vector_load %arg16[%swap3A_1852, %swap3A_1853] {strides = array<i32>} : memref<32x128xf32, #tpu.memory_space<vmem>>, vector<1x16xf32>,
          %swap3A_1855 = vector.shape_cast %swap3A_1854 : vector<1x16xf32> to vector<16xf32>
          %swap3A_1856 = vector.shape_cast %get3A_1330 : vector<16xf32> to vector<1x16xf32>
          tpu.vector_store %arg16[%swap3A_1852, %swap3A_1853], %swap3A_1856 {add = true, strides = array<i32>} : memref<32x128xf32, #tpu.memory_space<vmem>>, vector<1x16xf32>,
          %swap3A_1857 = arith.index_cast %add3A_1842 : i32 to index
          %swap3A_1858 = arith.constant 48 : index
          %swap3A_1859 = tpu.vector_load %arg16[%swap3A_1857, %swap3A_1858] {strides = array<i32>} : memref<32x128xf32, #tpu.memory_space<vmem>>, vector<1x16xf32>,
          %swap3A_1860 = vector.shape_cast %swap3A_1859 : vector<1x16xf32> to vector<16xf32>
          %swap3A_1861 = vector.shape_cast %get3A_1334 : vector<16xf32> to vector<1x16xf32>
          tpu.vector_store %arg16[%swap3A_1857, %swap3A_1858], %swap3A_1861 {add = true, strides = array<i32>} : memref<32x128xf32, #tpu.memory_space<vmem>>, vector<1x16xf32>,
          %swap3A_1862 = arith.index_cast %add3A_1842 : i32 to index
          %swap3A_1863 = arith.constant 64 : index
          %swap3A_1864 = tpu.vector_load %arg16[%swap3A_1862, %swap3A_1863] {strides = array<i32>} : memref<32x128xf32, #tpu.memory_space<vmem>>, vector<1x16xf32>,
          %swap3A_1865 = vector.shape_cast %swap3A_1864 : vector<1x16xf32> to vector<16xf32>
          %swap3A_1866 = vector.shape_cast %get3A_1338 : vector<16xf32> to vector<1x16xf32>
          tpu.vector_store %arg16[%swap3A_1862, %swap3A_1863], %swap3A_1866 {add = true, strides = array<i32>} : memref<32x128xf32, #tpu.memory_space<vmem>>, vector<1x16xf32>,
          %swap3A_1867 = arith.index_cast %add3A_1842 : i32 to index
          %swap3A_1868 = arith.constant 80 : index
          %swap3A_1869 = tpu.vector_load %arg16[%swap3A_1867, %swap3A_1868] {strides = array<i32>} : memref<32x128xf32, #tpu.memory_space<vmem>>, vector<1x16xf32>,
          %swap3A_1870 = vector.shape_cast %swap3A_1869 : vector<1x16xf32> to vector<16xf32>
          %swap3A_1871 = vector.shape_cast %get3A_1342 : vector<16xf32> to vector<1x16xf32>
          tpu.vector_store %arg16[%swap3A_1867, %swap3A_1868], %swap3A_1871 {add = true, strides = array<i32>} : memref<32x128xf32, #tpu.memory_space<vmem>>, vector<1x16xf32>,
          %swap3A_1872 = arith.index_cast %add3A_1842 : i32 to index
          %swap3A_1873 = arith.constant 96 : index
          %swap3A_1874 = tpu.vector_load %arg16[%swap3A_1872, %swap3A_1873] {strides = array<i32>} : memref<32x128xf32, #tpu.memory_space<vmem>>, vector<1x16xf32>,
          %swap3A_1875 = vector.shape_cast %swap3A_1874 : vector<1x16xf32> to vector<16xf32>
          %swap3A_1876 = vector.shape_cast %get3A_1346 : vector<16xf32> to vector<1x16xf32>
          tpu.vector_store %arg16[%swap3A_1872, %swap3A_1873], %swap3A_1876 {add = true, strides = array<i32>} : memref<32x128xf32, #tpu.memory_space<vmem>>, vector<1x16xf32>,
          %swap3A_1877 = arith.index_cast %add3A_1842 : i32 to index
          %swap3A_1878 = arith.constant 112 : index
          %swap3A_1879 = tpu.vector_load %arg16[%swap3A_1877, %swap3A_1878] {strides = array<i32>} : memref<32x128xf32, #tpu.memory_space<vmem>>, vector<1x16xf32>,
          %swap3A_1880 = vector.shape_cast %swap3A_1879 : vector<1x16xf32> to vector<16xf32>
          %swap3A_1881 = vector.shape_cast %get3A_1350 : vector<16xf32> to vector<1x16xf32>
          tpu.vector_store %arg16[%swap3A_1877, %swap3A_1878], %swap3A_1881 {add = true, strides = array<i32>} : memref<32x128xf32, #tpu.memory_space<vmem>>, vector<1x16xf32>,
        }
        %scan3A_1355 = arith.constant 32 : i32
        %add3A_1356 = arith.addi %mul3A_2, %add3A_1245 : i32
        %jit3A_1357 = arith.constant 32 : i32
        %div3A_1358 = arith.divsi %add3A_1356, %jit3A_1357 : i32
        %sign3A_1359 = arith.constant 0 : i32
        %sign3A_1360 = arith.cmpi sgt, %add3A_1356, %sign3A_1359 : i32
        %sign3A_1361 = arith.extui %sign3A_1360 : i1 to i32
        %sign3A_1362 = arith.constant 0 : i32
        %sign3A_1363 = arith.cmpi slt, %add3A_1356, %sign3A_1362 : i32
        %sign3A_1364 = arith.extui %sign3A_1363 : i1 to i32
        %sign3A_1365 = arith.subi %sign3A_1361, %sign3A_1364 : i32
        %sign3A_1366 = arith.constant 0 : i32
        %sign3A_1367 = arith.cmpi sgt, %jit3A_1357, %sign3A_1366 : i32
        %sign3A_1368 = arith.extui %sign3A_1367 : i1 to i32
        %sign3A_1369 = arith.constant 0 : i32
        %sign3A_1370 = arith.cmpi slt, %jit3A_1357, %sign3A_1369 : i32
        %sign3A_1371 = arith.extui %sign3A_1370 : i1 to i32
        %sign3A_1372 = arith.subi %sign3A_1368, %sign3A_1371 : i32
        %ne3A_1373 = arith.cmpi ne, %sign3A_1365, %sign3A_1372 : i32
        %rem3A_1374 = arith.remsi %add3A_1356, %jit3A_1357 : i32
        %ne3A_1375 = arith.constant 0 : i32
        %ne3A_1376 = arith.cmpi ne, %rem3A_1374, %ne3A_1375 : i32
        %and3A_1377 = arith.andi %ne3A_1373, %ne3A_1376 : i1
        %sub3A_1378 = arith.constant 1 : i32
        %sub3A_1379 = arith.subi %div3A_1358, %sub3A_1378 : i32
        %select_n3A_1380 = arith.select %and3A_1377, %sub3A_1379, %div3A_1358 : i32
        %rem3A_1381 = arith.constant 32 : i32
        %rem3A_1382 = arith.remsi %add3A_1356, %rem3A_1381 : i32
        %mul3A_1383 = arith.constant 32 : i32
        %mul3A_1384 = arith.muli %rem3A_1382, %mul3A_1383 : i32
        %dma_start3A_1385 = arith.constant 256 : i32
        %dma_start3A_1386 = tpu.memref_slice %arg5[%select_n3A_1380, %mul3A_1384, %dma_start3A_1385] : memref<77x1024x768xf32, #tpu.memory_space<hbm>> -> memref<1x32x128xf32, #tpu.memory_space<hbm>>
        %dma_start3A_1387 = tpu.memref_squeeze %dma_start3A_1386 : memref<1x32x128xf32, #tpu.memory_space<hbm>> -> memref<32x128xf32, #tpu.memory_space<hbm>>
        %dma_start3A_1388 = arith.constant 256 : i32
        %dma_start3A_1389 = tpu.memref_slice %arg5[%select_n3A_1380, %mul3A_1384, %dma_start3A_1388] : memref<77x1024x768xf32, #tpu.memory_space<hbm>> -> memref<1x32x128xf32, #tpu.memory_space<hbm>>
        %dma_start3A_1390 = tpu.memref_squeeze %dma_start3A_1389 : memref<1x32x128xf32, #tpu.memory_space<hbm>> -> memref<32x128xf32, #tpu.memory_space<hbm>>
        tpu.enqueue_dma source(%arg16 : memref<32x128xf32, #tpu.memory_space<vmem>>) target(%dma_start3A_1390 : memref<32x128xf32, #tpu.memory_space<hbm>>) target_semaphore(%arg40 : memref<!tpu.dma_semaphore, #tpu.memory_space<semaphore_mem>>)
        %mul3A_1391 = arith.constant 2 : i32
        %mul3A_1392 = arith.muli %mul3A_1391, %add3A_253 : i32
        %add3A_1393 = arith.constant 1 : i32
        %add3A_1394 = arith.addi %mul3A_1392, %add3A_1393 : i32
        %mul3A_1395 = arith.constant 32 : i32
        %mul3A_1396 = arith.muli %add3A_1394, %mul3A_1395 : i32
        %dma_wait3A_1397 = tpu.memref_slice %arg7[%mul3A_1396] : memref<2464xi32, #tpu.memory_space<vmem>> -> memref<32xi32, #tpu.memory_space<vmem>>
        %dma_wait3A_1398 = arith.constant 0 : i32
        %dma_wait3A_1399 = arith.constant 384 : i32
        %dma_wait3A_1400 = tpu.memref_slice %arg3[%dma_wait3A_1398, %dma_wait3A_1399] : memref<49408x768xf32, #tpu.memory_space<hbm>> -> memref<49408x128xf32, #tpu.memory_space<hbm>>
        tpu.wait_indirect_dma semaphore(%arg29 : memref<!tpu.dma_semaphore, #tpu.memory_space<semaphore_mem>>) src(%dma_wait3A_1400 : memref<49408x128xf32, #tpu.memory_space<hbm>>) dst(%arg17 : memref<32x128xf32, #tpu.memory_space<vmem>>)
        %sub3A_1401 = arith.constant 1 : i32
        %sub3A_1402 = arith.subi %add3A_1394, %sub3A_1401 : i32
        %add3A_1403 = arith.addi %mul3A_2, %sub3A_1402 : i32
        %jit3A_1404 = arith.constant 32 : i32
        %div3A_1405 = arith.divsi %add3A_1403, %jit3A_1404 : i32
        %sign3A_1406 = arith.constant 0 : i32
        %sign3A_1407 = arith.cmpi sgt, %add3A_1403, %sign3A_1406 : i32
        %sign3A_1408 = arith.extui %sign3A_1407 : i1 to i32
        %sign3A_1409 = arith.constant 0 : i32
        %sign3A_1410 = arith.cmpi slt, %add3A_1403, %sign3A_1409 : i32
        %sign3A_1411 = arith.extui %sign3A_1410 : i1 to i32
        %sign3A_1412 = arith.subi %sign3A_1408, %sign3A_1411 : i32
        %sign3A_1413 = arith.constant 0 : i32
        %sign3A_1414 = arith.cmpi sgt, %jit3A_1404, %sign3A_1413 : i32
        %sign3A_1415 = arith.extui %sign3A_1414 : i1 to i32
        %sign3A_1416 = arith.constant 0 : i32
        %sign3A_1417 = arith.cmpi slt, %jit3A_1404, %sign3A_1416 : i32
        %sign3A_1418 = arith.extui %sign3A_1417 : i1 to i32
        %sign3A_1419 = arith.subi %sign3A_1415, %sign3A_1418 : i32
        %ne3A_1420 = arith.cmpi ne, %sign3A_1412, %sign3A_1419 : i32
        %rem3A_1421 = arith.remsi %add3A_1403, %jit3A_1404 : i32
        %ne3A_1422 = arith.constant 0 : i32
        %ne3A_1423 = arith.cmpi ne, %rem3A_1421, %ne3A_1422 : i32
        %and3A_1424 = arith.andi %ne3A_1420, %ne3A_1423 : i1
        %sub3A_1425 = arith.constant 1 : i32
        %sub3A_1426 = arith.subi %div3A_1405, %sub3A_1425 : i32
        %select_n3A_1427 = arith.select %and3A_1424, %sub3A_1426, %div3A_1405 : i32
        %rem3A_1428 = arith.constant 32 : i32
        %rem3A_1429 = arith.remsi %add3A_1403, %rem3A_1428 : i32
        %mul3A_1430 = arith.constant 32 : i32
        %mul3A_1431 = arith.muli %rem3A_1429, %mul3A_1430 : i32
        %dma_wait3A_1432 = arith.constant 384 : i32
        %dma_wait3A_1433 = tpu.memref_slice %arg5[%select_n3A_1427, %mul3A_1431, %dma_wait3A_1432] : memref<77x1024x768xf32, #tpu.memory_space<hbm>> -> memref<1x32x128xf32, #tpu.memory_space<hbm>>
        %dma_wait3A_1434 = tpu.memref_squeeze %dma_wait3A_1433 : memref<1x32x128xf32, #tpu.memory_space<hbm>> -> memref<32x128xf32, #tpu.memory_space<hbm>>
        %dma_wait3A_1435 = arith.constant 384 : i32
        %dma_wait3A_1436 = tpu.memref_slice %arg5[%select_n3A_1427, %mul3A_1431, %dma_wait3A_1435] : memref<77x1024x768xf32, #tpu.memory_space<hbm>> -> memref<1x32x128xf32, #tpu.memory_space<hbm>>
        %dma_wait3A_1437 = tpu.memref_squeeze %dma_wait3A_1436 : memref<1x32x128xf32, #tpu.memory_space<hbm>> -> memref<32x128xf32, #tpu.memory_space<hbm>>
        tpu.wait_dma2 semaphore(%arg35 : memref<!tpu.dma_semaphore, #tpu.memory_space<semaphore_mem>>) src(%arg11 : memref<32x128xf32, #tpu.memory_space<vmem>>) dst(%dma_wait3A_1437 : memref<32x128xf32, #tpu.memory_space<hbm>>)
        %le3A_1438 = arith.constant 37 : i32
        %le3A_1439 = arith.cmpi sle, %add3A_253, %le3A_1438 : i32
        %convert_element_type3A_1440 = arith.extui %le3A_1439 : i1 to i32
        %cond3A_1441 = arith.constant 0 : i32
        %cond3A_1442 = arith.cmpi ne, %convert_element_type3A_1440, %cond3A_1441 : i32
        scf.if %cond3A_1442 {
          %add3A_1838 = arith.constant 1 : i32
          %add3A_1839 = arith.addi %add3A_1394, %add3A_1838 : i32
          %mul3A_1840 = arith.constant 32 : i32
          %mul3A_1841 = arith.muli %add3A_1839, %mul3A_1840 : i32
          %dma_start3A_1842 = tpu.memref_slice %arg7[%mul3A_1841] : memref<2464xi32, #tpu.memory_space<vmem>> -> memref<32xi32, #tpu.memory_space<vmem>>
          %dma_start3A_1843 = arith.constant 0 : i32
          %dma_start3A_1844 = arith.constant 384 : i32
          %dma_start3A_1845 = tpu.memref_slice %arg3[%dma_start3A_1843, %dma_start3A_1844] : memref<49408x768xf32, #tpu.memory_space<hbm>> -> memref<49408x128xf32, #tpu.memory_space<hbm>>
          tpu.enqueue_indirect_dma source(%dma_start3A_1845 : memref<49408x128xf32, #tpu.memory_space<hbm>>) target(%arg11 : memref<32x128xf32, #tpu.memory_space<vmem>>) offsets(%dma_start3A_1842 : memref<32xi32, #tpu.memory_space<vmem>>) semaphore(%arg23 : memref<!tpu.dma_semaphore, #tpu.memory_space<semaphore_mem>>)
        } else {
        }
        %add3A_1443 = arith.addi %mul3A_2, %add3A_1394 : i32
        %jit3A_1444 = arith.constant 32 : i32
        %div3A_1445 = arith.divsi %add3A_1443, %jit3A_1444 : i32
        %sign3A_1446 = arith.constant 0 : i32
        %sign3A_1447 = arith.cmpi sgt, %add3A_1443, %sign3A_1446 : i32
        %sign3A_1448 = arith.extui %sign3A_1447 : i1 to i32
        %sign3A_1449 = arith.constant 0 : i32
        %sign3A_1450 = arith.cmpi slt, %add3A_1443, %sign3A_1449 : i32
        %sign3A_1451 = arith.extui %sign3A_1450 : i1 to i32
        %sign3A_1452 = arith.subi %sign3A_1448, %sign3A_1451 : i32
        %sign3A_1453 = arith.constant 0 : i32
        %sign3A_1454 = arith.cmpi sgt, %jit3A_1444, %sign3A_1453 : i32
        %sign3A_1455 = arith.extui %sign3A_1454 : i1 to i32
        %sign3A_1456 = arith.constant 0 : i32
        %sign3A_1457 = arith.cmpi slt, %jit3A_1444, %sign3A_1456 : i32
        %sign3A_1458 = arith.extui %sign3A_1457 : i1 to i32
        %sign3A_1459 = arith.subi %sign3A_1455, %sign3A_1458 : i32
        %ne3A_1460 = arith.cmpi ne, %sign3A_1452, %sign3A_1459 : i32
        %rem3A_1461 = arith.remsi %add3A_1443, %jit3A_1444 : i32
        %ne3A_1462 = arith.constant 0 : i32
        %ne3A_1463 = arith.cmpi ne, %rem3A_1461, %ne3A_1462 : i32
        %and3A_1464 = arith.andi %ne3A_1460, %ne3A_1463 : i1
        %sub3A_1465 = arith.constant 1 : i32
        %sub3A_1466 = arith.subi %div3A_1445, %sub3A_1465 : i32
        %select_n3A_1467 = arith.select %and3A_1464, %sub3A_1466, %div3A_1445 : i32
        %get3A_1468 = arith.index_cast %select_n3A_1467 : i32 to index
        %get3A_1469 = arith.constant 384 : index
        %get3A_1470 = tpu.vector_load %arg6[%get3A_1468, %get3A_1469] {strides = array<i32>} : memref<77x768xf32, #tpu.memory_space<vmem>>, vector<1x16xf32>,
        %get3A_1471 = vector.shape_cast %get3A_1470 : vector<1x16xf32> to vector<16xf32>
        %get3A_1472 = arith.index_cast %select_n3A_1467 : i32 to index
        %get3A_1473 = arith.constant 400 : index
        %get3A_1474 = tpu.vector_load %arg6[%get3A_1472, %get3A_1473] {strides = array<i32>} : memref<77x768xf32, #tpu.memory_space<vmem>>, vector<1x16xf32>,
        %get3A_1475 = vector.shape_cast %get3A_1474 : vector<1x16xf32> to vector<16xf32>
        %get3A_1476 = arith.index_cast %select_n3A_1467 : i32 to index
        %get3A_1477 = arith.constant 416 : index
        %get3A_1478 = tpu.vector_load %arg6[%get3A_1476, %get3A_1477] {strides = array<i32>} : memref<77x768xf32, #tpu.memory_space<vmem>>, vector<1x16xf32>,
        %get3A_1479 = vector.shape_cast %get3A_1478 : vector<1x16xf32> to vector<16xf32>
        %get3A_1480 = arith.index_cast %select_n3A_1467 : i32 to index
        %get3A_1481 = arith.constant 432 : index
        %get3A_1482 = tpu.vector_load %arg6[%get3A_1480, %get3A_1481] {strides = array<i32>} : memref<77x768xf32, #tpu.memory_space<vmem>>, vector<1x16xf32>,
        %get3A_1483 = vector.shape_cast %get3A_1482 : vector<1x16xf32> to vector<16xf32>
        %get3A_1484 = arith.index_cast %select_n3A_1467 : i32 to index
        %get3A_1485 = arith.constant 448 : index
        %get3A_1486 = tpu.vector_load %arg6[%get3A_1484, %get3A_1485] {strides = array<i32>} : memref<77x768xf32, #tpu.memory_space<vmem>>, vector<1x16xf32>,
        %get3A_1487 = vector.shape_cast %get3A_1486 : vector<1x16xf32> to vector<16xf32>
        %get3A_1488 = arith.index_cast %select_n3A_1467 : i32 to index
        %get3A_1489 = arith.constant 464 : index
        %get3A_1490 = tpu.vector_load %arg6[%get3A_1488, %get3A_1489] {strides = array<i32>} : memref<77x768xf32, #tpu.memory_space<vmem>>, vector<1x16xf32>,
        %get3A_1491 = vector.shape_cast %get3A_1490 : vector<1x16xf32> to vector<16xf32>
        %get3A_1492 = arith.index_cast %select_n3A_1467 : i32 to index
        %get3A_1493 = arith.constant 480 : index
        %get3A_1494 = tpu.vector_load %arg6[%get3A_1492, %get3A_1493] {strides = array<i32>} : memref<77x768xf32, #tpu.memory_space<vmem>>, vector<1x16xf32>,
        %get3A_1495 = vector.shape_cast %get3A_1494 : vector<1x16xf32> to vector<16xf32>
        %get3A_1496 = arith.index_cast %select_n3A_1467 : i32 to index
        %get3A_1497 = arith.constant 496 : index
        %get3A_1498 = tpu.vector_load %arg6[%get3A_1496, %get3A_1497] {strides = array<i32>} : memref<77x768xf32, #tpu.memory_space<vmem>>, vector<1x16xf32>,
        %get3A_1499 = vector.shape_cast %get3A_1498 : vector<1x16xf32> to vector<16xf32>
        %scan3A_1500 = arith.constant 0 : i32
        %scan3A_1501 = arith.constant 32 : i32
        %scan3A_1502 = arith.addi %scan3A_1500, %scan3A_1501 : i32
        %scan3A_1503 = arith.constant 1 : i32
        scf.for %scan3A_1838 = %scan3A_1500 to %scan3A_1502 step %scan3A_1503  : i32 {
          %mul3A_1839 = arith.constant 1 : i32
          %mul3A_1840 = arith.muli %scan3A_1838, %mul3A_1839 : i32
          %add3A_1841 = arith.constant 0 : i32
          %add3A_1842 = arith.addi %add3A_1841, %mul3A_1840 : i32
          %swap3A = arith.index_cast %add3A_1842 : i32 to index
          %swap3A_1843 = arith.constant 0 : index
          %swap3A_1844 = tpu.vector_load %arg17[%swap3A, %swap3A_1843] {strides = array<i32>} : memref<32x128xf32, #tpu.memory_space<vmem>>, vector<1x16xf32>,
          %swap3A_1845 = vector.shape_cast %swap3A_1844 : vector<1x16xf32> to vector<16xf32>
          %swap3A_1846 = vector.shape_cast %get3A_1471 : vector<16xf32> to vector<1x16xf32>
          tpu.vector_store %arg17[%swap3A, %swap3A_1843], %swap3A_1846 {add = true, strides = array<i32>} : memref<32x128xf32, #tpu.memory_space<vmem>>, vector<1x16xf32>,
          %swap3A_1847 = arith.index_cast %add3A_1842 : i32 to index
          %swap3A_1848 = arith.constant 16 : index
          %swap3A_1849 = tpu.vector_load %arg17[%swap3A_1847, %swap3A_1848] {strides = array<i32>} : memref<32x128xf32, #tpu.memory_space<vmem>>, vector<1x16xf32>,
          %swap3A_1850 = vector.shape_cast %swap3A_1849 : vector<1x16xf32> to vector<16xf32>
          %swap3A_1851 = vector.shape_cast %get3A_1475 : vector<16xf32> to vector<1x16xf32>
          tpu.vector_store %arg17[%swap3A_1847, %swap3A_1848], %swap3A_1851 {add = true, strides = array<i32>} : memref<32x128xf32, #tpu.memory_space<vmem>>, vector<1x16xf32>,
          %swap3A_1852 = arith.index_cast %add3A_1842 : i32 to index
          %swap3A_1853 = arith.constant 32 : index
          %swap3A_1854 = tpu.vector_load %arg17[%swap3A_1852, %swap3A_1853] {strides = array<i32>} : memref<32x128xf32, #tpu.memory_space<vmem>>, vector<1x16xf32>,
          %swap3A_1855 = vector.shape_cast %swap3A_1854 : vector<1x16xf32> to vector<16xf32>
          %swap3A_1856 = vector.shape_cast %get3A_1479 : vector<16xf32> to vector<1x16xf32>
          tpu.vector_store %arg17[%swap3A_1852, %swap3A_1853], %swap3A_1856 {add = true, strides = array<i32>} : memref<32x128xf32, #tpu.memory_space<vmem>>, vector<1x16xf32>,
          %swap3A_1857 = arith.index_cast %add3A_1842 : i32 to index
          %swap3A_1858 = arith.constant 48 : index
          %swap3A_1859 = tpu.vector_load %arg17[%swap3A_1857, %swap3A_1858] {strides = array<i32>} : memref<32x128xf32, #tpu.memory_space<vmem>>, vector<1x16xf32>,
          %swap3A_1860 = vector.shape_cast %swap3A_1859 : vector<1x16xf32> to vector<16xf32>
          %swap3A_1861 = vector.shape_cast %get3A_1483 : vector<16xf32> to vector<1x16xf32>
          tpu.vector_store %arg17[%swap3A_1857, %swap3A_1858], %swap3A_1861 {add = true, strides = array<i32>} : memref<32x128xf32, #tpu.memory_space<vmem>>, vector<1x16xf32>,
          %swap3A_1862 = arith.index_cast %add3A_1842 : i32 to index
          %swap3A_1863 = arith.constant 64 : index
          %swap3A_1864 = tpu.vector_load %arg17[%swap3A_1862, %swap3A_1863] {strides = array<i32>} : memref<32x128xf32, #tpu.memory_space<vmem>>, vector<1x16xf32>,
          %swap3A_1865 = vector.shape_cast %swap3A_1864 : vector<1x16xf32> to vector<16xf32>
          %swap3A_1866 = vector.shape_cast %get3A_1487 : vector<16xf32> to vector<1x16xf32>
          tpu.vector_store %arg17[%swap3A_1862, %swap3A_1863], %swap3A_1866 {add = true, strides = array<i32>} : memref<32x128xf32, #tpu.memory_space<vmem>>, vector<1x16xf32>,
          %swap3A_1867 = arith.index_cast %add3A_1842 : i32 to index
          %swap3A_1868 = arith.constant 80 : index
          %swap3A_1869 = tpu.vector_load %arg17[%swap3A_1867, %swap3A_1868] {strides = array<i32>} : memref<32x128xf32, #tpu.memory_space<vmem>>, vector<1x16xf32>,
          %swap3A_1870 = vector.shape_cast %swap3A_1869 : vector<1x16xf32> to vector<16xf32>
          %swap3A_1871 = vector.shape_cast %get3A_1491 : vector<16xf32> to vector<1x16xf32>
          tpu.vector_store %arg17[%swap3A_1867, %swap3A_1868], %swap3A_1871 {add = true, strides = array<i32>} : memref<32x128xf32, #tpu.memory_space<vmem>>, vector<1x16xf32>,
          %swap3A_1872 = arith.index_cast %add3A_1842 : i32 to index
          %swap3A_1873 = arith.constant 96 : index
          %swap3A_1874 = tpu.vector_load %arg17[%swap3A_1872, %swap3A_1873] {strides = array<i32>} : memref<32x128xf32, #tpu.memory_space<vmem>>, vector<1x16xf32>,
          %swap3A_1875 = vector.shape_cast %swap3A_1874 : vector<1x16xf32> to vector<16xf32>
          %swap3A_1876 = vector.shape_cast %get3A_1495 : vector<16xf32> to vector<1x16xf32>
          tpu.vector_store %arg17[%swap3A_1872, %swap3A_1873], %swap3A_1876 {add = true, strides = array<i32>} : memref<32x128xf32, #tpu.memory_space<vmem>>, vector<1x16xf32>,
          %swap3A_1877 = arith.index_cast %add3A_1842 : i32 to index
          %swap3A_1878 = arith.constant 112 : index
          %swap3A_1879 = tpu.vector_load %arg17[%swap3A_1877, %swap3A_1878] {strides = array<i32>} : memref<32x128xf32, #tpu.memory_space<vmem>>, vector<1x16xf32>,
          %swap3A_1880 = vector.shape_cast %swap3A_1879 : vector<1x16xf32> to vector<16xf32>
          %swap3A_1881 = vector.shape_cast %get3A_1499 : vector<16xf32> to vector<1x16xf32>
          tpu.vector_store %arg17[%swap3A_1877, %swap3A_1878], %swap3A_1881 {add = true, strides = array<i32>} : memref<32x128xf32, #tpu.memory_space<vmem>>, vector<1x16xf32>,
        }
        %scan3A_1504 = arith.constant 32 : i32
        %add3A_1505 = arith.addi %mul3A_2, %add3A_1394 : i32
        %jit3A_1506 = arith.constant 32 : i32
        %div3A_1507 = arith.divsi %add3A_1505, %jit3A_1506 : i32
        %sign3A_1508 = arith.constant 0 : i32
        %sign3A_1509 = arith.cmpi sgt, %add3A_1505, %sign3A_1508 : i32
        %sign3A_1510 = arith.extui %sign3A_1509 : i1 to i32
        %sign3A_1511 = arith.constant 0 : i32
        %sign3A_1512 = arith.cmpi slt, %add3A_1505, %sign3A_1511 : i32
        %sign3A_1513 = arith.extui %sign3A_1512 : i1 to i32
        %sign3A_1514 = arith.subi %sign3A_1510, %sign3A_1513 : i32
        %sign3A_1515 = arith.constant 0 : i32
        %sign3A_1516 = arith.cmpi sgt, %jit3A_1506, %sign3A_1515 : i32
        %sign3A_1517 = arith.extui %sign3A_1516 : i1 to i32
        %sign3A_1518 = arith.constant 0 : i32
        %sign3A_1519 = arith.cmpi slt, %jit3A_1506, %sign3A_1518 : i32
        %sign3A_1520 = arith.extui %sign3A_1519 : i1 to i32
        %sign3A_1521 = arith.subi %sign3A_1517, %sign3A_1520 : i32
        %ne3A_1522 = arith.cmpi ne, %sign3A_1514, %sign3A_1521 : i32
        %rem3A_1523 = arith.remsi %add3A_1505, %jit3A_1506 : i32
        %ne3A_1524 = arith.constant 0 : i32
        %ne3A_1525 = arith.cmpi ne, %rem3A_1523, %ne3A_1524 : i32
        %and3A_1526 = arith.andi %ne3A_1522, %ne3A_1525 : i1
        %sub3A_1527 = arith.constant 1 : i32
        %sub3A_1528 = arith.subi %div3A_1507, %sub3A_1527 : i32
        %select_n3A_1529 = arith.select %and3A_1526, %sub3A_1528, %div3A_1507 : i32
        %rem3A_1530 = arith.constant 32 : i32
        %rem3A_1531 = arith.remsi %add3A_1505, %rem3A_1530 : i32
        %mul3A_1532 = arith.constant 32 : i32
        %mul3A_1533 = arith.muli %rem3A_1531, %mul3A_1532 : i32
        %dma_start3A_1534 = arith.constant 384 : i32
        %dma_start3A_1535 = tpu.memref_slice %arg5[%select_n3A_1529, %mul3A_1533, %dma_start3A_1534] : memref<77x1024x768xf32, #tpu.memory_space<hbm>> -> memref<1x32x128xf32, #tpu.memory_space<hbm>>
        %dma_start3A_1536 = tpu.memref_squeeze %dma_start3A_1535 : memref<1x32x128xf32, #tpu.memory_space<hbm>> -> memref<32x128xf32, #tpu.memory_space<hbm>>
        %dma_start3A_1537 = arith.constant 384 : i32
        %dma_start3A_1538 = tpu.memref_slice %arg5[%select_n3A_1529, %mul3A_1533, %dma_start3A_1537] : memref<77x1024x768xf32, #tpu.memory_space<hbm>> -> memref<1x32x128xf32, #tpu.memory_space<hbm>>
        %dma_start3A_1539 = tpu.memref_squeeze %dma_start3A_1538 : memref<1x32x128xf32, #tpu.memory_space<hbm>> -> memref<32x128xf32, #tpu.memory_space<hbm>>
        tpu.enqueue_dma source(%arg17 : memref<32x128xf32, #tpu.memory_space<vmem>>) target(%dma_start3A_1539 : memref<32x128xf32, #tpu.memory_space<hbm>>) target_semaphore(%arg41 : memref<!tpu.dma_semaphore, #tpu.memory_space<semaphore_mem>>)
        %mul3A_1540 = arith.constant 2 : i32
        %mul3A_1541 = arith.muli %mul3A_1540, %add3A_253 : i32
        %add3A_1542 = arith.constant 1 : i32
        %add3A_1543 = arith.addi %mul3A_1541, %add3A_1542 : i32
        %mul3A_1544 = arith.constant 32 : i32
        %mul3A_1545 = arith.muli %add3A_1543, %mul3A_1544 : i32
        %dma_wait3A_1546 = tpu.memref_slice %arg7[%mul3A_1545] : memref<2464xi32, #tpu.memory_space<vmem>> -> memref<32xi32, #tpu.memory_space<vmem>>
        %dma_wait3A_1547 = arith.constant 0 : i32
        %dma_wait3A_1548 = arith.constant 512 : i32
        %dma_wait3A_1549 = tpu.memref_slice %arg3[%dma_wait3A_1547, %dma_wait3A_1548] : memref<49408x768xf32, #tpu.memory_space<hbm>> -> memref<49408x128xf32, #tpu.memory_space<hbm>>
        tpu.wait_indirect_dma semaphore(%arg30 : memref<!tpu.dma_semaphore, #tpu.memory_space<semaphore_mem>>) src(%dma_wait3A_1549 : memref<49408x128xf32, #tpu.memory_space<hbm>>) dst(%arg18 : memref<32x128xf32, #tpu.memory_space<vmem>>)
        %sub3A_1550 = arith.constant 1 : i32
        %sub3A_1551 = arith.subi %add3A_1543, %sub3A_1550 : i32
        %add3A_1552 = arith.addi %mul3A_2, %sub3A_1551 : i32
        %jit3A_1553 = arith.constant 32 : i32
        %div3A_1554 = arith.divsi %add3A_1552, %jit3A_1553 : i32
        %sign3A_1555 = arith.constant 0 : i32
        %sign3A_1556 = arith.cmpi sgt, %add3A_1552, %sign3A_1555 : i32
        %sign3A_1557 = arith.extui %sign3A_1556 : i1 to i32
        %sign3A_1558 = arith.constant 0 : i32
        %sign3A_1559 = arith.cmpi slt, %add3A_1552, %sign3A_1558 : i32
        %sign3A_1560 = arith.extui %sign3A_1559 : i1 to i32
        %sign3A_1561 = arith.subi %sign3A_1557, %sign3A_1560 : i32
        %sign3A_1562 = arith.constant 0 : i32
        %sign3A_1563 = arith.cmpi sgt, %jit3A_1553, %sign3A_1562 : i32
        %sign3A_1564 = arith.extui %sign3A_1563 : i1 to i32
        %sign3A_1565 = arith.constant 0 : i32
        %sign3A_1566 = arith.cmpi slt, %jit3A_1553, %sign3A_1565 : i32
        %sign3A_1567 = arith.extui %sign3A_1566 : i1 to i32
        %sign3A_1568 = arith.subi %sign3A_1564, %sign3A_1567 : i32
        %ne3A_1569 = arith.cmpi ne, %sign3A_1561, %sign3A_1568 : i32
        %rem3A_1570 = arith.remsi %add3A_1552, %jit3A_1553 : i32
        %ne3A_1571 = arith.constant 0 : i32
        %ne3A_1572 = arith.cmpi ne, %rem3A_1570, %ne3A_1571 : i32
        %and3A_1573 = arith.andi %ne3A_1569, %ne3A_1572 : i1
        %sub3A_1574 = arith.constant 1 : i32
        %sub3A_1575 = arith.subi %div3A_1554, %sub3A_1574 : i32
        %select_n3A_1576 = arith.select %and3A_1573, %sub3A_1575, %div3A_1554 : i32
        %rem3A_1577 = arith.constant 32 : i32
        %rem3A_1578 = arith.remsi %add3A_1552, %rem3A_1577 : i32
        %mul3A_1579 = arith.constant 32 : i32
        %mul3A_1580 = arith.muli %rem3A_1578, %mul3A_1579 : i32
        %dma_wait3A_1581 = arith.constant 512 : i32
        %dma_wait3A_1582 = tpu.memref_slice %arg5[%select_n3A_1576, %mul3A_1580, %dma_wait3A_1581] : memref<77x1024x768xf32, #tpu.memory_space<hbm>> -> memref<1x32x128xf32, #tpu.memory_space<hbm>>
        %dma_wait3A_1583 = tpu.memref_squeeze %dma_wait3A_1582 : memref<1x32x128xf32, #tpu.memory_space<hbm>> -> memref<32x128xf32, #tpu.memory_space<hbm>>
        %dma_wait3A_1584 = arith.constant 512 : i32
        %dma_wait3A_1585 = tpu.memref_slice %arg5[%select_n3A_1576, %mul3A_1580, %dma_wait3A_1584] : memref<77x1024x768xf32, #tpu.memory_space<hbm>> -> memref<1x32x128xf32, #tpu.memory_space<hbm>>
        %dma_wait3A_1586 = tpu.memref_squeeze %dma_wait3A_1585 : memref<1x32x128xf32, #tpu.memory_space<hbm>> -> memref<32x128xf32, #tpu.memory_space<hbm>>
        tpu.wait_dma2 semaphore(%arg36 : memref<!tpu.dma_semaphore, #tpu.memory_space<semaphore_mem>>) src(%arg12 : memref<32x128xf32, #tpu.memory_space<vmem>>) dst(%dma_wait3A_1586 : memref<32x128xf32, #tpu.memory_space<hbm>>)
        %le3A_1587 = arith.constant 37 : i32
        %le3A_1588 = arith.cmpi sle, %add3A_253, %le3A_1587 : i32
        %convert_element_type3A_1589 = arith.extui %le3A_1588 : i1 to i32
        %cond3A_1590 = arith.constant 0 : i32
        %cond3A_1591 = arith.cmpi ne, %convert_element_type3A_1589, %cond3A_1590 : i32
        scf.if %cond3A_1591 {
          %add3A_1838 = arith.constant 1 : i32
          %add3A_1839 = arith.addi %add3A_1543, %add3A_1838 : i32
          %mul3A_1840 = arith.constant 32 : i32
          %mul3A_1841 = arith.muli %add3A_1839, %mul3A_1840 : i32
          %dma_start3A_1842 = tpu.memref_slice %arg7[%mul3A_1841] : memref<2464xi32, #tpu.memory_space<vmem>> -> memref<32xi32, #tpu.memory_space<vmem>>
          %dma_start3A_1843 = arith.constant 0 : i32
          %dma_start3A_1844 = arith.constant 512 : i32
          %dma_start3A_1845 = tpu.memref_slice %arg3[%dma_start3A_1843, %dma_start3A_1844] : memref<49408x768xf32, #tpu.memory_space<hbm>> -> memref<49408x128xf32, #tpu.memory_space<hbm>>
          tpu.enqueue_indirect_dma source(%dma_start3A_1845 : memref<49408x128xf32, #tpu.memory_space<hbm>>) target(%arg12 : memref<32x128xf32, #tpu.memory_space<vmem>>) offsets(%dma_start3A_1842 : memref<32xi32, #tpu.memory_space<vmem>>) semaphore(%arg24 : memref<!tpu.dma_semaphore, #tpu.memory_space<semaphore_mem>>)
        } else {
        }
        %add3A_1592 = arith.addi %mul3A_2, %add3A_1543 : i32
        %jit3A_1593 = arith.constant 32 : i32
        %div3A_1594 = arith.divsi %add3A_1592, %jit3A_1593 : i32
        %sign3A_1595 = arith.constant 0 : i32
        %sign3A_1596 = arith.cmpi sgt, %add3A_1592, %sign3A_1595 : i32
        %sign3A_1597 = arith.extui %sign3A_1596 : i1 to i32
        %sign3A_1598 = arith.constant 0 : i32
        %sign3A_1599 = arith.cmpi slt, %add3A_1592, %sign3A_1598 : i32
        %sign3A_1600 = arith.extui %sign3A_1599 : i1 to i32
        %sign3A_1601 = arith.subi %sign3A_1597, %sign3A_1600 : i32
        %sign3A_1602 = arith.constant 0 : i32
        %sign3A_1603 = arith.cmpi sgt, %jit3A_1593, %sign3A_1602 : i32
        %sign3A_1604 = arith.extui %sign3A_1603 : i1 to i32
        %sign3A_1605 = arith.constant 0 : i32
        %sign3A_1606 = arith.cmpi slt, %jit3A_1593, %sign3A_1605 : i32
        %sign3A_1607 = arith.extui %sign3A_1606 : i1 to i32
        %sign3A_1608 = arith.subi %sign3A_1604, %sign3A_1607 : i32
        %ne3A_1609 = arith.cmpi ne, %sign3A_1601, %sign3A_1608 : i32
        %rem3A_1610 = arith.remsi %add3A_1592, %jit3A_1593 : i32
        %ne3A_1611 = arith.constant 0 : i32
        %ne3A_1612 = arith.cmpi ne, %rem3A_1610, %ne3A_1611 : i32
        %and3A_1613 = arith.andi %ne3A_1609, %ne3A_1612 : i1
        %sub3A_1614 = arith.constant 1 : i32
        %sub3A_1615 = arith.subi %div3A_1594, %sub3A_1614 : i32
        %select_n3A_1616 = arith.select %and3A_1613, %sub3A_1615, %div3A_1594 : i32
        %get3A_1617 = arith.index_cast %select_n3A_1616 : i32 to index
        %get3A_1618 = arith.constant 512 : index
        %get3A_1619 = tpu.vector_load %arg6[%get3A_1617, %get3A_1618] {strides = array<i32>} : memref<77x768xf32, #tpu.memory_space<vmem>>, vector<1x16xf32>,
        %get3A_1620 = vector.shape_cast %get3A_1619 : vector<1x16xf32> to vector<16xf32>
        %get3A_1621 = arith.index_cast %select_n3A_1616 : i32 to index
        %get3A_1622 = arith.constant 528 : index
        %get3A_1623 = tpu.vector_load %arg6[%get3A_1621, %get3A_1622] {strides = array<i32>} : memref<77x768xf32, #tpu.memory_space<vmem>>, vector<1x16xf32>,
        %get3A_1624 = vector.shape_cast %get3A_1623 : vector<1x16xf32> to vector<16xf32>
        %get3A_1625 = arith.index_cast %select_n3A_1616 : i32 to index
        %get3A_1626 = arith.constant 544 : index
        %get3A_1627 = tpu.vector_load %arg6[%get3A_1625, %get3A_1626] {strides = array<i32>} : memref<77x768xf32, #tpu.memory_space<vmem>>, vector<1x16xf32>,
        %get3A_1628 = vector.shape_cast %get3A_1627 : vector<1x16xf32> to vector<16xf32>
        %get3A_1629 = arith.index_cast %select_n3A_1616 : i32 to index
        %get3A_1630 = arith.constant 560 : index
        %get3A_1631 = tpu.vector_load %arg6[%get3A_1629, %get3A_1630] {strides = array<i32>} : memref<77x768xf32, #tpu.memory_space<vmem>>, vector<1x16xf32>,
        %get3A_1632 = vector.shape_cast %get3A_1631 : vector<1x16xf32> to vector<16xf32>
        %get3A_1633 = arith.index_cast %select_n3A_1616 : i32 to index
        %get3A_1634 = arith.constant 576 : index
        %get3A_1635 = tpu.vector_load %arg6[%get3A_1633, %get3A_1634] {strides = array<i32>} : memref<77x768xf32, #tpu.memory_space<vmem>>, vector<1x16xf32>,
        %get3A_1636 = vector.shape_cast %get3A_1635 : vector<1x16xf32> to vector<16xf32>
        %get3A_1637 = arith.index_cast %select_n3A_1616 : i32 to index
        %get3A_1638 = arith.constant 592 : index
        %get3A_1639 = tpu.vector_load %arg6[%get3A_1637, %get3A_1638] {strides = array<i32>} : memref<77x768xf32, #tpu.memory_space<vmem>>, vector<1x16xf32>,
        %get3A_1640 = vector.shape_cast %get3A_1639 : vector<1x16xf32> to vector<16xf32>
        %get3A_1641 = arith.index_cast %select_n3A_1616 : i32 to index
        %get3A_1642 = arith.constant 608 : index
        %get3A_1643 = tpu.vector_load %arg6[%get3A_1641, %get3A_1642] {strides = array<i32>} : memref<77x768xf32, #tpu.memory_space<vmem>>, vector<1x16xf32>,
        %get3A_1644 = vector.shape_cast %get3A_1643 : vector<1x16xf32> to vector<16xf32>
        %get3A_1645 = arith.index_cast %select_n3A_1616 : i32 to index
        %get3A_1646 = arith.constant 624 : index
        %get3A_1647 = tpu.vector_load %arg6[%get3A_1645, %get3A_1646] {strides = array<i32>} : memref<77x768xf32, #tpu.memory_space<vmem>>, vector<1x16xf32>,
        %get3A_1648 = vector.shape_cast %get3A_1647 : vector<1x16xf32> to vector<16xf32>
        %scan3A_1649 = arith.constant 0 : i32
        %scan3A_1650 = arith.constant 32 : i32
        %scan3A_1651 = arith.addi %scan3A_1649, %scan3A_1650 : i32
        %scan3A_1652 = arith.constant 1 : i32
        scf.for %scan3A_1838 = %scan3A_1649 to %scan3A_1651 step %scan3A_1652  : i32 {
          %mul3A_1839 = arith.constant 1 : i32
          %mul3A_1840 = arith.muli %scan3A_1838, %mul3A_1839 : i32
          %add3A_1841 = arith.constant 0 : i32
          %add3A_1842 = arith.addi %add3A_1841, %mul3A_1840 : i32
          %swap3A = arith.index_cast %add3A_1842 : i32 to index
          %swap3A_1843 = arith.constant 0 : index
          %swap3A_1844 = tpu.vector_load %arg18[%swap3A, %swap3A_1843] {strides = array<i32>} : memref<32x128xf32, #tpu.memory_space<vmem>>, vector<1x16xf32>,
          %swap3A_1845 = vector.shape_cast %swap3A_1844 : vector<1x16xf32> to vector<16xf32>
          %swap3A_1846 = vector.shape_cast %get3A_1620 : vector<16xf32> to vector<1x16xf32>
          tpu.vector_store %arg18[%swap3A, %swap3A_1843], %swap3A_1846 {add = true, strides = array<i32>} : memref<32x128xf32, #tpu.memory_space<vmem>>, vector<1x16xf32>,
          %swap3A_1847 = arith.index_cast %add3A_1842 : i32 to index
          %swap3A_1848 = arith.constant 16 : index
          %swap3A_1849 = tpu.vector_load %arg18[%swap3A_1847, %swap3A_1848] {strides = array<i32>} : memref<32x128xf32, #tpu.memory_space<vmem>>, vector<1x16xf32>,
          %swap3A_1850 = vector.shape_cast %swap3A_1849 : vector<1x16xf32> to vector<16xf32>
          %swap3A_1851 = vector.shape_cast %get3A_1624 : vector<16xf32> to vector<1x16xf32>
          tpu.vector_store %arg18[%swap3A_1847, %swap3A_1848], %swap3A_1851 {add = true, strides = array<i32>} : memref<32x128xf32, #tpu.memory_space<vmem>>, vector<1x16xf32>,
          %swap3A_1852 = arith.index_cast %add3A_1842 : i32 to index
          %swap3A_1853 = arith.constant 32 : index
          %swap3A_1854 = tpu.vector_load %arg18[%swap3A_1852, %swap3A_1853] {strides = array<i32>} : memref<32x128xf32, #tpu.memory_space<vmem>>, vector<1x16xf32>,
          %swap3A_1855 = vector.shape_cast %swap3A_1854 : vector<1x16xf32> to vector<16xf32>
          %swap3A_1856 = vector.shape_cast %get3A_1628 : vector<16xf32> to vector<1x16xf32>
          tpu.vector_store %arg18[%swap3A_1852, %swap3A_1853], %swap3A_1856 {add = true, strides = array<i32>} : memref<32x128xf32, #tpu.memory_space<vmem>>, vector<1x16xf32>,
          %swap3A_1857 = arith.index_cast %add3A_1842 : i32 to index
          %swap3A_1858 = arith.constant 48 : index
          %swap3A_1859 = tpu.vector_load %arg18[%swap3A_1857, %swap3A_1858] {strides = array<i32>} : memref<32x128xf32, #tpu.memory_space<vmem>>, vector<1x16xf32>,
          %swap3A_1860 = vector.shape_cast %swap3A_1859 : vector<1x16xf32> to vector<16xf32>
          %swap3A_1861 = vector.shape_cast %get3A_1632 : vector<16xf32> to vector<1x16xf32>
          tpu.vector_store %arg18[%swap3A_1857, %swap3A_1858], %swap3A_1861 {add = true, strides = array<i32>} : memref<32x128xf32, #tpu.memory_space<vmem>>, vector<1x16xf32>,
          %swap3A_1862 = arith.index_cast %add3A_1842 : i32 to index
          %swap3A_1863 = arith.constant 64 : index
          %swap3A_1864 = tpu.vector_load %arg18[%swap3A_1862, %swap3A_1863] {strides = array<i32>} : memref<32x128xf32, #tpu.memory_space<vmem>>, vector<1x16xf32>,
          %swap3A_1865 = vector.shape_cast %swap3A_1864 : vector<1x16xf32> to vector<16xf32>
          %swap3A_1866 = vector.shape_cast %get3A_1636 : vector<16xf32> to vector<1x16xf32>
          tpu.vector_store %arg18[%swap3A_1862, %swap3A_1863], %swap3A_1866 {add = true, strides = array<i32>} : memref<32x128xf32, #tpu.memory_space<vmem>>, vector<1x16xf32>,
          %swap3A_1867 = arith.index_cast %add3A_1842 : i32 to index
          %swap3A_1868 = arith.constant 80 : index
          %swap3A_1869 = tpu.vector_load %arg18[%swap3A_1867, %swap3A_1868] {strides = array<i32>} : memref<32x128xf32, #tpu.memory_space<vmem>>, vector<1x16xf32>,
          %swap3A_1870 = vector.shape_cast %swap3A_1869 : vector<1x16xf32> to vector<16xf32>
          %swap3A_1871 = vector.shape_cast %get3A_1640 : vector<16xf32> to vector<1x16xf32>
          tpu.vector_store %arg18[%swap3A_1867, %swap3A_1868], %swap3A_1871 {add = true, strides = array<i32>} : memref<32x128xf32, #tpu.memory_space<vmem>>, vector<1x16xf32>,
          %swap3A_1872 = arith.index_cast %add3A_1842 : i32 to index
          %swap3A_1873 = arith.constant 96 : index
          %swap3A_1874 = tpu.vector_load %arg18[%swap3A_1872, %swap3A_1873] {strides = array<i32>} : memref<32x128xf32, #tpu.memory_space<vmem>>, vector<1x16xf32>,
          %swap3A_1875 = vector.shape_cast %swap3A_1874 : vector<1x16xf32> to vector<16xf32>
          %swap3A_1876 = vector.shape_cast %get3A_1644 : vector<16xf32> to vector<1x16xf32>
          tpu.vector_store %arg18[%swap3A_1872, %swap3A_1873], %swap3A_1876 {add = true, strides = array<i32>} : memref<32x128xf32, #tpu.memory_space<vmem>>, vector<1x16xf32>,
          %swap3A_1877 = arith.index_cast %add3A_1842 : i32 to index
          %swap3A_1878 = arith.constant 112 : index
          %swap3A_1879 = tpu.vector_load %arg18[%swap3A_1877, %swap3A_1878] {strides = array<i32>} : memref<32x128xf32, #tpu.memory_space<vmem>>, vector<1x16xf32>,
          %swap3A_1880 = vector.shape_cast %swap3A_1879 : vector<1x16xf32> to vector<16xf32>
          %swap3A_1881 = vector.shape_cast %get3A_1648 : vector<16xf32> to vector<1x16xf32>
          tpu.vector_store %arg18[%swap3A_1877, %swap3A_1878], %swap3A_1881 {add = true, strides = array<i32>} : memref<32x128xf32, #tpu.memory_space<vmem>>, vector<1x16xf32>,
        }
        %scan3A_1653 = arith.constant 32 : i32
        %add3A_1654 = arith.addi %mul3A_2, %add3A_1543 : i32
        %jit3A_1655 = arith.constant 32 : i32
        %div3A_1656 = arith.divsi %add3A_1654, %jit3A_1655 : i32
        %sign3A_1657 = arith.constant 0 : i32
        %sign3A_1658 = arith.cmpi sgt, %add3A_1654, %sign3A_1657 : i32
        %sign3A_1659 = arith.extui %sign3A_1658 : i1 to i32
        %sign3A_1660 = arith.constant 0 : i32
        %sign3A_1661 = arith.cmpi slt, %add3A_1654, %sign3A_1660 : i32
        %sign3A_1662 = arith.extui %sign3A_1661 : i1 to i32
        %sign3A_1663 = arith.subi %sign3A_1659, %sign3A_1662 : i32
        %sign3A_1664 = arith.constant 0 : i32
        %sign3A_1665 = arith.cmpi sgt, %jit3A_1655, %sign3A_1664 : i32
        %sign3A_1666 = arith.extui %sign3A_1665 : i1 to i32
        %sign3A_1667 = arith.constant 0 : i32
        %sign3A_1668 = arith.cmpi slt, %jit3A_1655, %sign3A_1667 : i32
        %sign3A_1669 = arith.extui %sign3A_1668 : i1 to i32
        %sign3A_1670 = arith.subi %sign3A_1666, %sign3A_1669 : i32
        %ne3A_1671 = arith.cmpi ne, %sign3A_1663, %sign3A_1670 : i32
        %rem3A_1672 = arith.remsi %add3A_1654, %jit3A_1655 : i32
        %ne3A_1673 = arith.constant 0 : i32
        %ne3A_1674 = arith.cmpi ne, %rem3A_1672, %ne3A_1673 : i32
        %and3A_1675 = arith.andi %ne3A_1671, %ne3A_1674 : i1
        %sub3A_1676 = arith.constant 1 : i32
        %sub3A_1677 = arith.subi %div3A_1656, %sub3A_1676 : i32
        %select_n3A_1678 = arith.select %and3A_1675, %sub3A_1677, %div3A_1656 : i32
        %rem3A_1679 = arith.constant 32 : i32
        %rem3A_1680 = arith.remsi %add3A_1654, %rem3A_1679 : i32
        %mul3A_1681 = arith.constant 32 : i32
        %mul3A_1682 = arith.muli %rem3A_1680, %mul3A_1681 : i32
        %dma_start3A_1683 = arith.constant 512 : i32
        %dma_start3A_1684 = tpu.memref_slice %arg5[%select_n3A_1678, %mul3A_1682, %dma_start3A_1683] : memref<77x1024x768xf32, #tpu.memory_space<hbm>> -> memref<1x32x128xf32, #tpu.memory_space<hbm>>
        %dma_start3A_1685 = tpu.memref_squeeze %dma_start3A_1684 : memref<1x32x128xf32, #tpu.memory_space<hbm>> -> memref<32x128xf32, #tpu.memory_space<hbm>>
        %dma_start3A_1686 = arith.constant 512 : i32
        %dma_start3A_1687 = tpu.memref_slice %arg5[%select_n3A_1678, %mul3A_1682, %dma_start3A_1686] : memref<77x1024x768xf32, #tpu.memory_space<hbm>> -> memref<1x32x128xf32, #tpu.memory_space<hbm>>
        %dma_start3A_1688 = tpu.memref_squeeze %dma_start3A_1687 : memref<1x32x128xf32, #tpu.memory_space<hbm>> -> memref<32x128xf32, #tpu.memory_space<hbm>>
        tpu.enqueue_dma source(%arg18 : memref<32x128xf32, #tpu.memory_space<vmem>>) target(%dma_start3A_1688 : memref<32x128xf32, #tpu.memory_space<hbm>>) target_semaphore(%arg42 : memref<!tpu.dma_semaphore, #tpu.memory_space<semaphore_mem>>)
        %mul3A_1689 = arith.constant 2 : i32
        %mul3A_1690 = arith.muli %mul3A_1689, %add3A_253 : i32
        %add3A_1691 = arith.constant 1 : i32
        %add3A_1692 = arith.addi %mul3A_1690, %add3A_1691 : i32
        %mul3A_1693 = arith.constant 32 : i32
        %mul3A_1694 = arith.muli %add3A_1692, %mul3A_1693 : i32
        %dma_wait3A_1695 = tpu.memref_slice %arg7[%mul3A_1694] : memref<2464xi32, #tpu.memory_space<vmem>> -> memref<32xi32, #tpu.memory_space<vmem>>
        %dma_wait3A_1696 = arith.constant 0 : i32
        %dma_wait3A_1697 = arith.constant 640 : i32
        %dma_wait3A_1698 = tpu.memref_slice %arg3[%dma_wait3A_1696, %dma_wait3A_1697] : memref<49408x768xf32, #tpu.memory_space<hbm>> -> memref<49408x128xf32, #tpu.memory_space<hbm>>
        tpu.wait_indirect_dma semaphore(%arg31 : memref<!tpu.dma_semaphore, #tpu.memory_space<semaphore_mem>>) src(%dma_wait3A_1698 : memref<49408x128xf32, #tpu.memory_space<hbm>>) dst(%arg19 : memref<32x128xf32, #tpu.memory_space<vmem>>)
        %sub3A_1699 = arith.constant 1 : i32
        %sub3A_1700 = arith.subi %add3A_1692, %sub3A_1699 : i32
        %add3A_1701 = arith.addi %mul3A_2, %sub3A_1700 : i32
        %jit3A_1702 = arith.constant 32 : i32
        %div3A_1703 = arith.divsi %add3A_1701, %jit3A_1702 : i32
        %sign3A_1704 = arith.constant 0 : i32
        %sign3A_1705 = arith.cmpi sgt, %add3A_1701, %sign3A_1704 : i32
        %sign3A_1706 = arith.extui %sign3A_1705 : i1 to i32
        %sign3A_1707 = arith.constant 0 : i32
        %sign3A_1708 = arith.cmpi slt, %add3A_1701, %sign3A_1707 : i32
        %sign3A_1709 = arith.extui %sign3A_1708 : i1 to i32
        %sign3A_1710 = arith.subi %sign3A_1706, %sign3A_1709 : i32
        %sign3A_1711 = arith.constant 0 : i32
        %sign3A_1712 = arith.cmpi sgt, %jit3A_1702, %sign3A_1711 : i32
        %sign3A_1713 = arith.extui %sign3A_1712 : i1 to i32
        %sign3A_1714 = arith.constant 0 : i32
        %sign3A_1715 = arith.cmpi slt, %jit3A_1702, %sign3A_1714 : i32
        %sign3A_1716 = arith.extui %sign3A_1715 : i1 to i32
        %sign3A_1717 = arith.subi %sign3A_1713, %sign3A_1716 : i32
        %ne3A_1718 = arith.cmpi ne, %sign3A_1710, %sign3A_1717 : i32
        %rem3A_1719 = arith.remsi %add3A_1701, %jit3A_1702 : i32
        %ne3A_1720 = arith.constant 0 : i32
        %ne3A_1721 = arith.cmpi ne, %rem3A_1719, %ne3A_1720 : i32
        %and3A_1722 = arith.andi %ne3A_1718, %ne3A_1721 : i1
        %sub3A_1723 = arith.constant 1 : i32
        %sub3A_1724 = arith.subi %div3A_1703, %sub3A_1723 : i32
        %select_n3A_1725 = arith.select %and3A_1722, %sub3A_1724, %div3A_1703 : i32
        %rem3A_1726 = arith.constant 32 : i32
        %rem3A_1727 = arith.remsi %add3A_1701, %rem3A_1726 : i32
        %mul3A_1728 = arith.constant 32 : i32
        %mul3A_1729 = arith.muli %rem3A_1727, %mul3A_1728 : i32
        %dma_wait3A_1730 = arith.constant 640 : i32
        %dma_wait3A_1731 = tpu.memref_slice %arg5[%select_n3A_1725, %mul3A_1729, %dma_wait3A_1730] : memref<77x1024x768xf32, #tpu.memory_space<hbm>> -> memref<1x32x128xf32, #tpu.memory_space<hbm>>
        %dma_wait3A_1732 = tpu.memref_squeeze %dma_wait3A_1731 : memref<1x32x128xf32, #tpu.memory_space<hbm>> -> memref<32x128xf32, #tpu.memory_space<hbm>>
        %dma_wait3A_1733 = arith.constant 640 : i32
        %dma_wait3A_1734 = tpu.memref_slice %arg5[%select_n3A_1725, %mul3A_1729, %dma_wait3A_1733] : memref<77x1024x768xf32, #tpu.memory_space<hbm>> -> memref<1x32x128xf32, #tpu.memory_space<hbm>>
        %dma_wait3A_1735 = tpu.memref_squeeze %dma_wait3A_1734 : memref<1x32x128xf32, #tpu.memory_space<hbm>> -> memref<32x128xf32, #tpu.memory_space<hbm>>
        tpu.wait_dma2 semaphore(%arg37 : memref<!tpu.dma_semaphore, #tpu.memory_space<semaphore_mem>>) src(%arg13 : memref<32x128xf32, #tpu.memory_space<vmem>>) dst(%dma_wait3A_1735 : memref<32x128xf32, #tpu.memory_space<hbm>>)
        %le3A_1736 = arith.constant 37 : i32
        %le3A_1737 = arith.cmpi sle, %add3A_253, %le3A_1736 : i32
        %convert_element_type3A_1738 = arith.extui %le3A_1737 : i1 to i32
        %cond3A_1739 = arith.constant 0 : i32
        %cond3A_1740 = arith.cmpi ne, %convert_element_type3A_1738, %cond3A_1739 : i32
        scf.if %cond3A_1740 {
          %add3A_1838 = arith.constant 1 : i32
          %add3A_1839 = arith.addi %add3A_1692, %add3A_1838 : i32
          %mul3A_1840 = arith.constant 32 : i32
          %mul3A_1841 = arith.muli %add3A_1839, %mul3A_1840 : i32
          %dma_start3A_1842 = tpu.memref_slice %arg7[%mul3A_1841] : memref<2464xi32, #tpu.memory_space<vmem>> -> memref<32xi32, #tpu.memory_space<vmem>>
          %dma_start3A_1843 = arith.constant 0 : i32
          %dma_start3A_1844 = arith.constant 640 : i32
          %dma_start3A_1845 = tpu.memref_slice %arg3[%dma_start3A_1843, %dma_start3A_1844] : memref<49408x768xf32, #tpu.memory_space<hbm>> -> memref<49408x128xf32, #tpu.memory_space<hbm>>
          tpu.enqueue_indirect_dma source(%dma_start3A_1845 : memref<49408x128xf32, #tpu.memory_space<hbm>>) target(%arg13 : memref<32x128xf32, #tpu.memory_space<vmem>>) offsets(%dma_start3A_1842 : memref<32xi32, #tpu.memory_space<vmem>>) semaphore(%arg25 : memref<!tpu.dma_semaphore, #tpu.memory_space<semaphore_mem>>)
        } else {
        }
        %add3A_1741 = arith.addi %mul3A_2, %add3A_1692 : i32
        %jit3A_1742 = arith.constant 32 : i32
        %div3A_1743 = arith.divsi %add3A_1741, %jit3A_1742 : i32
        %sign3A_1744 = arith.constant 0 : i32
        %sign3A_1745 = arith.cmpi sgt, %add3A_1741, %sign3A_1744 : i32
        %sign3A_1746 = arith.extui %sign3A_1745 : i1 to i32
        %sign3A_1747 = arith.constant 0 : i32
        %sign3A_1748 = arith.cmpi slt, %add3A_1741, %sign3A_1747 : i32
        %sign3A_1749 = arith.extui %sign3A_1748 : i1 to i32
        %sign3A_1750 = arith.subi %sign3A_1746, %sign3A_1749 : i32
        %sign3A_1751 = arith.constant 0 : i32
        %sign3A_1752 = arith.cmpi sgt, %jit3A_1742, %sign3A_1751 : i32
        %sign3A_1753 = arith.extui %sign3A_1752 : i1 to i32
        %sign3A_1754 = arith.constant 0 : i32
        %sign3A_1755 = arith.cmpi slt, %jit3A_1742, %sign3A_1754 : i32
        %sign3A_1756 = arith.extui %sign3A_1755 : i1 to i32
        %sign3A_1757 = arith.subi %sign3A_1753, %sign3A_1756 : i32
        %ne3A_1758 = arith.cmpi ne, %sign3A_1750, %sign3A_1757 : i32
        %rem3A_1759 = arith.remsi %add3A_1741, %jit3A_1742 : i32
        %ne3A_1760 = arith.constant 0 : i32
        %ne3A_1761 = arith.cmpi ne, %rem3A_1759, %ne3A_1760 : i32
        %and3A_1762 = arith.andi %ne3A_1758, %ne3A_1761 : i1
        %sub3A_1763 = arith.constant 1 : i32
        %sub3A_1764 = arith.subi %div3A_1743, %sub3A_1763 : i32
        %select_n3A_1765 = arith.select %and3A_1762, %sub3A_1764, %div3A_1743 : i32
        %get3A_1766 = arith.index_cast %select_n3A_1765 : i32 to index
        %get3A_1767 = arith.constant 640 : index
        %get3A_1768 = tpu.vector_load %arg6[%get3A_1766, %get3A_1767] {strides = array<i32>} : memref<77x768xf32, #tpu.memory_space<vmem>>, vector<1x16xf32>,
        %get3A_1769 = vector.shape_cast %get3A_1768 : vector<1x16xf32> to vector<16xf32>
        %get3A_1770 = arith.index_cast %select_n3A_1765 : i32 to index
        %get3A_1771 = arith.constant 656 : index
        %get3A_1772 = tpu.vector_load %arg6[%get3A_1770, %get3A_1771] {strides = array<i32>} : memref<77x768xf32, #tpu.memory_space<vmem>>, vector<1x16xf32>,
        %get3A_1773 = vector.shape_cast %get3A_1772 : vector<1x16xf32> to vector<16xf32>
        %get3A_1774 = arith.index_cast %select_n3A_1765 : i32 to index
        %get3A_1775 = arith.constant 672 : index
        %get3A_1776 = tpu.vector_load %arg6[%get3A_1774, %get3A_1775] {strides = array<i32>} : memref<77x768xf32, #tpu.memory_space<vmem>>, vector<1x16xf32>,
        %get3A_1777 = vector.shape_cast %get3A_1776 : vector<1x16xf32> to vector<16xf32>
        %get3A_1778 = arith.index_cast %select_n3A_1765 : i32 to index
        %get3A_1779 = arith.constant 688 : index
        %get3A_1780 = tpu.vector_load %arg6[%get3A_1778, %get3A_1779] {strides = array<i32>} : memref<77x768xf32, #tpu.memory_space<vmem>>, vector<1x16xf32>,
        %get3A_1781 = vector.shape_cast %get3A_1780 : vector<1x16xf32> to vector<16xf32>
        %get3A_1782 = arith.index_cast %select_n3A_1765 : i32 to index
        %get3A_1783 = arith.constant 704 : index
        %get3A_1784 = tpu.vector_load %arg6[%get3A_1782, %get3A_1783] {strides = array<i32>} : memref<77x768xf32, #tpu.memory_space<vmem>>, vector<1x16xf32>,
        %get3A_1785 = vector.shape_cast %get3A_1784 : vector<1x16xf32> to vector<16xf32>
        %get3A_1786 = arith.index_cast %select_n3A_1765 : i32 to index
        %get3A_1787 = arith.constant 720 : index
        %get3A_1788 = tpu.vector_load %arg6[%get3A_1786, %get3A_1787] {strides = array<i32>} : memref<77x768xf32, #tpu.memory_space<vmem>>, vector<1x16xf32>,
        %get3A_1789 = vector.shape_cast %get3A_1788 : vector<1x16xf32> to vector<16xf32>
        %get3A_1790 = arith.index_cast %select_n3A_1765 : i32 to index
        %get3A_1791 = arith.constant 736 : index
        %get3A_1792 = tpu.vector_load %arg6[%get3A_1790, %get3A_1791] {strides = array<i32>} : memref<77x768xf32, #tpu.memory_space<vmem>>, vector<1x16xf32>,
        %get3A_1793 = vector.shape_cast %get3A_1792 : vector<1x16xf32> to vector<16xf32>
        %get3A_1794 = arith.index_cast %select_n3A_1765 : i32 to index
        %get3A_1795 = arith.constant 752 : index
        %get3A_1796 = tpu.vector_load %arg6[%get3A_1794, %get3A_1795] {strides = array<i32>} : memref<77x768xf32, #tpu.memory_space<vmem>>, vector<1x16xf32>,
        %get3A_1797 = vector.shape_cast %get3A_1796 : vector<1x16xf32> to vector<16xf32>
        %scan3A_1798 = arith.constant 0 : i32
        %scan3A_1799 = arith.constant 32 : i32
        %scan3A_1800 = arith.addi %scan3A_1798, %scan3A_1799 : i32
        %scan3A_1801 = arith.constant 1 : i32
        scf.for %scan3A_1838 = %scan3A_1798 to %scan3A_1800 step %scan3A_1801  : i32 {
          %mul3A_1839 = arith.constant 1 : i32
          %mul3A_1840 = arith.muli %scan3A_1838, %mul3A_1839 : i32
          %add3A_1841 = arith.constant 0 : i32
          %add3A_1842 = arith.addi %add3A_1841, %mul3A_1840 : i32
          %swap3A = arith.index_cast %add3A_1842 : i32 to index
          %swap3A_1843 = arith.constant 0 : index
          %swap3A_1844 = tpu.vector_load %arg19[%swap3A, %swap3A_1843] {strides = array<i32>} : memref<32x128xf32, #tpu.memory_space<vmem>>, vector<1x16xf32>,
          %swap3A_1845 = vector.shape_cast %swap3A_1844 : vector<1x16xf32> to vector<16xf32>
          %swap3A_1846 = vector.shape_cast %get3A_1769 : vector<16xf32> to vector<1x16xf32>
          tpu.vector_store %arg19[%swap3A, %swap3A_1843], %swap3A_1846 {add = true, strides = array<i32>} : memref<32x128xf32, #tpu.memory_space<vmem>>, vector<1x16xf32>,
          %swap3A_1847 = arith.index_cast %add3A_1842 : i32 to index
          %swap3A_1848 = arith.constant 16 : index
          %swap3A_1849 = tpu.vector_load %arg19[%swap3A_1847, %swap3A_1848] {strides = array<i32>} : memref<32x128xf32, #tpu.memory_space<vmem>>, vector<1x16xf32>,
          %swap3A_1850 = vector.shape_cast %swap3A_1849 : vector<1x16xf32> to vector<16xf32>
          %swap3A_1851 = vector.shape_cast %get3A_1773 : vector<16xf32> to vector<1x16xf32>
          tpu.vector_store %arg19[%swap3A_1847, %swap3A_1848], %swap3A_1851 {add = true, strides = array<i32>} : memref<32x128xf32, #tpu.memory_space<vmem>>, vector<1x16xf32>,
          %swap3A_1852 = arith.index_cast %add3A_1842 : i32 to index
          %swap3A_1853 = arith.constant 32 : index
          %swap3A_1854 = tpu.vector_load %arg19[%swap3A_1852, %swap3A_1853] {strides = array<i32>} : memref<32x128xf32, #tpu.memory_space<vmem>>, vector<1x16xf32>,
          %swap3A_1855 = vector.shape_cast %swap3A_1854 : vector<1x16xf32> to vector<16xf32>
          %swap3A_1856 = vector.shape_cast %get3A_1777 : vector<16xf32> to vector<1x16xf32>
          tpu.vector_store %arg19[%swap3A_1852, %swap3A_1853], %swap3A_1856 {add = true, strides = array<i32>} : memref<32x128xf32, #tpu.memory_space<vmem>>, vector<1x16xf32>,
          %swap3A_1857 = arith.index_cast %add3A_1842 : i32 to index
          %swap3A_1858 = arith.constant 48 : index
          %swap3A_1859 = tpu.vector_load %arg19[%swap3A_1857, %swap3A_1858] {strides = array<i32>} : memref<32x128xf32, #tpu.memory_space<vmem>>, vector<1x16xf32>,
          %swap3A_1860 = vector.shape_cast %swap3A_1859 : vector<1x16xf32> to vector<16xf32>
          %swap3A_1861 = vector.shape_cast %get3A_1781 : vector<16xf32> to vector<1x16xf32>
          tpu.vector_store %arg19[%swap3A_1857, %swap3A_1858], %swap3A_1861 {add = true, strides = array<i32>} : memref<32x128xf32, #tpu.memory_space<vmem>>, vector<1x16xf32>,
          %swap3A_1862 = arith.index_cast %add3A_1842 : i32 to index
          %swap3A_1863 = arith.constant 64 : index
          %swap3A_1864 = tpu.vector_load %arg19[%swap3A_1862, %swap3A_1863] {strides = array<i32>} : memref<32x128xf32, #tpu.memory_space<vmem>>, vector<1x16xf32>,
          %swap3A_1865 = vector.shape_cast %swap3A_1864 : vector<1x16xf32> to vector<16xf32>
          %swap3A_1866 = vector.shape_cast %get3A_1785 : vector<16xf32> to vector<1x16xf32>
          tpu.vector_store %arg19[%swap3A_1862, %swap3A_1863], %swap3A_1866 {add = true, strides = array<i32>} : memref<32x128xf32, #tpu.memory_space<vmem>>, vector<1x16xf32>,
          %swap3A_1867 = arith.index_cast %add3A_1842 : i32 to index
          %swap3A_1868 = arith.constant 80 : index
          %swap3A_1869 = tpu.vector_load %arg19[%swap3A_1867, %swap3A_1868] {strides = array<i32>} : memref<32x128xf32, #tpu.memory_space<vmem>>, vector<1x16xf32>,
          %swap3A_1870 = vector.shape_cast %swap3A_1869 : vector<1x16xf32> to vector<16xf32>
          %swap3A_1871 = vector.shape_cast %get3A_1789 : vector<16xf32> to vector<1x16xf32>
          tpu.vector_store %arg19[%swap3A_1867, %swap3A_1868], %swap3A_1871 {add = true, strides = array<i32>} : memref<32x128xf32, #tpu.memory_space<vmem>>, vector<1x16xf32>,
          %swap3A_1872 = arith.index_cast %add3A_1842 : i32 to index
          %swap3A_1873 = arith.constant 96 : index
          %swap3A_1874 = tpu.vector_load %arg19[%swap3A_1872, %swap3A_1873] {strides = array<i32>} : memref<32x128xf32, #tpu.memory_space<vmem>>, vector<1x16xf32>,
          %swap3A_1875 = vector.shape_cast %swap3A_1874 : vector<1x16xf32> to vector<16xf32>
          %swap3A_1876 = vector.shape_cast %get3A_1793 : vector<16xf32> to vector<1x16xf32>
          tpu.vector_store %arg19[%swap3A_1872, %swap3A_1873], %swap3A_1876 {add = true, strides = array<i32>} : memref<32x128xf32, #tpu.memory_space<vmem>>, vector<1x16xf32>,
          %swap3A_1877 = arith.index_cast %add3A_1842 : i32 to index
          %swap3A_1878 = arith.constant 112 : index
          %swap3A_1879 = tpu.vector_load %arg19[%swap3A_1877, %swap3A_1878] {strides = array<i32>} : memref<32x128xf32, #tpu.memory_space<vmem>>, vector<1x16xf32>,
          %swap3A_1880 = vector.shape_cast %swap3A_1879 : vector<1x16xf32> to vector<16xf32>
          %swap3A_1881 = vector.shape_cast %get3A_1797 : vector<16xf32> to vector<1x16xf32>
          tpu.vector_store %arg19[%swap3A_1877, %swap3A_1878], %swap3A_1881 {add = true, strides = array<i32>} : memref<32x128xf32, #tpu.memory_space<vmem>>, vector<1x16xf32>,
        }
        %scan3A_1802 = arith.constant 32 : i32
        %add3A_1803 = arith.addi %mul3A_2, %add3A_1692 : i32
        %jit3A_1804 = arith.constant 32 : i32
        %div3A_1805 = arith.divsi %add3A_1803, %jit3A_1804 : i32
        %sign3A_1806 = arith.constant 0 : i32
        %sign3A_1807 = arith.cmpi sgt, %add3A_1803, %sign3A_1806 : i32
        %sign3A_1808 = arith.extui %sign3A_1807 : i1 to i32
        %sign3A_1809 = arith.constant 0 : i32
        %sign3A_1810 = arith.cmpi slt, %add3A_1803, %sign3A_1809 : i32
        %sign3A_1811 = arith.extui %sign3A_1810 : i1 to i32
        %sign3A_1812 = arith.subi %sign3A_1808, %sign3A_1811 : i32
        %sign3A_1813 = arith.constant 0 : i32
        %sign3A_1814 = arith.cmpi sgt, %jit3A_1804, %sign3A_1813 : i32
        %sign3A_1815 = arith.extui %sign3A_1814 : i1 to i32
        %sign3A_1816 = arith.constant 0 : i32
        %sign3A_1817 = arith.cmpi slt, %jit3A_1804, %sign3A_1816 : i32
        %sign3A_1818 = arith.extui %sign3A_1817 : i1 to i32
        %sign3A_1819 = arith.subi %sign3A_1815, %sign3A_1818 : i32
        %ne3A_1820 = arith.cmpi ne, %sign3A_1812, %sign3A_1819 : i32
        %rem3A_1821 = arith.remsi %add3A_1803, %jit3A_1804 : i32
        %ne3A_1822 = arith.constant 0 : i32
        %ne3A_1823 = arith.cmpi ne, %rem3A_1821, %ne3A_1822 : i32
        %and3A_1824 = arith.andi %ne3A_1820, %ne3A_1823 : i1
        %sub3A_1825 = arith.constant 1 : i32
        %sub3A_1826 = arith.subi %div3A_1805, %sub3A_1825 : i32
        %select_n3A_1827 = arith.select %and3A_1824, %sub3A_1826, %div3A_1805 : i32
        %rem3A_1828 = arith.constant 32 : i32
        %rem3A_1829 = arith.remsi %add3A_1803, %rem3A_1828 : i32
        %mul3A_1830 = arith.constant 32 : i32
        %mul3A_1831 = arith.muli %rem3A_1829, %mul3A_1830 : i32
        %dma_start3A_1832 = arith.constant 640 : i32
        %dma_start3A_1833 = tpu.memref_slice %arg5[%select_n3A_1827, %mul3A_1831, %dma_start3A_1832] : memref<77x1024x768xf32, #tpu.memory_space<hbm>> -> memref<1x32x128xf32, #tpu.memory_space<hbm>>
        %dma_start3A_1834 = tpu.memref_squeeze %dma_start3A_1833 : memref<1x32x128xf32, #tpu.memory_space<hbm>> -> memref<32x128xf32, #tpu.memory_space<hbm>>
        %dma_start3A_1835 = arith.constant 640 : i32
        %dma_start3A_1836 = tpu.memref_slice %arg5[%select_n3A_1827, %mul3A_1831, %dma_start3A_1835] : memref<77x1024x768xf32, #tpu.memory_space<hbm>> -> memref<1x32x128xf32, #tpu.memory_space<hbm>>
        %dma_start3A_1837 = tpu.memref_squeeze %dma_start3A_1836 : memref<1x32x128xf32, #tpu.memory_space<hbm>> -> memref<32x128xf32, #tpu.memory_space<hbm>>
        tpu.enqueue_dma source(%arg19 : memref<32x128xf32, #tpu.memory_space<vmem>>) target(%dma_start3A_1837 : memref<32x128xf32, #tpu.memory_space<hbm>>) target_semaphore(%arg43 : memref<!tpu.dma_semaphore, #tpu.memory_space<semaphore_mem>>)
      } else {
      }
    }
    %scan3A_40 = arith.constant 39 : i32
    %add3A_41 = arith.constant 76 : i32
    %add3A_42 = arith.addi %mul3A_2, %add3A_41 : i32
    %jit3A = arith.constant 32 : i32
    %div3A = arith.divsi %add3A_42, %jit3A : i32
    %sign3A = arith.constant 0 : i32
    %sign3A_43 = arith.cmpi sgt, %add3A_42, %sign3A : i32
    %sign3A_44 = arith.extui %sign3A_43 : i1 to i32
    %sign3A_45 = arith.constant 0 : i32
    %sign3A_46 = arith.cmpi slt, %add3A_42, %sign3A_45 : i32
    %sign3A_47 = arith.extui %sign3A_46 : i1 to i32
    %sign3A_48 = arith.subi %sign3A_44, %sign3A_47 : i32
    %sign3A_49 = arith.constant 0 : i32
    %sign3A_50 = arith.cmpi sgt, %jit3A, %sign3A_49 : i32
    %sign3A_51 = arith.extui %sign3A_50 : i1 to i32
    %sign3A_52 = arith.constant 0 : i32
    %sign3A_53 = arith.cmpi slt, %jit3A, %sign3A_52 : i32
    %sign3A_54 = arith.extui %sign3A_53 : i1 to i32
    %sign3A_55 = arith.subi %sign3A_51, %sign3A_54 : i32
    %ne3A = arith.cmpi ne, %sign3A_48, %sign3A_55 : i32
    %rem3A = arith.remsi %add3A_42, %jit3A : i32
    %ne3A_56 = arith.constant 0 : i32
    %ne3A_57 = arith.cmpi ne, %rem3A, %ne3A_56 : i32
    %and3A = arith.andi %ne3A, %ne3A_57 : i1
    %sub3A = arith.constant 1 : i32
    %sub3A_58 = arith.subi %div3A, %sub3A : i32
    %select_n3A = arith.select %and3A, %sub3A_58, %div3A : i32
    %rem3A_59 = arith.constant 32 : i32
    %rem3A_60 = arith.remsi %add3A_42, %rem3A_59 : i32
    %mul3A_61 = arith.constant 32 : i32
    %mul3A_62 = arith.muli %rem3A_60, %mul3A_61 : i32
    %dma_wait3A_63 = arith.constant 0 : i32
    %dma_wait3A_64 = tpu.memref_slice %arg5[%select_n3A, %mul3A_62, %dma_wait3A_63] : memref<77x1024x768xf32, #tpu.memory_space<hbm>> -> memref<1x32x128xf32, #tpu.memory_space<hbm>>
    %dma_wait3A_65 = tpu.memref_squeeze %dma_wait3A_64 : memref<1x32x128xf32, #tpu.memory_space<hbm>> -> memref<32x128xf32, #tpu.memory_space<hbm>>
    %dma_wait3A_66 = arith.constant 0 : i32
    %dma_wait3A_67 = tpu.memref_slice %arg5[%select_n3A, %mul3A_62, %dma_wait3A_66] : memref<77x1024x768xf32, #tpu.memory_space<hbm>> -> memref<1x32x128xf32, #tpu.memory_space<hbm>>
    %dma_wait3A_68 = tpu.memref_squeeze %dma_wait3A_67 : memref<1x32x128xf32, #tpu.memory_space<hbm>> -> memref<32x128xf32, #tpu.memory_space<hbm>>
    tpu.wait_dma2 semaphore(%arg32 : memref<!tpu.dma_semaphore, #tpu.memory_space<semaphore_mem>>) src(%arg8 : memref<32x128xf32, #tpu.memory_space<vmem>>) dst(%dma_wait3A_68 : memref<32x128xf32, #tpu.memory_space<hbm>>)
    %add3A_69 = arith.constant 76 : i32
    %add3A_70 = arith.addi %mul3A_2, %add3A_69 : i32
    %jit3A_71 = arith.constant 32 : i32
    %div3A_72 = arith.divsi %add3A_70, %jit3A_71 : i32
    %sign3A_73 = arith.constant 0 : i32
    %sign3A_74 = arith.cmpi sgt, %add3A_70, %sign3A_73 : i32
    %sign3A_75 = arith.extui %sign3A_74 : i1 to i32
    %sign3A_76 = arith.constant 0 : i32
    %sign3A_77 = arith.cmpi slt, %add3A_70, %sign3A_76 : i32
    %sign3A_78 = arith.extui %sign3A_77 : i1 to i32
    %sign3A_79 = arith.subi %sign3A_75, %sign3A_78 : i32
    %sign3A_80 = arith.constant 0 : i32
    %sign3A_81 = arith.cmpi sgt, %jit3A_71, %sign3A_80 : i32
    %sign3A_82 = arith.extui %sign3A_81 : i1 to i32
    %sign3A_83 = arith.constant 0 : i32
    %sign3A_84 = arith.cmpi slt, %jit3A_71, %sign3A_83 : i32
    %sign3A_85 = arith.extui %sign3A_84 : i1 to i32
    %sign3A_86 = arith.subi %sign3A_82, %sign3A_85 : i32
    %ne3A_87 = arith.cmpi ne, %sign3A_79, %sign3A_86 : i32
    %rem3A_88 = arith.remsi %add3A_70, %jit3A_71 : i32
    %ne3A_89 = arith.constant 0 : i32
    %ne3A_90 = arith.cmpi ne, %rem3A_88, %ne3A_89 : i32
    %and3A_91 = arith.andi %ne3A_87, %ne3A_90 : i1
    %sub3A_92 = arith.constant 1 : i32
    %sub3A_93 = arith.subi %div3A_72, %sub3A_92 : i32
    %select_n3A_94 = arith.select %and3A_91, %sub3A_93, %div3A_72 : i32
    %rem3A_95 = arith.constant 32 : i32
    %rem3A_96 = arith.remsi %add3A_70, %rem3A_95 : i32
    %mul3A_97 = arith.constant 32 : i32
    %mul3A_98 = arith.muli %rem3A_96, %mul3A_97 : i32
    %dma_wait3A_99 = arith.constant 128 : i32
    %dma_wait3A_100 = tpu.memref_slice %arg5[%select_n3A_94, %mul3A_98, %dma_wait3A_99] : memref<77x1024x768xf32, #tpu.memory_space<hbm>> -> memref<1x32x128xf32, #tpu.memory_space<hbm>>
    %dma_wait3A_101 = tpu.memref_squeeze %dma_wait3A_100 : memref<1x32x128xf32, #tpu.memory_space<hbm>> -> memref<32x128xf32, #tpu.memory_space<hbm>>
    %dma_wait3A_102 = arith.constant 128 : i32
    %dma_wait3A_103 = tpu.memref_slice %arg5[%select_n3A_94, %mul3A_98, %dma_wait3A_102] : memref<77x1024x768xf32, #tpu.memory_space<hbm>> -> memref<1x32x128xf32, #tpu.memory_space<hbm>>
    %dma_wait3A_104 = tpu.memref_squeeze %dma_wait3A_103 : memref<1x32x128xf32, #tpu.memory_space<hbm>> -> memref<32x128xf32, #tpu.memory_space<hbm>>
    tpu.wait_dma2 semaphore(%arg33 : memref<!tpu.dma_semaphore, #tpu.memory_space<semaphore_mem>>) src(%arg9 : memref<32x128xf32, #tpu.memory_space<vmem>>) dst(%dma_wait3A_104 : memref<32x128xf32, #tpu.memory_space<hbm>>)
    %add3A_105 = arith.constant 76 : i32
    %add3A_106 = arith.addi %mul3A_2, %add3A_105 : i32
    %jit3A_107 = arith.constant 32 : i32
    %div3A_108 = arith.divsi %add3A_106, %jit3A_107 : i32
    %sign3A_109 = arith.constant 0 : i32
    %sign3A_110 = arith.cmpi sgt, %add3A_106, %sign3A_109 : i32
    %sign3A_111 = arith.extui %sign3A_110 : i1 to i32
    %sign3A_112 = arith.constant 0 : i32
    %sign3A_113 = arith.cmpi slt, %add3A_106, %sign3A_112 : i32
    %sign3A_114 = arith.extui %sign3A_113 : i1 to i32
    %sign3A_115 = arith.subi %sign3A_111, %sign3A_114 : i32
    %sign3A_116 = arith.constant 0 : i32
    %sign3A_117 = arith.cmpi sgt, %jit3A_107, %sign3A_116 : i32
    %sign3A_118 = arith.extui %sign3A_117 : i1 to i32
    %sign3A_119 = arith.constant 0 : i32
    %sign3A_120 = arith.cmpi slt, %jit3A_107, %sign3A_119 : i32
    %sign3A_121 = arith.extui %sign3A_120 : i1 to i32
    %sign3A_122 = arith.subi %sign3A_118, %sign3A_121 : i32
    %ne3A_123 = arith.cmpi ne, %sign3A_115, %sign3A_122 : i32
    %rem3A_124 = arith.remsi %add3A_106, %jit3A_107 : i32
    %ne3A_125 = arith.constant 0 : i32
    %ne3A_126 = arith.cmpi ne, %rem3A_124, %ne3A_125 : i32
    %and3A_127 = arith.andi %ne3A_123, %ne3A_126 : i1
    %sub3A_128 = arith.constant 1 : i32
    %sub3A_129 = arith.subi %div3A_108, %sub3A_128 : i32
    %select_n3A_130 = arith.select %and3A_127, %sub3A_129, %div3A_108 : i32
    %rem3A_131 = arith.constant 32 : i32
    %rem3A_132 = arith.remsi %add3A_106, %rem3A_131 : i32
    %mul3A_133 = arith.constant 32 : i32
    %mul3A_134 = arith.muli %rem3A_132, %mul3A_133 : i32
    %dma_wait3A_135 = arith.constant 256 : i32
    %dma_wait3A_136 = tpu.memref_slice %arg5[%select_n3A_130, %mul3A_134, %dma_wait3A_135] : memref<77x1024x768xf32, #tpu.memory_space<hbm>> -> memref<1x32x128xf32, #tpu.memory_space<hbm>>
    %dma_wait3A_137 = tpu.memref_squeeze %dma_wait3A_136 : memref<1x32x128xf32, #tpu.memory_space<hbm>> -> memref<32x128xf32, #tpu.memory_space<hbm>>
    %dma_wait3A_138 = arith.constant 256 : i32
    %dma_wait3A_139 = tpu.memref_slice %arg5[%select_n3A_130, %mul3A_134, %dma_wait3A_138] : memref<77x1024x768xf32, #tpu.memory_space<hbm>> -> memref<1x32x128xf32, #tpu.memory_space<hbm>>
    %dma_wait3A_140 = tpu.memref_squeeze %dma_wait3A_139 : memref<1x32x128xf32, #tpu.memory_space<hbm>> -> memref<32x128xf32, #tpu.memory_space<hbm>>
    tpu.wait_dma2 semaphore(%arg34 : memref<!tpu.dma_semaphore, #tpu.memory_space<semaphore_mem>>) src(%arg10 : memref<32x128xf32, #tpu.memory_space<vmem>>) dst(%dma_wait3A_140 : memref<32x128xf32, #tpu.memory_space<hbm>>)
    %add3A_141 = arith.constant 76 : i32
    %add3A_142 = arith.addi %mul3A_2, %add3A_141 : i32
    %jit3A_143 = arith.constant 32 : i32
    %div3A_144 = arith.divsi %add3A_142, %jit3A_143 : i32
    %sign3A_145 = arith.constant 0 : i32
    %sign3A_146 = arith.cmpi sgt, %add3A_142, %sign3A_145 : i32
    %sign3A_147 = arith.extui %sign3A_146 : i1 to i32
    %sign3A_148 = arith.constant 0 : i32
    %sign3A_149 = arith.cmpi slt, %add3A_142, %sign3A_148 : i32
    %sign3A_150 = arith.extui %sign3A_149 : i1 to i32
    %sign3A_151 = arith.subi %sign3A_147, %sign3A_150 : i32
    %sign3A_152 = arith.constant 0 : i32
    %sign3A_153 = arith.cmpi sgt, %jit3A_143, %sign3A_152 : i32
    %sign3A_154 = arith.extui %sign3A_153 : i1 to i32
    %sign3A_155 = arith.constant 0 : i32
    %sign3A_156 = arith.cmpi slt, %jit3A_143, %sign3A_155 : i32
    %sign3A_157 = arith.extui %sign3A_156 : i1 to i32
    %sign3A_158 = arith.subi %sign3A_154, %sign3A_157 : i32
    %ne3A_159 = arith.cmpi ne, %sign3A_151, %sign3A_158 : i32
    %rem3A_160 = arith.remsi %add3A_142, %jit3A_143 : i32
    %ne3A_161 = arith.constant 0 : i32
    %ne3A_162 = arith.cmpi ne, %rem3A_160, %ne3A_161 : i32
    %and3A_163 = arith.andi %ne3A_159, %ne3A_162 : i1
    %sub3A_164 = arith.constant 1 : i32
    %sub3A_165 = arith.subi %div3A_144, %sub3A_164 : i32
    %select_n3A_166 = arith.select %and3A_163, %sub3A_165, %div3A_144 : i32
    %rem3A_167 = arith.constant 32 : i32
    %rem3A_168 = arith.remsi %add3A_142, %rem3A_167 : i32
    %mul3A_169 = arith.constant 32 : i32
    %mul3A_170 = arith.muli %rem3A_168, %mul3A_169 : i32
    %dma_wait3A_171 = arith.constant 384 : i32
    %dma_wait3A_172 = tpu.memref_slice %arg5[%select_n3A_166, %mul3A_170, %dma_wait3A_171] : memref<77x1024x768xf32, #tpu.memory_space<hbm>> -> memref<1x32x128xf32, #tpu.memory_space<hbm>>
    %dma_wait3A_173 = tpu.memref_squeeze %dma_wait3A_172 : memref<1x32x128xf32, #tpu.memory_space<hbm>> -> memref<32x128xf32, #tpu.memory_space<hbm>>
    %dma_wait3A_174 = arith.constant 384 : i32
    %dma_wait3A_175 = tpu.memref_slice %arg5[%select_n3A_166, %mul3A_170, %dma_wait3A_174] : memref<77x1024x768xf32, #tpu.memory_space<hbm>> -> memref<1x32x128xf32, #tpu.memory_space<hbm>>
    %dma_wait3A_176 = tpu.memref_squeeze %dma_wait3A_175 : memref<1x32x128xf32, #tpu.memory_space<hbm>> -> memref<32x128xf32, #tpu.memory_space<hbm>>
    tpu.wait_dma2 semaphore(%arg35 : memref<!tpu.dma_semaphore, #tpu.memory_space<semaphore_mem>>) src(%arg11 : memref<32x128xf32, #tpu.memory_space<vmem>>) dst(%dma_wait3A_176 : memref<32x128xf32, #tpu.memory_space<hbm>>)
    %add3A_177 = arith.constant 76 : i32
    %add3A_178 = arith.addi %mul3A_2, %add3A_177 : i32
    %jit3A_179 = arith.constant 32 : i32
    %div3A_180 = arith.divsi %add3A_178, %jit3A_179 : i32
    %sign3A_181 = arith.constant 0 : i32
    %sign3A_182 = arith.cmpi sgt, %add3A_178, %sign3A_181 : i32
    %sign3A_183 = arith.extui %sign3A_182 : i1 to i32
    %sign3A_184 = arith.constant 0 : i32
    %sign3A_185 = arith.cmpi slt, %add3A_178, %sign3A_184 : i32
    %sign3A_186 = arith.extui %sign3A_185 : i1 to i32
    %sign3A_187 = arith.subi %sign3A_183, %sign3A_186 : i32
    %sign3A_188 = arith.constant 0 : i32
    %sign3A_189 = arith.cmpi sgt, %jit3A_179, %sign3A_188 : i32
    %sign3A_190 = arith.extui %sign3A_189 : i1 to i32
    %sign3A_191 = arith.constant 0 : i32
    %sign3A_192 = arith.cmpi slt, %jit3A_179, %sign3A_191 : i32
    %sign3A_193 = arith.extui %sign3A_192 : i1 to i32
    %sign3A_194 = arith.subi %sign3A_190, %sign3A_193 : i32
    %ne3A_195 = arith.cmpi ne, %sign3A_187, %sign3A_194 : i32
    %rem3A_196 = arith.remsi %add3A_178, %jit3A_179 : i32
    %ne3A_197 = arith.constant 0 : i32
    %ne3A_198 = arith.cmpi ne, %rem3A_196, %ne3A_197 : i32
    %and3A_199 = arith.andi %ne3A_195, %ne3A_198 : i1
    %sub3A_200 = arith.constant 1 : i32
    %sub3A_201 = arith.subi %div3A_180, %sub3A_200 : i32
    %select_n3A_202 = arith.select %and3A_199, %sub3A_201, %div3A_180 : i32
    %rem3A_203 = arith.constant 32 : i32
    %rem3A_204 = arith.remsi %add3A_178, %rem3A_203 : i32
    %mul3A_205 = arith.constant 32 : i32
    %mul3A_206 = arith.muli %rem3A_204, %mul3A_205 : i32
    %dma_wait3A_207 = arith.constant 512 : i32
    %dma_wait3A_208 = tpu.memref_slice %arg5[%select_n3A_202, %mul3A_206, %dma_wait3A_207] : memref<77x1024x768xf32, #tpu.memory_space<hbm>> -> memref<1x32x128xf32, #tpu.memory_space<hbm>>
    %dma_wait3A_209 = tpu.memref_squeeze %dma_wait3A_208 : memref<1x32x128xf32, #tpu.memory_space<hbm>> -> memref<32x128xf32, #tpu.memory_space<hbm>>
    %dma_wait3A_210 = arith.constant 512 : i32
    %dma_wait3A_211 = tpu.memref_slice %arg5[%select_n3A_202, %mul3A_206, %dma_wait3A_210] : memref<77x1024x768xf32, #tpu.memory_space<hbm>> -> memref<1x32x128xf32, #tpu.memory_space<hbm>>
    %dma_wait3A_212 = tpu.memref_squeeze %dma_wait3A_211 : memref<1x32x128xf32, #tpu.memory_space<hbm>> -> memref<32x128xf32, #tpu.memory_space<hbm>>
    tpu.wait_dma2 semaphore(%arg36 : memref<!tpu.dma_semaphore, #tpu.memory_space<semaphore_mem>>) src(%arg12 : memref<32x128xf32, #tpu.memory_space<vmem>>) dst(%dma_wait3A_212 : memref<32x128xf32, #tpu.memory_space<hbm>>)
    %add3A_213 = arith.constant 76 : i32
    %add3A_214 = arith.addi %mul3A_2, %add3A_213 : i32
    %jit3A_215 = arith.constant 32 : i32
    %div3A_216 = arith.divsi %add3A_214, %jit3A_215 : i32
    %sign3A_217 = arith.constant 0 : i32
    %sign3A_218 = arith.cmpi sgt, %add3A_214, %sign3A_217 : i32
    %sign3A_219 = arith.extui %sign3A_218 : i1 to i32
    %sign3A_220 = arith.constant 0 : i32
    %sign3A_221 = arith.cmpi slt, %add3A_214, %sign3A_220 : i32
    %sign3A_222 = arith.extui %sign3A_221 : i1 to i32
    %sign3A_223 = arith.subi %sign3A_219, %sign3A_222 : i32
    %sign3A_224 = arith.constant 0 : i32
    %sign3A_225 = arith.cmpi sgt, %jit3A_215, %sign3A_224 : i32
    %sign3A_226 = arith.extui %sign3A_225 : i1 to i32
    %sign3A_227 = arith.constant 0 : i32
    %sign3A_228 = arith.cmpi slt, %jit3A_215, %sign3A_227 : i32
    %sign3A_229 = arith.extui %sign3A_228 : i1 to i32
    %sign3A_230 = arith.subi %sign3A_226, %sign3A_229 : i32
    %ne3A_231 = arith.cmpi ne, %sign3A_223, %sign3A_230 : i32
    %rem3A_232 = arith.remsi %add3A_214, %jit3A_215 : i32
    %ne3A_233 = arith.constant 0 : i32
    %ne3A_234 = arith.cmpi ne, %rem3A_232, %ne3A_233 : i32
    %and3A_235 = arith.andi %ne3A_231, %ne3A_234 : i1
    %sub3A_236 = arith.constant 1 : i32
    %sub3A_237 = arith.subi %div3A_216, %sub3A_236 : i32
    %select_n3A_238 = arith.select %and3A_235, %sub3A_237, %div3A_216 : i32
    %rem3A_239 = arith.constant 32 : i32
    %rem3A_240 = arith.remsi %add3A_214, %rem3A_239 : i32
    %mul3A_241 = arith.constant 32 : i32
    %mul3A_242 = arith.muli %rem3A_240, %mul3A_241 : i32
    %dma_wait3A_243 = arith.constant 640 : i32
    %dma_wait3A_244 = tpu.memref_slice %arg5[%select_n3A_238, %mul3A_242, %dma_wait3A_243] : memref<77x1024x768xf32, #tpu.memory_space<hbm>> -> memref<1x32x128xf32, #tpu.memory_space<hbm>>
    %dma_wait3A_245 = tpu.memref_squeeze %dma_wait3A_244 : memref<1x32x128xf32, #tpu.memory_space<hbm>> -> memref<32x128xf32, #tpu.memory_space<hbm>>
    %dma_wait3A_246 = arith.constant 640 : i32
    %dma_wait3A_247 = tpu.memref_slice %arg5[%select_n3A_238, %mul3A_242, %dma_wait3A_246] : memref<77x1024x768xf32, #tpu.memory_space<hbm>> -> memref<1x32x128xf32, #tpu.memory_space<hbm>>
    %dma_wait3A_248 = tpu.memref_squeeze %dma_wait3A_247 : memref<1x32x128xf32, #tpu.memory_space<hbm>> -> memref<32x128xf32, #tpu.memory_space<hbm>>
    tpu.wait_dma2 semaphore(%arg37 : memref<!tpu.dma_semaphore, #tpu.memory_space<semaphore_mem>>) src(%arg13 : memref<32x128xf32, #tpu.memory_space<vmem>>) dst(%dma_wait3A_248 : memref<32x128xf32, #tpu.memory_space<hbm>>)
    return
  }
}

</mosaic_0001>

<sc_bundles>
// kernel: _embed.3.cloned.1.call-start
scs
__scs_entry_jumppad:
0x0: {  	(pc) =	sbr.rel $0x88, $3  }
0x1: {  	(tag) =	ssettag $0x0;
	lr =	simm.s32 $0x1  }
0x2: {  	[smem:$0x3F9E] =	sst lr;
	_ =	strace $0xD0000000  }
0x3: {  	_ = 	snop  }
0x4: {  	_ = 	snop  }
0x5: {  	_ = 	snop  }
0x6: {  	_ = 	snop  }
0x7: {  	_ = 	snop  }
__scs_overlays_trampoline_lowered:
0x8: {  	[smem:$0x3FAD] =	sst s0  }
0x9: {  	[smem:$0x3FAE] =	sst s1  }
0xa: {  	[smem:$0x3FAF] =	sst s2  }
0xb: {  	[smem:$0x3FB0] =	sst s3  }
0xc: {  	[smem:$0x3FB1] =	sst s4  }
0xd: {  	[smem:$0x3FB2] =	sst s5  }
0xe: {  	[smem:$0x3FB3] =	sst s6  }
0xf: {  	[smem:$0x3FB4] =	sst s7  }
0x10: {  	[smem:$0x3FB5] =	sst s8  }
0x11: {  	[smem:$0x3FB6] =	sst s9;
	s0 =	simm.s32 @!p0 $0x0  }
0x12: {  	s1 =	sld [smem:$0x3F9C];
	s0 =	simm.s32 @p0 $0x1  }
0x13: {  	[smem:$0x3FB7] =	sst s0;
	s0 =	simm.s32 @!p1 $0x0  }
0x14: {  	s2 =	sld [smem:$0x3F9B];
	s0 =	simm.s32 @p1 $0x1  }
0x15: {  	[smem:$0x3FB8] =	sst s0;
	s0 =	simm.s32 @!p2 $0x0  }
0x16: {  	s3 =	sld [smem:$0x3FDB];
	s0 =	simm.s32 @p2 $0x1  }
0x17: {  	s4 =	simm.s32 $0x1BF5;
	[smem:$0x3FBA] =	sst s0  }
0x18: {  	s0 =	sld [smem:$0x3F9D];
	_ =	swait.ge [sflag:s4], $0x0  }
0x19: {  	s7 =	sld [smem:$0x3F9E]  }
0x1a: {  	s8 =	sadd.s32 $0xFFFFE003, lr  }
0x1b: {  	s9 =	sadd.s32 $0xFFFFFEF7, lr;
	s5 =	simm.s32 $0xFFFFFFFF;
	p2 =	slt.u32 s8, $0xFFFFF086  }
0x1c: {  	p1 =	slt.u32 s9, $0xF7A;
	s5 =	simm.s32 @!p2 $0x0  }
0x1d: {  	s5 =	simm.s32 @p1 $0x1;
	p0 =	seq.s32 s7, s2  }
0x1e: {  	s7 =	smul.u32 @!p0 $0xF7A, s2;
	p2 =	seq.s32 @!p0 s5, $0x0  }
0x1f: {  	s9 =	smul.u32 $0xF7A, s1;
	s8 =	simm.s32 @!p0 $0x1BF5;
	p2 =	por !p2, p0  }
0x20: {  	[sflag:s8] =	ssyncset.s32 @!p0 $0xFFFFF086;
	s6 =	sadd.s32 @!p0 s3, s7;
	s7 =	simm.s32 @!p0 $0x108  }
0x21: {  	s3 =	sadd.s32 s3, s9;
	s6 =	sadd.s32 @!p0 $0x88, s6;
	s7 =	simm.s32 @p2 $0x1082  }
0x22: {  	[simem:s7], [sflag:s8] =	dma.local @!p0 [hbm:s6], $0xF7A  }
0x23: {  	s9 =	sor.u32 $0xD0000000, s2;
	s6 =	simm.s32 $0x108;
	_ =	swait.ge @!p0 [sflag:s8], $0x0  }
0x24: {  	s3 =	sadd.s32 $0x88, s3;
	s6 =	simm.s32 @!p1 $0x1082;
	[sflag:s4] =	ssyncset.s32 $0xFFFFF086  }
0x25: {  	[simem:s6], [sflag:s4] =	dma.local [hbm:s3], $0xF7A  }
0x26: {  	[smem:$0x3F9E] =	sst s1;
	(tag) =	ssettag s2;
	_ =	strace s9  }
0x27: {  	s1 =	sld [smem:$0x3FAE]  }
0x28: {  	s2 =	sld [smem:$0x3FAF]  }
0x29: {  	s4 =	sld [smem:$0x3FB1]  }
0x2a: {  	p0 =	seq.s32 s5, $0x0;
	s5 =	sld [smem:$0x3FB2]  }
0x2b: {  	s6 =	sld [smem:$0x3FB3]  }
0x2c: {  	s7 =	sld [smem:$0x3FB4]  }
0x2d: {  	s3 =	simm.s32 $0x108;
	s8 =	sld [smem:$0x3FB5]  }
0x2e: {  	s3 =	simm.s32 @!p0 $0x1082;
	s9 =	sld [smem:$0x3FB6]  }
0x2f: {  	lr =	sadd.s32 s0, s3;
	s0 =	sld [smem:$0x3FAD]  }
0x30: {  	s3 =	sld [smem:$0x3FB0]  }
0x31: {  	[smem:$0x3FB9] =	sst s10  }
0x32: {  	s10 =	sld [smem:$0x3FB7];
	_ =	sdelay $0x3  }
0x33: {  	p0 =	seq.s32 s10, $0x1;
	s10 =	sld [smem:$0x3FB9];
	_ =	sdelay $0x3  }
0x34: {  	[smem:$0x3FB9] =	sst s10  }
0x35: {  	s10 =	sld [smem:$0x3FB8];
	_ =	sdelay $0x3  }
0x36: {  	p1 =	seq.s32 s10, $0x1;
	s10 =	sld [smem:$0x3FB9];
	_ =	sdelay $0x3  }
0x37: {  	[smem:$0x3FB9] =	sst s10  }
0x38: {  	s10 =	sld [smem:$0x3FBA]  }
0x39: {  	_ = 	snop;
	(pc) =	sbr.ind lr, $3  }
0x3a: {  	_ = 	snop  }
0x3b: {  	_ = 	snop  }
0x3c: {  	p2 =	seq.s32 s10, $0x1;
	s10 =	sld [smem:$0x3FB9]  }
0x3d: {  	_ =	shalt  }
0x3e: {  	_ =	shalt  }
0x3f: {  	_ =	shalt  }
0x40: {  	_ =	shalt  }
0x41: {  	_ =	shalt  }
0x42: {  	_ =	shalt  }
0x43: {  	_ =	shalt  }
0x44: {  	_ =	shalt  }
0x45: {  	_ =	shalt  }
0x46: {  	_ =	shalt  }
0x47: {  	_ =	shalt  }
0x48: {  	_ =	shalt  }
0x49: {  	_ =	shalt  }
0x4a: {  	_ =	shalt  }
0x4b: {  	_ =	shalt  }
0x4c: {  	_ =	shalt  }
0x4d: {  	_ =	shalt  }
0x4e: {  	_ =	shalt  }
0x4f: {  	_ =	shalt  }
0x50: {  	_ =	shalt  }
0x51: {  	_ =	shalt  }
0x52: {  	_ =	shalt  }
0x53: {  	_ =	shalt  }
0x54: {  	_ =	shalt  }
0x55: {  	_ =	shalt  }
0x56: {  	_ =	shalt  }
0x57: {  	_ =	shalt  }
0x58: {  	_ =	shalt  }
0x59: {  	_ =	shalt  }
0x5a: {  	_ =	shalt  }
0x5b: {  	_ =	shalt  }
0x5c: {  	_ =	shalt  }
0x5d: {  	_ =	shalt  }
0x5e: {  	_ =	shalt  }
0x5f: {  	_ =	shalt  }
0x60: {  	_ =	shalt  }
0x61: {  	_ =	shalt  }
0x62: {  	_ =	shalt  }
0x63: {  	_ =	shalt  }
0x64: {  	_ =	shalt  }
0x65: {  	_ =	shalt  }
0x66: {  	_ =	shalt  }
0x67: {  	_ =	shalt  }
0x68: {  	_ =	shalt  }
0x69: {  	_ =	shalt  }
0x6a: {  	_ =	shalt  }
0x6b: {  	_ =	shalt  }
0x6c: {  	_ =	shalt  }
0x6d: {  	_ =	shalt  }
0x6e: {  	_ =	shalt  }
0x6f: {  	_ =	shalt  }
0x70: {  	_ =	shalt  }
0x71: {  	_ =	shalt  }
0x72: {  	_ =	shalt  }
0x73: {  	_ =	shalt  }
0x74: {  	_ =	shalt  }
0x75: {  	_ =	shalt  }
0x76: {  	_ =	shalt  }
0x77: {  	_ =	shalt  }
0x78: {  	_ =	shalt  }
0x79: {  	_ =	shalt  }
0x7a: {  	_ =	shalt  }
0x7b: {  	_ =	shalt  }
0x7c: {  	_ =	shalt  }
0x7d: {  	_ =	shalt  }
0x7e: {  	_ =	shalt  }
0x7f: {  	_ =	shalt  }
0x80: {  	_ =	shalt  }
0x81: {  	_ =	shalt  }
0x82: {  	_ =	shalt  }
0x83: {  	_ =	shalt  }
0x84: {  	_ =	shalt  }
0x85: {  	_ =	shalt  }
0x86: {  	_ =	shalt  }
0x87: {  	_ =	shalt  }
.Lfunc_end0:
.L_simem_size_0:
called_computation_lowered:
.L_overlay_start_0:
0x88: {  	s2 =	sld [smem:$0x3FD9]  }
0x89: {  	s3 =	sld [smem:$0x3FFE];
	_ =	sdelay $0x1  }
0x8a: {  	s1 =	srdreg.scid  }
0x8b: {  	s0 =	sand.u32 $0x1, s1  }
0x8c: {  	s17 =	sshll.u32 s0, $0xA;
	s2 =	sadd.s32 s3, s2  }
0x8d: {  	s2 =	sadd.s32 s2, s17  }
0x8e: {  	[smem:$0x3FC5] =	sst s2  }
0x8f: {  	_ = 	snop  }
0x90: {  	s2 =	sld [smem:$0x3FC8]  }
0x91: {  	s18 =	sld [smem:$0x3FC7]  }
0x92: {  	s4 =	sld [smem:$0x3FD0];
	(tm) =	ssettm $0x1  }
0x93: {  	s5 =	sld [smem:$0x3FFB];
	_ =	sdelay $0x3  }
0x94: {  	_ =	strace s5  }
0x95: {  	s5 =	sld [smem:$0x3FFC];
	_ =	sdelay $0x3  }
0x96: {  	_ =	strace s5  }
0x97: {  	s5 =	sld [smem:$0x3FFD];
	_ =	sdelay $0x3  }
0x98: {  	_ =	strace s5  }
0x99: {  	_ =	strace $0x8FFFFFFF  }
0x9a: {  	s19 =	sld [smem:$0x3FDB];
	_ =	sdelay $0x1  }
0x9b: {  	s6 =	simm.s32 $_scs_section_size  }
0x9c: {  	s7 =	simm.s32 $_size__tile_overlayer_lowered;
	s8 =	simm.s32 $_tile_overlayer_lowered  }
0x9d: {  	s22 =	simm.s32 $0x1BFF;
	s21 =	sshll.u32 s8, $0x1;
	s5 =	sadd.s32 s6, s19  }
0x9e: {  	s9 =	simm.s32 $0x0;
	s20 =	sshll.u32 s7, $0x1;
	s7 =	sadd.s32 s21, s5  }
0x9f: {  	[timem:s9], [sflag:s22] =	dma.local [hbm:s7], s20  }
0xa0: {  	_ =	swait.ge [sflag:s22], s20  }
0xa1: {  	s6 =	ssub.s32 $0x0, s20;
	[sflag:s22] =	ssyncset.done $0x0  }
0xa2: {  	[sflag:s22] =	ssyncadd.s32 s6;
	_ =	sdelay $0x1  }
0xa3: {  	s23 =	simm.s32 $0x1B8B  }
0xa4: {  	_ =	swait.ge [sflag:s23], $0x1  }
0xa5: {  	[sflag:s23] =	ssyncset.done $0x0  }
0xa6: {  	s25 =	simm.s32 $0x1B8E;
	s24 =	sld [smem:$0x3FFE];
	[sflag:s23] =	ssyncadd.s32 $0xFFFFFFFF  }
0xa7: {  	s26 =	simm.s32 $execute0_lowered;
	[smem:$0x3FD2] =	sst s25  }
0xa8: {  	s7 =	sshll.u32 s26, $0x1;
	_ =	strace $0x80000046;
	[dreg:$0x1] =	wrdreg $0xFFFFFFFF  }
0xa9: {  	s28 =	simm.s32 $_size_execute0_lowered;
	s5 =	sadd.s32 s5, s7;
	[dreg:$0x0] =	wrdreg $0x0  }
0xaa: {  	s7 =	sshll.u32 s28, $0x1;
	[dreg:$0x2] =	wrdreg s5  }
0xab: {  	[dreg:$0x3] =	wrdreg s7  }
0xac: {  	[dreg:$0x4] =	wrdreg $0xC0  }
0xad: {  	_ =	task [dreg:s9], $0x5FFFF  }
0xae: {  	[dreg:$0x1] =	wrdreg $0xFFFFFFFF  }
0xaf: {  	[dreg:$0x0] =	wrdreg $0x60  }
0xb0: {  	[dreg:$0x2] =	wrdreg s24  }
0xb1: {  	[dreg:$0x3] =	wrdreg s2  }
0xb2: {  	[dreg:$0x4] =	wrdreg s18  }
0xb3: {  	[dreg:$0x5] =	wrdreg s4  }
0xb4: {  	[dreg:$0x6] =	wrdreg $0x9  }
0xb5: {  	_ =	task.clear_ibuf [dreg:s9], $0x7FFFF;
	_ =	strace $0x90000046  }
0xb6: {  	s29 =	simm.s32 $0x9;
	_ =	strace $0x80000048  }
0xb7: {  	_ =	swait.ge [sflag:s29], $0x1  }
0xb8: {  	[sflag:s29] =	ssyncadd.s32 $0xFFFFFFFF  }
0xb9: {  	_ =	strace $0x90000048  }
0xba: {  	_ =	sfence  }
0xbb: {  	s30 =	sld [smem:$0x0];
	_ =	sdelay $0x2  }
0xbc: {  	s31 =	sshll.u32 s1, $0xD;
	s1 =	sshrl.u32 s1, $0x2  }
0xbd: {  	s3 =	sand.u32 $0x4000, s31;
	s1 =	sadd.s32 s1, s30  }
0xbe: {  	s0 =	sor.u32 s3, s0;
	s1 =	sshll.u32 s1, $0x11  }
0xbf: {  	s0 =	sor.u32 s1, s0  }
0xc0: {  	s0 =	sadd.s32 $0x8F2B, s0  }
0xc1: {  	[sflag:s0] =	ssyncadd.remote.s32 $0x1  }
0xc2: {  	_ =	sfence.sel $0xFFFF  }
0xc3: {  	[dreg:$0x0] =	wrdreg $0xFFFFFFFF;
	(pc) =	sbr.abs _section_cstart, $3  }
0xc4: {  	[dreg:$0x1] =	wrdreg $0xFFFFFFFF  }
0xc5: {  	_ =	task.clear_ibuf [dreg:s9], $0x2FFFF;
	_ =	strace $0x9FFFFFFF  }
0xc6: {  	(tm) =	ssettm $0x7FFFFFFF  }
0xc7: {  	_ =	shalt  }
tec
execute0_lowered:
.L_overlay_start_1:
0x0: {  	(tag) =	ssettag $0x1  }
0x1: {  	s0 =	rddreg [dreg:$0x0]  }
0x2: {  	s1 =	rddreg [dreg:$0x1];
	s2 =	srdreg.scid  }
0x3: {  	s3 =	stileid.u32;
	s7 =	rddreg [dreg:$0x3];
	s5 =	simm.s32 $0x0  }
0x4: {  	s26 =	simm.s32 $0x1;
	s28 =	simm.s32 $0x400;
	s31 =	simm.s32 $0x1800  }
0x5: {  	s18 =	simm.s32 $0x6;
	s21 =	simm.s32 $0x12;
	s19 =	simm.s32 $0x0  }
0x6: {  	s2 =	sand.u32 $0x1, s2;
	s3 =	sshll.u32 s3, $0x1;
	[smem:$0x7FF] =	sst s5  }
0x7: {  	s8 =	sadd.s32 $0x80, s1;
	s9 =	sadd.s32 $0x100, s1;
	s10 =	sadd.s32 $0x180, s1  }
0x8: {  	s11 =	sadd.s32 $0x200, s1;
	s12 =	sadd.s32 $0x280, s1;
	s13 =	sadd.s32 $0x80, s7  }
0x9: {  	v0 =	vimm.s32 $0x3;
	s14 =	sadd.s32 $0x100, s7;
	s15 =	sadd.s32 $0x180, s7;
	s3 =	sor.u32 s2, s3  }
0xa: {  	v1 =	vimm.s32 $0x7;
	v2 =	vimm.s32 $0x0;
	v3 =	vlaneseq.u32;
	s16 =	sadd.s32 $0x200, s7;
	s2 =	ssub.s32 $0x2, s2;
	s4 =	smul.u32 $0x134, s3  }
.Ltmp0:
0xb: {  	vm0 =	vmmov $0x1;
	v4 =	vimm.s32 $0x1;
	v5 =	vimm.s32 $0x2;
	s17 =	sadd.s32 $0x280, s7;
	s6 =	sshrl.u32 s2, $0x1;
	(pc) =	sbr.rel .LBB2_1-.Ltmp0, $4  }
0xc: {  	v6 =	vimm.s32 $0x4;
	v7 =	vimm.s32 $0x5;
	v8 =	vimm.s32 $0x6;
	s7 =	simm.s32 $0x5;
	_ =	strace $0x80000047;
	s2 =	ssub.s32 s2, s6  }
0xd: {  	v9 =	vimm.s32 $0x8;
	v10 =	vimm.s32 $0x9;
	v11 =	vimm.s32 $0xA;
	s6 =	smul.u32 $0x4D, s3;
	s0 =	sadd.s32 s4, s0;
	s30 =	smax.u32 s2, $0x1  }
0xe: {  	v12 =	vimm.s32 $0xB;
	v13 =	vimm.s32 $0xC;
	v14 =	vimm.s32 $0xD;
	s3 =	simm.s32 $0x4;
	s0 =	sadd.s32 $0x400, s0;
	[dreg:$0x6] =	wrdreg s30  }
0xf: {  	v15 =	vimm.s32 $0xE;
	v16 =	vimm.s32 $0xF;
	v3 =	vmul.u32 $0x8, v3;
	s2 =	simm.s32 $0x2;
	[dreg:$0x5] =	wrdreg s0;
	s0 =	simm.s32 $0x3  }
.LBB2_41:
0x10: {  	s4 =	simm.s32 $0xD  }
0x11: {  	_ =	swait.ge [sflag:s4], $0x1000  }
0x12: {  	[sflag:s4] =	ssyncset.done $0x0  }
0x13: {  	s23 =	simm.s32 $0xE;
	[sflag:s4] =	ssyncadd.s32 $0xFFFFF000  }
0x14: {  	_ =	swait.ge [sflag:s23], $0x1000  }
0x15: {  	[sflag:s23] =	ssyncset.done $0x0  }
0x16: {  	s24 =	simm.s32 $0xF;
	[sflag:s23] =	ssyncadd.s32 $0xFFFFF000  }
0x17: {  	_ =	swait.ge [sflag:s24], $0x1000  }
0x18: {  	[sflag:s24] =	ssyncset.done $0x0  }
0x19: {  	s25 =	simm.s32 $0x10;
	[sflag:s24] =	ssyncadd.s32 $0xFFFFF000  }
0x1a: {  	_ =	swait.ge [sflag:s25], $0x1000  }
0x1b: {  	[sflag:s25] =	ssyncset.done $0x0  }
0x1c: {  	s29 =	simm.s32 $0x11;
	[sflag:s25] =	ssyncadd.s32 $0xFFFFF000  }
0x1d: {  	_ =	swait.ge [sflag:s29], $0x1000  }
0x1e: {  	[sflag:s29] =	ssyncset.done $0x0  }
0x1f: {  	[sflag:s29] =	ssyncadd.s32 $0xFFFFF000  }
0x20: {  	_ =	swait.ge [sflag:s21], $0x1000  }
0x21: {  	s19 =	rddreg [dreg:$0x7]  }
0x22: {  	s30 =	rddreg [dreg:$0x6];
	s19 =	sadd.s32 $0x1, s19  }
0x23: {  	p0 =	sne.s32 s19, s30  }
.Ltmp1:
0x24: {  	_ = 	snop;
	(pc) =	sbr.rel @!p0 .LBB2_42-.Ltmp1, $3  }
0x25: {  	_ =	sdelay $0x1  }
0x26: {  	[sflag:s21] =	ssyncset.done $0x0  }
0x27: {  	[sflag:s21] =	ssyncadd.s32 $0xFFFFF000  }
.LBB2_1:
0x28: {  	[dreg:$0x7] =	wrdreg s19  }
0x29: {  	s4 =	rddreg [dreg:$0x2];
	s24 =	simm.s32 $0x1A  }
0x2a: {  	[tilespmem:s5], [sflag:$0x1A] =	stream.linear.gather [hbm4b:s4+s5], $0xF000, $0x38;
	[tilespmem:$0x1BA00] =	vst v63  }
0x2b: {  	_ =	swait.ge [sflag:s24], $0xF000  }
0x2c: {  	s29 =	simm.s32 $0xF000;
	[sflag:s24] =	ssyncset.done $0x0  }
0x2d: {  	s30 =	simm.s32 $0x19;
	s25 =	rddreg [dreg:$0x5];
	[sflag:s24] =	ssyncadd.s32 $0xFFFF1000  }
0x2e: {  	[tilespmem:s29], [sflag:$0x19] =	stream.linear.gather [hbm4b:s25+s5], $0x9A0, $0x38;
	[tilespmem:$0x1BA00] =	vst v63  }
0x2f: {  	_ =	swait.ge [sflag:s30], $0x9A0  }
0x30: {  	[sflag:s30] =	ssyncset.done $0x0  }
0x31: {  	[sflag:s30] =	ssyncadd.s32 $0xFFFFF660  }
0x32: {  	v17 =	vld [tilespmem:$0xF000];
	_ =	sdelay $0x4  }
0x33: {  	v18 =	vshrl.u32 v17, $0x3  }
0x34: {  	v18 =	vmul.u32 $0x30, v18  }
0x35: {  	v17 =	vand.u32 $0x7, v17  }
0x36: {  	v17 =	vor.u32 v17, v18  }
0x37: {  	v18 =	vperm.xlane v17, v2;
	_ =	sdelay $0x1  }
0x38: {  	v19 =	vperm.xlane v17, v4;
	v18 =	vadd.s32 v3, v18;
	_ =	sdelay $0x1  }
0x39: {  	v20 =	vperm.xlane v17, v5;
	v19 =	vadd.s32 v3, v19;
	_ =	sdelay $0x1  }
0x3a: {  	s19 =	simm.s32 $0xFA00;
	v21 =	vperm.xlane v17, v0;
	v20 =	vadd.s32 v3, v20  }
0x3b: {  	[tilespmem:s19], [sflag:$0x1] =	stream.indirect_vreg.gather [hbm4b:s1+s5], $0x80, v18, vm0, $0xb8;
	[tilespmem:$0x1BA00] =	vst v63  }
0x3c: {  	s20 =	simm.s32 $0xFA80;
	v62 =	vperm.xlane v17, v6;
	v18 =	vadd.s32 v3, v21  }
0x3d: {  	[tilespmem:s20], [sflag:$0x1] =	stream.indirect_vreg.gather [hbm4b:s1+s5], $0x80, v19, vm0, $0xb8;
	[tilespmem:$0x1BA00] =	vst v63  }
0x3e: {  	s22 =	simm.s32 $0xFB00;
	v63 =	vperm.xlane v17, v7;
	v19 =	vadd.s32 v3, v62  }
0x3f: {  	[tilespmem:s22], [sflag:$0x1] =	stream.indirect_vreg.gather [hbm4b:s1+s5], $0x80, v20, vm0, $0xb8;
	[tilespmem:$0x1BA00] =	vst v63  }
0x40: {  	s23 =	simm.s32 $0xFB80;
	v25 =	vperm.xlane v17, v8;
	v24 =	vadd.s32 v3, v63  }
0x41: {  	[tilespmem:s23], [sflag:$0x1] =	stream.indirect_vreg.gather [hbm4b:s1+s5], $0x80, v18, vm0, $0xb8;
	[tilespmem:$0x1BA00] =	vst v63  }
0x42: {  	s24 =	simm.s32 $0xFC00;
	v26 =	vperm.xlane v17, v1;
	v18 =	vadd.s32 v3, v25  }
0x43: {  	[tilespmem:s24], [sflag:$0x1] =	stream.indirect_vreg.gather [hbm4b:s1+s5], $0x80, v19, vm0, $0xb8;
	[tilespmem:$0x1BA00] =	vst v63  }
0x44: {  	s25 =	simm.s32 $0xFC80;
	v27 =	vperm.xlane v17, v9;
	v19 =	vadd.s32 v3, v26  }
0x45: {  	[tilespmem:s25], [sflag:$0x1] =	stream.indirect_vreg.gather [hbm4b:s1+s5], $0x80, v24, vm0, $0xb8;
	[tilespmem:$0x1BA00] =	vst v63  }
0x46: {  	s29 =	simm.s32 $0xFD00;
	v29 =	vperm.xlane v17, v10;
	v28 =	vadd.s32 v3, v27  }
0x47: {  	[tilespmem:s29], [sflag:$0x1] =	stream.indirect_vreg.gather [hbm4b:s1+s5], $0x80, v18, vm0, $0xb8;
	[tilespmem:$0x1BA00] =	vst v63  }
0x48: {  	s30 =	simm.s32 $0xFD80;
	v30 =	vperm.xlane v17, v11;
	v18 =	vadd.s32 v3, v29  }
0x49: {  	[tilespmem:s30], [sflag:$0x1] =	stream.indirect_vreg.gather [hbm4b:s1+s5], $0x80, v19, vm0, $0xb8;
	[tilespmem:$0x1BA00] =	vst v63  }
0x4a: {  	v31 =	vperm.xlane v17, v12;
	s19 =	simm.s32 $0xFE00;
	v19 =	vadd.s32 v3, v30  }
0x4b: {  	[tilespmem:s19], [sflag:$0x1] =	stream.indirect_vreg.gather [hbm4b:s1+s5], $0x80, v28, vm0, $0xb8;
	[tilespmem:$0x1BA00] =	vst v63  }
0x4c: {  	v33 =	vperm.xlane v17, v13;
	v32 =	vadd.s32 v3, v31;
	s20 =	simm.s32 $0xFE80  }
0x4d: {  	[tilespmem:s20], [sflag:$0x1] =	stream.indirect_vreg.gather [hbm4b:s1+s5], $0x80, v18, vm0, $0xb8;
	[tilespmem:$0x1BA00] =	vst v63  }
0x4e: {  	v34 =	vperm.xlane v17, v14;
	s22 =	simm.s32 $0xFF00;
	v18 =	vadd.s32 v3, v33  }
0x4f: {  	[tilespmem:s22], [sflag:$0x1] =	stream.indirect_vreg.gather [hbm4b:s1+s5], $0x80, v19, vm0, $0xb8;
	[tilespmem:$0x1BA00] =	vst v63  }
0x50: {  	v35 =	vperm.xlane v17, v15;
	s23 =	simm.s32 $0xFF80;
	v19 =	vadd.s32 v3, v34  }
0x51: {  	[tilespmem:s23], [sflag:$0x1] =	stream.indirect_vreg.gather [hbm4b:s1+s5], $0x80, v32, vm0, $0xb8;
	[tilespmem:$0x1BA00] =	vst v63  }
0x52: {  	v17 =	vperm.xlane v17, v16;
	v36 =	vadd.s32 v3, v35;
	s24 =	simm.s32 $0x10000  }
0x53: {  	[tilespmem:s24], [sflag:$0x1] =	stream.indirect_vreg.gather [hbm4b:s1+s5], $0x80, v18, vm0, $0xb8;
	[tilespmem:$0x1BA00] =	vst v63  }
0x54: {  	v17 =	vadd.s32 v3, v17;
	s25 =	simm.s32 $0x10080  }
0x55: {  	[tilespmem:s25], [sflag:$0x1] =	stream.indirect_vreg.gather [hbm4b:s1+s5], $0x80, v19, vm0, $0xb8;
	[tilespmem:$0x1BA00] =	vst v63  }
0x56: {  	s29 =	simm.s32 $0x10100  }
0x57: {  	[tilespmem:s29], [sflag:$0x1] =	stream.indirect_vreg.gather [hbm4b:s1+s5], $0x80, v36, vm0, $0xb8;
	[tilespmem:$0x1BA00] =	vst v63  }
0x58: {  	s30 =	simm.s32 $0x10180  }
0x59: {  	[tilespmem:s30], [sflag:$0x1] =	stream.indirect_vreg.gather [hbm4b:s1+s5], $0x80, v17, vm0, $0xb8;
	[tilespmem:$0x1BA00] =	vst v63  }
0x5a: {  	v17 =	vld [tilespmem:$0xF010];
	_ =	sdelay $0x4  }
0x5b: {  	v18 =	vshrl.u32 v17, $0x3  }
0x5c: {  	v18 =	vmul.u32 $0x30, v18  }
0x5d: {  	v17 =	vand.u32 $0x7, v17  }
0x5e: {  	v17 =	vor.u32 v17, v18  }
0x5f: {  	v18 =	vperm.xlane v17, v2;
	_ =	sdelay $0x1  }
0x60: {  	v19 =	vperm.xlane v17, v4;
	v18 =	vadd.s32 v3, v18;
	_ =	sdelay $0x1  }
0x61: {  	v37 =	vperm.xlane v17, v5;
	v19 =	vadd.s32 v3, v19;
	_ =	sdelay $0x1  }
0x62: {  	s19 =	simm.s32 $0x10200;
	v38 =	vperm.xlane v17, v0;
	v20 =	vadd.s32 v3, v37  }
0x63: {  	[tilespmem:s19], [sflag:$0x1] =	stream.indirect_vreg.gather [hbm4b:s1+s5], $0x80, v18, vm0, $0xb8;
	[tilespmem:$0x1BA00] =	vst v63  }
0x64: {  	s20 =	simm.s32 $0x10280;
	v39 =	vperm.xlane v17, v6;
	v18 =	vadd.s32 v3, v38  }
0x65: {  	[tilespmem:s20], [sflag:$0x1] =	stream.indirect_vreg.gather [hbm4b:s1+s5], $0x80, v19, vm0, $0xb8;
	[tilespmem:$0x1BA00] =	vst v63  }
0x66: {  	s22 =	simm.s32 $0x10300;
	v40 =	vperm.xlane v17, v7;
	v19 =	vadd.s32 v3, v39  }
0x67: {  	[tilespmem:s22], [sflag:$0x1] =	stream.indirect_vreg.gather [hbm4b:s1+s5], $0x80, v20, vm0, $0xb8;
	[tilespmem:$0x1BA00] =	vst v63  }
0x68: {  	s23 =	simm.s32 $0x10380;
	v42 =	vperm.xlane v17, v8;
	v41 =	vadd.s32 v3, v40  }
0x69: {  	[tilespmem:s23], [sflag:$0x1] =	stream.indirect_vreg.gather [hbm4b:s1+s5], $0x80, v18, vm0, $0xb8;
	[tilespmem:$0x1BA00] =	vst v63  }
0x6a: {  	s24 =	simm.s32 $0x10400;
	v43 =	vperm.xlane v17, v1;
	v18 =	vadd.s32 v3, v42  }
0x6b: {  	[tilespmem:s24], [sflag:$0x1] =	stream.indirect_vreg.gather [hbm4b:s1+s5], $0x80, v19, vm0, $0xb8;
	[tilespmem:$0x1BA00] =	vst v63  }
0x6c: {  	s25 =	simm.s32 $0x10480;
	v44 =	vperm.xlane v17, v9;
	v19 =	vadd.s32 v3, v43  }
0x6d: {  	[tilespmem:s25], [sflag:$0x1] =	stream.indirect_vreg.gather [hbm4b:s1+s5], $0x80, v41, vm0, $0xb8;
	[tilespmem:$0x1BA00] =	vst v63  }
0x6e: {  	s29 =	simm.s32 $0x10500;
	v46 =	vperm.xlane v17, v10;
	v45 =	vadd.s32 v3, v44  }
0x6f: {  	[tilespmem:s29], [sflag:$0x1] =	stream.indirect_vreg.gather [hbm4b:s1+s5], $0x80, v18, vm0, $0xb8;
	[tilespmem:$0x1BA00] =	vst v63  }
0x70: {  	s30 =	simm.s32 $0x10580;
	v47 =	vperm.xlane v17, v11;
	v18 =	vadd.s32 v3, v46  }
0x71: {  	[tilespmem:s30], [sflag:$0x1] =	stream.indirect_vreg.gather [hbm4b:s1+s5], $0x80, v19, vm0, $0xb8;
	[tilespmem:$0x1BA00] =	vst v63  }
0x72: {  	v48 =	vperm.xlane v17, v12;
	s19 =	simm.s32 $0x10600;
	v19 =	vadd.s32 v3, v47  }
0x73: {  	[tilespmem:s19], [sflag:$0x1] =	stream.indirect_vreg.gather [hbm4b:s1+s5], $0x80, v45, vm0, $0xb8;
	[tilespmem:$0x1BA00] =	vst v63  }
0x74: {  	v50 =	vperm.xlane v17, v13;
	v49 =	vadd.s32 v3, v48;
	s20 =	simm.s32 $0x10680  }
0x75: {  	[tilespmem:s20], [sflag:$0x1] =	stream.indirect_vreg.gather [hbm4b:s1+s5], $0x80, v18, vm0, $0xb8;
	[tilespmem:$0x1BA00] =	vst v63  }
0x76: {  	v51 =	vperm.xlane v17, v14;
	s22 =	simm.s32 $0x10700;
	v18 =	vadd.s32 v3, v50  }
0x77: {  	[tilespmem:s22], [sflag:$0x1] =	stream.indirect_vreg.gather [hbm4b:s1+s5], $0x80, v19, vm0, $0xb8;
	[tilespmem:$0x1BA00] =	vst v63  }
0x78: {  	v52 =	vperm.xlane v17, v15;
	s23 =	simm.s32 $0x10780;
	v19 =	vadd.s32 v3, v51  }
0x79: {  	[tilespmem:s23], [sflag:$0x1] =	stream.indirect_vreg.gather [hbm4b:s1+s5], $0x80, v49, vm0, $0xb8;
	[tilespmem:$0x1BA00] =	vst v63  }
0x7a: {  	v17 =	vperm.xlane v17, v16;
	v53 =	vadd.s32 v3, v52;
	s24 =	simm.s32 $0x10800  }
0x7b: {  	[tilespmem:s24], [sflag:$0x1] =	stream.indirect_vreg.gather [hbm4b:s1+s5], $0x80, v18, vm0, $0xb8;
	[tilespmem:$0x1BA00] =	vst v63  }
0x7c: {  	v17 =	vadd.s32 v3, v17;
	s25 =	simm.s32 $0x10880  }
0x7d: {  	[tilespmem:s25], [sflag:$0x1] =	stream.indirect_vreg.gather [hbm4b:s1+s5], $0x80, v19, vm0, $0xb8;
	[tilespmem:$0x1BA00] =	vst v63  }
0x7e: {  	s29 =	simm.s32 $0x10900  }
0x7f: {  	[tilespmem:s29], [sflag:$0x1] =	stream.indirect_vreg.gather [hbm4b:s1+s5], $0x80, v53, vm0, $0xb8;
	[tilespmem:$0x1BA00] =	vst v63  }
0x80: {  	s30 =	simm.s32 $0x10980  }
0x81: {  	[tilespmem:s30], [sflag:$0x1] =	stream.indirect_vreg.gather [hbm4b:s1+s5], $0x80, v17, vm0, $0xb8;
	[tilespmem:$0x1BA00] =	vst v63  }
0x82: {  	v17 =	vld [tilespmem:$0xF000];
	_ =	sdelay $0x4  }
0x83: {  	v18 =	vshrl.u32 v17, $0x3  }
0x84: {  	v18 =	vmul.u32 $0x30, v18  }
0x85: {  	v17 =	vand.u32 $0x7, v17  }
0x86: {  	v17 =	vor.u32 v17, v18  }
0x87: {  	v18 =	vperm.xlane v17, v2;
	_ =	sdelay $0x1  }
0x88: {  	v19 =	vperm.xlane v17, v4;
	v18 =	vadd.s32 v3, v18;
	_ =	sdelay $0x1  }
0x89: {  	v54 =	vperm.xlane v17, v5;
	v19 =	vadd.s32 v3, v19;
	_ =	sdelay $0x1  }
0x8a: {  	s19 =	simm.s32 $0x10A00;
	v55 =	vperm.xlane v17, v0;
	v20 =	vadd.s32 v3, v54  }
0x8b: {  	[tilespmem:s19], [sflag:$0x2] =	stream.indirect_vreg.gather [hbm4b:s8+s5], $0x80, v18, vm0, $0xb8;
	[tilespmem:$0x1BA00] =	vst v63  }
0x8c: {  	s20 =	simm.s32 $0x10A80;
	v56 =	vperm.xlane v17, v6;
	v18 =	vadd.s32 v3, v55  }
0x8d: {  	[tilespmem:s20], [sflag:$0x2] =	stream.indirect_vreg.gather [hbm4b:s8+s5], $0x80, v19, vm0, $0xb8;
	[tilespmem:$0x1BA00] =	vst v63  }
0x8e: {  	s22 =	simm.s32 $0x10B00;
	v57 =	vperm.xlane v17, v7;
	v19 =	vadd.s32 v3, v56  }
0x8f: {  	[tilespmem:s22], [sflag:$0x2] =	stream.indirect_vreg.gather [hbm4b:s8+s5], $0x80, v20, vm0, $0xb8;
	[tilespmem:$0x1BA00] =	vst v63  }
0x90: {  	s23 =	simm.s32 $0x10B80;
	v59 =	vperm.xlane v17, v8;
	v58 =	vadd.s32 v3, v57  }
0x91: {  	[tilespmem:s23], [sflag:$0x2] =	stream.indirect_vreg.gather [hbm4b:s8+s5], $0x80, v18, vm0, $0xb8;
	[tilespmem:$0x1BA00] =	vst v63  }
0x92: {  	s24 =	simm.s32 $0x10C00;
	v60 =	vperm.xlane v17, v1;
	v18 =	vadd.s32 v3, v59  }
0x93: {  	[tilespmem:s24], [sflag:$0x2] =	stream.indirect_vreg.gather [hbm4b:s8+s5], $0x80, v19, vm0, $0xb8;
	[tilespmem:$0x1BA00] =	vst v63  }
0x94: {  	s25 =	simm.s32 $0x10C80;
	v61 =	vperm.xlane v17, v9;
	v19 =	vadd.s32 v3, v60  }
0x95: {  	[tilespmem:s25], [sflag:$0x2] =	stream.indirect_vreg.gather [hbm4b:s8+s5], $0x80, v58, vm0, $0xb8;
	[tilespmem:$0x1BA00] =	vst v63  }
0x96: {  	s29 =	simm.s32 $0x10D00;
	v63 =	vperm.xlane v17, v10;
	v62 =	vadd.s32 v3, v61  }
0x97: {  	[tilespmem:s29], [sflag:$0x2] =	stream.indirect_vreg.gather [hbm4b:s8+s5], $0x80, v18, vm0, $0xb8;
	[tilespmem:$0x1BA00] =	vst v63  }
0x98: {  	s30 =	simm.s32 $0x10D80;
	v24 =	vperm.xlane v17, v11;
	v18 =	vadd.s32 v3, v63  }
0x99: {  	[tilespmem:s30], [sflag:$0x2] =	stream.indirect_vreg.gather [hbm4b:s8+s5], $0x80, v19, vm0, $0xb8;
	[tilespmem:$0x1BA00] =	vst v63  }
0x9a: {  	v25 =	vperm.xlane v17, v12;
	s19 =	simm.s32 $0x10E00;
	v19 =	vadd.s32 v3, v24  }
0x9b: {  	[tilespmem:s19], [sflag:$0x2] =	stream.indirect_vreg.gather [hbm4b:s8+s5], $0x80, v62, vm0, $0xb8;
	[tilespmem:$0x1BA00] =	vst v63  }
0x9c: {  	v27 =	vperm.xlane v17, v13;
	v26 =	vadd.s32 v3, v25;
	s20 =	simm.s32 $0x10E80  }
0x9d: {  	[tilespmem:s20], [sflag:$0x2] =	stream.indirect_vreg.gather [hbm4b:s8+s5], $0x80, v18, vm0, $0xb8;
	[tilespmem:$0x1BA00] =	vst v63  }
0x9e: {  	v28 =	vperm.xlane v17, v14;
	s22 =	simm.s32 $0x10F00;
	v18 =	vadd.s32 v3, v27  }
0x9f: {  	[tilespmem:s22], [sflag:$0x2] =	stream.indirect_vreg.gather [hbm4b:s8+s5], $0x80, v19, vm0, $0xb8;
	[tilespmem:$0x1BA00] =	vst v63  }
0xa0: {  	v29 =	vperm.xlane v17, v15;
	s23 =	simm.s32 $0x10F80;
	v19 =	vadd.s32 v3, v28  }
0xa1: {  	[tilespmem:s23], [sflag:$0x2] =	stream.indirect_vreg.gather [hbm4b:s8+s5], $0x80, v26, vm0, $0xb8;
	[tilespmem:$0x1BA00] =	vst v63  }
0xa2: {  	v17 =	vperm.xlane v17, v16;
	v30 =	vadd.s32 v3, v29;
	s24 =	simm.s32 $0x11000  }
0xa3: {  	[tilespmem:s24], [sflag:$0x2] =	stream.indirect_vreg.gather [hbm4b:s8+s5], $0x80, v18, vm0, $0xb8;
	[tilespmem:$0x1BA00] =	vst v63  }
0xa4: {  	v17 =	vadd.s32 v3, v17;
	s25 =	simm.s32 $0x11080  }
0xa5: {  	[tilespmem:s25], [sflag:$0x2] =	stream.indirect_vreg.gather [hbm4b:s8+s5], $0x80, v19, vm0, $0xb8;
	[tilespmem:$0x1BA00] =	vst v63  }
0xa6: {  	s29 =	simm.s32 $0x11100  }
0xa7: {  	[tilespmem:s29], [sflag:$0x2] =	stream.indirect_vreg.gather [hbm4b:s8+s5], $0x80, v30, vm0, $0xb8;
	[tilespmem:$0x1BA00] =	vst v63  }
0xa8: {  	s30 =	simm.s32 $0x11180  }
0xa9: {  	[tilespmem:s30], [sflag:$0x2] =	stream.indirect_vreg.gather [hbm4b:s8+s5], $0x80, v17, vm0, $0xb8;
	[tilespmem:$0x1BA00] =	vst v63  }
0xaa: {  	v17 =	vld [tilespmem:$0xF010];
	_ =	sdelay $0x4  }
0xab: {  	v18 =	vshrl.u32 v17, $0x3  }
0xac: {  	v18 =	vmul.u32 $0x30, v18  }
0xad: {  	v17 =	vand.u32 $0x7, v17  }
0xae: {  	v17 =	vor.u32 v17, v18  }
0xaf: {  	v18 =	vperm.xlane v17, v2;
	_ =	sdelay $0x1  }
0xb0: {  	v19 =	vperm.xlane v17, v4;
	v18 =	vadd.s32 v3, v18;
	_ =	sdelay $0x1  }
0xb1: {  	v31 =	vperm.xlane v17, v5;
	v19 =	vadd.s32 v3, v19;
	_ =	sdelay $0x1  }
0xb2: {  	s19 =	simm.s32 $0x11200;
	v32 =	vperm.xlane v17, v0;
	v20 =	vadd.s32 v3, v31  }
0xb3: {  	[tilespmem:s19], [sflag:$0x2] =	stream.indirect_vreg.gather [hbm4b:s8+s5], $0x80, v18, vm0, $0xb8;
	[tilespmem:$0x1BA00] =	vst v63  }
0xb4: {  	s20 =	simm.s32 $0x11280;
	v33 =	vperm.xlane v17, v6;
	v18 =	vadd.s32 v3, v32  }
0xb5: {  	[tilespmem:s20], [sflag:$0x2] =	stream.indirect_vreg.gather [hbm4b:s8+s5], $0x80, v19, vm0, $0xb8;
	[tilespmem:$0x1BA00] =	vst v63  }
0xb6: {  	s22 =	simm.s32 $0x11300;
	v34 =	vperm.xlane v17, v7;
	v19 =	vadd.s32 v3, v33  }
0xb7: {  	[tilespmem:s22], [sflag:$0x2] =	stream.indirect_vreg.gather [hbm4b:s8+s5], $0x80, v20, vm0, $0xb8;
	[tilespmem:$0x1BA00] =	vst v63  }
0xb8: {  	s23 =	simm.s32 $0x11380;
	v36 =	vperm.xlane v17, v8;
	v35 =	vadd.s32 v3, v34  }
0xb9: {  	[tilespmem:s23], [sflag:$0x2] =	stream.indirect_vreg.gather [hbm4b:s8+s5], $0x80, v18, vm0, $0xb8;
	[tilespmem:$0x1BA00] =	vst v63  }
0xba: {  	s24 =	simm.s32 $0x11400;
	v37 =	vperm.xlane v17, v1;
	v18 =	vadd.s32 v3, v36  }
0xbb: {  	[tilespmem:s24], [sflag:$0x2] =	stream.indirect_vreg.gather [hbm4b:s8+s5], $0x80, v19, vm0, $0xb8;
	[tilespmem:$0x1BA00] =	vst v63  }
0xbc: {  	s25 =	simm.s32 $0x11480;
	v38 =	vperm.xlane v17, v9;
	v19 =	vadd.s32 v3, v37  }
0xbd: {  	[tilespmem:s25], [sflag:$0x2] =	stream.indirect_vreg.gather [hbm4b:s8+s5], $0x80, v35, vm0, $0xb8;
	[tilespmem:$0x1BA00] =	vst v63  }
0xbe: {  	s29 =	simm.s32 $0x11500;
	v40 =	vperm.xlane v17, v10;
	v39 =	vadd.s32 v3, v38  }
0xbf: {  	[tilespmem:s29], [sflag:$0x2] =	stream.indirect_vreg.gather [hbm4b:s8+s5], $0x80, v18, vm0, $0xb8;
	[tilespmem:$0x1BA00] =	vst v63  }
0xc0: {  	s30 =	simm.s32 $0x11580;
	v41 =	vperm.xlane v17, v11;
	v18 =	vadd.s32 v3, v40  }
0xc1: {  	[tilespmem:s30], [sflag:$0x2] =	stream.indirect_vreg.gather [hbm4b:s8+s5], $0x80, v19, vm0, $0xb8;
	[tilespmem:$0x1BA00] =	vst v63  }
0xc2: {  	v42 =	vperm.xlane v17, v12;
	s19 =	simm.s32 $0x11600;
	v19 =	vadd.s32 v3, v41  }
0xc3: {  	[tilespmem:s19], [sflag:$0x2] =	stream.indirect_vreg.gather [hbm4b:s8+s5], $0x80, v39, vm0, $0xb8;
	[tilespmem:$0x1BA00] =	vst v63  }
0xc4: {  	v44 =	vperm.xlane v17, v13;
	v43 =	vadd.s32 v3, v42;
	s20 =	simm.s32 $0x11680  }
0xc5: {  	[tilespmem:s20], [sflag:$0x2] =	stream.indirect_vreg.gather [hbm4b:s8+s5], $0x80, v18, vm0, $0xb8;
	[tilespmem:$0x1BA00] =	vst v63  }
0xc6: {  	v45 =	vperm.xlane v17, v14;
	s22 =	simm.s32 $0x11700;
	v18 =	vadd.s32 v3, v44  }
0xc7: {  	[tilespmem:s22], [sflag:$0x2] =	stream.indirect_vreg.gather [hbm4b:s8+s5], $0x80, v19, vm0, $0xb8;
	[tilespmem:$0x1BA00] =	vst v63  }
0xc8: {  	v46 =	vperm.xlane v17, v15;
	s23 =	simm.s32 $0x11780;
	v19 =	vadd.s32 v3, v45  }
0xc9: {  	[tilespmem:s23], [sflag:$0x2] =	stream.indirect_vreg.gather [hbm4b:s8+s5], $0x80, v43, vm0, $0xb8;
	[tilespmem:$0x1BA00] =	vst v63  }
0xca: {  	v17 =	vperm.xlane v17, v16;
	v47 =	vadd.s32 v3, v46;
	s24 =	simm.s32 $0x11800  }
0xcb: {  	[tilespmem:s24], [sflag:$0x2] =	stream.indirect_vreg.gather [hbm4b:s8+s5], $0x80, v18, vm0, $0xb8;
	[tilespmem:$0x1BA00] =	vst v63  }
0xcc: {  	v17 =	vadd.s32 v3, v17;
	s25 =	simm.s32 $0x11880  }
0xcd: {  	[tilespmem:s25], [sflag:$0x2] =	stream.indirect_vreg.gather [hbm4b:s8+s5], $0x80, v19, vm0, $0xb8;
	[tilespmem:$0x1BA00] =	vst v63  }
0xce: {  	s29 =	simm.s32 $0x11900  }
0xcf: {  	[tilespmem:s29], [sflag:$0x2] =	stream.indirect_vreg.gather [hbm4b:s8+s5], $0x80, v47, vm0, $0xb8;
	[tilespmem:$0x1BA00] =	vst v63  }
0xd0: {  	s30 =	simm.s32 $0x11980  }
0xd1: {  	[tilespmem:s30], [sflag:$0x2] =	stream.indirect_vreg.gather [hbm4b:s8+s5], $0x80, v17, vm0, $0xb8;
	[tilespmem:$0x1BA00] =	vst v63  }
0xd2: {  	v17 =	vld [tilespmem:$0xF000];
	_ =	sdelay $0x4  }
0xd3: {  	v18 =	vshrl.u32 v17, $0x3  }
0xd4: {  	v18 =	vmul.u32 $0x30, v18  }
0xd5: {  	v17 =	vand.u32 $0x7, v17  }
0xd6: {  	v17 =	vor.u32 v17, v18  }
0xd7: {  	v18 =	vperm.xlane v17, v2;
	_ =	sdelay $0x1  }
0xd8: {  	v19 =	vperm.xlane v17, v4;
	v18 =	vadd.s32 v3, v18;
	_ =	sdelay $0x1  }
0xd9: {  	v48 =	vperm.xlane v17, v5;
	v19 =	vadd.s32 v3, v19;
	_ =	sdelay $0x1  }
0xda: {  	s19 =	simm.s32 $0x11A00;
	v49 =	vperm.xlane v17, v0;
	v20 =	vadd.s32 v3, v48  }
0xdb: {  	[tilespmem:s19], [sflag:$0x3] =	stream.indirect_vreg.gather [hbm4b:s9+s5], $0x80, v18, vm0, $0xb8;
	[tilespmem:$0x1BA00] =	vst v63  }
0xdc: {  	s20 =	simm.s32 $0x11A80;
	v50 =	vperm.xlane v17, v6;
	v18 =	vadd.s32 v3, v49  }
0xdd: {  	[tilespmem:s20], [sflag:$0x3] =	stream.indirect_vreg.gather [hbm4b:s9+s5], $0x80, v19, vm0, $0xb8;
	[tilespmem:$0x1BA00] =	vst v63  }
0xde: {  	s22 =	simm.s32 $0x11B00;
	v51 =	vperm.xlane v17, v7;
	v19 =	vadd.s32 v3, v50  }
0xdf: {  	[tilespmem:s22], [sflag:$0x3] =	stream.indirect_vreg.gather [hbm4b:s9+s5], $0x80, v20, vm0, $0xb8;
	[tilespmem:$0x1BA00] =	vst v63  }
0xe0: {  	s23 =	simm.s32 $0x11B80;
	v53 =	vperm.xlane v17, v8;
	v52 =	vadd.s32 v3, v51  }
0xe1: {  	[tilespmem:s23], [sflag:$0x3] =	stream.indirect_vreg.gather [hbm4b:s9+s5], $0x80, v18, vm0, $0xb8;
	[tilespmem:$0x1BA00] =	vst v63  }
0xe2: {  	s24 =	simm.s32 $0x11C00;
	v54 =	vperm.xlane v17, v1;
	v18 =	vadd.s32 v3, v53  }
0xe3: {  	[tilespmem:s24], [sflag:$0x3] =	stream.indirect_vreg.gather [hbm4b:s9+s5], $0x80, v19, vm0, $0xb8;
	[tilespmem:$0x1BA00] =	vst v63  }
0xe4: {  	s25 =	simm.s32 $0x11C80;
	v55 =	vperm.xlane v17, v9;
	v19 =	vadd.s32 v3, v54  }
0xe5: {  	[tilespmem:s25], [sflag:$0x3] =	stream.indirect_vreg.gather [hbm4b:s9+s5], $0x80, v52, vm0, $0xb8;
	[tilespmem:$0x1BA00] =	vst v63  }
0xe6: {  	s29 =	simm.s32 $0x11D00;
	v57 =	vperm.xlane v17, v10;
	v56 =	vadd.s32 v3, v55  }
0xe7: {  	[tilespmem:s29], [sflag:$0x3] =	stream.indirect_vreg.gather [hbm4b:s9+s5], $0x80, v18, vm0, $0xb8;
	[tilespmem:$0x1BA00] =	vst v63  }
0xe8: {  	s30 =	simm.s32 $0x11D80;
	v58 =	vperm.xlane v17, v11;
	v18 =	vadd.s32 v3, v57  }
0xe9: {  	[tilespmem:s30], [sflag:$0x3] =	stream.indirect_vreg.gather [hbm4b:s9+s5], $0x80, v19, vm0, $0xb8;
	[tilespmem:$0x1BA00] =	vst v63  }
0xea: {  	v59 =	vperm.xlane v17, v12;
	s19 =	simm.s32 $0x11E00;
	v19 =	vadd.s32 v3, v58  }
0xeb: {  	[tilespmem:s19], [sflag:$0x3] =	stream.indirect_vreg.gather [hbm4b:s9+s5], $0x80, v56, vm0, $0xb8;
	[tilespmem:$0x1BA00] =	vst v63  }
0xec: {  	v61 =	vperm.xlane v17, v13;
	v60 =	vadd.s32 v3, v59;
	s20 =	simm.s32 $0x11E80  }
0xed: {  	[tilespmem:s20], [sflag:$0x3] =	stream.indirect_vreg.gather [hbm4b:s9+s5], $0x80, v18, vm0, $0xb8;
	[tilespmem:$0x1BA00] =	vst v63  }
0xee: {  	v62 =	vperm.xlane v17, v14;
	s22 =	simm.s32 $0x11F00;
	v18 =	vadd.s32 v3, v61  }
0xef: {  	[tilespmem:s22], [sflag:$0x3] =	stream.indirect_vreg.gather [hbm4b:s9+s5], $0x80, v19, vm0, $0xb8;
	[tilespmem:$0x1BA00] =	vst v63  }
0xf0: {  	v63 =	vperm.xlane v17, v15;
	s23 =	simm.s32 $0x11F80;
	v19 =	vadd.s32 v3, v62  }
0xf1: {  	[tilespmem:s23], [sflag:$0x3] =	stream.indirect_vreg.gather [hbm4b:s9+s5], $0x80, v60, vm0, $0xb8;
	[tilespmem:$0x1BA00] =	vst v63  }
0xf2: {  	v17 =	vperm.xlane v17, v16;
	v24 =	vadd.s32 v3, v63;
	s24 =	simm.s32 $0x12000  }
0xf3: {  	[tilespmem:s24], [sflag:$0x3] =	stream.indirect_vreg.gather [hbm4b:s9+s5], $0x80, v18, vm0, $0xb8;
	[tilespmem:$0x1BA00] =	vst v63  }
0xf4: {  	v17 =	vadd.s32 v3, v17;
	s25 =	simm.s32 $0x12080  }
0xf5: {  	[tilespmem:s25], [sflag:$0x3] =	stream.indirect_vreg.gather [hbm4b:s9+s5], $0x80, v19, vm0, $0xb8;
	[tilespmem:$0x1BA00] =	vst v63  }
0xf6: {  	s29 =	simm.s32 $0x12100  }
0xf7: {  	[tilespmem:s29], [sflag:$0x3] =	stream.indirect_vreg.gather [hbm4b:s9+s5], $0x80, v24, vm0, $0xb8;
	[tilespmem:$0x1BA00] =	vst v63  }
0xf8: {  	s30 =	simm.s32 $0x12180  }
0xf9: {  	[tilespmem:s30], [sflag:$0x3] =	stream.indirect_vreg.gather [hbm4b:s9+s5], $0x80, v17, vm0, $0xb8;
	[tilespmem:$0x1BA00] =	vst v63  }
0xfa: {  	v17 =	vld [tilespmem:$0xF010];
	_ =	sdelay $0x4  }
0xfb: {  	v18 =	vshrl.u32 v17, $0x3  }
0xfc: {  	v18 =	vmul.u32 $0x30, v18  }
0xfd: {  	v17 =	vand.u32 $0x7, v17  }
0xfe: {  	v17 =	vor.u32 v17, v18  }
0xff: {  	v18 =	vperm.xlane v17, v2;
	_ =	sdelay $0x1  }
0x100: {  	v19 =	vperm.xlane v17, v4;
	v18 =	vadd.s32 v3, v18;
	_ =	sdelay $0x1  }
0x101: {  	v25 =	vperm.xlane v17, v5;
	v19 =	vadd.s32 v3, v19;
	_ =	sdelay $0x1  }
0x102: {  	s19 =	simm.s32 $0x12200;
	v26 =	vperm.xlane v17, v0;
	v20 =	vadd.s32 v3, v25  }
0x103: {  	[tilespmem:s19], [sflag:$0x3] =	stream.indirect_vreg.gather [hbm4b:s9+s5], $0x80, v18, vm0, $0xb8;
	[tilespmem:$0x1BA00] =	vst v63  }
0x104: {  	s20 =	simm.s32 $0x12280;
	v27 =	vperm.xlane v17, v6;
	v18 =	vadd.s32 v3, v26  }
0x105: {  	[tilespmem:s20], [sflag:$0x3] =	stream.indirect_vreg.gather [hbm4b:s9+s5], $0x80, v19, vm0, $0xb8;
	[tilespmem:$0x1BA00] =	vst v63  }
0x106: {  	s22 =	simm.s32 $0x12300;
	v28 =	vperm.xlane v17, v7;
	v19 =	vadd.s32 v3, v27  }
0x107: {  	[tilespmem:s22], [sflag:$0x3] =	stream.indirect_vreg.gather [hbm4b:s9+s5], $0x80, v20, vm0, $0xb8;
	[tilespmem:$0x1BA00] =	vst v63  }
0x108: {  	s23 =	simm.s32 $0x12380;
	v30 =	vperm.xlane v17, v8;
	v29 =	vadd.s32 v3, v28  }
0x109: {  	[tilespmem:s23], [sflag:$0x3] =	stream.indirect_vreg.gather [hbm4b:s9+s5], $0x80, v18, vm0, $0xb8;
	[tilespmem:$0x1BA00] =	vst v63  }
0x10a: {  	s24 =	simm.s32 $0x12400;
	v31 =	vperm.xlane v17, v1;
	v18 =	vadd.s32 v3, v30  }
0x10b: {  	[tilespmem:s24], [sflag:$0x3] =	stream.indirect_vreg.gather [hbm4b:s9+s5], $0x80, v19, vm0, $0xb8;
	[tilespmem:$0x1BA00] =	vst v63  }
0x10c: {  	s25 =	simm.s32 $0x12480;
	v32 =	vperm.xlane v17, v9;
	v19 =	vadd.s32 v3, v31  }
0x10d: {  	[tilespmem:s25], [sflag:$0x3] =	stream.indirect_vreg.gather [hbm4b:s9+s5], $0x80, v29, vm0, $0xb8;
	[tilespmem:$0x1BA00] =	vst v63  }
0x10e: {  	s29 =	simm.s32 $0x12500;
	v34 =	vperm.xlane v17, v10;
	v33 =	vadd.s32 v3, v32  }
0x10f: {  	[tilespmem:s29], [sflag:$0x3] =	stream.indirect_vreg.gather [hbm4b:s9+s5], $0x80, v18, vm0, $0xb8;
	[tilespmem:$0x1BA00] =	vst v63  }
0x110: {  	s30 =	simm.s32 $0x12580;
	v35 =	vperm.xlane v17, v11;
	v18 =	vadd.s32 v3, v34  }
0x111: {  	[tilespmem:s30], [sflag:$0x3] =	stream.indirect_vreg.gather [hbm4b:s9+s5], $0x80, v19, vm0, $0xb8;
	[tilespmem:$0x1BA00] =	vst v63  }
0x112: {  	v36 =	vperm.xlane v17, v12;
	s19 =	simm.s32 $0x12600;
	v19 =	vadd.s32 v3, v35  }
0x113: {  	[tilespmem:s19], [sflag:$0x3] =	stream.indirect_vreg.gather [hbm4b:s9+s5], $0x80, v33, vm0, $0xb8;
	[tilespmem:$0x1BA00] =	vst v63  }
0x114: {  	v38 =	vperm.xlane v17, v13;
	v37 =	vadd.s32 v3, v36;
	s20 =	simm.s32 $0x12680  }
0x115: {  	[tilespmem:s20], [sflag:$0x3] =	stream.indirect_vreg.gather [hbm4b:s9+s5], $0x80, v18, vm0, $0xb8;
	[tilespmem:$0x1BA00] =	vst v63  }
0x116: {  	v39 =	vperm.xlane v17, v14;
	s22 =	simm.s32 $0x12700;
	v18 =	vadd.s32 v3, v38  }
0x117: {  	[tilespmem:s22], [sflag:$0x3] =	stream.indirect_vreg.gather [hbm4b:s9+s5], $0x80, v19, vm0, $0xb8;
	[tilespmem:$0x1BA00] =	vst v63  }
0x118: {  	v40 =	vperm.xlane v17, v15;
	s23 =	simm.s32 $0x12780;
	v19 =	vadd.s32 v3, v39  }
0x119: {  	[tilespmem:s23], [sflag:$0x3] =	stream.indirect_vreg.gather [hbm4b:s9+s5], $0x80, v37, vm0, $0xb8;
	[tilespmem:$0x1BA00] =	vst v63  }
0x11a: {  	v17 =	vperm.xlane v17, v16;
	v41 =	vadd.s32 v3, v40;
	s24 =	simm.s32 $0x12800  }
0x11b: {  	[tilespmem:s24], [sflag:$0x3] =	stream.indirect_vreg.gather [hbm4b:s9+s5], $0x80, v18, vm0, $0xb8;
	[tilespmem:$0x1BA00] =	vst v63  }
0x11c: {  	v17 =	vadd.s32 v3, v17;
	s25 =	simm.s32 $0x12880  }
0x11d: {  	[tilespmem:s25], [sflag:$0x3] =	stream.indirect_vreg.gather [hbm4b:s9+s5], $0x80, v19, vm0, $0xb8;
	[tilespmem:$0x1BA00] =	vst v63  }
0x11e: {  	s29 =	simm.s32 $0x12900  }
0x11f: {  	[tilespmem:s29], [sflag:$0x3] =	stream.indirect_vreg.gather [hbm4b:s9+s5], $0x80, v41, vm0, $0xb8;
	[tilespmem:$0x1BA00] =	vst v63  }
0x120: {  	s30 =	simm.s32 $0x12980  }
0x121: {  	[tilespmem:s30], [sflag:$0x3] =	stream.indirect_vreg.gather [hbm4b:s9+s5], $0x80, v17, vm0, $0xb8;
	[tilespmem:$0x1BA00] =	vst v63  }
0x122: {  	v17 =	vld [tilespmem:$0xF000];
	_ =	sdelay $0x4  }
0x123: {  	v18 =	vshrl.u32 v17, $0x3  }
0x124: {  	v18 =	vmul.u32 $0x30, v18  }
0x125: {  	v17 =	vand.u32 $0x7, v17  }
0x126: {  	v17 =	vor.u32 v17, v18  }
0x127: {  	v18 =	vperm.xlane v17, v2;
	_ =	sdelay $0x1  }
0x128: {  	v19 =	vperm.xlane v17, v4;
	v18 =	vadd.s32 v3, v18;
	_ =	sdelay $0x1  }
0x129: {  	v42 =	vperm.xlane v17, v5;
	v19 =	vadd.s32 v3, v19;
	_ =	sdelay $0x1  }
0x12a: {  	s19 =	simm.s32 $0x12A00;
	v43 =	vperm.xlane v17, v0;
	v20 =	vadd.s32 v3, v42  }
0x12b: {  	[tilespmem:s19], [sflag:$0x4] =	stream.indirect_vreg.gather [hbm4b:s10+s5], $0x80, v18, vm0, $0xb8;
	[tilespmem:$0x1BA00] =	vst v63  }
0x12c: {  	s20 =	simm.s32 $0x12A80;
	v44 =	vperm.xlane v17, v6;
	v18 =	vadd.s32 v3, v43  }
0x12d: {  	[tilespmem:s20], [sflag:$0x4] =	stream.indirect_vreg.gather [hbm4b:s10+s5], $0x80, v19, vm0, $0xb8;
	[tilespmem:$0x1BA00] =	vst v63  }
0x12e: {  	s22 =	simm.s32 $0x12B00;
	v45 =	vperm.xlane v17, v7;
	v19 =	vadd.s32 v3, v44  }
0x12f: {  	[tilespmem:s22], [sflag:$0x4] =	stream.indirect_vreg.gather [hbm4b:s10+s5], $0x80, v20, vm0, $0xb8;
	[tilespmem:$0x1BA00] =	vst v63  }
0x130: {  	s23 =	simm.s32 $0x12B80;
	v47 =	vperm.xlane v17, v8;
	v46 =	vadd.s32 v3, v45  }
0x131: {  	[tilespmem:s23], [sflag:$0x4] =	stream.indirect_vreg.gather [hbm4b:s10+s5], $0x80, v18, vm0, $0xb8;
	[tilespmem:$0x1BA00] =	vst v63  }
0x132: {  	s24 =	simm.s32 $0x12C00;
	v48 =	vperm.xlane v17, v1;
	v18 =	vadd.s32 v3, v47  }
0x133: {  	[tilespmem:s24], [sflag:$0x4] =	stream.indirect_vreg.gather [hbm4b:s10+s5], $0x80, v19, vm0, $0xb8;
	[tilespmem:$0x1BA00] =	vst v63  }
0x134: {  	s25 =	simm.s32 $0x12C80;
	v49 =	vperm.xlane v17, v9;
	v19 =	vadd.s32 v3, v48  }
0x135: {  	[tilespmem:s25], [sflag:$0x4] =	stream.indirect_vreg.gather [hbm4b:s10+s5], $0x80, v46, vm0, $0xb8;
	[tilespmem:$0x1BA00] =	vst v63  }
0x136: {  	s29 =	simm.s32 $0x12D00;
	v51 =	vperm.xlane v17, v10;
	v50 =	vadd.s32 v3, v49  }
0x137: {  	[tilespmem:s29], [sflag:$0x4] =	stream.indirect_vreg.gather [hbm4b:s10+s5], $0x80, v18, vm0, $0xb8;
	[tilespmem:$0x1BA00] =	vst v63  }
0x138: {  	s30 =	simm.s32 $0x12D80;
	v52 =	vperm.xlane v17, v11;
	v18 =	vadd.s32 v3, v51  }
0x139: {  	[tilespmem:s30], [sflag:$0x4] =	stream.indirect_vreg.gather [hbm4b:s10+s5], $0x80, v19, vm0, $0xb8;
	[tilespmem:$0x1BA00] =	vst v63  }
0x13a: {  	v53 =	vperm.xlane v17, v12;
	s19 =	simm.s32 $0x12E00;
	v19 =	vadd.s32 v3, v52  }
0x13b: {  	[tilespmem:s19], [sflag:$0x4] =	stream.indirect_vreg.gather [hbm4b:s10+s5], $0x80, v50, vm0, $0xb8;
	[tilespmem:$0x1BA00] =	vst v63  }
0x13c: {  	v55 =	vperm.xlane v17, v13;
	v54 =	vadd.s32 v3, v53;
	s20 =	simm.s32 $0x12E80  }
0x13d: {  	[tilespmem:s20], [sflag:$0x4] =	stream.indirect_vreg.gather [hbm4b:s10+s5], $0x80, v18, vm0, $0xb8;
	[tilespmem:$0x1BA00] =	vst v63  }
0x13e: {  	v56 =	vperm.xlane v17, v14;
	s22 =	simm.s32 $0x12F00;
	v18 =	vadd.s32 v3, v55  }
0x13f: {  	[tilespmem:s22], [sflag:$0x4] =	stream.indirect_vreg.gather [hbm4b:s10+s5], $0x80, v19, vm0, $0xb8;
	[tilespmem:$0x1BA00] =	vst v63  }
0x140: {  	v57 =	vperm.xlane v17, v15;
	s23 =	simm.s32 $0x12F80;
	v19 =	vadd.s32 v3, v56  }
0x141: {  	[tilespmem:s23], [sflag:$0x4] =	stream.indirect_vreg.gather [hbm4b:s10+s5], $0x80, v54, vm0, $0xb8;
	[tilespmem:$0x1BA00] =	vst v63  }
0x142: {  	v17 =	vperm.xlane v17, v16;
	v58 =	vadd.s32 v3, v57;
	s24 =	simm.s32 $0x13000  }
0x143: {  	[tilespmem:s24], [sflag:$0x4] =	stream.indirect_vreg.gather [hbm4b:s10+s5], $0x80, v18, vm0, $0xb8;
	[tilespmem:$0x1BA00] =	vst v63  }
0x144: {  	v17 =	vadd.s32 v3, v17;
	s25 =	simm.s32 $0x13080  }
0x145: {  	[tilespmem:s25], [sflag:$0x4] =	stream.indirect_vreg.gather [hbm4b:s10+s5], $0x80, v19, vm0, $0xb8;
	[tilespmem:$0x1BA00] =	vst v63  }
0x146: {  	s29 =	simm.s32 $0x13100  }
0x147: {  	[tilespmem:s29], [sflag:$0x4] =	stream.indirect_vreg.gather [hbm4b:s10+s5], $0x80, v58, vm0, $0xb8;
	[tilespmem:$0x1BA00] =	vst v63  }
0x148: {  	s30 =	simm.s32 $0x13180  }
0x149: {  	[tilespmem:s30], [sflag:$0x4] =	stream.indirect_vreg.gather [hbm4b:s10+s5], $0x80, v17, vm0, $0xb8;
	[tilespmem:$0x1BA00] =	vst v63  }
0x14a: {  	v17 =	vld [tilespmem:$0xF010];
	_ =	sdelay $0x4  }
0x14b: {  	v18 =	vshrl.u32 v17, $0x3  }
0x14c: {  	v18 =	vmul.u32 $0x30, v18  }
0x14d: {  	v17 =	vand.u32 $0x7, v17  }
0x14e: {  	v17 =	vor.u32 v17, v18  }
0x14f: {  	v18 =	vperm.xlane v17, v2;
	_ =	sdelay $0x1  }
0x150: {  	v19 =	vperm.xlane v17, v4;
	v18 =	vadd.s32 v3, v18;
	_ =	sdelay $0x1  }
0x151: {  	v59 =	vperm.xlane v17, v5;
	v19 =	vadd.s32 v3, v19;
	_ =	sdelay $0x1  }
0x152: {  	s19 =	simm.s32 $0x13200;
	v60 =	vperm.xlane v17, v0;
	v20 =	vadd.s32 v3, v59  }
0x153: {  	[tilespmem:s19], [sflag:$0x4] =	stream.indirect_vreg.gather [hbm4b:s10+s5], $0x80, v18, vm0, $0xb8;
	[tilespmem:$0x1BA00] =	vst v63  }
0x154: {  	s20 =	simm.s32 $0x13280;
	v61 =	vperm.xlane v17, v6;
	v18 =	vadd.s32 v3, v60  }
0x155: {  	[tilespmem:s20], [sflag:$0x4] =	stream.indirect_vreg.gather [hbm4b:s10+s5], $0x80, v19, vm0, $0xb8;
	[tilespmem:$0x1BA00] =	vst v63  }
0x156: {  	s22 =	simm.s32 $0x13300;
	v62 =	vperm.xlane v17, v7;
	v19 =	vadd.s32 v3, v61  }
0x157: {  	[tilespmem:s22], [sflag:$0x4] =	stream.indirect_vreg.gather [hbm4b:s10+s5], $0x80, v20, vm0, $0xb8;
	[tilespmem:$0x1BA00] =	vst v63  }
0x158: {  	s23 =	simm.s32 $0x13380;
	v24 =	vperm.xlane v17, v8;
	v63 =	vadd.s32 v3, v62  }
0x159: {  	[tilespmem:s23], [sflag:$0x4] =	stream.indirect_vreg.gather [hbm4b:s10+s5], $0x80, v18, vm0, $0xb8;
	[tilespmem:$0x1BA00] =	vst v63  }
0x15a: {  	s24 =	simm.s32 $0x13400;
	v25 =	vperm.xlane v17, v1;
	v18 =	vadd.s32 v3, v24  }
0x15b: {  	[tilespmem:s24], [sflag:$0x4] =	stream.indirect_vreg.gather [hbm4b:s10+s5], $0x80, v19, vm0, $0xb8;
	[tilespmem:$0x1BA00] =	vst v63  }
0x15c: {  	s25 =	simm.s32 $0x13480;
	v26 =	vperm.xlane v17, v9;
	v19 =	vadd.s32 v3, v25  }
0x15d: {  	[tilespmem:s25], [sflag:$0x4] =	stream.indirect_vreg.gather [hbm4b:s10+s5], $0x80, v63, vm0, $0xb8;
	[tilespmem:$0x1BA00] =	vst v63  }
0x15e: {  	s29 =	simm.s32 $0x13500;
	v28 =	vperm.xlane v17, v10;
	v27 =	vadd.s32 v3, v26  }
0x15f: {  	[tilespmem:s29], [sflag:$0x4] =	stream.indirect_vreg.gather [hbm4b:s10+s5], $0x80, v18, vm0, $0xb8;
	[tilespmem:$0x1BA00] =	vst v63  }
0x160: {  	s30 =	simm.s32 $0x13580;
	v29 =	vperm.xlane v17, v11;
	v18 =	vadd.s32 v3, v28  }
0x161: {  	[tilespmem:s30], [sflag:$0x4] =	stream.indirect_vreg.gather [hbm4b:s10+s5], $0x80, v19, vm0, $0xb8;
	[tilespmem:$0x1BA00] =	vst v63  }
0x162: {  	v30 =	vperm.xlane v17, v12;
	s19 =	simm.s32 $0x13600;
	v19 =	vadd.s32 v3, v29  }
0x163: {  	[tilespmem:s19], [sflag:$0x4] =	stream.indirect_vreg.gather [hbm4b:s10+s5], $0x80, v27, vm0, $0xb8;
	[tilespmem:$0x1BA00] =	vst v63  }
0x164: {  	v32 =	vperm.xlane v17, v13;
	v31 =	vadd.s32 v3, v30;
	s20 =	simm.s32 $0x13680  }
0x165: {  	[tilespmem:s20], [sflag:$0x4] =	stream.indirect_vreg.gather [hbm4b:s10+s5], $0x80, v18, vm0, $0xb8;
	[tilespmem:$0x1BA00] =	vst v63  }
0x166: {  	v33 =	vperm.xlane v17, v14;
	s22 =	simm.s32 $0x13700;
	v18 =	vadd.s32 v3, v32  }
0x167: {  	[tilespmem:s22], [sflag:$0x4] =	stream.indirect_vreg.gather [hbm4b:s10+s5], $0x80, v19, vm0, $0xb8;
	[tilespmem:$0x1BA00] =	vst v63  }
0x168: {  	v34 =	vperm.xlane v17, v15;
	s23 =	simm.s32 $0x13780;
	v19 =	vadd.s32 v3, v33  }
0x169: {  	[tilespmem:s23], [sflag:$0x4] =	stream.indirect_vreg.gather [hbm4b:s10+s5], $0x80, v31, vm0, $0xb8;
	[tilespmem:$0x1BA00] =	vst v63  }
0x16a: {  	v17 =	vperm.xlane v17, v16;
	v35 =	vadd.s32 v3, v34;
	s24 =	simm.s32 $0x13800  }
0x16b: {  	[tilespmem:s24], [sflag:$0x4] =	stream.indirect_vreg.gather [hbm4b:s10+s5], $0x80, v18, vm0, $0xb8;
	[tilespmem:$0x1BA00] =	vst v63  }
0x16c: {  	v17 =	vadd.s32 v3, v17;
	s25 =	simm.s32 $0x13880  }
0x16d: {  	[tilespmem:s25], [sflag:$0x4] =	stream.indirect_vreg.gather [hbm4b:s10+s5], $0x80, v19, vm0, $0xb8;
	[tilespmem:$0x1BA00] =	vst v63  }
0x16e: {  	s29 =	simm.s32 $0x13900  }
0x16f: {  	[tilespmem:s29], [sflag:$0x4] =	stream.indirect_vreg.gather [hbm4b:s10+s5], $0x80, v35, vm0, $0xb8;
	[tilespmem:$0x1BA00] =	vst v63  }
0x170: {  	s30 =	simm.s32 $0x13980  }
0x171: {  	[tilespmem:s30], [sflag:$0x4] =	stream.indirect_vreg.gather [hbm4b:s10+s5], $0x80, v17, vm0, $0xb8;
	[tilespmem:$0x1BA00] =	vst v63  }
0x172: {  	v17 =	vld [tilespmem:$0xF000];
	_ =	sdelay $0x4  }
0x173: {  	v18 =	vshrl.u32 v17, $0x3  }
0x174: {  	v18 =	vmul.u32 $0x30, v18  }
0x175: {  	v17 =	vand.u32 $0x7, v17  }
0x176: {  	v17 =	vor.u32 v17, v18  }
0x177: {  	v18 =	vperm.xlane v17, v2;
	_ =	sdelay $0x1  }
0x178: {  	v19 =	vperm.xlane v17, v4;
	v18 =	vadd.s32 v3, v18;
	_ =	sdelay $0x1  }
0x179: {  	v36 =	vperm.xlane v17, v5;
	v19 =	vadd.s32 v3, v19;
	_ =	sdelay $0x1  }
0x17a: {  	s19 =	simm.s32 $0x13A00;
	v37 =	vperm.xlane v17, v0;
	v20 =	vadd.s32 v3, v36  }
0x17b: {  	[tilespmem:s19], [sflag:$0x5] =	stream.indirect_vreg.gather [hbm4b:s11+s5], $0x80, v18, vm0, $0xb8;
	[tilespmem:$0x1BA00] =	vst v63  }
0x17c: {  	s20 =	simm.s32 $0x13A80;
	v38 =	vperm.xlane v17, v6;
	v18 =	vadd.s32 v3, v37  }
0x17d: {  	[tilespmem:s20], [sflag:$0x5] =	stream.indirect_vreg.gather [hbm4b:s11+s5], $0x80, v19, vm0, $0xb8;
	[tilespmem:$0x1BA00] =	vst v63  }
0x17e: {  	s22 =	simm.s32 $0x13B00;
	v39 =	vperm.xlane v17, v7;
	v19 =	vadd.s32 v3, v38  }
0x17f: {  	[tilespmem:s22], [sflag:$0x5] =	stream.indirect_vreg.gather [hbm4b:s11+s5], $0x80, v20, vm0, $0xb8;
	[tilespmem:$0x1BA00] =	vst v63  }
0x180: {  	s23 =	simm.s32 $0x13B80;
	v41 =	vperm.xlane v17, v8;
	v40 =	vadd.s32 v3, v39  }
0x181: {  	[tilespmem:s23], [sflag:$0x5] =	stream.indirect_vreg.gather [hbm4b:s11+s5], $0x80, v18, vm0, $0xb8;
	[tilespmem:$0x1BA00] =	vst v63  }
0x182: {  	s24 =	simm.s32 $0x13C00;
	v42 =	vperm.xlane v17, v1;
	v18 =	vadd.s32 v3, v41  }
0x183: {  	[tilespmem:s24], [sflag:$0x5] =	stream.indirect_vreg.gather [hbm4b:s11+s5], $0x80, v19, vm0, $0xb8;
	[tilespmem:$0x1BA00] =	vst v63  }
0x184: {  	s25 =	simm.s32 $0x13C80;
	v43 =	vperm.xlane v17, v9;
	v19 =	vadd.s32 v3, v42  }
0x185: {  	[tilespmem:s25], [sflag:$0x5] =	stream.indirect_vreg.gather [hbm4b:s11+s5], $0x80, v40, vm0, $0xb8;
	[tilespmem:$0x1BA00] =	vst v63  }
0x186: {  	s29 =	simm.s32 $0x13D00;
	v45 =	vperm.xlane v17, v10;
	v44 =	vadd.s32 v3, v43  }
0x187: {  	[tilespmem:s29], [sflag:$0x5] =	stream.indirect_vreg.gather [hbm4b:s11+s5], $0x80, v18, vm0, $0xb8;
	[tilespmem:$0x1BA00] =	vst v63  }
0x188: {  	s30 =	simm.s32 $0x13D80;
	v46 =	vperm.xlane v17, v11;
	v18 =	vadd.s32 v3, v45  }
0x189: {  	[tilespmem:s30], [sflag:$0x5] =	stream.indirect_vreg.gather [hbm4b:s11+s5], $0x80, v19, vm0, $0xb8;
	[tilespmem:$0x1BA00] =	vst v63  }
0x18a: {  	v47 =	vperm.xlane v17, v12;
	s19 =	simm.s32 $0x13E00;
	v19 =	vadd.s32 v3, v46  }
0x18b: {  	[tilespmem:s19], [sflag:$0x5] =	stream.indirect_vreg.gather [hbm4b:s11+s5], $0x80, v44, vm0, $0xb8;
	[tilespmem:$0x1BA00] =	vst v63  }
0x18c: {  	v49 =	vperm.xlane v17, v13;
	v48 =	vadd.s32 v3, v47;
	s20 =	simm.s32 $0x13E80  }
0x18d: {  	[tilespmem:s20], [sflag:$0x5] =	stream.indirect_vreg.gather [hbm4b:s11+s5], $0x80, v18, vm0, $0xb8;
	[tilespmem:$0x1BA00] =	vst v63  }
0x18e: {  	v50 =	vperm.xlane v17, v14;
	s22 =	simm.s32 $0x13F00;
	v18 =	vadd.s32 v3, v49  }
0x18f: {  	[tilespmem:s22], [sflag:$0x5] =	stream.indirect_vreg.gather [hbm4b:s11+s5], $0x80, v19, vm0, $0xb8;
	[tilespmem:$0x1BA00] =	vst v63  }
0x190: {  	v51 =	vperm.xlane v17, v15;
	s23 =	simm.s32 $0x13F80;
	v19 =	vadd.s32 v3, v50  }
0x191: {  	[tilespmem:s23], [sflag:$0x5] =	stream.indirect_vreg.gather [hbm4b:s11+s5], $0x80, v48, vm0, $0xb8;
	[tilespmem:$0x1BA00] =	vst v63  }
0x192: {  	v17 =	vperm.xlane v17, v16;
	v52 =	vadd.s32 v3, v51;
	s24 =	simm.s32 $0x14000  }
0x193: {  	[tilespmem:s24], [sflag:$0x5] =	stream.indirect_vreg.gather [hbm4b:s11+s5], $0x80, v18, vm0, $0xb8;
	[tilespmem:$0x1BA00] =	vst v63  }
0x194: {  	v17 =	vadd.s32 v3, v17;
	s25 =	simm.s32 $0x14080  }
0x195: {  	[tilespmem:s25], [sflag:$0x5] =	stream.indirect_vreg.gather [hbm4b:s11+s5], $0x80, v19, vm0, $0xb8;
	[tilespmem:$0x1BA00] =	vst v63  }
0x196: {  	s29 =	simm.s32 $0x14100  }
0x197: {  	[tilespmem:s29], [sflag:$0x5] =	stream.indirect_vreg.gather [hbm4b:s11+s5], $0x80, v52, vm0, $0xb8;
	[tilespmem:$0x1BA00] =	vst v63  }
0x198: {  	s30 =	simm.s32 $0x14180  }
0x199: {  	[tilespmem:s30], [sflag:$0x5] =	stream.indirect_vreg.gather [hbm4b:s11+s5], $0x80, v17, vm0, $0xb8;
	[tilespmem:$0x1BA00] =	vst v63  }
0x19a: {  	v17 =	vld [tilespmem:$0xF010];
	_ =	sdelay $0x4  }
0x19b: {  	v18 =	vshrl.u32 v17, $0x3  }
0x19c: {  	v18 =	vmul.u32 $0x30, v18  }
0x19d: {  	v17 =	vand.u32 $0x7, v17  }
0x19e: {  	v17 =	vor.u32 v17, v18  }
0x19f: {  	v18 =	vperm.xlane v17, v2;
	_ =	sdelay $0x1  }
0x1a0: {  	v19 =	vperm.xlane v17, v4;
	v18 =	vadd.s32 v3, v18;
	_ =	sdelay $0x1  }
0x1a1: {  	v53 =	vperm.xlane v17, v5;
	v19 =	vadd.s32 v3, v19;
	_ =	sdelay $0x1  }
0x1a2: {  	s19 =	simm.s32 $0x14200;
	v54 =	vperm.xlane v17, v0;
	v20 =	vadd.s32 v3, v53  }
0x1a3: {  	[tilespmem:s19], [sflag:$0x5] =	stream.indirect_vreg.gather [hbm4b:s11+s5], $0x80, v18, vm0, $0xb8;
	[tilespmem:$0x1BA00] =	vst v63  }
0x1a4: {  	s20 =	simm.s32 $0x14280;
	v55 =	vperm.xlane v17, v6;
	v18 =	vadd.s32 v3, v54  }
0x1a5: {  	[tilespmem:s20], [sflag:$0x5] =	stream.indirect_vreg.gather [hbm4b:s11+s5], $0x80, v19, vm0, $0xb8;
	[tilespmem:$0x1BA00] =	vst v63  }
0x1a6: {  	s22 =	simm.s32 $0x14300;
	v56 =	vperm.xlane v17, v7;
	v19 =	vadd.s32 v3, v55  }
0x1a7: {  	[tilespmem:s22], [sflag:$0x5] =	stream.indirect_vreg.gather [hbm4b:s11+s5], $0x80, v20, vm0, $0xb8;
	[tilespmem:$0x1BA00] =	vst v63  }
0x1a8: {  	s23 =	simm.s32 $0x14380;
	v58 =	vperm.xlane v17, v8;
	v57 =	vadd.s32 v3, v56  }
0x1a9: {  	[tilespmem:s23], [sflag:$0x5] =	stream.indirect_vreg.gather [hbm4b:s11+s5], $0x80, v18, vm0, $0xb8;
	[tilespmem:$0x1BA00] =	vst v63  }
0x1aa: {  	s24 =	simm.s32 $0x14400;
	v59 =	vperm.xlane v17, v1;
	v18 =	vadd.s32 v3, v58  }
0x1ab: {  	[tilespmem:s24], [sflag:$0x5] =	stream.indirect_vreg.gather [hbm4b:s11+s5], $0x80, v19, vm0, $0xb8;
	[tilespmem:$0x1BA00] =	vst v63  }
0x1ac: {  	s25 =	simm.s32 $0x14480;
	v60 =	vperm.xlane v17, v9;
	v19 =	vadd.s32 v3, v59  }
0x1ad: {  	[tilespmem:s25], [sflag:$0x5] =	stream.indirect_vreg.gather [hbm4b:s11+s5], $0x80, v57, vm0, $0xb8;
	[tilespmem:$0x1BA00] =	vst v63  }
0x1ae: {  	s29 =	simm.s32 $0x14500;
	v62 =	vperm.xlane v17, v10;
	v61 =	vadd.s32 v3, v60  }
0x1af: {  	[tilespmem:s29], [sflag:$0x5] =	stream.indirect_vreg.gather [hbm4b:s11+s5], $0x80, v18, vm0, $0xb8;
	[tilespmem:$0x1BA00] =	vst v63  }
0x1b0: {  	s30 =	simm.s32 $0x14580;
	v63 =	vperm.xlane v17, v11;
	v18 =	vadd.s32 v3, v62  }
0x1b1: {  	[tilespmem:s30], [sflag:$0x5] =	stream.indirect_vreg.gather [hbm4b:s11+s5], $0x80, v19, vm0, $0xb8;
	[tilespmem:$0x1BA00] =	vst v63  }
0x1b2: {  	v24 =	vperm.xlane v17, v12;
	s19 =	simm.s32 $0x14600;
	v19 =	vadd.s32 v3, v63  }
0x1b3: {  	[tilespmem:s19], [sflag:$0x5] =	stream.indirect_vreg.gather [hbm4b:s11+s5], $0x80, v61, vm0, $0xb8;
	[tilespmem:$0x1BA00] =	vst v63  }
0x1b4: {  	v26 =	vperm.xlane v17, v13;
	v25 =	vadd.s32 v3, v24;
	s20 =	simm.s32 $0x14680  }
0x1b5: {  	[tilespmem:s20], [sflag:$0x5] =	stream.indirect_vreg.gather [hbm4b:s11+s5], $0x80, v18, vm0, $0xb8;
	[tilespmem:$0x1BA00] =	vst v63  }
0x1b6: {  	v27 =	vperm.xlane v17, v14;
	s22 =	simm.s32 $0x14700;
	v18 =	vadd.s32 v3, v26  }
0x1b7: {  	[tilespmem:s22], [sflag:$0x5] =	stream.indirect_vreg.gather [hbm4b:s11+s5], $0x80, v19, vm0, $0xb8;
	[tilespmem:$0x1BA00] =	vst v63  }
0x1b8: {  	v28 =	vperm.xlane v17, v15;
	s23 =	simm.s32 $0x14780;
	v19 =	vadd.s32 v3, v27  }
0x1b9: {  	[tilespmem:s23], [sflag:$0x5] =	stream.indirect_vreg.gather [hbm4b:s11+s5], $0x80, v25, vm0, $0xb8;
	[tilespmem:$0x1BA00] =	vst v63  }
0x1ba: {  	v17 =	vperm.xlane v17, v16;
	v29 =	vadd.s32 v3, v28;
	s24 =	simm.s32 $0x14800  }
0x1bb: {  	[tilespmem:s24], [sflag:$0x5] =	stream.indirect_vreg.gather [hbm4b:s11+s5], $0x80, v18, vm0, $0xb8;
	[tilespmem:$0x1BA00] =	vst v63  }
0x1bc: {  	v17 =	vadd.s32 v3, v17;
	s25 =	simm.s32 $0x14880  }
0x1bd: {  	[tilespmem:s25], [sflag:$0x5] =	stream.indirect_vreg.gather [hbm4b:s11+s5], $0x80, v19, vm0, $0xb8;
	[tilespmem:$0x1BA00] =	vst v63  }
0x1be: {  	s29 =	simm.s32 $0x14900  }
0x1bf: {  	[tilespmem:s29], [sflag:$0x5] =	stream.indirect_vreg.gather [hbm4b:s11+s5], $0x80, v29, vm0, $0xb8;
	[tilespmem:$0x1BA00] =	vst v63  }
0x1c0: {  	s30 =	simm.s32 $0x14980  }
0x1c1: {  	[tilespmem:s30], [sflag:$0x5] =	stream.indirect_vreg.gather [hbm4b:s11+s5], $0x80, v17, vm0, $0xb8;
	[tilespmem:$0x1BA00] =	vst v63  }
0x1c2: {  	v17 =	vld [tilespmem:$0xF000];
	_ =	sdelay $0x4  }
0x1c3: {  	v18 =	vshrl.u32 v17, $0x3  }
0x1c4: {  	v18 =	vmul.u32 $0x30, v18  }
0x1c5: {  	v17 =	vand.u32 $0x7, v17  }
0x1c6: {  	v17 =	vor.u32 v17, v18  }
0x1c7: {  	v18 =	vperm.xlane v17, v2;
	_ =	sdelay $0x1  }
0x1c8: {  	v19 =	vperm.xlane v17, v4;
	v18 =	vadd.s32 v3, v18;
	_ =	sdelay $0x1  }
0x1c9: {  	v30 =	vperm.xlane v17, v5;
	v19 =	vadd.s32 v3, v19;
	_ =	sdelay $0x1  }
0x1ca: {  	s19 =	simm.s32 $0x14A00;
	v31 =	vperm.xlane v17, v0;
	v20 =	vadd.s32 v3, v30  }
0x1cb: {  	[tilespmem:s19], [sflag:$0x6] =	stream.indirect_vreg.gather [hbm4b:s12+s5], $0x80, v18, vm0, $0xb8;
	[tilespmem:$0x1BA00] =	vst v63  }
0x1cc: {  	s20 =	simm.s32 $0x14A80;
	v32 =	vperm.xlane v17, v6;
	v18 =	vadd.s32 v3, v31  }
0x1cd: {  	[tilespmem:s20], [sflag:$0x6] =	stream.indirect_vreg.gather [hbm4b:s12+s5], $0x80, v19, vm0, $0xb8;
	[tilespmem:$0x1BA00] =	vst v63  }
0x1ce: {  	s22 =	simm.s32 $0x14B00;
	v33 =	vperm.xlane v17, v7;
	v19 =	vadd.s32 v3, v32  }
0x1cf: {  	[tilespmem:s22], [sflag:$0x6] =	stream.indirect_vreg.gather [hbm4b:s12+s5], $0x80, v20, vm0, $0xb8;
	[tilespmem:$0x1BA00] =	vst v63  }
0x1d0: {  	s23 =	simm.s32 $0x14B80;
	v35 =	vperm.xlane v17, v8;
	v34 =	vadd.s32 v3, v33  }
0x1d1: {  	[tilespmem:s23], [sflag:$0x6] =	stream.indirect_vreg.gather [hbm4b:s12+s5], $0x80, v18, vm0, $0xb8;
	[tilespmem:$0x1BA00] =	vst v63  }
0x1d2: {  	s24 =	simm.s32 $0x14C00;
	v36 =	vperm.xlane v17, v1;
	v18 =	vadd.s32 v3, v35  }
0x1d3: {  	[tilespmem:s24], [sflag:$0x6] =	stream.indirect_vreg.gather [hbm4b:s12+s5], $0x80, v19, vm0, $0xb8;
	[tilespmem:$0x1BA00] =	vst v63  }
0x1d4: {  	s25 =	simm.s32 $0x14C80;
	v37 =	vperm.xlane v17, v9;
	v19 =	vadd.s32 v3, v36  }
0x1d5: {  	[tilespmem:s25], [sflag:$0x6] =	stream.indirect_vreg.gather [hbm4b:s12+s5], $0x80, v34, vm0, $0xb8;
	[tilespmem:$0x1BA00] =	vst v63  }
0x1d6: {  	s29 =	simm.s32 $0x14D00;
	v39 =	vperm.xlane v17, v10;
	v38 =	vadd.s32 v3, v37  }
0x1d7: {  	[tilespmem:s29], [sflag:$0x6] =	stream.indirect_vreg.gather [hbm4b:s12+s5], $0x80, v18, vm0, $0xb8;
	[tilespmem:$0x1BA00] =	vst v63  }
0x1d8: {  	s30 =	simm.s32 $0x14D80;
	v40 =	vperm.xlane v17, v11;
	v18 =	vadd.s32 v3, v39  }
0x1d9: {  	[tilespmem:s30], [sflag:$0x6] =	stream.indirect_vreg.gather [hbm4b:s12+s5], $0x80, v19, vm0, $0xb8;
	[tilespmem:$0x1BA00] =	vst v63  }
0x1da: {  	v41 =	vperm.xlane v17, v12;
	s19 =	simm.s32 $0x14E00;
	v19 =	vadd.s32 v3, v40  }
0x1db: {  	[tilespmem:s19], [sflag:$0x6] =	stream.indirect_vreg.gather [hbm4b:s12+s5], $0x80, v38, vm0, $0xb8;
	[tilespmem:$0x1BA00] =	vst v63  }
0x1dc: {  	v43 =	vperm.xlane v17, v13;
	v42 =	vadd.s32 v3, v41;
	s20 =	simm.s32 $0x14E80  }
0x1dd: {  	[tilespmem:s20], [sflag:$0x6] =	stream.indirect_vreg.gather [hbm4b:s12+s5], $0x80, v18, vm0, $0xb8;
	[tilespmem:$0x1BA00] =	vst v63  }
0x1de: {  	v44 =	vperm.xlane v17, v14;
	s22 =	simm.s32 $0x14F00;
	v18 =	vadd.s32 v3, v43  }
0x1df: {  	[tilespmem:s22], [sflag:$0x6] =	stream.indirect_vreg.gather [hbm4b:s12+s5], $0x80, v19, vm0, $0xb8;
	[tilespmem:$0x1BA00] =	vst v63  }
0x1e0: {  	v45 =	vperm.xlane v17, v15;
	s23 =	simm.s32 $0x14F80;
	v19 =	vadd.s32 v3, v44  }
0x1e1: {  	[tilespmem:s23], [sflag:$0x6] =	stream.indirect_vreg.gather [hbm4b:s12+s5], $0x80, v42, vm0, $0xb8;
	[tilespmem:$0x1BA00] =	vst v63  }
0x1e2: {  	v17 =	vperm.xlane v17, v16;
	v46 =	vadd.s32 v3, v45;
	s24 =	simm.s32 $0x15000  }
0x1e3: {  	[tilespmem:s24], [sflag:$0x6] =	stream.indirect_vreg.gather [hbm4b:s12+s5], $0x80, v18, vm0, $0xb8;
	[tilespmem:$0x1BA00] =	vst v63  }
0x1e4: {  	v17 =	vadd.s32 v3, v17;
	s25 =	simm.s32 $0x15080  }
0x1e5: {  	[tilespmem:s25], [sflag:$0x6] =	stream.indirect_vreg.gather [hbm4b:s12+s5], $0x80, v19, vm0, $0xb8;
	[tilespmem:$0x1BA00] =	vst v63  }
0x1e6: {  	s29 =	simm.s32 $0x15100  }
0x1e7: {  	[tilespmem:s29], [sflag:$0x6] =	stream.indirect_vreg.gather [hbm4b:s12+s5], $0x80, v46, vm0, $0xb8;
	[tilespmem:$0x1BA00] =	vst v63  }
0x1e8: {  	s30 =	simm.s32 $0x15180  }
0x1e9: {  	[tilespmem:s30], [sflag:$0x6] =	stream.indirect_vreg.gather [hbm4b:s12+s5], $0x80, v17, vm0, $0xb8;
	[tilespmem:$0x1BA00] =	vst v63  }
0x1ea: {  	v17 =	vld [tilespmem:$0xF010];
	_ =	sdelay $0x4  }
0x1eb: {  	v18 =	vshrl.u32 v17, $0x3  }
0x1ec: {  	v18 =	vmul.u32 $0x30, v18  }
0x1ed: {  	v17 =	vand.u32 $0x7, v17  }
0x1ee: {  	v17 =	vor.u32 v17, v18  }
0x1ef: {  	v18 =	vperm.xlane v17, v2;
	_ =	sdelay $0x1  }
0x1f0: {  	v19 =	vperm.xlane v17, v4;
	v18 =	vadd.s32 v3, v18;
	_ =	sdelay $0x1  }
0x1f1: {  	v47 =	vperm.xlane v17, v5;
	v19 =	vadd.s32 v3, v19;
	_ =	sdelay $0x1  }
0x1f2: {  	s19 =	simm.s32 $0x15200;
	v48 =	vperm.xlane v17, v0;
	v20 =	vadd.s32 v3, v47  }
0x1f3: {  	[tilespmem:s19], [sflag:$0x6] =	stream.indirect_vreg.gather [hbm4b:s12+s5], $0x80, v18, vm0, $0xb8;
	[tilespmem:$0x1BA00] =	vst v63  }
0x1f4: {  	s20 =	simm.s32 $0x15280;
	v49 =	vperm.xlane v17, v6;
	v18 =	vadd.s32 v3, v48  }
0x1f5: {  	[tilespmem:s20], [sflag:$0x6] =	stream.indirect_vreg.gather [hbm4b:s12+s5], $0x80, v19, vm0, $0xb8;
	[tilespmem:$0x1BA00] =	vst v63  }
0x1f6: {  	s22 =	simm.s32 $0x15300;
	v50 =	vperm.xlane v17, v7;
	v19 =	vadd.s32 v3, v49  }
0x1f7: {  	[tilespmem:s22], [sflag:$0x6] =	stream.indirect_vreg.gather [hbm4b:s12+s5], $0x80, v20, vm0, $0xb8;
	[tilespmem:$0x1BA00] =	vst v63  }
0x1f8: {  	s23 =	simm.s32 $0x15380;
	v52 =	vperm.xlane v17, v8;
	v51 =	vadd.s32 v3, v50  }
0x1f9: {  	[tilespmem:s23], [sflag:$0x6] =	stream.indirect_vreg.gather [hbm4b:s12+s5], $0x80, v18, vm0, $0xb8;
	[tilespmem:$0x1BA00] =	vst v63  }
0x1fa: {  	s24 =	simm.s32 $0x15400;
	v53 =	vperm.xlane v17, v1;
	v18 =	vadd.s32 v3, v52  }
0x1fb: {  	[tilespmem:s24], [sflag:$0x6] =	stream.indirect_vreg.gather [hbm4b:s12+s5], $0x80, v19, vm0, $0xb8;
	[tilespmem:$0x1BA00] =	vst v63  }
0x1fc: {  	s25 =	simm.s32 $0x15480;
	v54 =	vperm.xlane v17, v9;
	v19 =	vadd.s32 v3, v53  }
0x1fd: {  	[tilespmem:s25], [sflag:$0x6] =	stream.indirect_vreg.gather [hbm4b:s12+s5], $0x80, v51, vm0, $0xb8;
	[tilespmem:$0x1BA00] =	vst v63  }
0x1fe: {  	s29 =	simm.s32 $0x15500;
	v56 =	vperm.xlane v17, v10;
	v55 =	vadd.s32 v3, v54  }
0x1ff: {  	[tilespmem:s29], [sflag:$0x6] =	stream.indirect_vreg.gather [hbm4b:s12+s5], $0x80, v18, vm0, $0xb8;
	[tilespmem:$0x1BA00] =	vst v63  }
0x200: {  	s30 =	simm.s32 $0x15580;
	v57 =	vperm.xlane v17, v11;
	v18 =	vadd.s32 v3, v56  }
0x201: {  	[tilespmem:s30], [sflag:$0x6] =	stream.indirect_vreg.gather [hbm4b:s12+s5], $0x80, v19, vm0, $0xb8;
	[tilespmem:$0x1BA00] =	vst v63  }
0x202: {  	v58 =	vperm.xlane v17, v12;
	s19 =	simm.s32 $0x15600;
	v19 =	vadd.s32 v3, v57  }
0x203: {  	[tilespmem:s19], [sflag:$0x6] =	stream.indirect_vreg.gather [hbm4b:s12+s5], $0x80, v55, vm0, $0xb8;
	[tilespmem:$0x1BA00] =	vst v63  }
0x204: {  	v60 =	vperm.xlane v17, v13;
	v59 =	vadd.s32 v3, v58;
	s20 =	simm.s32 $0x15680  }
0x205: {  	[tilespmem:s20], [sflag:$0x6] =	stream.indirect_vreg.gather [hbm4b:s12+s5], $0x80, v18, vm0, $0xb8;
	[tilespmem:$0x1BA00] =	vst v63  }
0x206: {  	v61 =	vperm.xlane v17, v14;
	s22 =	simm.s32 $0x15700;
	v18 =	vadd.s32 v3, v60  }
0x207: {  	[tilespmem:s22], [sflag:$0x6] =	stream.indirect_vreg.gather [hbm4b:s12+s5], $0x80, v19, vm0, $0xb8;
	[tilespmem:$0x1BA00] =	vst v63  }
0x208: {  	s23 =	simm.s32 $0x15780;
	v19 =	vadd.s32 v3, v61  }
0x209: {  	v62 =	vperm.xlane v17, v15;
	[tilespmem:s23], [sflag:$0x6] =	stream.indirect_vreg.gather [hbm4b:s12+s5], $0x80, v59, vm0, $0xb8;
	[tilespmem:$0x1BA00] =	vst v63  }
0x20a: {  	s24 =	simm.s32 $0x15800  }
0x20b: {  	v17 =	vperm.xlane v17, v16;
	v63 =	vadd.s32 v3, v62;
	[tilespmem:s24], [sflag:$0x6] =	stream.indirect_vreg.gather [hbm4b:s12+s5], $0x80, v18, vm0, $0xb8;
	[tilespmem:$0x1BA00] =	vst v63  }
0x20c: {  	s25 =	simm.s32 $0x15880  }
0x20d: {  	v17 =	vadd.s32 v3, v17;
	[tilespmem:s25], [sflag:$0x6] =	stream.indirect_vreg.gather [hbm4b:s12+s5], $0x80, v19, vm0, $0xb8;
	[tilespmem:$0x1BA00] =	vst v63  }
.Ltmp2:
0x20e: {  	_ = 	snop;
	(pc) =	sbr.rel .LBB2_2-.Ltmp2, $4  }
0x20f: {  	s29 =	simm.s32 $0x15900  }
0x210: {  	[tilespmem:s29], [sflag:$0x6] =	stream.indirect_vreg.gather [hbm4b:s12+s5], $0x80, v63, vm0, $0xb8;
	[tilespmem:$0x1BA00] =	vst v63  }
0x211: {  	s30 =	simm.s32 $0x15980;
	s24 =	simm.s32 $0x0  }
0x212: {  	[tilespmem:s30], [sflag:$0x6] =	stream.indirect_vreg.gather [hbm4b:s12+s5], $0x80, v17, vm0, $0xb8;
	[tilespmem:$0x1BA00] =	vst v63  }
.LBB2_40:
0x213: {  	s24 =	sadd.s32 $0x1, s24  }
0x214: {  	p0 =	sne.s32 s24, $0x27  }
.Ltmp3:
0x215: {  	_ = 	snop;
	(pc) =	sbr.rel @!p0 .LBB2_41-.Ltmp3, $1  }
0x216: {  	_ =	sdelay $0x3  }
.LBB2_2:
0x217: {  	p1 =	seq.s32 s24, $0x0  }
0x218: {  	p0 =	seq.s32 @!p1 s24, $0x26  }
0x219: {  	_ =	swait.ge [sflag:s26], $0x1000;
	p2 =	por p1, !p0  }
.Ltmp4:
0x21a: {  	[sflag:s26] =	ssyncset.done $0x0;
	(pc) =	sbr.rel @!p2 .LBB2_4-.Ltmp4, $4  }
0x21b: {  	s4 =	simm.s32 @!p1 $0x13;
	[sflag:s26] =	ssyncadd.s32 $0xFFFFF000  }
0x21c: {  	_ =	swait.ge @!p1 [sflag:s4], $0x1000  }
0x21d: {  	[sflag:s4] =	ssyncset.done @!p1 $0x0  }
0x21e: {  	p0 =	por @!p1 $0x1, $0x1;
	[sflag:s4] =	ssyncadd.s32 @!p1 $0xFFFFF000  }
0x21f: {  	s4 =	sshll.u32 s24, $0x6  }
0x220: {  	s4 =	sand.u32 $0x3FFFFFC0, s4  }
0x221: {  	v17 =	vld [tilespmem:s4+$0xF020];
	_ =	sdelay $0x4  }
0x222: {  	v18 =	vshrl.u32 v17, $0x3  }
0x223: {  	v18 =	vmul.u32 $0x30, v18  }
0x224: {  	v17 =	vand.u32 $0x7, v17  }
0x225: {  	v17 =	vor.u32 v17, v18  }
0x226: {  	v18 =	vperm.xlane v17, v2;
	_ =	sdelay $0x1  }
0x227: {  	v19 =	vperm.xlane v17, v4;
	v18 =	vadd.s32 v3, v18;
	_ =	sdelay $0x1  }
0x228: {  	v20 =	vperm.xlane v17, v5;
	v19 =	vadd.s32 v3, v19;
	_ =	sdelay $0x1  }
0x229: {  	s19 =	simm.s32 $0x15A00;
	v21 =	vperm.xlane v17, v0;
	v20 =	vadd.s32 v3, v20  }
0x22a: {  	[tilespmem:s19], [sflag:$0x7] =	stream.indirect_vreg.gather [hbm4b:s1+s5], $0x80, v18, vm0, $0xb8;
	[tilespmem:$0x1BA00] =	vst v63  }
0x22b: {  	s22 =	simm.s32 $0x15A80;
	v32 =	vperm.xlane v17, v6;
	v18 =	vadd.s32 v3, v21  }
0x22c: {  	[tilespmem:s22], [sflag:$0x7] =	stream.indirect_vreg.gather [hbm4b:s1+s5], $0x80, v19, vm0, $0xb8;
	[tilespmem:$0x1BA00] =	vst v63  }
0x22d: {  	s23 =	simm.s32 $0x15B00;
	v33 =	vperm.xlane v17, v7;
	v19 =	vadd.s32 v3, v32  }
0x22e: {  	[tilespmem:s23], [sflag:$0x7] =	stream.indirect_vreg.gather [hbm4b:s1+s5], $0x80, v20, vm0, $0xb8;
	[tilespmem:$0x1BA00] =	vst v63  }
0x22f: {  	s25 =	simm.s32 $0x15B80;
	v35 =	vperm.xlane v17, v8;
	v34 =	vadd.s32 v3, v33  }
0x230: {  	[tilespmem:s25], [sflag:$0x7] =	stream.indirect_vreg.gather [hbm4b:s1+s5], $0x80, v18, vm0, $0xb8;
	[tilespmem:$0x1BA00] =	vst v63  }
0x231: {  	s29 =	simm.s32 $0x15C00;
	v36 =	vperm.xlane v17, v1;
	v18 =	vadd.s32 v3, v35  }
0x232: {  	[tilespmem:s29], [sflag:$0x7] =	stream.indirect_vreg.gather [hbm4b:s1+s5], $0x80, v19, vm0, $0xb8;
	[tilespmem:$0x1BA00] =	vst v63  }
0x233: {  	s30 =	simm.s32 $0x15C80;
	v37 =	vperm.xlane v17, v9;
	v19 =	vadd.s32 v3, v36  }
0x234: {  	[tilespmem:s30], [sflag:$0x7] =	stream.indirect_vreg.gather [hbm4b:s1+s5], $0x80, v34, vm0, $0xb8;
	[tilespmem:$0x1BA00] =	vst v63  }
0x235: {  	s20 =	simm.s32 $0x15D00;
	v39 =	vperm.xlane v17, v10;
	v38 =	vadd.s32 v3, v37  }
0x236: {  	[tilespmem:s20], [sflag:$0x7] =	stream.indirect_vreg.gather [hbm4b:s1+s5], $0x80, v18, vm0, $0xb8;
	[tilespmem:$0x1BA00] =	vst v63  }
0x237: {  	v40 =	vperm.xlane v17, v11;
	s22 =	simm.s32 $0x15D80;
	v18 =	vadd.s32 v3, v39  }
0x238: {  	[tilespmem:s22], [sflag:$0x7] =	stream.indirect_vreg.gather [hbm4b:s1+s5], $0x80, v19, vm0, $0xb8;
	[tilespmem:$0x1BA00] =	vst v63  }
0x239: {  	v41 =	vperm.xlane v17, v12;
	s23 =	simm.s32 $0x15E00;
	v19 =	vadd.s32 v3, v40  }
0x23a: {  	[tilespmem:s23], [sflag:$0x7] =	stream.indirect_vreg.gather [hbm4b:s1+s5], $0x80, v38, vm0, $0xb8;
	[tilespmem:$0x1BA00] =	vst v63  }
0x23b: {  	v43 =	vperm.xlane v17, v13;
	v42 =	vadd.s32 v3, v41;
	s25 =	simm.s32 $0x15E80  }
0x23c: {  	[tilespmem:s25], [sflag:$0x7] =	stream.indirect_vreg.gather [hbm4b:s1+s5], $0x80, v18, vm0, $0xb8;
	[tilespmem:$0x1BA00] =	vst v63  }
0x23d: {  	v44 =	vperm.xlane v17, v14;
	s29 =	simm.s32 $0x15F00;
	v18 =	vadd.s32 v3, v43  }
0x23e: {  	[tilespmem:s29], [sflag:$0x7] =	stream.indirect_vreg.gather [hbm4b:s1+s5], $0x80, v19, vm0, $0xb8;
	[tilespmem:$0x1BA00] =	vst v63  }
0x23f: {  	v45 =	vperm.xlane v17, v15;
	s30 =	simm.s32 $0x15F80;
	v19 =	vadd.s32 v3, v44  }
0x240: {  	[tilespmem:s30], [sflag:$0x7] =	stream.indirect_vreg.gather [hbm4b:s1+s5], $0x80, v42, vm0, $0xb8;
	[tilespmem:$0x1BA00] =	vst v63  }
0x241: {  	v17 =	vperm.xlane v17, v16;
	v46 =	vadd.s32 v3, v45;
	s20 =	simm.s32 $0x16000  }
0x242: {  	[tilespmem:s20], [sflag:$0x7] =	stream.indirect_vreg.gather [hbm4b:s1+s5], $0x80, v18, vm0, $0xb8;
	[tilespmem:$0x1BA00] =	vst v63  }
0x243: {  	v17 =	vadd.s32 v3, v17;
	s22 =	simm.s32 $0x16080  }
0x244: {  	[tilespmem:s22], [sflag:$0x7] =	stream.indirect_vreg.gather [hbm4b:s1+s5], $0x80, v19, vm0, $0xb8;
	[tilespmem:$0x1BA00] =	vst v63  }
0x245: {  	s23 =	simm.s32 $0x16100  }
0x246: {  	[tilespmem:s23], [sflag:$0x7] =	stream.indirect_vreg.gather [hbm4b:s1+s5], $0x80, v46, vm0, $0xb8;
	[tilespmem:$0x1BA00] =	vst v63  }
0x247: {  	s25 =	simm.s32 $0x16180  }
0x248: {  	[tilespmem:s25], [sflag:$0x7] =	stream.indirect_vreg.gather [hbm4b:s1+s5], $0x80, v17, vm0, $0xb8;
	[tilespmem:$0x1BA00] =	vst v63  }
0x249: {  	v17 =	vld [tilespmem:s4+$0xF030];
	_ =	sdelay $0x4  }
0x24a: {  	v18 =	vshrl.u32 v17, $0x3  }
0x24b: {  	v18 =	vmul.u32 $0x30, v18  }
0x24c: {  	v17 =	vand.u32 $0x7, v17  }
0x24d: {  	v17 =	vor.u32 v17, v18  }
0x24e: {  	v18 =	vperm.xlane v17, v2;
	_ =	sdelay $0x1  }
0x24f: {  	v19 =	vperm.xlane v17, v4;
	v18 =	vadd.s32 v3, v18;
	_ =	sdelay $0x1  }
0x250: {  	v47 =	vperm.xlane v17, v5;
	v19 =	vadd.s32 v3, v19;
	_ =	sdelay $0x1  }
0x251: {  	s29 =	simm.s32 $0x16200;
	v48 =	vperm.xlane v17, v0;
	v20 =	vadd.s32 v3, v47  }
0x252: {  	[tilespmem:s29], [sflag:$0x7] =	stream.indirect_vreg.gather [hbm4b:s1+s5], $0x80, v18, vm0, $0xb8;
	[tilespmem:$0x1BA00] =	vst v63  }
0x253: {  	s30 =	simm.s32 $0x16280;
	v49 =	vperm.xlane v17, v6;
	v18 =	vadd.s32 v3, v48  }
0x254: {  	[tilespmem:s30], [sflag:$0x7] =	stream.indirect_vreg.gather [hbm4b:s1+s5], $0x80, v19, vm0, $0xb8;
	[tilespmem:$0x1BA00] =	vst v63  }
0x255: {  	s19 =	simm.s32 $0x16300;
	v50 =	vperm.xlane v17, v7;
	v19 =	vadd.s32 v3, v49  }
0x256: {  	[tilespmem:s19], [sflag:$0x7] =	stream.indirect_vreg.gather [hbm4b:s1+s5], $0x80, v20, vm0, $0xb8;
	[tilespmem:$0x1BA00] =	vst v63  }
0x257: {  	s20 =	simm.s32 $0x16380;
	v52 =	vperm.xlane v17, v8;
	v51 =	vadd.s32 v3, v50  }
0x258: {  	[tilespmem:s20], [sflag:$0x7] =	stream.indirect_vreg.gather [hbm4b:s1+s5], $0x80, v18, vm0, $0xb8;
	[tilespmem:$0x1BA00] =	vst v63  }
0x259: {  	s22 =	simm.s32 $0x16400;
	v53 =	vperm.xlane v17, v1;
	v18 =	vadd.s32 v3, v52  }
0x25a: {  	[tilespmem:s22], [sflag:$0x7] =	stream.indirect_vreg.gather [hbm4b:s1+s5], $0x80, v19, vm0, $0xb8;
	[tilespmem:$0x1BA00] =	vst v63  }
0x25b: {  	s23 =	simm.s32 $0x16480;
	v54 =	vperm.xlane v17, v9;
	v19 =	vadd.s32 v3, v53  }
0x25c: {  	[tilespmem:s23], [sflag:$0x7] =	stream.indirect_vreg.gather [hbm4b:s1+s5], $0x80, v51, vm0, $0xb8;
	[tilespmem:$0x1BA00] =	vst v63  }
0x25d: {  	s25 =	simm.s32 $0x16500;
	v56 =	vperm.xlane v17, v10;
	v55 =	vadd.s32 v3, v54  }
0x25e: {  	[tilespmem:s25], [sflag:$0x7] =	stream.indirect_vreg.gather [hbm4b:s1+s5], $0x80, v18, vm0, $0xb8;
	[tilespmem:$0x1BA00] =	vst v63  }
0x25f: {  	v57 =	vperm.xlane v17, v11;
	s29 =	simm.s32 $0x16580;
	v18 =	vadd.s32 v3, v56  }
0x260: {  	[tilespmem:s29], [sflag:$0x7] =	stream.indirect_vreg.gather [hbm4b:s1+s5], $0x80, v19, vm0, $0xb8;
	[tilespmem:$0x1BA00] =	vst v63  }
0x261: {  	v58 =	vperm.xlane v17, v12;
	s30 =	simm.s32 $0x16600;
	v19 =	vadd.s32 v3, v57  }
0x262: {  	[tilespmem:s30], [sflag:$0x7] =	stream.indirect_vreg.gather [hbm4b:s1+s5], $0x80, v55, vm0, $0xb8;
	[tilespmem:$0x1BA00] =	vst v63  }
0x263: {  	v60 =	vperm.xlane v17, v13;
	v59 =	vadd.s32 v3, v58;
	s19 =	simm.s32 $0x16680  }
0x264: {  	[tilespmem:s19], [sflag:$0x7] =	stream.indirect_vreg.gather [hbm4b:s1+s5], $0x80, v18, vm0, $0xb8;
	[tilespmem:$0x1BA00] =	vst v63  }
0x265: {  	v61 =	vperm.xlane v17, v14;
	s20 =	simm.s32 $0x16700;
	v18 =	vadd.s32 v3, v60  }
0x266: {  	[tilespmem:s20], [sflag:$0x7] =	stream.indirect_vreg.gather [hbm4b:s1+s5], $0x80, v19, vm0, $0xb8;
	[tilespmem:$0x1BA00] =	vst v63  }
0x267: {  	v62 =	vperm.xlane v17, v15;
	s22 =	simm.s32 $0x16780;
	v19 =	vadd.s32 v3, v61  }
0x268: {  	[tilespmem:s22], [sflag:$0x7] =	stream.indirect_vreg.gather [hbm4b:s1+s5], $0x80, v59, vm0, $0xb8;
	[tilespmem:$0x1BA00] =	vst v63  }
0x269: {  	v17 =	vperm.xlane v17, v16;
	v63 =	vadd.s32 v3, v62;
	s23 =	simm.s32 $0x16800  }
0x26a: {  	[tilespmem:s23], [sflag:$0x7] =	stream.indirect_vreg.gather [hbm4b:s1+s5], $0x80, v18, vm0, $0xb8;
	[tilespmem:$0x1BA00] =	vst v63  }
0x26b: {  	v17 =	vadd.s32 v3, v17;
	s25 =	simm.s32 $0x16880  }
0x26c: {  	[tilespmem:s25], [sflag:$0x7] =	stream.indirect_vreg.gather [hbm4b:s1+s5], $0x80, v19, vm0, $0xb8;
	[tilespmem:$0x1BA00] =	vst v63  }
0x26d: {  	s29 =	simm.s32 $0x16900  }
0x26e: {  	[tilespmem:s29], [sflag:$0x7] =	stream.indirect_vreg.gather [hbm4b:s1+s5], $0x80, v63, vm0, $0xb8;
	[tilespmem:$0x1BA00] =	vst v63  }
0x26f: {  	p0 =	por $0x0, $0x0;
	s30 =	simm.s32 $0x16980  }
0x270: {  	[tilespmem:s30], [sflag:$0x7] =	stream.indirect_vreg.gather [hbm4b:s1+s5], $0x80, v17, vm0, $0xb8;
	[tilespmem:$0x1BA00] =	vst v63  }
.LBB2_4:
0x271: {  	s29 =	sshll.u32 s24, $0x1  }
0x272: {  	s4 =	sadd.s32 s6, s29  }
0x273: {  	s19 =	sshrl.u32 s4, $0x8  }
0x274: {  	s19 =	smul.u32 $0x6000, s19  }
0x275: {  	s20 =	sshll.u32 s4, $0x2  }
0x276: {  	s30 =	sand.u32 $0x380, s20;
	s19 =	sshra.s32 s19, $0x2  }
0x277: {  	s23 =	sor.u32 s30, s19  }
0x278: {  	v22 =	vld [tilespmem:s23+$0x0]  }
0x279: {  	v23 =	vld [tilespmem:s23+$0x10]  }
0x27a: {  	v21 =	vld [tilespmem:s23+$0x20]  }
0x27b: {  	v24 =	vld [tilespmem:s23+$0x70]  }
0x27c: {  	v19 =	vld [tilespmem:s23+$0x30]  }
0x27d: {  	v20 =	vld [tilespmem:s23+$0x40]  }
0x27e: {  	v18 =	vld [tilespmem:s23+$0x50]  }
0x27f: {  	s25 =	simm.s32 $0x0;
	s22 =	simm.s32 $0x200;
	s4 =	sshrl.u32 s4, $0x5;
	v17 =	vld [tilespmem:s23+$0x60]  }
.LBB2_5:
0x280: {  	p2 =	sne.s32 s22, $0x3E00;
	[tilespmem:s25+$0xFA70] =	vst.add.f32.msk $0xffff, v24  }
0x281: {  	[tilespmem:s25+$0xFA00] =	vst.add.f32.msk $0xffff, v22  }
0x282: {  	[tilespmem:s25+$0xFA10] =	vst.add.f32.msk $0xffff, v23  }
.Ltmp5:
0x283: {  	[tilespmem:s25+$0xFA20] =	vst.add.f32.msk $0xffff, v21;
	(pc) =	sbr.rel @p2 .LBB2_5-.Ltmp5, $4  }
0x284: {  	[tilespmem:s25+$0xFA30] =	vst.add.f32.msk $0xffff, v19  }
0x285: {  	[tilespmem:s25+$0xFA40] =	vst.add.f32.msk $0xffff, v20  }
0x286: {  	[tilespmem:s25+$0xFA50] =	vst.add.f32.msk $0xffff, v18  }
0x287: {  	[tilespmem:s25+$0xFA60] =	vst.add.f32.msk $0xffff, v17;
	s25 =	sshra.s32 s22, $0x2;
	s22 =	sadd.s32 $0x200, s22  }
0x288: {  	[tilespmem:s25+$0xFA70] =	vst.add.f32.msk $0xffff, v24  }
0x289: {  	[tilespmem:s25+$0xFA00] =	vst.add.f32.msk $0xffff, v22  }
0x28a: {  	[tilespmem:s25+$0xFA10] =	vst.add.f32.msk $0xffff, v23  }
0x28b: {  	s20 =	sand.u32 $0x7C, s20;
	s4 =	smul.u32 $0xC0000, s4;
	[tilespmem:s25+$0xFA20] =	vst.add.f32.msk $0xffff, v21  }
0x28c: {  	[tilespmem:s25+$0xFA30] =	vst.add.f32.msk $0xffff, v19;
	s20 =	smul.u32 $0x1800, s20  }
0x28d: {  	[tilespmem:s25+$0xFA40] =	vst.add.f32.msk $0xffff, v20  }
0x28e: {  	[tilespmem:s25+$0xFA50] =	vst.add.f32.msk $0xffff, v18;
	s4 =	sadd.s32 s4, s20  }
0x28f: {  	[tilespmem:s25+$0xFA60] =	vst.add.f32.msk $0xffff, v17;
	s25 =	rddreg [dreg:$0x3];
	s20 =	sshrl.u32 s4, $0x3  }
0x290: {  	s22 =	simm.s32 $0xFA00;
	s4 =	sadd.s32 s25, s20  }
0x291: {  	[hbm4b:s4+s28] =	stream.strided.scatter [tilespmem:s22], [sflag:$0xD], $0x1000, s31, s28, $0x38;
	[tilespmem:$0x1BA00] =	vst v63  }
0x292: {  	_ =	swait.ge [sflag:s2], $0x1000  }
.Ltmp6:
0x293: {  	[sflag:s2] =	ssyncset.done $0x0;
	(pc) =	sbr.rel @p0 .LBB2_8-.Ltmp6, $4  }
0x294: {  	s4 =	simm.s32 @!p1 $0x14;
	[sflag:s2] =	ssyncadd.s32 $0xFFFFF000  }
0x295: {  	_ =	swait.ge @!p1 [sflag:s4], $0x1000  }
0x296: {  	[sflag:s4] =	ssyncset.done @!p1 $0x0  }
0x297: {  	[sflag:s4] =	ssyncadd.s32 @!p1 $0xFFFFF000  }
0x298: {  	s4 =	sshll.u32 s24, $0x6  }
0x299: {  	s4 =	sand.u32 $0x3FFFFFC0, s4  }
0x29a: {  	v17 =	vld [tilespmem:s4+$0xF020];
	_ =	sdelay $0x4  }
0x29b: {  	v18 =	vshrl.u32 v17, $0x3  }
0x29c: {  	v18 =	vmul.u32 $0x30, v18  }
0x29d: {  	v17 =	vand.u32 $0x7, v17  }
0x29e: {  	v17 =	vor.u32 v17, v18  }
0x29f: {  	v18 =	vperm.xlane v17, v2;
	_ =	sdelay $0x1  }
0x2a0: {  	v19 =	vperm.xlane v17, v4;
	v18 =	vadd.s32 v3, v18;
	_ =	sdelay $0x1  }
0x2a1: {  	v20 =	vperm.xlane v17, v5;
	v19 =	vadd.s32 v3, v19;
	_ =	sdelay $0x1  }
0x2a2: {  	s22 =	simm.s32 $0x16A00;
	v21 =	vperm.xlane v17, v0;
	v20 =	vadd.s32 v3, v20  }
0x2a3: {  	[tilespmem:s22], [sflag:$0x8] =	stream.indirect_vreg.gather [hbm4b:s8+s5], $0x80, v18, vm0, $0xb8;
	[tilespmem:$0x1BA00] =	vst v63  }
0x2a4: {  	s25 =	simm.s32 $0x16A80;
	v32 =	vperm.xlane v17, v6;
	v18 =	vadd.s32 v3, v21  }
0x2a5: {  	[tilespmem:s25], [sflag:$0x8] =	stream.indirect_vreg.gather [hbm4b:s8+s5], $0x80, v19, vm0, $0xb8;
	[tilespmem:$0x1BA00] =	vst v63  }
0x2a6: {  	v33 =	vperm.xlane v17, v7;
	v19 =	vadd.s32 v3, v32;
	s25 =	simm.s32 $0x16B00  }
0x2a7: {  	[tilespmem:s25], [sflag:$0x8] =	stream.indirect_vreg.gather [hbm4b:s8+s5], $0x80, v20, vm0, $0xb8;
	[tilespmem:$0x1BA00] =	vst v63  }
0x2a8: {  	v35 =	vperm.xlane v17, v8;
	v34 =	vadd.s32 v3, v33;
	s25 =	simm.s32 $0x16B80  }
0x2a9: {  	[tilespmem:s25], [sflag:$0x8] =	stream.indirect_vreg.gather [hbm4b:s8+s5], $0x80, v18, vm0, $0xb8;
	[tilespmem:$0x1BA00] =	vst v63  }
0x2aa: {  	v36 =	vperm.xlane v17, v1;
	v18 =	vadd.s32 v3, v35;
	s25 =	simm.s32 $0x16C00  }
0x2ab: {  	[tilespmem:s25], [sflag:$0x8] =	stream.indirect_vreg.gather [hbm4b:s8+s5], $0x80, v19, vm0, $0xb8;
	[tilespmem:$0x1BA00] =	vst v63  }
0x2ac: {  	v37 =	vperm.xlane v17, v9;
	v19 =	vadd.s32 v3, v36;
	s25 =	simm.s32 $0x16C80  }
0x2ad: {  	[tilespmem:s25], [sflag:$0x8] =	stream.indirect_vreg.gather [hbm4b:s8+s5], $0x80, v34, vm0, $0xb8;
	[tilespmem:$0x1BA00] =	vst v63  }
0x2ae: {  	v39 =	vperm.xlane v17, v10;
	v38 =	vadd.s32 v3, v37;
	s25 =	simm.s32 $0x16D00  }
0x2af: {  	[tilespmem:s25], [sflag:$0x8] =	stream.indirect_vreg.gather [hbm4b:s8+s5], $0x80, v18, vm0, $0xb8;
	[tilespmem:$0x1BA00] =	vst v63  }
0x2b0: {  	v40 =	vperm.xlane v17, v11;
	v18 =	vadd.s32 v3, v39;
	s25 =	simm.s32 $0x16D80  }
0x2b1: {  	[tilespmem:s25], [sflag:$0x8] =	stream.indirect_vreg.gather [hbm4b:s8+s5], $0x80, v19, vm0, $0xb8;
	[tilespmem:$0x1BA00] =	vst v63  }
0x2b2: {  	v41 =	vperm.xlane v17, v12;
	v19 =	vadd.s32 v3, v40;
	s25 =	simm.s32 $0x16E00  }
0x2b3: {  	[tilespmem:s25], [sflag:$0x8] =	stream.indirect_vreg.gather [hbm4b:s8+s5], $0x80, v38, vm0, $0xb8;
	[tilespmem:$0x1BA00] =	vst v63  }
0x2b4: {  	v43 =	vperm.xlane v17, v13;
	v42 =	vadd.s32 v3, v41;
	s25 =	simm.s32 $0x16E80  }
0x2b5: {  	[tilespmem:s25], [sflag:$0x8] =	stream.indirect_vreg.gather [hbm4b:s8+s5], $0x80, v18, vm0, $0xb8;
	[tilespmem:$0x1BA00] =	vst v63  }
0x2b6: {  	v44 =	vperm.xlane v17, v14;
	v18 =	vadd.s32 v3, v43;
	s25 =	simm.s32 $0x16F00  }
0x2b7: {  	[tilespmem:s25], [sflag:$0x8] =	stream.indirect_vreg.gather [hbm4b:s8+s5], $0x80, v19, vm0, $0xb8;
	[tilespmem:$0x1BA00] =	vst v63  }
0x2b8: {  	v45 =	vperm.xlane v17, v15;
	v19 =	vadd.s32 v3, v44;
	s25 =	simm.s32 $0x16F80  }
0x2b9: {  	[tilespmem:s25], [sflag:$0x8] =	stream.indirect_vreg.gather [hbm4b:s8+s5], $0x80, v42, vm0, $0xb8;
	[tilespmem:$0x1BA00] =	vst v63  }
0x2ba: {  	v17 =	vperm.xlane v17, v16;
	v46 =	vadd.s32 v3, v45;
	s25 =	simm.s32 $0x17000  }
0x2bb: {  	[tilespmem:s25], [sflag:$0x8] =	stream.indirect_vreg.gather [hbm4b:s8+s5], $0x80, v18, vm0, $0xb8;
	[tilespmem:$0x1BA00] =	vst v63  }
0x2bc: {  	v17 =	vadd.s32 v3, v17;
	s25 =	simm.s32 $0x17080  }
0x2bd: {  	[tilespmem:s25], [sflag:$0x8] =	stream.indirect_vreg.gather [hbm4b:s8+s5], $0x80, v19, vm0, $0xb8;
	[tilespmem:$0x1BA00] =	vst v63  }
0x2be: {  	s25 =	simm.s32 $0x17100  }
0x2bf: {  	[tilespmem:s25], [sflag:$0x8] =	stream.indirect_vreg.gather [hbm4b:s8+s5], $0x80, v46, vm0, $0xb8;
	[tilespmem:$0x1BA00] =	vst v63  }
0x2c0: {  	s25 =	simm.s32 $0x17180  }
0x2c1: {  	[tilespmem:s25], [sflag:$0x8] =	stream.indirect_vreg.gather [hbm4b:s8+s5], $0x80, v17, vm0, $0xb8;
	[tilespmem:$0x1BA00] =	vst v63  }
0x2c2: {  	v17 =	vld [tilespmem:s4+$0xF030];
	_ =	sdelay $0x4  }
0x2c3: {  	v18 =	vshrl.u32 v17, $0x3  }
0x2c4: {  	v18 =	vmul.u32 $0x30, v18  }
0x2c5: {  	v17 =	vand.u32 $0x7, v17  }
0x2c6: {  	v17 =	vor.u32 v17, v18  }
0x2c7: {  	v18 =	vperm.xlane v17, v2;
	_ =	sdelay $0x1  }
0x2c8: {  	v19 =	vperm.xlane v17, v4;
	v18 =	vadd.s32 v3, v18;
	_ =	sdelay $0x1  }
0x2c9: {  	v47 =	vperm.xlane v17, v5;
	v19 =	vadd.s32 v3, v19;
	_ =	sdelay $0x1  }
0x2ca: {  	s22 =	simm.s32 $0x17200;
	v48 =	vperm.xlane v17, v0;
	v20 =	vadd.s32 v3, v47  }
0x2cb: {  	[tilespmem:s22], [sflag:$0x8] =	stream.indirect_vreg.gather [hbm4b:s8+s5], $0x80, v18, vm0, $0xb8;
	[tilespmem:$0x1BA00] =	vst v63  }
0x2cc: {  	s25 =	simm.s32 $0x17280;
	v49 =	vperm.xlane v17, v6;
	v18 =	vadd.s32 v3, v48  }
0x2cd: {  	[tilespmem:s25], [sflag:$0x8] =	stream.indirect_vreg.gather [hbm4b:s8+s5], $0x80, v19, vm0, $0xb8;
	[tilespmem:$0x1BA00] =	vst v63  }
0x2ce: {  	v50 =	vperm.xlane v17, v7;
	s22 =	simm.s32 $0x17300;
	v19 =	vadd.s32 v3, v49  }
0x2cf: {  	[tilespmem:s22], [sflag:$0x8] =	stream.indirect_vreg.gather [hbm4b:s8+s5], $0x80, v20, vm0, $0xb8;
	[tilespmem:$0x1BA00] =	vst v63  }
0x2d0: {  	v52 =	vperm.xlane v17, v8;
	v51 =	vadd.s32 v3, v50;
	s25 =	simm.s32 $0x17380  }
0x2d1: {  	[tilespmem:s25], [sflag:$0x8] =	stream.indirect_vreg.gather [hbm4b:s8+s5], $0x80, v18, vm0, $0xb8;
	[tilespmem:$0x1BA00] =	vst v63  }
0x2d2: {  	v53 =	vperm.xlane v17, v1;
	s22 =	simm.s32 $0x17400;
	v18 =	vadd.s32 v3, v52  }
0x2d3: {  	[tilespmem:s22], [sflag:$0x8] =	stream.indirect_vreg.gather [hbm4b:s8+s5], $0x80, v19, vm0, $0xb8;
	[tilespmem:$0x1BA00] =	vst v63  }
0x2d4: {  	v54 =	vperm.xlane v17, v9;
	s25 =	simm.s32 $0x17480;
	v19 =	vadd.s32 v3, v53  }
0x2d5: {  	[tilespmem:s25], [sflag:$0x8] =	stream.indirect_vreg.gather [hbm4b:s8+s5], $0x80, v51, vm0, $0xb8;
	[tilespmem:$0x1BA00] =	vst v63  }
0x2d6: {  	v56 =	vperm.xlane v17, v10;
	v55 =	vadd.s32 v3, v54;
	s22 =	simm.s32 $0x17500  }
0x2d7: {  	[tilespmem:s22], [sflag:$0x8] =	stream.indirect_vreg.gather [hbm4b:s8+s5], $0x80, v18, vm0, $0xb8;
	[tilespmem:$0x1BA00] =	vst v63  }
0x2d8: {  	v57 =	vperm.xlane v17, v11;
	s25 =	simm.s32 $0x17580;
	v18 =	vadd.s32 v3, v56  }
0x2d9: {  	[tilespmem:s25], [sflag:$0x8] =	stream.indirect_vreg.gather [hbm4b:s8+s5], $0x80, v19, vm0, $0xb8;
	[tilespmem:$0x1BA00] =	vst v63  }
0x2da: {  	v58 =	vperm.xlane v17, v12;
	s22 =	simm.s32 $0x17600;
	v19 =	vadd.s32 v3, v57  }
0x2db: {  	[tilespmem:s22], [sflag:$0x8] =	stream.indirect_vreg.gather [hbm4b:s8+s5], $0x80, v55, vm0, $0xb8;
	[tilespmem:$0x1BA00] =	vst v63  }
0x2dc: {  	v60 =	vperm.xlane v17, v13;
	v59 =	vadd.s32 v3, v58;
	s25 =	simm.s32 $0x17680  }
0x2dd: {  	[tilespmem:s25], [sflag:$0x8] =	stream.indirect_vreg.gather [hbm4b:s8+s5], $0x80, v18, vm0, $0xb8;
	[tilespmem:$0x1BA00] =	vst v63  }
0x2de: {  	v61 =	vperm.xlane v17, v14;
	s22 =	simm.s32 $0x17700;
	v18 =	vadd.s32 v3, v60  }
0x2df: {  	[tilespmem:s22], [sflag:$0x8] =	stream.indirect_vreg.gather [hbm4b:s8+s5], $0x80, v19, vm0, $0xb8;
	[tilespmem:$0x1BA00] =	vst v63  }
0x2e0: {  	v62 =	vperm.xlane v17, v15;
	s25 =	simm.s32 $0x17780;
	v19 =	vadd.s32 v3, v61  }
0x2e1: {  	[tilespmem:s25], [sflag:$0x8] =	stream.indirect_vreg.gather [hbm4b:s8+s5], $0x80, v59, vm0, $0xb8;
	[tilespmem:$0x1BA00] =	vst v63  }
0x2e2: {  	v17 =	vperm.xlane v17, v16;
	v63 =	vadd.s32 v3, v62;
	s22 =	simm.s32 $0x17800  }
0x2e3: {  	[tilespmem:s22], [sflag:$0x8] =	stream.indirect_vreg.gather [hbm4b:s8+s5], $0x80, v18, vm0, $0xb8;
	[tilespmem:$0x1BA00] =	vst v63  }
0x2e4: {  	v17 =	vadd.s32 v3, v17;
	s25 =	simm.s32 $0x17880  }
0x2e5: {  	[tilespmem:s25], [sflag:$0x8] =	stream.indirect_vreg.gather [hbm4b:s8+s5], $0x80, v19, vm0, $0xb8;
	[tilespmem:$0x1BA00] =	vst v63  }
0x2e6: {  	s22 =	simm.s32 $0x17900  }
0x2e7: {  	[tilespmem:s22], [sflag:$0x8] =	stream.indirect_vreg.gather [hbm4b:s8+s5], $0x80, v63, vm0, $0xb8;
	[tilespmem:$0x1BA00] =	vst v63  }
0x2e8: {  	s25 =	simm.s32 $0x17980  }
0x2e9: {  	[tilespmem:s25], [sflag:$0x8] =	stream.indirect_vreg.gather [hbm4b:s8+s5], $0x80, v17, vm0, $0xb8;
	[tilespmem:$0x1BA00] =	vst v63  }
.LBB2_8:
0x2ea: {  	v17 =	vld [tilespmem:s23+$0x400]  }
0x2eb: {  	v18 =	vld [tilespmem:s23+$0x410]  }
0x2ec: {  	v19 =	vld [tilespmem:s23+$0x420]  }
0x2ed: {  	v24 =	vld [tilespmem:s23+$0x470]  }
0x2ee: {  	v20 =	vld [tilespmem:s23+$0x430]  }
0x2ef: {  	v21 =	vld [tilespmem:s23+$0x440]  }
0x2f0: {  	v22 =	vld [tilespmem:s23+$0x450]  }
0x2f1: {  	v23 =	vld [tilespmem:s23+$0x460];
	s4 =	simm.s32 $0x0;
	s22 =	simm.s32 $0x200  }
.LBB2_9:
0x2f2: {  	p2 =	sne.s32 s22, $0x3E00;
	[tilespmem:s4+$0x10A70] =	vst.add.f32.msk $0xffff, v24  }
0x2f3: {  	[tilespmem:s4+$0x10A00] =	vst.add.f32.msk $0xffff, v17  }
0x2f4: {  	[tilespmem:s4+$0x10A10] =	vst.add.f32.msk $0xffff, v18  }
.Ltmp7:
0x2f5: {  	[tilespmem:s4+$0x10A20] =	vst.add.f32.msk $0xffff, v19;
	(pc) =	sbr.rel @p2 .LBB2_9-.Ltmp7, $4  }
0x2f6: {  	[tilespmem:s4+$0x10A30] =	vst.add.f32.msk $0xffff, v20  }
0x2f7: {  	[tilespmem:s4+$0x10A40] =	vst.add.f32.msk $0xffff, v21  }
0x2f8: {  	[tilespmem:s4+$0x10A50] =	vst.add.f32.msk $0xffff, v22  }
0x2f9: {  	[tilespmem:s4+$0x10A60] =	vst.add.f32.msk $0xffff, v23;
	s4 =	sshra.s32 s22, $0x2;
	s22 =	sadd.s32 $0x200, s22  }
0x2fa: {  	[tilespmem:s4+$0x10A70] =	vst.add.f32.msk $0xffff, v24  }
0x2fb: {  	[tilespmem:s4+$0x10A00] =	vst.add.f32.msk $0xffff, v17  }
0x2fc: {  	[tilespmem:s4+$0x10A10] =	vst.add.f32.msk $0xffff, v18  }
0x2fd: {  	[tilespmem:s4+$0x10A20] =	vst.add.f32.msk $0xffff, v19  }
0x2fe: {  	[tilespmem:s4+$0x10A30] =	vst.add.f32.msk $0xffff, v20  }
0x2ff: {  	[tilespmem:s4+$0x10A40] =	vst.add.f32.msk $0xffff, v21  }
0x300: {  	[tilespmem:s4+$0x10A50] =	vst.add.f32.msk $0xffff, v22  }
0x301: {  	[tilespmem:s4+$0x10A60] =	vst.add.f32.msk $0xffff, v23;
	s25 =	sadd.s32 s20, s13;
	s22 =	simm.s32 $0x10A00  }
0x302: {  	[hbm4b:s25+s28] =	stream.strided.scatter [tilespmem:s22], [sflag:$0xE], $0x1000, s31, s28, $0x38;
	[tilespmem:$0x1BA00] =	vst v63  }
0x303: {  	_ =	swait.ge [sflag:s0], $0x1000  }
.Ltmp8:
0x304: {  	[sflag:s0] =	ssyncset.done $0x0;
	(pc) =	sbr.rel @p0 .LBB2_12-.Ltmp8, $4  }
0x305: {  	s4 =	simm.s32 @!p1 $0x15;
	[sflag:s0] =	ssyncadd.s32 $0xFFFFF000  }
0x306: {  	_ =	swait.ge @!p1 [sflag:s4], $0x1000  }
0x307: {  	[sflag:s4] =	ssyncset.done @!p1 $0x0  }
0x308: {  	[sflag:s4] =	ssyncadd.s32 @!p1 $0xFFFFF000  }
0x309: {  	s4 =	sshll.u32 s24, $0x6  }
0x30a: {  	s4 =	sand.u32 $0x3FFFFFC0, s4  }
0x30b: {  	v17 =	vld [tilespmem:s4+$0xF020];
	_ =	sdelay $0x4  }
0x30c: {  	v18 =	vshrl.u32 v17, $0x3  }
0x30d: {  	v18 =	vmul.u32 $0x30, v18  }
0x30e: {  	v17 =	vand.u32 $0x7, v17  }
0x30f: {  	v17 =	vor.u32 v17, v18  }
0x310: {  	v18 =	vperm.xlane v17, v2;
	_ =	sdelay $0x1  }
0x311: {  	v19 =	vperm.xlane v17, v4;
	v18 =	vadd.s32 v3, v18;
	_ =	sdelay $0x1  }
0x312: {  	v20 =	vperm.xlane v17, v5;
	v19 =	vadd.s32 v3, v19;
	_ =	sdelay $0x1  }
0x313: {  	s22 =	simm.s32 $0x17A00;
	v21 =	vperm.xlane v17, v0;
	v20 =	vadd.s32 v3, v20  }
0x314: {  	[tilespmem:s22], [sflag:$0x9] =	stream.indirect_vreg.gather [hbm4b:s9+s5], $0x80, v18, vm0, $0xb8;
	[tilespmem:$0x1BA00] =	vst v63  }
0x315: {  	s23 =	simm.s32 $0x17A80;
	v32 =	vperm.xlane v17, v6;
	v18 =	vadd.s32 v3, v21  }
0x316: {  	[tilespmem:s23], [sflag:$0x9] =	stream.indirect_vreg.gather [hbm4b:s9+s5], $0x80, v19, vm0, $0xb8;
	[tilespmem:$0x1BA00] =	vst v63  }
0x317: {  	s25 =	simm.s32 $0x17B00;
	v33 =	vperm.xlane v17, v7;
	v19 =	vadd.s32 v3, v32  }
0x318: {  	[tilespmem:s25], [sflag:$0x9] =	stream.indirect_vreg.gather [hbm4b:s9+s5], $0x80, v20, vm0, $0xb8;
	[tilespmem:$0x1BA00] =	vst v63  }
0x319: {  	v35 =	vperm.xlane v17, v8;
	v34 =	vadd.s32 v3, v33;
	s23 =	simm.s32 $0x17B80  }
0x31a: {  	[tilespmem:s23], [sflag:$0x9] =	stream.indirect_vreg.gather [hbm4b:s9+s5], $0x80, v18, vm0, $0xb8;
	[tilespmem:$0x1BA00] =	vst v63  }
0x31b: {  	v36 =	vperm.xlane v17, v1;
	s25 =	simm.s32 $0x17C00;
	v18 =	vadd.s32 v3, v35  }
0x31c: {  	[tilespmem:s25], [sflag:$0x9] =	stream.indirect_vreg.gather [hbm4b:s9+s5], $0x80, v19, vm0, $0xb8;
	[tilespmem:$0x1BA00] =	vst v63  }
0x31d: {  	v37 =	vperm.xlane v17, v9;
	s23 =	simm.s32 $0x17C80;
	v19 =	vadd.s32 v3, v36  }
0x31e: {  	[tilespmem:s23], [sflag:$0x9] =	stream.indirect_vreg.gather [hbm4b:s9+s5], $0x80, v34, vm0, $0xb8;
	[tilespmem:$0x1BA00] =	vst v63  }
0x31f: {  	v39 =	vperm.xlane v17, v10;
	v38 =	vadd.s32 v3, v37;
	s25 =	simm.s32 $0x17D00  }
0x320: {  	[tilespmem:s25], [sflag:$0x9] =	stream.indirect_vreg.gather [hbm4b:s9+s5], $0x80, v18, vm0, $0xb8;
	[tilespmem:$0x1BA00] =	vst v63  }
0x321: {  	v40 =	vperm.xlane v17, v11;
	s23 =	simm.s32 $0x17D80;
	v18 =	vadd.s32 v3, v39  }
0x322: {  	[tilespmem:s23], [sflag:$0x9] =	stream.indirect_vreg.gather [hbm4b:s9+s5], $0x80, v19, vm0, $0xb8;
	[tilespmem:$0x1BA00] =	vst v63  }
0x323: {  	v41 =	vperm.xlane v17, v12;
	s25 =	simm.s32 $0x17E00;
	v19 =	vadd.s32 v3, v40  }
0x324: {  	[tilespmem:s25], [sflag:$0x9] =	stream.indirect_vreg.gather [hbm4b:s9+s5], $0x80, v38, vm0, $0xb8;
	[tilespmem:$0x1BA00] =	vst v63  }
0x325: {  	v43 =	vperm.xlane v17, v13;
	v42 =	vadd.s32 v3, v41;
	s23 =	simm.s32 $0x17E80  }
0x326: {  	[tilespmem:s23], [sflag:$0x9] =	stream.indirect_vreg.gather [hbm4b:s9+s5], $0x80, v18, vm0, $0xb8;
	[tilespmem:$0x1BA00] =	vst v63  }
0x327: {  	v44 =	vperm.xlane v17, v14;
	s25 =	simm.s32 $0x17F00;
	v18 =	vadd.s32 v3, v43  }
0x328: {  	[tilespmem:s25], [sflag:$0x9] =	stream.indirect_vreg.gather [hbm4b:s9+s5], $0x80, v19, vm0, $0xb8;
	[tilespmem:$0x1BA00] =	vst v63  }
0x329: {  	v45 =	vperm.xlane v17, v15;
	s23 =	simm.s32 $0x17F80;
	v19 =	vadd.s32 v3, v44  }
0x32a: {  	[tilespmem:s23], [sflag:$0x9] =	stream.indirect_vreg.gather [hbm4b:s9+s5], $0x80, v42, vm0, $0xb8;
	[tilespmem:$0x1BA00] =	vst v63  }
0x32b: {  	v17 =	vperm.xlane v17, v16;
	v46 =	vadd.s32 v3, v45;
	s25 =	simm.s32 $0x18000  }
0x32c: {  	[tilespmem:s25], [sflag:$0x9] =	stream.indirect_vreg.gather [hbm4b:s9+s5], $0x80, v18, vm0, $0xb8;
	[tilespmem:$0x1BA00] =	vst v63  }
0x32d: {  	v17 =	vadd.s32 v3, v17;
	s23 =	simm.s32 $0x18080  }
0x32e: {  	[tilespmem:s23], [sflag:$0x9] =	stream.indirect_vreg.gather [hbm4b:s9+s5], $0x80, v19, vm0, $0xb8;
	[tilespmem:$0x1BA00] =	vst v63  }
0x32f: {  	s25 =	simm.s32 $0x18100  }
0x330: {  	[tilespmem:s25], [sflag:$0x9] =	stream.indirect_vreg.gather [hbm4b:s9+s5], $0x80, v46, vm0, $0xb8;
	[tilespmem:$0x1BA00] =	vst v63  }
0x331: {  	s23 =	simm.s32 $0x18180  }
0x332: {  	[tilespmem:s23], [sflag:$0x9] =	stream.indirect_vreg.gather [hbm4b:s9+s5], $0x80, v17, vm0, $0xb8;
	[tilespmem:$0x1BA00] =	vst v63  }
0x333: {  	v17 =	vld [tilespmem:s4+$0xF030];
	_ =	sdelay $0x4  }
0x334: {  	v18 =	vshrl.u32 v17, $0x3  }
0x335: {  	v18 =	vmul.u32 $0x30, v18  }
0x336: {  	v17 =	vand.u32 $0x7, v17  }
0x337: {  	v17 =	vor.u32 v17, v18  }
0x338: {  	v18 =	vperm.xlane v17, v2;
	_ =	sdelay $0x1  }
0x339: {  	v19 =	vperm.xlane v17, v4;
	v18 =	vadd.s32 v3, v18;
	_ =	sdelay $0x1  }
0x33a: {  	v47 =	vperm.xlane v17, v5;
	v19 =	vadd.s32 v3, v19;
	_ =	sdelay $0x1  }
0x33b: {  	s25 =	simm.s32 $0x18200;
	v48 =	vperm.xlane v17, v0;
	v20 =	vadd.s32 v3, v47  }
0x33c: {  	[tilespmem:s25], [sflag:$0x9] =	stream.indirect_vreg.gather [hbm4b:s9+s5], $0x80, v18, vm0, $0xb8;
	[tilespmem:$0x1BA00] =	vst v63  }
0x33d: {  	s22 =	simm.s32 $0x18280;
	v49 =	vperm.xlane v17, v6;
	v18 =	vadd.s32 v3, v48  }
0x33e: {  	[tilespmem:s22], [sflag:$0x9] =	stream.indirect_vreg.gather [hbm4b:s9+s5], $0x80, v19, vm0, $0xb8;
	[tilespmem:$0x1BA00] =	vst v63  }
0x33f: {  	s23 =	simm.s32 $0x18300;
	v50 =	vperm.xlane v17, v7;
	v19 =	vadd.s32 v3, v49  }
0x340: {  	[tilespmem:s23], [sflag:$0x9] =	stream.indirect_vreg.gather [hbm4b:s9+s5], $0x80, v20, vm0, $0xb8;
	[tilespmem:$0x1BA00] =	vst v63  }
0x341: {  	v52 =	vperm.xlane v17, v8;
	v51 =	vadd.s32 v3, v50;
	s25 =	simm.s32 $0x18380  }
0x342: {  	[tilespmem:s25], [sflag:$0x9] =	stream.indirect_vreg.gather [hbm4b:s9+s5], $0x80, v18, vm0, $0xb8;
	[tilespmem:$0x1BA00] =	vst v63  }
0x343: {  	v53 =	vperm.xlane v17, v1;
	s22 =	simm.s32 $0x18400;
	v18 =	vadd.s32 v3, v52  }
0x344: {  	[tilespmem:s22], [sflag:$0x9] =	stream.indirect_vreg.gather [hbm4b:s9+s5], $0x80, v19, vm0, $0xb8;
	[tilespmem:$0x1BA00] =	vst v63  }
0x345: {  	v54 =	vperm.xlane v17, v9;
	s23 =	simm.s32 $0x18480;
	v19 =	vadd.s32 v3, v53  }
0x346: {  	[tilespmem:s23], [sflag:$0x9] =	stream.indirect_vreg.gather [hbm4b:s9+s5], $0x80, v51, vm0, $0xb8;
	[tilespmem:$0x1BA00] =	vst v63  }
0x347: {  	v56 =	vperm.xlane v17, v10;
	v55 =	vadd.s32 v3, v54;
	s25 =	simm.s32 $0x18500  }
0x348: {  	[tilespmem:s25], [sflag:$0x9] =	stream.indirect_vreg.gather [hbm4b:s9+s5], $0x80, v18, vm0, $0xb8;
	[tilespmem:$0x1BA00] =	vst v63  }
0x349: {  	v57 =	vperm.xlane v17, v11;
	s22 =	simm.s32 $0x18580;
	v18 =	vadd.s32 v3, v56  }
0x34a: {  	[tilespmem:s22], [sflag:$0x9] =	stream.indirect_vreg.gather [hbm4b:s9+s5], $0x80, v19, vm0, $0xb8;
	[tilespmem:$0x1BA00] =	vst v63  }
0x34b: {  	v58 =	vperm.xlane v17, v12;
	s23 =	simm.s32 $0x18600;
	v19 =	vadd.s32 v3, v57  }
0x34c: {  	[tilespmem:s23], [sflag:$0x9] =	stream.indirect_vreg.gather [hbm4b:s9+s5], $0x80, v55, vm0, $0xb8;
	[tilespmem:$0x1BA00] =	vst v63  }
0x34d: {  	v60 =	vperm.xlane v17, v13;
	v59 =	vadd.s32 v3, v58;
	s25 =	simm.s32 $0x18680  }
0x34e: {  	[tilespmem:s25], [sflag:$0x9] =	stream.indirect_vreg.gather [hbm4b:s9+s5], $0x80, v18, vm0, $0xb8;
	[tilespmem:$0x1BA00] =	vst v63  }
0x34f: {  	v61 =	vperm.xlane v17, v14;
	s22 =	simm.s32 $0x18700;
	v18 =	vadd.s32 v3, v60  }
0x350: {  	[tilespmem:s22], [sflag:$0x9] =	stream.indirect_vreg.gather [hbm4b:s9+s5], $0x80, v19, vm0, $0xb8;
	[tilespmem:$0x1BA00] =	vst v63  }
0x351: {  	v62 =	vperm.xlane v17, v15;
	s23 =	simm.s32 $0x18780;
	v19 =	vadd.s32 v3, v61  }
0x352: {  	[tilespmem:s23], [sflag:$0x9] =	stream.indirect_vreg.gather [hbm4b:s9+s5], $0x80, v59, vm0, $0xb8;
	[tilespmem:$0x1BA00] =	vst v63  }
0x353: {  	v17 =	vperm.xlane v17, v16;
	v63 =	vadd.s32 v3, v62;
	s25 =	simm.s32 $0x18800  }
0x354: {  	[tilespmem:s25], [sflag:$0x9] =	stream.indirect_vreg.gather [hbm4b:s9+s5], $0x80, v18, vm0, $0xb8;
	[tilespmem:$0x1BA00] =	vst v63  }
0x355: {  	v17 =	vadd.s32 v3, v17;
	s22 =	simm.s32 $0x18880  }
0x356: {  	[tilespmem:s22], [sflag:$0x9] =	stream.indirect_vreg.gather [hbm4b:s9+s5], $0x80, v19, vm0, $0xb8;
	[tilespmem:$0x1BA00] =	vst v63  }
0x357: {  	s23 =	simm.s32 $0x18900  }
0x358: {  	[tilespmem:s23], [sflag:$0x9] =	stream.indirect_vreg.gather [hbm4b:s9+s5], $0x80, v63, vm0, $0xb8;
	[tilespmem:$0x1BA00] =	vst v63  }
0x359: {  	s25 =	simm.s32 $0x18980  }
0x35a: {  	[tilespmem:s25], [sflag:$0x9] =	stream.indirect_vreg.gather [hbm4b:s9+s5], $0x80, v17, vm0, $0xb8;
	[tilespmem:$0x1BA00] =	vst v63  }
.LBB2_12:
0x35b: {  	s30 =	sadd.s32 s30, s19  }
0x35c: {  	v17 =	vld [tilespmem:s30+$0x800]  }
0x35d: {  	v18 =	vld [tilespmem:s30+$0x810]  }
0x35e: {  	v19 =	vld [tilespmem:s30+$0x820]  }
0x35f: {  	v24 =	vld [tilespmem:s30+$0x870]  }
0x360: {  	v20 =	vld [tilespmem:s30+$0x830]  }
0x361: {  	v21 =	vld [tilespmem:s30+$0x840]  }
0x362: {  	v22 =	vld [tilespmem:s30+$0x850]  }
0x363: {  	s4 =	simm.s32 $0x0;
	s19 =	simm.s32 $0x200;
	v23 =	vld [tilespmem:s30+$0x860]  }
.LBB2_13:
0x364: {  	p2 =	sne.s32 s19, $0x3E00;
	[tilespmem:s4+$0x11A70] =	vst.add.f32.msk $0xffff, v24  }
0x365: {  	[tilespmem:s4+$0x11A00] =	vst.add.f32.msk $0xffff, v17  }
0x366: {  	[tilespmem:s4+$0x11A10] =	vst.add.f32.msk $0xffff, v18  }
.Ltmp9:
0x367: {  	[tilespmem:s4+$0x11A20] =	vst.add.f32.msk $0xffff, v19;
	(pc) =	sbr.rel @p2 .LBB2_13-.Ltmp9, $4  }
0x368: {  	[tilespmem:s4+$0x11A30] =	vst.add.f32.msk $0xffff, v20  }
0x369: {  	[tilespmem:s4+$0x11A40] =	vst.add.f32.msk $0xffff, v21  }
0x36a: {  	[tilespmem:s4+$0x11A50] =	vst.add.f32.msk $0xffff, v22  }
0x36b: {  	[tilespmem:s4+$0x11A60] =	vst.add.f32.msk $0xffff, v23;
	s4 =	sshra.s32 s19, $0x2;
	s19 =	sadd.s32 $0x200, s19  }
0x36c: {  	[tilespmem:s4+$0x11A70] =	vst.add.f32.msk $0xffff, v24  }
0x36d: {  	[tilespmem:s4+$0x11A00] =	vst.add.f32.msk $0xffff, v17  }
0x36e: {  	[tilespmem:s4+$0x11A10] =	vst.add.f32.msk $0xffff, v18  }
0x36f: {  	[tilespmem:s4+$0x11A20] =	vst.add.f32.msk $0xffff, v19  }
0x370: {  	[tilespmem:s4+$0x11A30] =	vst.add.f32.msk $0xffff, v20  }
0x371: {  	[tilespmem:s4+$0x11A40] =	vst.add.f32.msk $0xffff, v21  }
0x372: {  	[tilespmem:s4+$0x11A50] =	vst.add.f32.msk $0xffff, v22  }
0x373: {  	[tilespmem:s4+$0x11A60] =	vst.add.f32.msk $0xffff, v23;
	s25 =	sadd.s32 s20, s14;
	s19 =	simm.s32 $0x11A00  }
0x374: {  	[hbm4b:s25+s28] =	stream.strided.scatter [tilespmem:s19], [sflag:$0xF], $0x1000, s31, s28, $0x38;
	[tilespmem:$0x1BA00] =	vst v63  }
0x375: {  	_ =	swait.ge [sflag:s3], $0x1000  }
.Ltmp10:
0x376: {  	[sflag:s3] =	ssyncset.done $0x0;
	(pc) =	sbr.rel @p0 .LBB2_16-.Ltmp10, $4  }
0x377: {  	s4 =	simm.s32 @!p1 $0x16;
	[sflag:s3] =	ssyncadd.s32 $0xFFFFF000  }
0x378: {  	_ =	swait.ge @!p1 [sflag:s4], $0x1000  }
0x379: {  	[sflag:s4] =	ssyncset.done @!p1 $0x0  }
0x37a: {  	[sflag:s4] =	ssyncadd.s32 @!p1 $0xFFFFF000  }
0x37b: {  	s4 =	sshll.u32 s24, $0x6  }
0x37c: {  	s4 =	sand.u32 $0x3FFFFFC0, s4  }
0x37d: {  	v17 =	vld [tilespmem:s4+$0xF020];
	_ =	sdelay $0x4  }
0x37e: {  	v18 =	vshrl.u32 v17, $0x3  }
0x37f: {  	v18 =	vmul.u32 $0x30, v18  }
0x380: {  	v17 =	vand.u32 $0x7, v17  }
0x381: {  	v17 =	vor.u32 v17, v18  }
0x382: {  	v18 =	vperm.xlane v17, v2;
	_ =	sdelay $0x1  }
0x383: {  	v19 =	vperm.xlane v17, v4;
	v18 =	vadd.s32 v3, v18;
	_ =	sdelay $0x1  }
0x384: {  	v20 =	vperm.xlane v17, v5;
	v19 =	vadd.s32 v3, v19;
	_ =	sdelay $0x1  }
0x385: {  	s19 =	simm.s32 $0x18A00;
	v21 =	vperm.xlane v17, v0;
	v20 =	vadd.s32 v3, v20  }
0x386: {  	[tilespmem:s19], [sflag:$0xA] =	stream.indirect_vreg.gather [hbm4b:s10+s5], $0x80, v18, vm0, $0xb8;
	[tilespmem:$0x1BA00] =	vst v63  }
0x387: {  	s22 =	simm.s32 $0x18A80;
	v32 =	vperm.xlane v17, v6;
	v18 =	vadd.s32 v3, v21  }
0x388: {  	[tilespmem:s22], [sflag:$0xA] =	stream.indirect_vreg.gather [hbm4b:s10+s5], $0x80, v19, vm0, $0xb8;
	[tilespmem:$0x1BA00] =	vst v63  }
0x389: {  	s23 =	simm.s32 $0x18B00;
	v33 =	vperm.xlane v17, v7;
	v19 =	vadd.s32 v3, v32  }
0x38a: {  	[tilespmem:s23], [sflag:$0xA] =	stream.indirect_vreg.gather [hbm4b:s10+s5], $0x80, v20, vm0, $0xb8;
	[tilespmem:$0x1BA00] =	vst v63  }
0x38b: {  	s25 =	simm.s32 $0x18B80;
	v35 =	vperm.xlane v17, v8;
	v34 =	vadd.s32 v3, v33  }
0x38c: {  	[tilespmem:s25], [sflag:$0xA] =	stream.indirect_vreg.gather [hbm4b:s10+s5], $0x80, v18, vm0, $0xb8;
	[tilespmem:$0x1BA00] =	vst v63  }
0x38d: {  	v36 =	vperm.xlane v17, v1;
	s22 =	simm.s32 $0x18C00;
	v18 =	vadd.s32 v3, v35  }
0x38e: {  	[tilespmem:s22], [sflag:$0xA] =	stream.indirect_vreg.gather [hbm4b:s10+s5], $0x80, v19, vm0, $0xb8;
	[tilespmem:$0x1BA00] =	vst v63  }
0x38f: {  	v37 =	vperm.xlane v17, v9;
	s23 =	simm.s32 $0x18C80;
	v19 =	vadd.s32 v3, v36  }
0x390: {  	[tilespmem:s23], [sflag:$0xA] =	stream.indirect_vreg.gather [hbm4b:s10+s5], $0x80, v34, vm0, $0xb8;
	[tilespmem:$0x1BA00] =	vst v63  }
0x391: {  	v39 =	vperm.xlane v17, v10;
	v38 =	vadd.s32 v3, v37;
	s25 =	simm.s32 $0x18D00  }
0x392: {  	[tilespmem:s25], [sflag:$0xA] =	stream.indirect_vreg.gather [hbm4b:s10+s5], $0x80, v18, vm0, $0xb8;
	[tilespmem:$0x1BA00] =	vst v63  }
0x393: {  	v40 =	vperm.xlane v17, v11;
	s22 =	simm.s32 $0x18D80;
	v18 =	vadd.s32 v3, v39  }
0x394: {  	[tilespmem:s22], [sflag:$0xA] =	stream.indirect_vreg.gather [hbm4b:s10+s5], $0x80, v19, vm0, $0xb8;
	[tilespmem:$0x1BA00] =	vst v63  }
0x395: {  	v41 =	vperm.xlane v17, v12;
	s23 =	simm.s32 $0x18E00;
	v19 =	vadd.s32 v3, v40  }
0x396: {  	[tilespmem:s23], [sflag:$0xA] =	stream.indirect_vreg.gather [hbm4b:s10+s5], $0x80, v38, vm0, $0xb8;
	[tilespmem:$0x1BA00] =	vst v63  }
0x397: {  	v43 =	vperm.xlane v17, v13;
	v42 =	vadd.s32 v3, v41;
	s25 =	simm.s32 $0x18E80  }
0x398: {  	[tilespmem:s25], [sflag:$0xA] =	stream.indirect_vreg.gather [hbm4b:s10+s5], $0x80, v18, vm0, $0xb8;
	[tilespmem:$0x1BA00] =	vst v63  }
0x399: {  	v44 =	vperm.xlane v17, v14;
	s22 =	simm.s32 $0x18F00;
	v18 =	vadd.s32 v3, v43  }
0x39a: {  	[tilespmem:s22], [sflag:$0xA] =	stream.indirect_vreg.gather [hbm4b:s10+s5], $0x80, v19, vm0, $0xb8;
	[tilespmem:$0x1BA00] =	vst v63  }
0x39b: {  	v45 =	vperm.xlane v17, v15;
	s23 =	simm.s32 $0x18F80;
	v19 =	vadd.s32 v3, v44  }
0x39c: {  	[tilespmem:s23], [sflag:$0xA] =	stream.indirect_vreg.gather [hbm4b:s10+s5], $0x80, v42, vm0, $0xb8;
	[tilespmem:$0x1BA00] =	vst v63  }
0x39d: {  	v17 =	vperm.xlane v17, v16;
	v46 =	vadd.s32 v3, v45;
	s25 =	simm.s32 $0x19000  }
0x39e: {  	[tilespmem:s25], [sflag:$0xA] =	stream.indirect_vreg.gather [hbm4b:s10+s5], $0x80, v18, vm0, $0xb8;
	[tilespmem:$0x1BA00] =	vst v63  }
0x39f: {  	v17 =	vadd.s32 v3, v17;
	s22 =	simm.s32 $0x19080  }
0x3a0: {  	[tilespmem:s22], [sflag:$0xA] =	stream.indirect_vreg.gather [hbm4b:s10+s5], $0x80, v19, vm0, $0xb8;
	[tilespmem:$0x1BA00] =	vst v63  }
0x3a1: {  	s23 =	simm.s32 $0x19100  }
0x3a2: {  	[tilespmem:s23], [sflag:$0xA] =	stream.indirect_vreg.gather [hbm4b:s10+s5], $0x80, v46, vm0, $0xb8;
	[tilespmem:$0x1BA00] =	vst v63  }
0x3a3: {  	s25 =	simm.s32 $0x19180  }
0x3a4: {  	[tilespmem:s25], [sflag:$0xA] =	stream.indirect_vreg.gather [hbm4b:s10+s5], $0x80, v17, vm0, $0xb8;
	[tilespmem:$0x1BA00] =	vst v63  }
0x3a5: {  	v17 =	vld [tilespmem:s4+$0xF030];
	_ =	sdelay $0x4  }
0x3a6: {  	v18 =	vshrl.u32 v17, $0x3  }
0x3a7: {  	v18 =	vmul.u32 $0x30, v18  }
0x3a8: {  	v17 =	vand.u32 $0x7, v17  }
0x3a9: {  	v17 =	vor.u32 v17, v18  }
0x3aa: {  	v18 =	vperm.xlane v17, v2;
	_ =	sdelay $0x1  }
0x3ab: {  	v19 =	vperm.xlane v17, v4;
	v18 =	vadd.s32 v3, v18;
	_ =	sdelay $0x1  }
0x3ac: {  	v47 =	vperm.xlane v17, v5;
	v19 =	vadd.s32 v3, v19;
	_ =	sdelay $0x1  }
0x3ad: {  	s19 =	simm.s32 $0x19200;
	v48 =	vperm.xlane v17, v0;
	v20 =	vadd.s32 v3, v47  }
0x3ae: {  	[tilespmem:s19], [sflag:$0xA] =	stream.indirect_vreg.gather [hbm4b:s10+s5], $0x80, v18, vm0, $0xb8;
	[tilespmem:$0x1BA00] =	vst v63  }
0x3af: {  	s22 =	simm.s32 $0x19280;
	v49 =	vperm.xlane v17, v6;
	v18 =	vadd.s32 v3, v48  }
0x3b0: {  	[tilespmem:s22], [sflag:$0xA] =	stream.indirect_vreg.gather [hbm4b:s10+s5], $0x80, v19, vm0, $0xb8;
	[tilespmem:$0x1BA00] =	vst v63  }
0x3b1: {  	s23 =	simm.s32 $0x19300;
	v50 =	vperm.xlane v17, v7;
	v19 =	vadd.s32 v3, v49  }
0x3b2: {  	[tilespmem:s23], [sflag:$0xA] =	stream.indirect_vreg.gather [hbm4b:s10+s5], $0x80, v20, vm0, $0xb8;
	[tilespmem:$0x1BA00] =	vst v63  }
0x3b3: {  	s25 =	simm.s32 $0x19380;
	v52 =	vperm.xlane v17, v8;
	v51 =	vadd.s32 v3, v50  }
0x3b4: {  	[tilespmem:s25], [sflag:$0xA] =	stream.indirect_vreg.gather [hbm4b:s10+s5], $0x80, v18, vm0, $0xb8;
	[tilespmem:$0x1BA00] =	vst v63  }
0x3b5: {  	v53 =	vperm.xlane v17, v1;
	s19 =	simm.s32 $0x19400;
	v18 =	vadd.s32 v3, v52  }
0x3b6: {  	[tilespmem:s19], [sflag:$0xA] =	stream.indirect_vreg.gather [hbm4b:s10+s5], $0x80, v19, vm0, $0xb8;
	[tilespmem:$0x1BA00] =	vst v63  }
0x3b7: {  	v54 =	vperm.xlane v17, v9;
	s22 =	simm.s32 $0x19480;
	v19 =	vadd.s32 v3, v53  }
0x3b8: {  	[tilespmem:s22], [sflag:$0xA] =	stream.indirect_vreg.gather [hbm4b:s10+s5], $0x80, v51, vm0, $0xb8;
	[tilespmem:$0x1BA00] =	vst v63  }
0x3b9: {  	v56 =	vperm.xlane v17, v10;
	v55 =	vadd.s32 v3, v54;
	s23 =	simm.s32 $0x19500  }
0x3ba: {  	[tilespmem:s23], [sflag:$0xA] =	stream.indirect_vreg.gather [hbm4b:s10+s5], $0x80, v18, vm0, $0xb8;
	[tilespmem:$0x1BA00] =	vst v63  }
0x3bb: {  	v57 =	vperm.xlane v17, v11;
	s25 =	simm.s32 $0x19580;
	v18 =	vadd.s32 v3, v56  }
0x3bc: {  	[tilespmem:s25], [sflag:$0xA] =	stream.indirect_vreg.gather [hbm4b:s10+s5], $0x80, v19, vm0, $0xb8;
	[tilespmem:$0x1BA00] =	vst v63  }
0x3bd: {  	v58 =	vperm.xlane v17, v12;
	s19 =	simm.s32 $0x19600;
	v19 =	vadd.s32 v3, v57  }
0x3be: {  	[tilespmem:s19], [sflag:$0xA] =	stream.indirect_vreg.gather [hbm4b:s10+s5], $0x80, v55, vm0, $0xb8;
	[tilespmem:$0x1BA00] =	vst v63  }
0x3bf: {  	v60 =	vperm.xlane v17, v13;
	v59 =	vadd.s32 v3, v58;
	s22 =	simm.s32 $0x19680  }
0x3c0: {  	[tilespmem:s22], [sflag:$0xA] =	stream.indirect_vreg.gather [hbm4b:s10+s5], $0x80, v18, vm0, $0xb8;
	[tilespmem:$0x1BA00] =	vst v63  }
0x3c1: {  	v61 =	vperm.xlane v17, v14;
	s23 =	simm.s32 $0x19700;
	v18 =	vadd.s32 v3, v60  }
0x3c2: {  	[tilespmem:s23], [sflag:$0xA] =	stream.indirect_vreg.gather [hbm4b:s10+s5], $0x80, v19, vm0, $0xb8;
	[tilespmem:$0x1BA00] =	vst v63  }
0x3c3: {  	v62 =	vperm.xlane v17, v15;
	s25 =	simm.s32 $0x19780;
	v19 =	vadd.s32 v3, v61  }
0x3c4: {  	[tilespmem:s25], [sflag:$0xA] =	stream.indirect_vreg.gather [hbm4b:s10+s5], $0x80, v59, vm0, $0xb8;
	[tilespmem:$0x1BA00] =	vst v63  }
0x3c5: {  	v17 =	vperm.xlane v17, v16;
	v63 =	vadd.s32 v3, v62;
	s19 =	simm.s32 $0x19800  }
0x3c6: {  	[tilespmem:s19], [sflag:$0xA] =	stream.indirect_vreg.gather [hbm4b:s10+s5], $0x80, v18, vm0, $0xb8;
	[tilespmem:$0x1BA00] =	vst v63  }
0x3c7: {  	v17 =	vadd.s32 v3, v17;
	s22 =	simm.s32 $0x19880  }
0x3c8: {  	[tilespmem:s22], [sflag:$0xA] =	stream.indirect_vreg.gather [hbm4b:s10+s5], $0x80, v19, vm0, $0xb8;
	[tilespmem:$0x1BA00] =	vst v63  }
0x3c9: {  	s23 =	simm.s32 $0x19900  }
0x3ca: {  	[tilespmem:s23], [sflag:$0xA] =	stream.indirect_vreg.gather [hbm4b:s10+s5], $0x80, v63, vm0, $0xb8;
	[tilespmem:$0x1BA00] =	vst v63  }
0x3cb: {  	s25 =	simm.s32 $0x19980  }
0x3cc: {  	[tilespmem:s25], [sflag:$0xA] =	stream.indirect_vreg.gather [hbm4b:s10+s5], $0x80, v17, vm0, $0xb8;
	[tilespmem:$0x1BA00] =	vst v63  }
.LBB2_16:
0x3cd: {  	v17 =	vld [tilespmem:s30+$0xC00]  }
0x3ce: {  	v18 =	vld [tilespmem:s30+$0xC10]  }
0x3cf: {  	v19 =	vld [tilespmem:s30+$0xC20]  }
0x3d0: {  	v24 =	vld [tilespmem:s30+$0xC70]  }
0x3d1: {  	v20 =	vld [tilespmem:s30+$0xC30]  }
0x3d2: {  	v21 =	vld [tilespmem:s30+$0xC40]  }
0x3d3: {  	v22 =	vld [tilespmem:s30+$0xC50]  }
0x3d4: {  	v23 =	vld [tilespmem:s30+$0xC60];
	s4 =	simm.s32 $0x0;
	s19 =	simm.s32 $0x200  }
.LBB2_17:
0x3d5: {  	p2 =	sne.s32 s19, $0x3E00;
	[tilespmem:s4+$0x12A70] =	vst.add.f32.msk $0xffff, v24  }
0x3d6: {  	[tilespmem:s4+$0x12A00] =	vst.add.f32.msk $0xffff, v17  }
0x3d7: {  	[tilespmem:s4+$0x12A10] =	vst.add.f32.msk $0xffff, v18  }
.Ltmp11:
0x3d8: {  	[tilespmem:s4+$0x12A20] =	vst.add.f32.msk $0xffff, v19;
	(pc) =	sbr.rel @p2 .LBB2_17-.Ltmp11, $4  }
0x3d9: {  	[tilespmem:s4+$0x12A30] =	vst.add.f32.msk $0xffff, v20  }
0x3da: {  	[tilespmem:s4+$0x12A40] =	vst.add.f32.msk $0xffff, v21  }
0x3db: {  	[tilespmem:s4+$0x12A50] =	vst.add.f32.msk $0xffff, v22  }
0x3dc: {  	[tilespmem:s4+$0x12A60] =	vst.add.f32.msk $0xffff, v23;
	s4 =	sshra.s32 s19, $0x2;
	s19 =	sadd.s32 $0x200, s19  }
0x3dd: {  	[tilespmem:s4+$0x12A70] =	vst.add.f32.msk $0xffff, v24  }
0x3de: {  	[tilespmem:s4+$0x12A00] =	vst.add.f32.msk $0xffff, v17  }
0x3df: {  	[tilespmem:s4+$0x12A10] =	vst.add.f32.msk $0xffff, v18  }
0x3e0: {  	[tilespmem:s4+$0x12A20] =	vst.add.f32.msk $0xffff, v19  }
0x3e1: {  	[tilespmem:s4+$0x12A30] =	vst.add.f32.msk $0xffff, v20  }
0x3e2: {  	[tilespmem:s4+$0x12A40] =	vst.add.f32.msk $0xffff, v21  }
0x3e3: {  	[tilespmem:s4+$0x12A50] =	vst.add.f32.msk $0xffff, v22  }
0x3e4: {  	[tilespmem:s4+$0x12A60] =	vst.add.f32.msk $0xffff, v23;
	s25 =	sadd.s32 s20, s15;
	s19 =	simm.s32 $0x12A00  }
0x3e5: {  	[hbm4b:s25+s28] =	stream.strided.scatter [tilespmem:s19], [sflag:$0x10], $0x1000, s31, s28, $0x38;
	[tilespmem:$0x1BA00] =	vst v63  }
0x3e6: {  	_ =	swait.ge [sflag:s7], $0x1000  }
.Ltmp12:
0x3e7: {  	[sflag:s7] =	ssyncset.done $0x0;
	(pc) =	sbr.rel @p0 .LBB2_20-.Ltmp12, $4  }
0x3e8: {  	s4 =	simm.s32 @!p1 $0x17;
	[sflag:s7] =	ssyncadd.s32 $0xFFFFF000  }
0x3e9: {  	_ =	swait.ge @!p1 [sflag:s4], $0x1000  }
0x3ea: {  	[sflag:s4] =	ssyncset.done @!p1 $0x0  }
0x3eb: {  	[sflag:s4] =	ssyncadd.s32 @!p1 $0xFFFFF000  }
0x3ec: {  	s4 =	sshll.u32 s24, $0x6  }
0x3ed: {  	s4 =	sand.u32 $0x3FFFFFC0, s4  }
0x3ee: {  	v17 =	vld [tilespmem:s4+$0xF020];
	_ =	sdelay $0x4  }
0x3ef: {  	v18 =	vshrl.u32 v17, $0x3  }
0x3f0: {  	v18 =	vmul.u32 $0x30, v18  }
0x3f1: {  	v17 =	vand.u32 $0x7, v17  }
0x3f2: {  	v17 =	vor.u32 v17, v18  }
0x3f3: {  	v18 =	vperm.xlane v17, v2;
	_ =	sdelay $0x1  }
0x3f4: {  	v19 =	vperm.xlane v17, v4;
	v18 =	vadd.s32 v3, v18;
	_ =	sdelay $0x1  }
0x3f5: {  	v20 =	vperm.xlane v17, v5;
	v19 =	vadd.s32 v3, v19;
	_ =	sdelay $0x1  }
0x3f6: {  	s19 =	simm.s32 $0x19A00;
	v21 =	vperm.xlane v17, v0;
	v20 =	vadd.s32 v3, v20  }
0x3f7: {  	[tilespmem:s19], [sflag:$0xB] =	stream.indirect_vreg.gather [hbm4b:s11+s5], $0x80, v18, vm0, $0xb8;
	[tilespmem:$0x1BA00] =	vst v63  }
0x3f8: {  	s22 =	simm.s32 $0x19A80;
	v32 =	vperm.xlane v17, v6;
	v18 =	vadd.s32 v3, v21  }
0x3f9: {  	[tilespmem:s22], [sflag:$0xB] =	stream.indirect_vreg.gather [hbm4b:s11+s5], $0x80, v19, vm0, $0xb8;
	[tilespmem:$0x1BA00] =	vst v63  }
0x3fa: {  	s23 =	simm.s32 $0x19B00;
	v33 =	vperm.xlane v17, v7;
	v19 =	vadd.s32 v3, v32  }
0x3fb: {  	[tilespmem:s23], [sflag:$0xB] =	stream.indirect_vreg.gather [hbm4b:s11+s5], $0x80, v20, vm0, $0xb8;
	[tilespmem:$0x1BA00] =	vst v63  }
0x3fc: {  	s25 =	simm.s32 $0x19B80;
	v35 =	vperm.xlane v17, v8;
	v34 =	vadd.s32 v3, v33  }
0x3fd: {  	[tilespmem:s25], [sflag:$0xB] =	stream.indirect_vreg.gather [hbm4b:s11+s5], $0x80, v18, vm0, $0xb8;
	[tilespmem:$0x1BA00] =	vst v63  }
0x3fe: {  	v36 =	vperm.xlane v17, v1;
	s22 =	simm.s32 $0x19C00;
	v18 =	vadd.s32 v3, v35  }
0x3ff: {  	[tilespmem:s22], [sflag:$0xB] =	stream.indirect_vreg.gather [hbm4b:s11+s5], $0x80, v19, vm0, $0xb8;
	[tilespmem:$0x1BA00] =	vst v63  }
0x400: {  	v37 =	vperm.xlane v17, v9;
	s23 =	simm.s32 $0x19C80;
	v19 =	vadd.s32 v3, v36  }
0x401: {  	[tilespmem:s23], [sflag:$0xB] =	stream.indirect_vreg.gather [hbm4b:s11+s5], $0x80, v34, vm0, $0xb8;
	[tilespmem:$0x1BA00] =	vst v63  }
0x402: {  	v39 =	vperm.xlane v17, v10;
	v38 =	vadd.s32 v3, v37;
	s25 =	simm.s32 $0x19D00  }
0x403: {  	[tilespmem:s25], [sflag:$0xB] =	stream.indirect_vreg.gather [hbm4b:s11+s5], $0x80, v18, vm0, $0xb8;
	[tilespmem:$0x1BA00] =	vst v63  }
0x404: {  	v40 =	vperm.xlane v17, v11;
	s22 =	simm.s32 $0x19D80;
	v18 =	vadd.s32 v3, v39  }
0x405: {  	[tilespmem:s22], [sflag:$0xB] =	stream.indirect_vreg.gather [hbm4b:s11+s5], $0x80, v19, vm0, $0xb8;
	[tilespmem:$0x1BA00] =	vst v63  }
0x406: {  	v41 =	vperm.xlane v17, v12;
	s23 =	simm.s32 $0x19E00;
	v19 =	vadd.s32 v3, v40  }
0x407: {  	[tilespmem:s23], [sflag:$0xB] =	stream.indirect_vreg.gather [hbm4b:s11+s5], $0x80, v38, vm0, $0xb8;
	[tilespmem:$0x1BA00] =	vst v63  }
0x408: {  	v43 =	vperm.xlane v17, v13;
	v42 =	vadd.s32 v3, v41;
	s25 =	simm.s32 $0x19E80  }
0x409: {  	[tilespmem:s25], [sflag:$0xB] =	stream.indirect_vreg.gather [hbm4b:s11+s5], $0x80, v18, vm0, $0xb8;
	[tilespmem:$0x1BA00] =	vst v63  }
0x40a: {  	v44 =	vperm.xlane v17, v14;
	s22 =	simm.s32 $0x19F00;
	v18 =	vadd.s32 v3, v43  }
0x40b: {  	[tilespmem:s22], [sflag:$0xB] =	stream.indirect_vreg.gather [hbm4b:s11+s5], $0x80, v19, vm0, $0xb8;
	[tilespmem:$0x1BA00] =	vst v63  }
0x40c: {  	v45 =	vperm.xlane v17, v15;
	s23 =	simm.s32 $0x19F80;
	v19 =	vadd.s32 v3, v44  }
0x40d: {  	[tilespmem:s23], [sflag:$0xB] =	stream.indirect_vreg.gather [hbm4b:s11+s5], $0x80, v42, vm0, $0xb8;
	[tilespmem:$0x1BA00] =	vst v63  }
0x40e: {  	v17 =	vperm.xlane v17, v16;
	v46 =	vadd.s32 v3, v45;
	s25 =	simm.s32 $0x1A000  }
0x40f: {  	[tilespmem:s25], [sflag:$0xB] =	stream.indirect_vreg.gather [hbm4b:s11+s5], $0x80, v18, vm0, $0xb8;
	[tilespmem:$0x1BA00] =	vst v63  }
0x410: {  	v17 =	vadd.s32 v3, v17;
	s22 =	simm.s32 $0x1A080  }
0x411: {  	[tilespmem:s22], [sflag:$0xB] =	stream.indirect_vreg.gather [hbm4b:s11+s5], $0x80, v19, vm0, $0xb8;
	[tilespmem:$0x1BA00] =	vst v63  }
0x412: {  	s23 =	simm.s32 $0x1A100  }
0x413: {  	[tilespmem:s23], [sflag:$0xB] =	stream.indirect_vreg.gather [hbm4b:s11+s5], $0x80, v46, vm0, $0xb8;
	[tilespmem:$0x1BA00] =	vst v63  }
0x414: {  	s25 =	simm.s32 $0x1A180  }
0x415: {  	[tilespmem:s25], [sflag:$0xB] =	stream.indirect_vreg.gather [hbm4b:s11+s5], $0x80, v17, vm0, $0xb8;
	[tilespmem:$0x1BA00] =	vst v63  }
0x416: {  	v17 =	vld [tilespmem:s4+$0xF030];
	_ =	sdelay $0x4  }
0x417: {  	v18 =	vshrl.u32 v17, $0x3  }
0x418: {  	v18 =	vmul.u32 $0x30, v18  }
0x419: {  	v17 =	vand.u32 $0x7, v17  }
0x41a: {  	v17 =	vor.u32 v17, v18  }
0x41b: {  	v18 =	vperm.xlane v17, v2;
	_ =	sdelay $0x1  }
0x41c: {  	v19 =	vperm.xlane v17, v4;
	v18 =	vadd.s32 v3, v18;
	_ =	sdelay $0x1  }
0x41d: {  	v47 =	vperm.xlane v17, v5;
	v19 =	vadd.s32 v3, v19;
	_ =	sdelay $0x1  }
0x41e: {  	s19 =	simm.s32 $0x1A200;
	v48 =	vperm.xlane v17, v0;
	v20 =	vadd.s32 v3, v47  }
0x41f: {  	[tilespmem:s19], [sflag:$0xB] =	stream.indirect_vreg.gather [hbm4b:s11+s5], $0x80, v18, vm0, $0xb8;
	[tilespmem:$0x1BA00] =	vst v63  }
0x420: {  	s22 =	simm.s32 $0x1A280;
	v49 =	vperm.xlane v17, v6;
	v18 =	vadd.s32 v3, v48  }
0x421: {  	[tilespmem:s22], [sflag:$0xB] =	stream.indirect_vreg.gather [hbm4b:s11+s5], $0x80, v19, vm0, $0xb8;
	[tilespmem:$0x1BA00] =	vst v63  }
0x422: {  	s23 =	simm.s32 $0x1A300;
	v50 =	vperm.xlane v17, v7;
	v19 =	vadd.s32 v3, v49  }
0x423: {  	[tilespmem:s23], [sflag:$0xB] =	stream.indirect_vreg.gather [hbm4b:s11+s5], $0x80, v20, vm0, $0xb8;
	[tilespmem:$0x1BA00] =	vst v63  }
0x424: {  	s25 =	simm.s32 $0x1A380;
	v52 =	vperm.xlane v17, v8;
	v51 =	vadd.s32 v3, v50  }
0x425: {  	[tilespmem:s25], [sflag:$0xB] =	stream.indirect_vreg.gather [hbm4b:s11+s5], $0x80, v18, vm0, $0xb8;
	[tilespmem:$0x1BA00] =	vst v63  }
0x426: {  	v53 =	vperm.xlane v17, v1;
	s19 =	simm.s32 $0x1A400;
	v18 =	vadd.s32 v3, v52  }
0x427: {  	[tilespmem:s19], [sflag:$0xB] =	stream.indirect_vreg.gather [hbm4b:s11+s5], $0x80, v19, vm0, $0xb8;
	[tilespmem:$0x1BA00] =	vst v63  }
0x428: {  	v54 =	vperm.xlane v17, v9;
	s22 =	simm.s32 $0x1A480;
	v19 =	vadd.s32 v3, v53  }
0x429: {  	[tilespmem:s22], [sflag:$0xB] =	stream.indirect_vreg.gather [hbm4b:s11+s5], $0x80, v51, vm0, $0xb8;
	[tilespmem:$0x1BA00] =	vst v63  }
0x42a: {  	v56 =	vperm.xlane v17, v10;
	v55 =	vadd.s32 v3, v54;
	s23 =	simm.s32 $0x1A500  }
0x42b: {  	[tilespmem:s23], [sflag:$0xB] =	stream.indirect_vreg.gather [hbm4b:s11+s5], $0x80, v18, vm0, $0xb8;
	[tilespmem:$0x1BA00] =	vst v63  }
0x42c: {  	v57 =	vperm.xlane v17, v11;
	s25 =	simm.s32 $0x1A580;
	v18 =	vadd.s32 v3, v56  }
0x42d: {  	[tilespmem:s25], [sflag:$0xB] =	stream.indirect_vreg.gather [hbm4b:s11+s5], $0x80, v19, vm0, $0xb8;
	[tilespmem:$0x1BA00] =	vst v63  }
0x42e: {  	v58 =	vperm.xlane v17, v12;
	s19 =	simm.s32 $0x1A600;
	v19 =	vadd.s32 v3, v57  }
0x42f: {  	[tilespmem:s19], [sflag:$0xB] =	stream.indirect_vreg.gather [hbm4b:s11+s5], $0x80, v55, vm0, $0xb8;
	[tilespmem:$0x1BA00] =	vst v63  }
0x430: {  	v60 =	vperm.xlane v17, v13;
	v59 =	vadd.s32 v3, v58;
	s22 =	simm.s32 $0x1A680  }
0x431: {  	[tilespmem:s22], [sflag:$0xB] =	stream.indirect_vreg.gather [hbm4b:s11+s5], $0x80, v18, vm0, $0xb8;
	[tilespmem:$0x1BA00] =	vst v63  }
0x432: {  	v61 =	vperm.xlane v17, v14;
	s23 =	simm.s32 $0x1A700;
	v18 =	vadd.s32 v3, v60  }
0x433: {  	[tilespmem:s23], [sflag:$0xB] =	stream.indirect_vreg.gather [hbm4b:s11+s5], $0x80, v19, vm0, $0xb8;
	[tilespmem:$0x1BA00] =	vst v63  }
0x434: {  	v62 =	vperm.xlane v17, v15;
	s25 =	simm.s32 $0x1A780;
	v19 =	vadd.s32 v3, v61  }
0x435: {  	[tilespmem:s25], [sflag:$0xB] =	stream.indirect_vreg.gather [hbm4b:s11+s5], $0x80, v59, vm0, $0xb8;
	[tilespmem:$0x1BA00] =	vst v63  }
0x436: {  	v17 =	vperm.xlane v17, v16;
	v63 =	vadd.s32 v3, v62;
	s19 =	simm.s32 $0x1A800  }
0x437: {  	[tilespmem:s19], [sflag:$0xB] =	stream.indirect_vreg.gather [hbm4b:s11+s5], $0x80, v18, vm0, $0xb8;
	[tilespmem:$0x1BA00] =	vst v63  }
0x438: {  	v17 =	vadd.s32 v3, v17;
	s22 =	simm.s32 $0x1A880  }
0x439: {  	[tilespmem:s22], [sflag:$0xB] =	stream.indirect_vreg.gather [hbm4b:s11+s5], $0x80, v19, vm0, $0xb8;
	[tilespmem:$0x1BA00] =	vst v63  }
0x43a: {  	s23 =	simm.s32 $0x1A900  }
0x43b: {  	[tilespmem:s23], [sflag:$0xB] =	stream.indirect_vreg.gather [hbm4b:s11+s5], $0x80, v63, vm0, $0xb8;
	[tilespmem:$0x1BA00] =	vst v63  }
0x43c: {  	s25 =	simm.s32 $0x1A980  }
0x43d: {  	[tilespmem:s25], [sflag:$0xB] =	stream.indirect_vreg.gather [hbm4b:s11+s5], $0x80, v17, vm0, $0xb8;
	[tilespmem:$0x1BA00] =	vst v63  }
.LBB2_20:
0x43e: {  	v17 =	vld [tilespmem:s30+$0x1000]  }
0x43f: {  	v18 =	vld [tilespmem:s30+$0x1010]  }
0x440: {  	v19 =	vld [tilespmem:s30+$0x1020]  }
0x441: {  	v24 =	vld [tilespmem:s30+$0x1070]  }
0x442: {  	v20 =	vld [tilespmem:s30+$0x1030]  }
0x443: {  	v21 =	vld [tilespmem:s30+$0x1040]  }
0x444: {  	v22 =	vld [tilespmem:s30+$0x1050]  }
0x445: {  	v23 =	vld [tilespmem:s30+$0x1060];
	s4 =	simm.s32 $0x0;
	s19 =	simm.s32 $0x200  }
.LBB2_21:
0x446: {  	p2 =	sne.s32 s19, $0x3E00;
	[tilespmem:s4+$0x13A70] =	vst.add.f32.msk $0xffff, v24  }
0x447: {  	[tilespmem:s4+$0x13A00] =	vst.add.f32.msk $0xffff, v17  }
0x448: {  	[tilespmem:s4+$0x13A10] =	vst.add.f32.msk $0xffff, v18  }
.Ltmp13:
0x449: {  	[tilespmem:s4+$0x13A20] =	vst.add.f32.msk $0xffff, v19;
	(pc) =	sbr.rel @p2 .LBB2_21-.Ltmp13, $4  }
0x44a: {  	[tilespmem:s4+$0x13A30] =	vst.add.f32.msk $0xffff, v20  }
0x44b: {  	[tilespmem:s4+$0x13A40] =	vst.add.f32.msk $0xffff, v21  }
0x44c: {  	[tilespmem:s4+$0x13A50] =	vst.add.f32.msk $0xffff, v22  }
0x44d: {  	[tilespmem:s4+$0x13A60] =	vst.add.f32.msk $0xffff, v23;
	s4 =	sshra.s32 s19, $0x2;
	s19 =	sadd.s32 $0x200, s19  }
0x44e: {  	[tilespmem:s4+$0x13A70] =	vst.add.f32.msk $0xffff, v24  }
0x44f: {  	[tilespmem:s4+$0x13A00] =	vst.add.f32.msk $0xffff, v17  }
0x450: {  	[tilespmem:s4+$0x13A10] =	vst.add.f32.msk $0xffff, v18  }
0x451: {  	[tilespmem:s4+$0x13A20] =	vst.add.f32.msk $0xffff, v19  }
0x452: {  	[tilespmem:s4+$0x13A30] =	vst.add.f32.msk $0xffff, v20  }
0x453: {  	[tilespmem:s4+$0x13A40] =	vst.add.f32.msk $0xffff, v21  }
0x454: {  	[tilespmem:s4+$0x13A50] =	vst.add.f32.msk $0xffff, v22  }
0x455: {  	[tilespmem:s4+$0x13A60] =	vst.add.f32.msk $0xffff, v23;
	s25 =	sadd.s32 s20, s16;
	s19 =	simm.s32 $0x13A00  }
0x456: {  	[hbm4b:s25+s28] =	stream.strided.scatter [tilespmem:s19], [sflag:$0x11], $0x1000, s31, s28, $0x38;
	[tilespmem:$0x1BA00] =	vst v63  }
0x457: {  	_ =	swait.ge [sflag:s18], $0x1000  }
.Ltmp14:
0x458: {  	[sflag:s18] =	ssyncset.done $0x0;
	(pc) =	sbr.rel @p0 .LBB2_24-.Ltmp14, $4  }
0x459: {  	s4 =	simm.s32 @!p1 $0x18;
	[sflag:s18] =	ssyncadd.s32 $0xFFFFF000  }
0x45a: {  	_ =	swait.ge @!p1 [sflag:s4], $0x1000  }
0x45b: {  	[sflag:s4] =	ssyncset.done @!p1 $0x0  }
0x45c: {  	[sflag:s4] =	ssyncadd.s32 @!p1 $0xFFFFF000  }
0x45d: {  	s4 =	sshll.u32 s24, $0x6  }
0x45e: {  	s4 =	sand.u32 $0x3FFFFFC0, s4  }
0x45f: {  	v17 =	vld [tilespmem:s4+$0xF020];
	_ =	sdelay $0x4  }
0x460: {  	v18 =	vshrl.u32 v17, $0x3  }
0x461: {  	v18 =	vmul.u32 $0x30, v18  }
0x462: {  	v17 =	vand.u32 $0x7, v17  }
0x463: {  	v17 =	vor.u32 v17, v18  }
0x464: {  	v18 =	vperm.xlane v17, v2;
	_ =	sdelay $0x1  }
0x465: {  	v19 =	vperm.xlane v17, v4;
	v18 =	vadd.s32 v3, v18;
	_ =	sdelay $0x1  }
0x466: {  	v20 =	vperm.xlane v17, v5;
	v19 =	vadd.s32 v3, v19;
	_ =	sdelay $0x1  }
0x467: {  	s19 =	simm.s32 $0x1AA00;
	v21 =	vperm.xlane v17, v0;
	v20 =	vadd.s32 v3, v20  }
0x468: {  	[tilespmem:s19], [sflag:$0xC] =	stream.indirect_vreg.gather [hbm4b:s12+s5], $0x80, v18, vm0, $0xb8;
	[tilespmem:$0x1BA00] =	vst v63  }
0x469: {  	s22 =	simm.s32 $0x1AA80;
	v32 =	vperm.xlane v17, v6;
	v18 =	vadd.s32 v3, v21  }
0x46a: {  	[tilespmem:s22], [sflag:$0xC] =	stream.indirect_vreg.gather [hbm4b:s12+s5], $0x80, v19, vm0, $0xb8;
	[tilespmem:$0x1BA00] =	vst v63  }
0x46b: {  	s23 =	simm.s32 $0x1AB00;
	v33 =	vperm.xlane v17, v7;
	v19 =	vadd.s32 v3, v32  }
0x46c: {  	[tilespmem:s23], [sflag:$0xC] =	stream.indirect_vreg.gather [hbm4b:s12+s5], $0x80, v20, vm0, $0xb8;
	[tilespmem:$0x1BA00] =	vst v63  }
0x46d: {  	s25 =	simm.s32 $0x1AB80;
	v35 =	vperm.xlane v17, v8;
	v34 =	vadd.s32 v3, v33  }
0x46e: {  	[tilespmem:s25], [sflag:$0xC] =	stream.indirect_vreg.gather [hbm4b:s12+s5], $0x80, v18, vm0, $0xb8;
	[tilespmem:$0x1BA00] =	vst v63  }
0x46f: {  	v36 =	vperm.xlane v17, v1;
	s22 =	simm.s32 $0x1AC00;
	v18 =	vadd.s32 v3, v35  }
0x470: {  	[tilespmem:s22], [sflag:$0xC] =	stream.indirect_vreg.gather [hbm4b:s12+s5], $0x80, v19, vm0, $0xb8;
	[tilespmem:$0x1BA00] =	vst v63  }
0x471: {  	v37 =	vperm.xlane v17, v9;
	s23 =	simm.s32 $0x1AC80;
	v19 =	vadd.s32 v3, v36  }
0x472: {  	[tilespmem:s23], [sflag:$0xC] =	stream.indirect_vreg.gather [hbm4b:s12+s5], $0x80, v34, vm0, $0xb8;
	[tilespmem:$0x1BA00] =	vst v63  }
0x473: {  	v39 =	vperm.xlane v17, v10;
	v38 =	vadd.s32 v3, v37;
	s25 =	simm.s32 $0x1AD00  }
0x474: {  	[tilespmem:s25], [sflag:$0xC] =	stream.indirect_vreg.gather [hbm4b:s12+s5], $0x80, v18, vm0, $0xb8;
	[tilespmem:$0x1BA00] =	vst v63  }
0x475: {  	v40 =	vperm.xlane v17, v11;
	s22 =	simm.s32 $0x1AD80;
	v18 =	vadd.s32 v3, v39  }
0x476: {  	[tilespmem:s22], [sflag:$0xC] =	stream.indirect_vreg.gather [hbm4b:s12+s5], $0x80, v19, vm0, $0xb8;
	[tilespmem:$0x1BA00] =	vst v63  }
0x477: {  	v41 =	vperm.xlane v17, v12;
	s23 =	simm.s32 $0x1AE00;
	v19 =	vadd.s32 v3, v40  }
0x478: {  	[tilespmem:s23], [sflag:$0xC] =	stream.indirect_vreg.gather [hbm4b:s12+s5], $0x80, v38, vm0, $0xb8;
	[tilespmem:$0x1BA00] =	vst v63  }
0x479: {  	v43 =	vperm.xlane v17, v13;
	v42 =	vadd.s32 v3, v41;
	s25 =	simm.s32 $0x1AE80  }
0x47a: {  	[tilespmem:s25], [sflag:$0xC] =	stream.indirect_vreg.gather [hbm4b:s12+s5], $0x80, v18, vm0, $0xb8;
	[tilespmem:$0x1BA00] =	vst v63  }
0x47b: {  	v44 =	vperm.xlane v17, v14;
	s22 =	simm.s32 $0x1AF00;
	v18 =	vadd.s32 v3, v43  }
0x47c: {  	[tilespmem:s22], [sflag:$0xC] =	stream.indirect_vreg.gather [hbm4b:s12+s5], $0x80, v19, vm0, $0xb8;
	[tilespmem:$0x1BA00] =	vst v63  }
0x47d: {  	v45 =	vperm.xlane v17, v15;
	s23 =	simm.s32 $0x1AF80;
	v19 =	vadd.s32 v3, v44  }
0x47e: {  	[tilespmem:s23], [sflag:$0xC] =	stream.indirect_vreg.gather [hbm4b:s12+s5], $0x80, v42, vm0, $0xb8;
	[tilespmem:$0x1BA00] =	vst v63  }
0x47f: {  	v17 =	vperm.xlane v17, v16;
	v46 =	vadd.s32 v3, v45;
	s25 =	simm.s32 $0x1B000  }
0x480: {  	[tilespmem:s25], [sflag:$0xC] =	stream.indirect_vreg.gather [hbm4b:s12+s5], $0x80, v18, vm0, $0xb8;
	[tilespmem:$0x1BA00] =	vst v63  }
0x481: {  	v17 =	vadd.s32 v3, v17;
	s22 =	simm.s32 $0x1B080  }
0x482: {  	[tilespmem:s22], [sflag:$0xC] =	stream.indirect_vreg.gather [hbm4b:s12+s5], $0x80, v19, vm0, $0xb8;
	[tilespmem:$0x1BA00] =	vst v63  }
0x483: {  	s23 =	simm.s32 $0x1B100  }
0x484: {  	[tilespmem:s23], [sflag:$0xC] =	stream.indirect_vreg.gather [hbm4b:s12+s5], $0x80, v46, vm0, $0xb8;
	[tilespmem:$0x1BA00] =	vst v63  }
0x485: {  	s25 =	simm.s32 $0x1B180  }
0x486: {  	[tilespmem:s25], [sflag:$0xC] =	stream.indirect_vreg.gather [hbm4b:s12+s5], $0x80, v17, vm0, $0xb8;
	[tilespmem:$0x1BA00] =	vst v63  }
0x487: {  	v17 =	vld [tilespmem:s4+$0xF030];
	_ =	sdelay $0x4  }
0x488: {  	v18 =	vshrl.u32 v17, $0x3  }
0x489: {  	v18 =	vmul.u32 $0x30, v18  }
0x48a: {  	v17 =	vand.u32 $0x7, v17  }
0x48b: {  	v17 =	vor.u32 v17, v18  }
0x48c: {  	v18 =	vperm.xlane v17, v2;
	_ =	sdelay $0x1  }
0x48d: {  	v19 =	vperm.xlane v17, v4;
	v18 =	vadd.s32 v3, v18;
	_ =	sdelay $0x1  }
0x48e: {  	v47 =	vperm.xlane v17, v5;
	v19 =	vadd.s32 v3, v19;
	_ =	sdelay $0x1  }
0x48f: {  	s19 =	simm.s32 $0x1B200;
	v48 =	vperm.xlane v17, v0;
	v20 =	vadd.s32 v3, v47  }
0x490: {  	[tilespmem:s19], [sflag:$0xC] =	stream.indirect_vreg.gather [hbm4b:s12+s5], $0x80, v18, vm0, $0xb8;
	[tilespmem:$0x1BA00] =	vst v63  }
0x491: {  	s22 =	simm.s32 $0x1B280;
	v49 =	vperm.xlane v17, v6;
	v18 =	vadd.s32 v3, v48  }
0x492: {  	[tilespmem:s22], [sflag:$0xC] =	stream.indirect_vreg.gather [hbm4b:s12+s5], $0x80, v19, vm0, $0xb8;
	[tilespmem:$0x1BA00] =	vst v63  }
0x493: {  	s23 =	simm.s32 $0x1B300;
	v50 =	vperm.xlane v17, v7;
	v19 =	vadd.s32 v3, v49  }
0x494: {  	[tilespmem:s23], [sflag:$0xC] =	stream.indirect_vreg.gather [hbm4b:s12+s5], $0x80, v20, vm0, $0xb8;
	[tilespmem:$0x1BA00] =	vst v63  }
0x495: {  	s25 =	simm.s32 $0x1B380;
	v52 =	vperm.xlane v17, v8;
	v51 =	vadd.s32 v3, v50  }
0x496: {  	[tilespmem:s25], [sflag:$0xC] =	stream.indirect_vreg.gather [hbm4b:s12+s5], $0x80, v18, vm0, $0xb8;
	[tilespmem:$0x1BA00] =	vst v63  }
0x497: {  	v53 =	vperm.xlane v17, v1;
	s19 =	simm.s32 $0x1B400;
	v18 =	vadd.s32 v3, v52  }
0x498: {  	[tilespmem:s19], [sflag:$0xC] =	stream.indirect_vreg.gather [hbm4b:s12+s5], $0x80, v19, vm0, $0xb8;
	[tilespmem:$0x1BA00] =	vst v63  }
0x499: {  	v54 =	vperm.xlane v17, v9;
	s22 =	simm.s32 $0x1B480;
	v19 =	vadd.s32 v3, v53  }
0x49a: {  	[tilespmem:s22], [sflag:$0xC] =	stream.indirect_vreg.gather [hbm4b:s12+s5], $0x80, v51, vm0, $0xb8;
	[tilespmem:$0x1BA00] =	vst v63  }
0x49b: {  	v56 =	vperm.xlane v17, v10;
	v55 =	vadd.s32 v3, v54;
	s23 =	simm.s32 $0x1B500  }
0x49c: {  	[tilespmem:s23], [sflag:$0xC] =	stream.indirect_vreg.gather [hbm4b:s12+s5], $0x80, v18, vm0, $0xb8;
	[tilespmem:$0x1BA00] =	vst v63  }
0x49d: {  	v57 =	vperm.xlane v17, v11;
	s25 =	simm.s32 $0x1B580;
	v18 =	vadd.s32 v3, v56  }
0x49e: {  	[tilespmem:s25], [sflag:$0xC] =	stream.indirect_vreg.gather [hbm4b:s12+s5], $0x80, v19, vm0, $0xb8;
	[tilespmem:$0x1BA00] =	vst v63  }
0x49f: {  	v58 =	vperm.xlane v17, v12;
	s19 =	simm.s32 $0x1B600;
	v19 =	vadd.s32 v3, v57  }
0x4a0: {  	[tilespmem:s19], [sflag:$0xC] =	stream.indirect_vreg.gather [hbm4b:s12+s5], $0x80, v55, vm0, $0xb8;
	[tilespmem:$0x1BA00] =	vst v63  }
0x4a1: {  	v60 =	vperm.xlane v17, v13;
	v59 =	vadd.s32 v3, v58;
	s22 =	simm.s32 $0x1B680  }
0x4a2: {  	[tilespmem:s22], [sflag:$0xC] =	stream.indirect_vreg.gather [hbm4b:s12+s5], $0x80, v18, vm0, $0xb8;
	[tilespmem:$0x1BA00] =	vst v63  }
0x4a3: {  	v61 =	vperm.xlane v17, v14;
	s23 =	simm.s32 $0x1B700;
	v18 =	vadd.s32 v3, v60  }
0x4a4: {  	[tilespmem:s23], [sflag:$0xC] =	stream.indirect_vreg.gather [hbm4b:s12+s5], $0x80, v19, vm0, $0xb8;
	[tilespmem:$0x1BA00] =	vst v63  }
0x4a5: {  	v62 =	vperm.xlane v17, v15;
	s25 =	simm.s32 $0x1B780;
	v19 =	vadd.s32 v3, v61  }
0x4a6: {  	[tilespmem:s25], [sflag:$0xC] =	stream.indirect_vreg.gather [hbm4b:s12+s5], $0x80, v59, vm0, $0xb8;
	[tilespmem:$0x1BA00] =	vst v63  }
0x4a7: {  	v17 =	vperm.xlane v17, v16;
	v63 =	vadd.s32 v3, v62;
	s19 =	simm.s32 $0x1B800  }
0x4a8: {  	[tilespmem:s19], [sflag:$0xC] =	stream.indirect_vreg.gather [hbm4b:s12+s5], $0x80, v18, vm0, $0xb8;
	[tilespmem:$0x1BA00] =	vst v63  }
0x4a9: {  	v17 =	vadd.s32 v3, v17;
	s22 =	simm.s32 $0x1B880  }
0x4aa: {  	[tilespmem:s22], [sflag:$0xC] =	stream.indirect_vreg.gather [hbm4b:s12+s5], $0x80, v19, vm0, $0xb8;
	[tilespmem:$0x1BA00] =	vst v63  }
0x4ab: {  	s23 =	simm.s32 $0x1B900  }
0x4ac: {  	[tilespmem:s23], [sflag:$0xC] =	stream.indirect_vreg.gather [hbm4b:s12+s5], $0x80, v63, vm0, $0xb8;
	[tilespmem:$0x1BA00] =	vst v63  }
0x4ad: {  	s25 =	simm.s32 $0x1B980  }
0x4ae: {  	[tilespmem:s25], [sflag:$0xC] =	stream.indirect_vreg.gather [hbm4b:s12+s5], $0x80, v17, vm0, $0xb8;
	[tilespmem:$0x1BA00] =	vst v63  }
.LBB2_24:
0x4af: {  	v17 =	vld [tilespmem:s30+$0x1400]  }
0x4b0: {  	v18 =	vld [tilespmem:s30+$0x1410]  }
0x4b1: {  	v19 =	vld [tilespmem:s30+$0x1420]  }
0x4b2: {  	v24 =	vld [tilespmem:s30+$0x1470]  }
0x4b3: {  	v20 =	vld [tilespmem:s30+$0x1430]  }
0x4b4: {  	v21 =	vld [tilespmem:s30+$0x1440]  }
0x4b5: {  	v22 =	vld [tilespmem:s30+$0x1450]  }
0x4b6: {  	v23 =	vld [tilespmem:s30+$0x1460];
	s4 =	simm.s32 $0x0;
	s19 =	simm.s32 $0x200  }
.LBB2_25:
0x4b7: {  	p1 =	sne.s32 s19, $0x3E00;
	[tilespmem:s4+$0x14A70] =	vst.add.f32.msk $0xffff, v24  }
0x4b8: {  	[tilespmem:s4+$0x14A00] =	vst.add.f32.msk $0xffff, v17  }
0x4b9: {  	[tilespmem:s4+$0x14A10] =	vst.add.f32.msk $0xffff, v18  }
.Ltmp15:
0x4ba: {  	[tilespmem:s4+$0x14A20] =	vst.add.f32.msk $0xffff, v19;
	(pc) =	sbr.rel @p1 .LBB2_25-.Ltmp15, $4  }
0x4bb: {  	[tilespmem:s4+$0x14A30] =	vst.add.f32.msk $0xffff, v20  }
0x4bc: {  	[tilespmem:s4+$0x14A40] =	vst.add.f32.msk $0xffff, v21  }
0x4bd: {  	[tilespmem:s4+$0x14A50] =	vst.add.f32.msk $0xffff, v22  }
0x4be: {  	[tilespmem:s4+$0x14A60] =	vst.add.f32.msk $0xffff, v23;
	s4 =	sshra.s32 s19, $0x2;
	s19 =	sadd.s32 $0x200, s19  }
0x4bf: {  	[tilespmem:s4+$0x14A70] =	vst.add.f32.msk $0xffff, v24  }
0x4c0: {  	[tilespmem:s4+$0x14A00] =	vst.add.f32.msk $0xffff, v17  }
0x4c1: {  	[tilespmem:s4+$0x14A10] =	vst.add.f32.msk $0xffff, v18  }
0x4c2: {  	[tilespmem:s4+$0x14A20] =	vst.add.f32.msk $0xffff, v19  }
.Ltmp16:
0x4c3: {  	[tilespmem:s4+$0x14A30] =	vst.add.f32.msk $0xffff, v20;
	(pc) =	sbr.rel @p0 .LBB2_40-.Ltmp16, $4  }
0x4c4: {  	[tilespmem:s4+$0x14A40] =	vst.add.f32.msk $0xffff, v21  }
0x4c5: {  	[tilespmem:s4+$0x14A50] =	vst.add.f32.msk $0xffff, v22  }
0x4c6: {  	[tilespmem:s4+$0x14A60] =	vst.add.f32.msk $0xffff, v23;
	s30 =	sadd.s32 s20, s17;
	s19 =	simm.s32 $0x14A00  }
0x4c7: {  	[hbm4b:s30+s28] =	stream.strided.scatter [tilespmem:s19], [sflag:$0x12], $0x1000, s31, s28, $0x38;
	[tilespmem:$0x1BA00] =	vst v63  }
0x4c8: {  	s4 =	simm.s32 $0x7  }
0x4c9: {  	_ =	swait.ge [sflag:s4], $0x1000  }
0x4ca: {  	[sflag:s4] =	ssyncset.done $0x0  }
0x4cb: {  	s19 =	simm.s32 $0xD;
	[sflag:s4] =	ssyncadd.s32 $0xFFFFF000  }
0x4cc: {  	_ =	swait.ge [sflag:s19], $0x1000  }
0x4cd: {  	s23 =	sshll.u32 s24, $0x6;
	[sflag:s19] =	ssyncset.done $0x0  }
0x4ce: {  	s20 =	sand.u32 $0x3FFFFFC0, s23;
	[sflag:s19] =	ssyncadd.s32 $0xFFFFF000  }
0x4cf: {  	v17 =	vld [tilespmem:s20+$0xF040];
	_ =	sdelay $0x4  }
0x4d0: {  	v18 =	vshrl.u32 v17, $0x3  }
0x4d1: {  	v18 =	vmul.u32 $0x30, v18  }
0x4d2: {  	v17 =	vand.u32 $0x7, v17  }
0x4d3: {  	v17 =	vor.u32 v17, v18  }
0x4d4: {  	v18 =	vperm.xlane v17, v2;
	_ =	sdelay $0x1  }
0x4d5: {  	v19 =	vperm.xlane v17, v4;
	v18 =	vadd.s32 v3, v18;
	_ =	sdelay $0x1  }
0x4d6: {  	v20 =	vperm.xlane v17, v5;
	v19 =	vadd.s32 v3, v19;
	_ =	sdelay $0x1  }
0x4d7: {  	s25 =	simm.s32 $0xFA00;
	s19 =	simm.s32 $0x0;
	v21 =	vperm.xlane v17, v0;
	v20 =	vadd.s32 v3, v20  }
0x4d8: {  	[tilespmem:s25], [sflag:$0x1] =	stream.indirect_vreg.gather [hbm4b:s1+s19], $0x80, v18, vm0, $0xb8;
	[tilespmem:$0x1BA00] =	vst v63  }
0x4d9: {  	s22 =	simm.s32 $0xFA80;
	v18 =	vadd.s32 v3, v21;
	v21 =	vperm.xlane v17, v6  }
0x4da: {  	[tilespmem:s22], [sflag:$0x1] =	stream.indirect_vreg.gather [hbm4b:s1+s19], $0x80, v19, vm0, $0xb8;
	[tilespmem:$0x1BA00] =	vst v63  }
0x4db: {  	s23 =	simm.s32 $0xFB00;
	v19 =	vadd.s32 v3, v21;
	v21 =	vperm.xlane v17, v7  }
0x4dc: {  	[tilespmem:s23], [sflag:$0x1] =	stream.indirect_vreg.gather [hbm4b:s1+s19], $0x80, v20, vm0, $0xb8;
	[tilespmem:$0x1BA00] =	vst v63  }
0x4dd: {  	s25 =	simm.s32 $0xFB80;
	v20 =	vadd.s32 v3, v21;
	v21 =	vperm.xlane v17, v8  }
0x4de: {  	[tilespmem:s25], [sflag:$0x1] =	stream.indirect_vreg.gather [hbm4b:s1+s19], $0x80, v18, vm0, $0xb8;
	[tilespmem:$0x1BA00] =	vst v63  }
0x4df: {  	s22 =	simm.s32 $0xFC00;
	v18 =	vadd.s32 v3, v21;
	v21 =	vperm.xlane v17, v1  }
0x4e0: {  	[tilespmem:s22], [sflag:$0x1] =	stream.indirect_vreg.gather [hbm4b:s1+s19], $0x80, v19, vm0, $0xb8;
	[tilespmem:$0x1BA00] =	vst v63  }
0x4e1: {  	s23 =	simm.s32 $0xFC80;
	v19 =	vadd.s32 v3, v21;
	v21 =	vperm.xlane v17, v9  }
0x4e2: {  	[tilespmem:s23], [sflag:$0x1] =	stream.indirect_vreg.gather [hbm4b:s1+s19], $0x80, v20, vm0, $0xb8;
	[tilespmem:$0x1BA00] =	vst v63  }
0x4e3: {  	s25 =	simm.s32 $0xFD00;
	v20 =	vadd.s32 v3, v21;
	v21 =	vperm.xlane v17, v10  }
0x4e4: {  	[tilespmem:s25], [sflag:$0x1] =	stream.indirect_vreg.gather [hbm4b:s1+s19], $0x80, v18, vm0, $0xb8;
	[tilespmem:$0x1BA00] =	vst v63  }
0x4e5: {  	s22 =	simm.s32 $0xFD80;
	v18 =	vadd.s32 v3, v21;
	v21 =	vperm.xlane v17, v11  }
0x4e6: {  	[tilespmem:s22], [sflag:$0x1] =	stream.indirect_vreg.gather [hbm4b:s1+s19], $0x80, v19, vm0, $0xb8;
	[tilespmem:$0x1BA00] =	vst v63  }
0x4e7: {  	s23 =	simm.s32 $0xFE00;
	v19 =	vadd.s32 v3, v21;
	v21 =	vperm.xlane v17, v12  }
0x4e8: {  	[tilespmem:s23], [sflag:$0x1] =	stream.indirect_vreg.gather [hbm4b:s1+s19], $0x80, v20, vm0, $0xb8;
	[tilespmem:$0x1BA00] =	vst v63  }
0x4e9: {  	s25 =	simm.s32 $0xFE80;
	v20 =	vadd.s32 v3, v21;
	v21 =	vperm.xlane v17, v13  }
0x4ea: {  	[tilespmem:s25], [sflag:$0x1] =	stream.indirect_vreg.gather [hbm4b:s1+s19], $0x80, v18, vm0, $0xb8;
	[tilespmem:$0x1BA00] =	vst v63  }
0x4eb: {  	s22 =	simm.s32 $0xFF00;
	v18 =	vadd.s32 v3, v21;
	v21 =	vperm.xlane v17, v14  }
0x4ec: {  	[tilespmem:s22], [sflag:$0x1] =	stream.indirect_vreg.gather [hbm4b:s1+s19], $0x80, v19, vm0, $0xb8;
	[tilespmem:$0x1BA00] =	vst v63  }
0x4ed: {  	s23 =	simm.s32 $0xFF80;
	v19 =	vadd.s32 v3, v21;
	v21 =	vperm.xlane v17, v15  }
0x4ee: {  	[tilespmem:s23], [sflag:$0x1] =	stream.indirect_vreg.gather [hbm4b:s1+s19], $0x80, v20, vm0, $0xb8;
	[tilespmem:$0x1BA00] =	vst v63  }
0x4ef: {  	s25 =	simm.s32 $0x10000;
	v17 =	vperm.xlane v17, v16;
	v20 =	vadd.s32 v3, v21  }
0x4f0: {  	[tilespmem:s25], [sflag:$0x1] =	stream.indirect_vreg.gather [hbm4b:s1+s19], $0x80, v18, vm0, $0xb8;
	[tilespmem:$0x1BA00] =	vst v63  }
0x4f1: {  	s22 =	simm.s32 $0x10080;
	v17 =	vadd.s32 v3, v17  }
0x4f2: {  	[tilespmem:s22], [sflag:$0x1] =	stream.indirect_vreg.gather [hbm4b:s1+s19], $0x80, v19, vm0, $0xb8;
	[tilespmem:$0x1BA00] =	vst v63  }
0x4f3: {  	s23 =	simm.s32 $0x10100  }
0x4f4: {  	[tilespmem:s23], [sflag:$0x1] =	stream.indirect_vreg.gather [hbm4b:s1+s19], $0x80, v20, vm0, $0xb8;
	[tilespmem:$0x1BA00] =	vst v63  }
0x4f5: {  	s25 =	simm.s32 $0x10180  }
0x4f6: {  	[tilespmem:s25], [sflag:$0x1] =	stream.indirect_vreg.gather [hbm4b:s1+s19], $0x80, v17, vm0, $0xb8;
	[tilespmem:$0x1BA00] =	vst v63  }
0x4f7: {  	v17 =	vld [tilespmem:s20+$0xF050];
	_ =	sdelay $0x4  }
0x4f8: {  	v18 =	vshrl.u32 v17, $0x3  }
0x4f9: {  	v18 =	vmul.u32 $0x30, v18  }
0x4fa: {  	v17 =	vand.u32 $0x7, v17  }
0x4fb: {  	v17 =	vor.u32 v17, v18  }
0x4fc: {  	v18 =	vperm.xlane v17, v2;
	_ =	sdelay $0x1  }
0x4fd: {  	v19 =	vperm.xlane v17, v4;
	v18 =	vadd.s32 v3, v18;
	_ =	sdelay $0x1  }
0x4fe: {  	v20 =	vperm.xlane v17, v5;
	v19 =	vadd.s32 v3, v19;
	_ =	sdelay $0x1  }
0x4ff: {  	s22 =	simm.s32 $0x10200;
	v21 =	vperm.xlane v17, v0;
	v20 =	vadd.s32 v3, v20  }
0x500: {  	[tilespmem:s22], [sflag:$0x1] =	stream.indirect_vreg.gather [hbm4b:s1+s19], $0x80, v18, vm0, $0xb8;
	[tilespmem:$0x1BA00] =	vst v63  }
0x501: {  	s23 =	simm.s32 $0x10280;
	v18 =	vadd.s32 v3, v21;
	v21 =	vperm.xlane v17, v6  }
0x502: {  	[tilespmem:s23], [sflag:$0x1] =	stream.indirect_vreg.gather [hbm4b:s1+s19], $0x80, v19, vm0, $0xb8;
	[tilespmem:$0x1BA00] =	vst v63  }
0x503: {  	s25 =	simm.s32 $0x10300;
	v19 =	vadd.s32 v3, v21;
	v21 =	vperm.xlane v17, v7  }
0x504: {  	[tilespmem:s25], [sflag:$0x1] =	stream.indirect_vreg.gather [hbm4b:s1+s19], $0x80, v20, vm0, $0xb8;
	[tilespmem:$0x1BA00] =	vst v63  }
0x505: {  	s22 =	simm.s32 $0x10380;
	v20 =	vadd.s32 v3, v21;
	v21 =	vperm.xlane v17, v8  }
0x506: {  	[tilespmem:s22], [sflag:$0x1] =	stream.indirect_vreg.gather [hbm4b:s1+s19], $0x80, v18, vm0, $0xb8;
	[tilespmem:$0x1BA00] =	vst v63  }
0x507: {  	s23 =	simm.s32 $0x10400;
	v18 =	vadd.s32 v3, v21;
	v21 =	vperm.xlane v17, v1  }
0x508: {  	[tilespmem:s23], [sflag:$0x1] =	stream.indirect_vreg.gather [hbm4b:s1+s19], $0x80, v19, vm0, $0xb8;
	[tilespmem:$0x1BA00] =	vst v63  }
0x509: {  	s25 =	simm.s32 $0x10480;
	v19 =	vadd.s32 v3, v21;
	v21 =	vperm.xlane v17, v9  }
0x50a: {  	[tilespmem:s25], [sflag:$0x1] =	stream.indirect_vreg.gather [hbm4b:s1+s19], $0x80, v20, vm0, $0xb8;
	[tilespmem:$0x1BA00] =	vst v63  }
0x50b: {  	s22 =	simm.s32 $0x10500;
	v20 =	vadd.s32 v3, v21;
	v21 =	vperm.xlane v17, v10  }
0x50c: {  	[tilespmem:s22], [sflag:$0x1] =	stream.indirect_vreg.gather [hbm4b:s1+s19], $0x80, v18, vm0, $0xb8;
	[tilespmem:$0x1BA00] =	vst v63  }
0x50d: {  	s23 =	simm.s32 $0x10580;
	v18 =	vadd.s32 v3, v21;
	v21 =	vperm.xlane v17, v11  }
0x50e: {  	[tilespmem:s23], [sflag:$0x1] =	stream.indirect_vreg.gather [hbm4b:s1+s19], $0x80, v19, vm0, $0xb8;
	[tilespmem:$0x1BA00] =	vst v63  }
0x50f: {  	s25 =	simm.s32 $0x10600;
	v19 =	vadd.s32 v3, v21;
	v21 =	vperm.xlane v17, v12  }
0x510: {  	[tilespmem:s25], [sflag:$0x1] =	stream.indirect_vreg.gather [hbm4b:s1+s19], $0x80, v20, vm0, $0xb8;
	[tilespmem:$0x1BA00] =	vst v63  }
0x511: {  	s22 =	simm.s32 $0x10680;
	v20 =	vadd.s32 v3, v21;
	v21 =	vperm.xlane v17, v13  }
0x512: {  	[tilespmem:s22], [sflag:$0x1] =	stream.indirect_vreg.gather [hbm4b:s1+s19], $0x80, v18, vm0, $0xb8;
	[tilespmem:$0x1BA00] =	vst v63  }
0x513: {  	s23 =	simm.s32 $0x10700;
	v18 =	vadd.s32 v3, v21;
	v21 =	vperm.xlane v17, v14  }
0x514: {  	[tilespmem:s23], [sflag:$0x1] =	stream.indirect_vreg.gather [hbm4b:s1+s19], $0x80, v19, vm0, $0xb8;
	[tilespmem:$0x1BA00] =	vst v63  }
0x515: {  	s25 =	simm.s32 $0x10780;
	v19 =	vadd.s32 v3, v21  }
0x516: {  	v21 =	vperm.xlane v17, v15;
	[tilespmem:s25], [sflag:$0x1] =	stream.indirect_vreg.gather [hbm4b:s1+s19], $0x80, v20, vm0, $0xb8;
	[tilespmem:$0x1BA00] =	vst v63  }
0x517: {  	s22 =	simm.s32 $0x10800  }
0x518: {  	v17 =	vperm.xlane v17, v16;
	v20 =	vadd.s32 v3, v21;
	[tilespmem:s22], [sflag:$0x1] =	stream.indirect_vreg.gather [hbm4b:s1+s19], $0x80, v18, vm0, $0xb8;
	[tilespmem:$0x1BA00] =	vst v63  }
0x519: {  	s23 =	simm.s32 $0x10880  }
0x51a: {  	v17 =	vadd.s32 v3, v17;
	[tilespmem:s23], [sflag:$0x1] =	stream.indirect_vreg.gather [hbm4b:s1+s19], $0x80, v19, vm0, $0xb8;
	[tilespmem:$0x1BA00] =	vst v63  }
0x51b: {  	s23 =	sadd.s32 s29, s6  }
0x51c: {  	s25 =	simm.s32 $0x10900;
	s4 =	sadd.s32 $0x1, s23  }
0x51d: {  	[tilespmem:s25], [sflag:$0x1] =	stream.indirect_vreg.gather [hbm4b:s1+s19], $0x80, v20, vm0, $0xb8;
	[tilespmem:$0x1BA00] =	vst v63  }
0x51e: {  	s22 =	simm.s32 $0x10980;
	s25 =	sshrl.u32 s4, $0x8  }
0x51f: {  	[tilespmem:s22], [sflag:$0x1] =	stream.indirect_vreg.gather [hbm4b:s1+s19], $0x80, v17, vm0, $0xb8;
	[tilespmem:$0x1BA00] =	vst v63  }
0x520: {  	s22 =	smul.u32 $0x6000, s25  }
0x521: {  	s25 =	sshll.u32 s4, $0x2  }
0x522: {  	s19 =	sand.u32 $0x380, s25;
	s30 =	sshra.s32 s22, $0x2  }
0x523: {  	s23 =	sor.u32 s19, s30  }
0x524: {  	v22 =	vld [tilespmem:s23+$0x0]  }
0x525: {  	v23 =	vld [tilespmem:s23+$0x10]  }
0x526: {  	v21 =	vld [tilespmem:s23+$0x20]  }
0x527: {  	v24 =	vld [tilespmem:s23+$0x70]  }
0x528: {  	v20 =	vld [tilespmem:s23+$0x30]  }
0x529: {  	v18 =	vld [tilespmem:s23+$0x40]  }
0x52a: {  	v19 =	vld [tilespmem:s23+$0x50]  }
0x52b: {  	s29 =	sshrl.u32 s4, $0x5;
	s4 =	simm.s32 $0x0;
	s22 =	simm.s32 $0x200;
	v17 =	vld [tilespmem:s23+$0x60]  }
.LBB2_28:
0x52c: {  	p0 =	sne.s32 s22, $0x3E00;
	[tilespmem:s4+$0x15A70] =	vst.add.f32.msk $0xffff, v24  }
0x52d: {  	[tilespmem:s4+$0x15A00] =	vst.add.f32.msk $0xffff, v22  }
0x52e: {  	[tilespmem:s4+$0x15A10] =	vst.add.f32.msk $0xffff, v23  }
.Ltmp17:
0x52f: {  	[tilespmem:s4+$0x15A20] =	vst.add.f32.msk $0xffff, v21;
	(pc) =	sbr.rel @p0 .LBB2_28-.Ltmp17, $4  }
0x530: {  	[tilespmem:s4+$0x15A30] =	vst.add.f32.msk $0xffff, v20  }
0x531: {  	[tilespmem:s4+$0x15A40] =	vst.add.f32.msk $0xffff, v18  }
0x532: {  	[tilespmem:s4+$0x15A50] =	vst.add.f32.msk $0xffff, v19  }
0x533: {  	[tilespmem:s4+$0x15A60] =	vst.add.f32.msk $0xffff, v17;
	s4 =	sshra.s32 s22, $0x2;
	s22 =	sadd.s32 $0x200, s22  }
0x534: {  	[tilespmem:s4+$0x15A70] =	vst.add.f32.msk $0xffff, v24  }
0x535: {  	[tilespmem:s4+$0x15A00] =	vst.add.f32.msk $0xffff, v22  }
0x536: {  	[tilespmem:s4+$0x15A10] =	vst.add.f32.msk $0xffff, v23;
	s22 =	sand.u32 $0x7C, s25;
	s25 =	smul.u32 $0xC0000, s29  }
0x537: {  	[tilespmem:s4+$0x15A20] =	vst.add.f32.msk $0xffff, v21;
	s22 =	smul.u32 $0x1800, s22  }
0x538: {  	[tilespmem:s4+$0x15A30] =	vst.add.f32.msk $0xffff, v20  }
0x539: {  	[tilespmem:s4+$0x15A40] =	vst.add.f32.msk $0xffff, v18;
	s22 =	sadd.s32 s25, s22  }
0x53a: {  	[tilespmem:s4+$0x15A50] =	vst.add.f32.msk $0xffff, v19;
	s29 =	sshrl.u32 s22, $0x3;
	s22 =	rddreg [dreg:$0x3]  }
0x53b: {  	[tilespmem:s4+$0x15A60] =	vst.add.f32.msk $0xffff, v17;
	s25 =	simm.s32 $0x15A00;
	s4 =	sadd.s32 s22, s29;
	s22 =	simm.s32 $0x8  }
0x53c: {  	[hbm4b:s4+s28] =	stream.strided.scatter [tilespmem:s25], [sflag:$0x13], $0x1000, s31, s28, $0x38;
	[tilespmem:$0x1BA00] =	vst v63  }
0x53d: {  	_ =	swait.ge [sflag:s22], $0x1000  }
0x53e: {  	[sflag:s22] =	ssyncset.done $0x0  }
0x53f: {  	s25 =	simm.s32 $0xE;
	[sflag:s22] =	ssyncadd.s32 $0xFFFFF000  }
0x540: {  	_ =	swait.ge [sflag:s25], $0x1000  }
0x541: {  	[sflag:s25] =	ssyncset.done $0x0  }
0x542: {  	[sflag:s25] =	ssyncadd.s32 $0xFFFFF000  }
0x543: {  	v17 =	vld [tilespmem:s20+$0xF040];
	_ =	sdelay $0x4  }
0x544: {  	v18 =	vshrl.u32 v17, $0x3  }
0x545: {  	v18 =	vmul.u32 $0x30, v18  }
0x546: {  	v17 =	vand.u32 $0x7, v17  }
0x547: {  	v17 =	vor.u32 v17, v18  }
0x548: {  	v18 =	vperm.xlane v17, v2;
	_ =	sdelay $0x1  }
0x549: {  	v19 =	vperm.xlane v17, v4;
	v18 =	vadd.s32 v3, v18;
	_ =	sdelay $0x1  }
0x54a: {  	v20 =	vperm.xlane v17, v5;
	v19 =	vadd.s32 v3, v19;
	_ =	sdelay $0x1  }
0x54b: {  	s22 =	simm.s32 $0x10A00;
	s25 =	simm.s32 $0x0;
	v21 =	vperm.xlane v17, v0;
	v20 =	vadd.s32 v3, v20  }
0x54c: {  	[tilespmem:s22], [sflag:$0x2] =	stream.indirect_vreg.gather [hbm4b:s8+s25], $0x80, v18, vm0, $0xb8;
	[tilespmem:$0x1BA00] =	vst v63  }
0x54d: {  	v18 =	vadd.s32 v3, v21;
	v21 =	vperm.xlane v17, v6;
	s22 =	simm.s32 $0x10A80  }
0x54e: {  	[tilespmem:s22], [sflag:$0x2] =	stream.indirect_vreg.gather [hbm4b:s8+s25], $0x80, v19, vm0, $0xb8;
	[tilespmem:$0x1BA00] =	vst v63  }
0x54f: {  	v19 =	vadd.s32 v3, v21;
	v21 =	vperm.xlane v17, v7;
	s22 =	simm.s32 $0x10B00  }
0x550: {  	[tilespmem:s22], [sflag:$0x2] =	stream.indirect_vreg.gather [hbm4b:s8+s25], $0x80, v20, vm0, $0xb8;
	[tilespmem:$0x1BA00] =	vst v63  }
0x551: {  	v20 =	vadd.s32 v3, v21;
	v21 =	vperm.xlane v17, v8;
	s22 =	simm.s32 $0x10B80  }
0x552: {  	[tilespmem:s22], [sflag:$0x2] =	stream.indirect_vreg.gather [hbm4b:s8+s25], $0x80, v18, vm0, $0xb8;
	[tilespmem:$0x1BA00] =	vst v63  }
0x553: {  	v18 =	vadd.s32 v3, v21;
	v21 =	vperm.xlane v17, v1;
	s22 =	simm.s32 $0x10C00  }
0x554: {  	[tilespmem:s22], [sflag:$0x2] =	stream.indirect_vreg.gather [hbm4b:s8+s25], $0x80, v19, vm0, $0xb8;
	[tilespmem:$0x1BA00] =	vst v63  }
0x555: {  	v19 =	vadd.s32 v3, v21;
	v21 =	vperm.xlane v17, v9;
	s22 =	simm.s32 $0x10C80  }
0x556: {  	[tilespmem:s22], [sflag:$0x2] =	stream.indirect_vreg.gather [hbm4b:s8+s25], $0x80, v20, vm0, $0xb8;
	[tilespmem:$0x1BA00] =	vst v63  }
0x557: {  	v20 =	vadd.s32 v3, v21;
	v21 =	vperm.xlane v17, v10;
	s22 =	simm.s32 $0x10D00  }
0x558: {  	[tilespmem:s22], [sflag:$0x2] =	stream.indirect_vreg.gather [hbm4b:s8+s25], $0x80, v18, vm0, $0xb8;
	[tilespmem:$0x1BA00] =	vst v63  }
0x559: {  	v18 =	vadd.s32 v3, v21;
	v21 =	vperm.xlane v17, v11;
	s22 =	simm.s32 $0x10D80  }
0x55a: {  	[tilespmem:s22], [sflag:$0x2] =	stream.indirect_vreg.gather [hbm4b:s8+s25], $0x80, v19, vm0, $0xb8;
	[tilespmem:$0x1BA00] =	vst v63  }
0x55b: {  	v19 =	vadd.s32 v3, v21;
	v21 =	vperm.xlane v17, v12;
	s22 =	simm.s32 $0x10E00  }
0x55c: {  	[tilespmem:s22], [sflag:$0x2] =	stream.indirect_vreg.gather [hbm4b:s8+s25], $0x80, v20, vm0, $0xb8;
	[tilespmem:$0x1BA00] =	vst v63  }
0x55d: {  	v20 =	vadd.s32 v3, v21;
	v21 =	vperm.xlane v17, v13;
	s22 =	simm.s32 $0x10E80  }
0x55e: {  	[tilespmem:s22], [sflag:$0x2] =	stream.indirect_vreg.gather [hbm4b:s8+s25], $0x80, v18, vm0, $0xb8;
	[tilespmem:$0x1BA00] =	vst v63  }
0x55f: {  	v18 =	vadd.s32 v3, v21;
	v21 =	vperm.xlane v17, v14;
	s22 =	simm.s32 $0x10F00  }
0x560: {  	[tilespmem:s22], [sflag:$0x2] =	stream.indirect_vreg.gather [hbm4b:s8+s25], $0x80, v19, vm0, $0xb8;
	[tilespmem:$0x1BA00] =	vst v63  }
0x561: {  	v19 =	vadd.s32 v3, v21;
	v21 =	vperm.xlane v17, v15;
	s22 =	simm.s32 $0x10F80  }
0x562: {  	[tilespmem:s22], [sflag:$0x2] =	stream.indirect_vreg.gather [hbm4b:s8+s25], $0x80, v20, vm0, $0xb8;
	[tilespmem:$0x1BA00] =	vst v63  }
0x563: {  	v17 =	vperm.xlane v17, v16;
	v20 =	vadd.s32 v3, v21;
	s22 =	simm.s32 $0x11000  }
0x564: {  	[tilespmem:s22], [sflag:$0x2] =	stream.indirect_vreg.gather [hbm4b:s8+s25], $0x80, v18, vm0, $0xb8;
	[tilespmem:$0x1BA00] =	vst v63  }
0x565: {  	v17 =	vadd.s32 v3, v17;
	s22 =	simm.s32 $0x11080  }
0x566: {  	[tilespmem:s22], [sflag:$0x2] =	stream.indirect_vreg.gather [hbm4b:s8+s25], $0x80, v19, vm0, $0xb8;
	[tilespmem:$0x1BA00] =	vst v63  }
0x567: {  	s22 =	simm.s32 $0x11100  }
0x568: {  	[tilespmem:s22], [sflag:$0x2] =	stream.indirect_vreg.gather [hbm4b:s8+s25], $0x80, v20, vm0, $0xb8;
	[tilespmem:$0x1BA00] =	vst v63  }
0x569: {  	s22 =	simm.s32 $0x11180  }
0x56a: {  	[tilespmem:s22], [sflag:$0x2] =	stream.indirect_vreg.gather [hbm4b:s8+s25], $0x80, v17, vm0, $0xb8;
	[tilespmem:$0x1BA00] =	vst v63  }
0x56b: {  	v17 =	vld [tilespmem:s20+$0xF050];
	_ =	sdelay $0x4  }
0x56c: {  	v18 =	vshrl.u32 v17, $0x3  }
0x56d: {  	v18 =	vmul.u32 $0x30, v18  }
0x56e: {  	v17 =	vand.u32 $0x7, v17  }
0x56f: {  	v17 =	vor.u32 v17, v18  }
0x570: {  	v18 =	vperm.xlane v17, v2;
	_ =	sdelay $0x1  }
0x571: {  	v19 =	vperm.xlane v17, v4;
	v18 =	vadd.s32 v3, v18;
	_ =	sdelay $0x1  }
0x572: {  	v20 =	vperm.xlane v17, v5;
	v19 =	vadd.s32 v3, v19;
	_ =	sdelay $0x1  }
0x573: {  	s22 =	simm.s32 $0x11200;
	v21 =	vperm.xlane v17, v0;
	v20 =	vadd.s32 v3, v20  }
0x574: {  	[tilespmem:s22], [sflag:$0x2] =	stream.indirect_vreg.gather [hbm4b:s8+s25], $0x80, v18, vm0, $0xb8;
	[tilespmem:$0x1BA00] =	vst v63  }
0x575: {  	v18 =	vadd.s32 v3, v21;
	v21 =	vperm.xlane v17, v6;
	s22 =	simm.s32 $0x11280  }
0x576: {  	[tilespmem:s22], [sflag:$0x2] =	stream.indirect_vreg.gather [hbm4b:s8+s25], $0x80, v19, vm0, $0xb8;
	[tilespmem:$0x1BA00] =	vst v63  }
0x577: {  	v19 =	vadd.s32 v3, v21;
	v21 =	vperm.xlane v17, v7;
	s22 =	simm.s32 $0x11300  }
0x578: {  	[tilespmem:s22], [sflag:$0x2] =	stream.indirect_vreg.gather [hbm4b:s8+s25], $0x80, v20, vm0, $0xb8;
	[tilespmem:$0x1BA00] =	vst v63  }
0x579: {  	v20 =	vadd.s32 v3, v21;
	v21 =	vperm.xlane v17, v8;
	s22 =	simm.s32 $0x11380  }
0x57a: {  	[tilespmem:s22], [sflag:$0x2] =	stream.indirect_vreg.gather [hbm4b:s8+s25], $0x80, v18, vm0, $0xb8;
	[tilespmem:$0x1BA00] =	vst v63  }
0x57b: {  	v18 =	vadd.s32 v3, v21;
	v21 =	vperm.xlane v17, v1;
	s22 =	simm.s32 $0x11400  }
0x57c: {  	[tilespmem:s22], [sflag:$0x2] =	stream.indirect_vreg.gather [hbm4b:s8+s25], $0x80, v19, vm0, $0xb8;
	[tilespmem:$0x1BA00] =	vst v63  }
0x57d: {  	v19 =	vadd.s32 v3, v21;
	v21 =	vperm.xlane v17, v9;
	s22 =	simm.s32 $0x11480  }
0x57e: {  	[tilespmem:s22], [sflag:$0x2] =	stream.indirect_vreg.gather [hbm4b:s8+s25], $0x80, v20, vm0, $0xb8;
	[tilespmem:$0x1BA00] =	vst v63  }
0x57f: {  	v20 =	vadd.s32 v3, v21;
	v21 =	vperm.xlane v17, v10;
	s22 =	simm.s32 $0x11500  }
0x580: {  	[tilespmem:s22], [sflag:$0x2] =	stream.indirect_vreg.gather [hbm4b:s8+s25], $0x80, v18, vm0, $0xb8;
	[tilespmem:$0x1BA00] =	vst v63  }
0x581: {  	v18 =	vadd.s32 v3, v21;
	v21 =	vperm.xlane v17, v11;
	s22 =	simm.s32 $0x11580  }
0x582: {  	[tilespmem:s22], [sflag:$0x2] =	stream.indirect_vreg.gather [hbm4b:s8+s25], $0x80, v19, vm0, $0xb8;
	[tilespmem:$0x1BA00] =	vst v63  }
0x583: {  	v19 =	vadd.s32 v3, v21;
	v21 =	vperm.xlane v17, v12;
	s22 =	simm.s32 $0x11600  }
0x584: {  	[tilespmem:s22], [sflag:$0x2] =	stream.indirect_vreg.gather [hbm4b:s8+s25], $0x80, v20, vm0, $0xb8;
	[tilespmem:$0x1BA00] =	vst v63  }
0x585: {  	v20 =	vadd.s32 v3, v21;
	v21 =	vperm.xlane v17, v13;
	s22 =	simm.s32 $0x11680  }
0x586: {  	[tilespmem:s22], [sflag:$0x2] =	stream.indirect_vreg.gather [hbm4b:s8+s25], $0x80, v18, vm0, $0xb8;
	[tilespmem:$0x1BA00] =	vst v63  }
0x587: {  	v18 =	vadd.s32 v3, v21;
	v21 =	vperm.xlane v17, v14;
	s22 =	simm.s32 $0x11700  }
0x588: {  	[tilespmem:s22], [sflag:$0x2] =	stream.indirect_vreg.gather [hbm4b:s8+s25], $0x80, v19, vm0, $0xb8;
	[tilespmem:$0x1BA00] =	vst v63  }
0x589: {  	v19 =	vadd.s32 v3, v21;
	v21 =	vperm.xlane v17, v15;
	s22 =	simm.s32 $0x11780  }
0x58a: {  	[tilespmem:s22], [sflag:$0x2] =	stream.indirect_vreg.gather [hbm4b:s8+s25], $0x80, v20, vm0, $0xb8;
	[tilespmem:$0x1BA00] =	vst v63  }
0x58b: {  	v17 =	vperm.xlane v17, v16;
	v20 =	vadd.s32 v3, v21;
	s22 =	simm.s32 $0x11800  }
0x58c: {  	[tilespmem:s22], [sflag:$0x2] =	stream.indirect_vreg.gather [hbm4b:s8+s25], $0x80, v18, vm0, $0xb8;
	[tilespmem:$0x1BA00] =	vst v63  }
0x58d: {  	v17 =	vadd.s32 v3, v17;
	s22 =	simm.s32 $0x11880  }
0x58e: {  	[tilespmem:s22], [sflag:$0x2] =	stream.indirect_vreg.gather [hbm4b:s8+s25], $0x80, v19, vm0, $0xb8;
	[tilespmem:$0x1BA00] =	vst v63  }
0x58f: {  	s22 =	simm.s32 $0x11900  }
0x590: {  	[tilespmem:s22], [sflag:$0x2] =	stream.indirect_vreg.gather [hbm4b:s8+s25], $0x80, v20, vm0, $0xb8;
	[tilespmem:$0x1BA00] =	vst v63  }
0x591: {  	s22 =	simm.s32 $0x11980  }
0x592: {  	[tilespmem:s22], [sflag:$0x2] =	stream.indirect_vreg.gather [hbm4b:s8+s25], $0x80, v17, vm0, $0xb8;
	[tilespmem:$0x1BA00] =	vst v63  }
0x593: {  	v17 =	vld [tilespmem:s23+$0x400]  }
0x594: {  	v18 =	vld [tilespmem:s23+$0x410]  }
0x595: {  	v19 =	vld [tilespmem:s23+$0x420]  }
0x596: {  	v24 =	vld [tilespmem:s23+$0x470]  }
0x597: {  	v20 =	vld [tilespmem:s23+$0x430]  }
0x598: {  	v21 =	vld [tilespmem:s23+$0x440]  }
0x599: {  	v22 =	vld [tilespmem:s23+$0x450]  }
0x59a: {  	s4 =	simm.s32 $0x0;
	s22 =	simm.s32 $0x200;
	v23 =	vld [tilespmem:s23+$0x460]  }
.LBB2_30:
0x59b: {  	p0 =	sne.s32 s22, $0x3E00;
	[tilespmem:s4+$0x16A70] =	vst.add.f32.msk $0xffff, v24  }
0x59c: {  	[tilespmem:s4+$0x16A00] =	vst.add.f32.msk $0xffff, v17  }
0x59d: {  	[tilespmem:s4+$0x16A10] =	vst.add.f32.msk $0xffff, v18  }
.Ltmp18:
0x59e: {  	[tilespmem:s4+$0x16A20] =	vst.add.f32.msk $0xffff, v19;
	(pc) =	sbr.rel @p0 .LBB2_30-.Ltmp18, $4  }
0x59f: {  	[tilespmem:s4+$0x16A30] =	vst.add.f32.msk $0xffff, v20  }
0x5a0: {  	[tilespmem:s4+$0x16A40] =	vst.add.f32.msk $0xffff, v21  }
0x5a1: {  	[tilespmem:s4+$0x16A50] =	vst.add.f32.msk $0xffff, v22  }
0x5a2: {  	[tilespmem:s4+$0x16A60] =	vst.add.f32.msk $0xffff, v23;
	s4 =	sshra.s32 s22, $0x2;
	s22 =	sadd.s32 $0x200, s22  }
0x5a3: {  	[tilespmem:s4+$0x16A70] =	vst.add.f32.msk $0xffff, v24  }
0x5a4: {  	[tilespmem:s4+$0x16A00] =	vst.add.f32.msk $0xffff, v17  }
0x5a5: {  	[tilespmem:s4+$0x16A10] =	vst.add.f32.msk $0xffff, v18  }
0x5a6: {  	[tilespmem:s4+$0x16A20] =	vst.add.f32.msk $0xffff, v19  }
0x5a7: {  	[tilespmem:s4+$0x16A30] =	vst.add.f32.msk $0xffff, v20  }
0x5a8: {  	[tilespmem:s4+$0x16A40] =	vst.add.f32.msk $0xffff, v21  }
0x5a9: {  	[tilespmem:s4+$0x16A50] =	vst.add.f32.msk $0xffff, v22  }
0x5aa: {  	[tilespmem:s4+$0x16A60] =	vst.add.f32.msk $0xffff, v23;
	s25 =	sadd.s32 s29, s13;
	s22 =	simm.s32 $0x16A00;
	s23 =	simm.s32 $0x9  }
0x5ab: {  	[hbm4b:s25+s28] =	stream.strided.scatter [tilespmem:s22], [sflag:$0x14], $0x1000, s31, s28, $0x38;
	[tilespmem:$0x1BA00] =	vst v63  }
0x5ac: {  	_ =	swait.ge [sflag:s23], $0x1000  }
0x5ad: {  	[sflag:s23] =	ssyncset.done $0x0  }
0x5ae: {  	s25 =	simm.s32 $0xF;
	[sflag:s23] =	ssyncadd.s32 $0xFFFFF000  }
0x5af: {  	_ =	swait.ge [sflag:s25], $0x1000  }
0x5b0: {  	[sflag:s25] =	ssyncset.done $0x0  }
0x5b1: {  	[sflag:s25] =	ssyncadd.s32 $0xFFFFF000  }
0x5b2: {  	v17 =	vld [tilespmem:s20+$0xF040];
	_ =	sdelay $0x4  }
0x5b3: {  	v18 =	vshrl.u32 v17, $0x3  }
0x5b4: {  	v18 =	vmul.u32 $0x30, v18  }
0x5b5: {  	v17 =	vand.u32 $0x7, v17  }
0x5b6: {  	v17 =	vor.u32 v17, v18  }
0x5b7: {  	v18 =	vperm.xlane v17, v2;
	_ =	sdelay $0x1  }
0x5b8: {  	v19 =	vperm.xlane v17, v4;
	v18 =	vadd.s32 v3, v18;
	_ =	sdelay $0x1  }
0x5b9: {  	v20 =	vperm.xlane v17, v5;
	v19 =	vadd.s32 v3, v19;
	_ =	sdelay $0x1  }
0x5ba: {  	s22 =	simm.s32 $0x11A00;
	s23 =	simm.s32 $0x0;
	v21 =	vperm.xlane v17, v0;
	v20 =	vadd.s32 v3, v20  }
0x5bb: {  	[tilespmem:s22], [sflag:$0x3] =	stream.indirect_vreg.gather [hbm4b:s9+s23], $0x80, v18, vm0, $0xb8;
	[tilespmem:$0x1BA00] =	vst v63  }
0x5bc: {  	s25 =	simm.s32 $0x11A80;
	v18 =	vadd.s32 v3, v21;
	v21 =	vperm.xlane v17, v6  }
0x5bd: {  	[tilespmem:s25], [sflag:$0x3] =	stream.indirect_vreg.gather [hbm4b:s9+s23], $0x80, v19, vm0, $0xb8;
	[tilespmem:$0x1BA00] =	vst v63  }
0x5be: {  	s22 =	simm.s32 $0x11B00;
	v19 =	vadd.s32 v3, v21;
	v21 =	vperm.xlane v17, v7  }
0x5bf: {  	[tilespmem:s22], [sflag:$0x3] =	stream.indirect_vreg.gather [hbm4b:s9+s23], $0x80, v20, vm0, $0xb8;
	[tilespmem:$0x1BA00] =	vst v63  }
0x5c0: {  	s25 =	simm.s32 $0x11B80;
	v20 =	vadd.s32 v3, v21;
	v21 =	vperm.xlane v17, v8  }
0x5c1: {  	[tilespmem:s25], [sflag:$0x3] =	stream.indirect_vreg.gather [hbm4b:s9+s23], $0x80, v18, vm0, $0xb8;
	[tilespmem:$0x1BA00] =	vst v63  }
0x5c2: {  	s22 =	simm.s32 $0x11C00;
	v18 =	vadd.s32 v3, v21;
	v21 =	vperm.xlane v17, v1  }
0x5c3: {  	[tilespmem:s22], [sflag:$0x3] =	stream.indirect_vreg.gather [hbm4b:s9+s23], $0x80, v19, vm0, $0xb8;
	[tilespmem:$0x1BA00] =	vst v63  }
0x5c4: {  	s25 =	simm.s32 $0x11C80;
	v19 =	vadd.s32 v3, v21;
	v21 =	vperm.xlane v17, v9  }
0x5c5: {  	[tilespmem:s25], [sflag:$0x3] =	stream.indirect_vreg.gather [hbm4b:s9+s23], $0x80, v20, vm0, $0xb8;
	[tilespmem:$0x1BA00] =	vst v63  }
0x5c6: {  	s22 =	simm.s32 $0x11D00;
	v20 =	vadd.s32 v3, v21;
	v21 =	vperm.xlane v17, v10  }
0x5c7: {  	[tilespmem:s22], [sflag:$0x3] =	stream.indirect_vreg.gather [hbm4b:s9+s23], $0x80, v18, vm0, $0xb8;
	[tilespmem:$0x1BA00] =	vst v63  }
0x5c8: {  	s25 =	simm.s32 $0x11D80;
	v18 =	vadd.s32 v3, v21;
	v21 =	vperm.xlane v17, v11  }
0x5c9: {  	[tilespmem:s25], [sflag:$0x3] =	stream.indirect_vreg.gather [hbm4b:s9+s23], $0x80, v19, vm0, $0xb8;
	[tilespmem:$0x1BA00] =	vst v63  }
0x5ca: {  	s22 =	simm.s32 $0x11E00;
	v19 =	vadd.s32 v3, v21;
	v21 =	vperm.xlane v17, v12  }
0x5cb: {  	[tilespmem:s22], [sflag:$0x3] =	stream.indirect_vreg.gather [hbm4b:s9+s23], $0x80, v20, vm0, $0xb8;
	[tilespmem:$0x1BA00] =	vst v63  }
0x5cc: {  	s25 =	simm.s32 $0x11E80;
	v20 =	vadd.s32 v3, v21;
	v21 =	vperm.xlane v17, v13  }
0x5cd: {  	[tilespmem:s25], [sflag:$0x3] =	stream.indirect_vreg.gather [hbm4b:s9+s23], $0x80, v18, vm0, $0xb8;
	[tilespmem:$0x1BA00] =	vst v63  }
0x5ce: {  	s22 =	simm.s32 $0x11F00;
	v18 =	vadd.s32 v3, v21;
	v21 =	vperm.xlane v17, v14  }
0x5cf: {  	[tilespmem:s22], [sflag:$0x3] =	stream.indirect_vreg.gather [hbm4b:s9+s23], $0x80, v19, vm0, $0xb8;
	[tilespmem:$0x1BA00] =	vst v63  }
0x5d0: {  	s25 =	simm.s32 $0x11F80;
	v19 =	vadd.s32 v3, v21;
	v21 =	vperm.xlane v17, v15  }
0x5d1: {  	[tilespmem:s25], [sflag:$0x3] =	stream.indirect_vreg.gather [hbm4b:s9+s23], $0x80, v20, vm0, $0xb8;
	[tilespmem:$0x1BA00] =	vst v63  }
0x5d2: {  	v17 =	vperm.xlane v17, v16;
	s22 =	simm.s32 $0x12000;
	v20 =	vadd.s32 v3, v21  }
0x5d3: {  	[tilespmem:s22], [sflag:$0x3] =	stream.indirect_vreg.gather [hbm4b:s9+s23], $0x80, v18, vm0, $0xb8;
	[tilespmem:$0x1BA00] =	vst v63  }
0x5d4: {  	v17 =	vadd.s32 v3, v17;
	s25 =	simm.s32 $0x12080  }
0x5d5: {  	[tilespmem:s25], [sflag:$0x3] =	stream.indirect_vreg.gather [hbm4b:s9+s23], $0x80, v19, vm0, $0xb8;
	[tilespmem:$0x1BA00] =	vst v63  }
0x5d6: {  	s22 =	simm.s32 $0x12100  }
0x5d7: {  	[tilespmem:s22], [sflag:$0x3] =	stream.indirect_vreg.gather [hbm4b:s9+s23], $0x80, v20, vm0, $0xb8;
	[tilespmem:$0x1BA00] =	vst v63  }
0x5d8: {  	s25 =	simm.s32 $0x12180  }
0x5d9: {  	[tilespmem:s25], [sflag:$0x3] =	stream.indirect_vreg.gather [hbm4b:s9+s23], $0x80, v17, vm0, $0xb8;
	[tilespmem:$0x1BA00] =	vst v63  }
0x5da: {  	v17 =	vld [tilespmem:s20+$0xF050];
	_ =	sdelay $0x4  }
0x5db: {  	v18 =	vshrl.u32 v17, $0x3  }
0x5dc: {  	v18 =	vmul.u32 $0x30, v18  }
0x5dd: {  	v17 =	vand.u32 $0x7, v17  }
0x5de: {  	v17 =	vor.u32 v17, v18  }
0x5df: {  	v18 =	vperm.xlane v17, v2;
	_ =	sdelay $0x1  }
0x5e0: {  	v19 =	vperm.xlane v17, v4;
	v18 =	vadd.s32 v3, v18;
	_ =	sdelay $0x1  }
0x5e1: {  	v20 =	vperm.xlane v17, v5;
	v19 =	vadd.s32 v3, v19;
	_ =	sdelay $0x1  }
0x5e2: {  	s22 =	simm.s32 $0x12200;
	v21 =	vperm.xlane v17, v0;
	v20 =	vadd.s32 v3, v20  }
0x5e3: {  	[tilespmem:s22], [sflag:$0x3] =	stream.indirect_vreg.gather [hbm4b:s9+s23], $0x80, v18, vm0, $0xb8;
	[tilespmem:$0x1BA00] =	vst v63  }
0x5e4: {  	s25 =	simm.s32 $0x12280;
	v18 =	vadd.s32 v3, v21;
	v21 =	vperm.xlane v17, v6  }
0x5e5: {  	[tilespmem:s25], [sflag:$0x3] =	stream.indirect_vreg.gather [hbm4b:s9+s23], $0x80, v19, vm0, $0xb8;
	[tilespmem:$0x1BA00] =	vst v63  }
0x5e6: {  	s22 =	simm.s32 $0x12300;
	v19 =	vadd.s32 v3, v21;
	v21 =	vperm.xlane v17, v7  }
0x5e7: {  	[tilespmem:s22], [sflag:$0x3] =	stream.indirect_vreg.gather [hbm4b:s9+s23], $0x80, v20, vm0, $0xb8;
	[tilespmem:$0x1BA00] =	vst v63  }
0x5e8: {  	s25 =	simm.s32 $0x12380;
	v20 =	vadd.s32 v3, v21;
	v21 =	vperm.xlane v17, v8  }
0x5e9: {  	[tilespmem:s25], [sflag:$0x3] =	stream.indirect_vreg.gather [hbm4b:s9+s23], $0x80, v18, vm0, $0xb8;
	[tilespmem:$0x1BA00] =	vst v63  }
0x5ea: {  	s22 =	simm.s32 $0x12400;
	v18 =	vadd.s32 v3, v21;
	v21 =	vperm.xlane v17, v1  }
0x5eb: {  	[tilespmem:s22], [sflag:$0x3] =	stream.indirect_vreg.gather [hbm4b:s9+s23], $0x80, v19, vm0, $0xb8;
	[tilespmem:$0x1BA00] =	vst v63  }
0x5ec: {  	s25 =	simm.s32 $0x12480;
	v19 =	vadd.s32 v3, v21;
	v21 =	vperm.xlane v17, v9  }
0x5ed: {  	[tilespmem:s25], [sflag:$0x3] =	stream.indirect_vreg.gather [hbm4b:s9+s23], $0x80, v20, vm0, $0xb8;
	[tilespmem:$0x1BA00] =	vst v63  }
0x5ee: {  	s22 =	simm.s32 $0x12500;
	v20 =	vadd.s32 v3, v21;
	v21 =	vperm.xlane v17, v10  }
0x5ef: {  	[tilespmem:s22], [sflag:$0x3] =	stream.indirect_vreg.gather [hbm4b:s9+s23], $0x80, v18, vm0, $0xb8;
	[tilespmem:$0x1BA00] =	vst v63  }
0x5f0: {  	s25 =	simm.s32 $0x12580;
	v18 =	vadd.s32 v3, v21;
	v21 =	vperm.xlane v17, v11  }
0x5f1: {  	[tilespmem:s25], [sflag:$0x3] =	stream.indirect_vreg.gather [hbm4b:s9+s23], $0x80, v19, vm0, $0xb8;
	[tilespmem:$0x1BA00] =	vst v63  }
0x5f2: {  	s22 =	simm.s32 $0x12600;
	v19 =	vadd.s32 v3, v21;
	v21 =	vperm.xlane v17, v12  }
0x5f3: {  	[tilespmem:s22], [sflag:$0x3] =	stream.indirect_vreg.gather [hbm4b:s9+s23], $0x80, v20, vm0, $0xb8;
	[tilespmem:$0x1BA00] =	vst v63  }
0x5f4: {  	s25 =	simm.s32 $0x12680;
	v20 =	vadd.s32 v3, v21;
	v21 =	vperm.xlane v17, v13  }
0x5f5: {  	[tilespmem:s25], [sflag:$0x3] =	stream.indirect_vreg.gather [hbm4b:s9+s23], $0x80, v18, vm0, $0xb8;
	[tilespmem:$0x1BA00] =	vst v63  }
0x5f6: {  	s22 =	simm.s32 $0x12700;
	v18 =	vadd.s32 v3, v21;
	v21 =	vperm.xlane v17, v14  }
0x5f7: {  	[tilespmem:s22], [sflag:$0x3] =	stream.indirect_vreg.gather [hbm4b:s9+s23], $0x80, v19, vm0, $0xb8;
	[tilespmem:$0x1BA00] =	vst v63  }
0x5f8: {  	s25 =	simm.s32 $0x12780;
	v19 =	vadd.s32 v3, v21;
	v21 =	vperm.xlane v17, v15  }
0x5f9: {  	[tilespmem:s25], [sflag:$0x3] =	stream.indirect_vreg.gather [hbm4b:s9+s23], $0x80, v20, vm0, $0xb8;
	[tilespmem:$0x1BA00] =	vst v63  }
0x5fa: {  	v17 =	vperm.xlane v17, v16;
	s22 =	simm.s32 $0x12800;
	v20 =	vadd.s32 v3, v21  }
0x5fb: {  	[tilespmem:s22], [sflag:$0x3] =	stream.indirect_vreg.gather [hbm4b:s9+s23], $0x80, v18, vm0, $0xb8;
	[tilespmem:$0x1BA00] =	vst v63  }
0x5fc: {  	v17 =	vadd.s32 v3, v17;
	s25 =	simm.s32 $0x12880  }
0x5fd: {  	[tilespmem:s25], [sflag:$0x3] =	stream.indirect_vreg.gather [hbm4b:s9+s23], $0x80, v19, vm0, $0xb8;
	[tilespmem:$0x1BA00] =	vst v63  }
0x5fe: {  	s22 =	simm.s32 $0x12900  }
0x5ff: {  	[tilespmem:s22], [sflag:$0x3] =	stream.indirect_vreg.gather [hbm4b:s9+s23], $0x80, v20, vm0, $0xb8;
	[tilespmem:$0x1BA00] =	vst v63  }
0x600: {  	s30 =	sadd.s32 s19, s30;
	s25 =	simm.s32 $0x12980  }
0x601: {  	[tilespmem:s25], [sflag:$0x3] =	stream.indirect_vreg.gather [hbm4b:s9+s23], $0x80, v17, vm0, $0xb8;
	[tilespmem:$0x1BA00] =	vst v63  }
0x602: {  	v17 =	vld [tilespmem:s30+$0x800]  }
0x603: {  	v18 =	vld [tilespmem:s30+$0x810]  }
0x604: {  	v19 =	vld [tilespmem:s30+$0x820]  }
0x605: {  	v24 =	vld [tilespmem:s30+$0x870]  }
0x606: {  	v20 =	vld [tilespmem:s30+$0x830]  }
0x607: {  	v21 =	vld [tilespmem:s30+$0x840]  }
0x608: {  	v22 =	vld [tilespmem:s30+$0x850]  }
0x609: {  	s4 =	simm.s32 $0x0;
	s19 =	simm.s32 $0x200;
	v23 =	vld [tilespmem:s30+$0x860]  }
.LBB2_32:
0x60a: {  	p0 =	sne.s32 s19, $0x3E00;
	[tilespmem:s4+$0x17A70] =	vst.add.f32.msk $0xffff, v24  }
0x60b: {  	[tilespmem:s4+$0x17A00] =	vst.add.f32.msk $0xffff, v17  }
0x60c: {  	[tilespmem:s4+$0x17A10] =	vst.add.f32.msk $0xffff, v18  }
.Ltmp19:
0x60d: {  	[tilespmem:s4+$0x17A20] =	vst.add.f32.msk $0xffff, v19;
	(pc) =	sbr.rel @p0 .LBB2_32-.Ltmp19, $4  }
0x60e: {  	[tilespmem:s4+$0x17A30] =	vst.add.f32.msk $0xffff, v20  }
0x60f: {  	[tilespmem:s4+$0x17A40] =	vst.add.f32.msk $0xffff, v21  }
0x610: {  	[tilespmem:s4+$0x17A50] =	vst.add.f32.msk $0xffff, v22  }
0x611: {  	[tilespmem:s4+$0x17A60] =	vst.add.f32.msk $0xffff, v23;
	s4 =	sshra.s32 s19, $0x2;
	s19 =	sadd.s32 $0x200, s19  }
0x612: {  	[tilespmem:s4+$0x17A70] =	vst.add.f32.msk $0xffff, v24  }
0x613: {  	[tilespmem:s4+$0x17A00] =	vst.add.f32.msk $0xffff, v17  }
0x614: {  	[tilespmem:s4+$0x17A10] =	vst.add.f32.msk $0xffff, v18  }
0x615: {  	[tilespmem:s4+$0x17A20] =	vst.add.f32.msk $0xffff, v19  }
0x616: {  	[tilespmem:s4+$0x17A30] =	vst.add.f32.msk $0xffff, v20  }
0x617: {  	[tilespmem:s4+$0x17A40] =	vst.add.f32.msk $0xffff, v21  }
0x618: {  	[tilespmem:s4+$0x17A50] =	vst.add.f32.msk $0xffff, v22  }
0x619: {  	[tilespmem:s4+$0x17A60] =	vst.add.f32.msk $0xffff, v23;
	s25 =	sadd.s32 s29, s14;
	s19 =	simm.s32 $0x17A00  }
0x61a: {  	[hbm4b:s25+s28] =	stream.strided.scatter [tilespmem:s19], [sflag:$0x15], $0x1000, s31, s28, $0x38;
	[tilespmem:$0x1BA00] =	vst v63  }
0x61b: {  	s19 =	simm.s32 $0xA  }
0x61c: {  	_ =	swait.ge [sflag:s19], $0x1000  }
0x61d: {  	[sflag:s19] =	ssyncset.done $0x0  }
0x61e: {  	s22 =	simm.s32 $0x10;
	[sflag:s19] =	ssyncadd.s32 $0xFFFFF000  }
0x61f: {  	_ =	swait.ge [sflag:s22], $0x1000  }
0x620: {  	[sflag:s22] =	ssyncset.done $0x0  }
0x621: {  	[sflag:s22] =	ssyncadd.s32 $0xFFFFF000  }
0x622: {  	v17 =	vld [tilespmem:s20+$0xF040];
	_ =	sdelay $0x4  }
0x623: {  	v18 =	vshrl.u32 v17, $0x3  }
0x624: {  	v18 =	vmul.u32 $0x30, v18  }
0x625: {  	v17 =	vand.u32 $0x7, v17  }
0x626: {  	v17 =	vor.u32 v17, v18  }
0x627: {  	v18 =	vperm.xlane v17, v2;
	_ =	sdelay $0x1  }
0x628: {  	v19 =	vperm.xlane v17, v4;
	v18 =	vadd.s32 v3, v18;
	_ =	sdelay $0x1  }
0x629: {  	v20 =	vperm.xlane v17, v5;
	v19 =	vadd.s32 v3, v19;
	_ =	sdelay $0x1  }
0x62a: {  	s23 =	simm.s32 $0x12A00;
	s19 =	simm.s32 $0x0;
	v21 =	vperm.xlane v17, v0;
	v20 =	vadd.s32 v3, v20  }
0x62b: {  	[tilespmem:s23], [sflag:$0x4] =	stream.indirect_vreg.gather [hbm4b:s10+s19], $0x80, v18, vm0, $0xb8;
	[tilespmem:$0x1BA00] =	vst v63  }
0x62c: {  	s25 =	simm.s32 $0x12A80;
	v18 =	vadd.s32 v3, v21;
	v21 =	vperm.xlane v17, v6  }
0x62d: {  	[tilespmem:s25], [sflag:$0x4] =	stream.indirect_vreg.gather [hbm4b:s10+s19], $0x80, v19, vm0, $0xb8;
	[tilespmem:$0x1BA00] =	vst v63  }
0x62e: {  	s22 =	simm.s32 $0x12B00;
	v19 =	vadd.s32 v3, v21;
	v21 =	vperm.xlane v17, v7  }
0x62f: {  	[tilespmem:s22], [sflag:$0x4] =	stream.indirect_vreg.gather [hbm4b:s10+s19], $0x80, v20, vm0, $0xb8;
	[tilespmem:$0x1BA00] =	vst v63  }
0x630: {  	s23 =	simm.s32 $0x12B80;
	v20 =	vadd.s32 v3, v21;
	v21 =	vperm.xlane v17, v8  }
0x631: {  	[tilespmem:s23], [sflag:$0x4] =	stream.indirect_vreg.gather [hbm4b:s10+s19], $0x80, v18, vm0, $0xb8;
	[tilespmem:$0x1BA00] =	vst v63  }
0x632: {  	s25 =	simm.s32 $0x12C00;
	v18 =	vadd.s32 v3, v21;
	v21 =	vperm.xlane v17, v1  }
0x633: {  	[tilespmem:s25], [sflag:$0x4] =	stream.indirect_vreg.gather [hbm4b:s10+s19], $0x80, v19, vm0, $0xb8;
	[tilespmem:$0x1BA00] =	vst v63  }
0x634: {  	s22 =	simm.s32 $0x12C80;
	v19 =	vadd.s32 v3, v21;
	v21 =	vperm.xlane v17, v9  }
0x635: {  	[tilespmem:s22], [sflag:$0x4] =	stream.indirect_vreg.gather [hbm4b:s10+s19], $0x80, v20, vm0, $0xb8;
	[tilespmem:$0x1BA00] =	vst v63  }
0x636: {  	s23 =	simm.s32 $0x12D00;
	v20 =	vadd.s32 v3, v21;
	v21 =	vperm.xlane v17, v10  }
0x637: {  	[tilespmem:s23], [sflag:$0x4] =	stream.indirect_vreg.gather [hbm4b:s10+s19], $0x80, v18, vm0, $0xb8;
	[tilespmem:$0x1BA00] =	vst v63  }
0x638: {  	s25 =	simm.s32 $0x12D80;
	v18 =	vadd.s32 v3, v21;
	v21 =	vperm.xlane v17, v11  }
0x639: {  	[tilespmem:s25], [sflag:$0x4] =	stream.indirect_vreg.gather [hbm4b:s10+s19], $0x80, v19, vm0, $0xb8;
	[tilespmem:$0x1BA00] =	vst v63  }
0x63a: {  	s22 =	simm.s32 $0x12E00;
	v19 =	vadd.s32 v3, v21;
	v21 =	vperm.xlane v17, v12  }
0x63b: {  	[tilespmem:s22], [sflag:$0x4] =	stream.indirect_vreg.gather [hbm4b:s10+s19], $0x80, v20, vm0, $0xb8;
	[tilespmem:$0x1BA00] =	vst v63  }
0x63c: {  	s23 =	simm.s32 $0x12E80;
	v20 =	vadd.s32 v3, v21;
	v21 =	vperm.xlane v17, v13  }
0x63d: {  	[tilespmem:s23], [sflag:$0x4] =	stream.indirect_vreg.gather [hbm4b:s10+s19], $0x80, v18, vm0, $0xb8;
	[tilespmem:$0x1BA00] =	vst v63  }
0x63e: {  	s25 =	simm.s32 $0x12F00;
	v18 =	vadd.s32 v3, v21;
	v21 =	vperm.xlane v17, v14  }
0x63f: {  	[tilespmem:s25], [sflag:$0x4] =	stream.indirect_vreg.gather [hbm4b:s10+s19], $0x80, v19, vm0, $0xb8;
	[tilespmem:$0x1BA00] =	vst v63  }
0x640: {  	s22 =	simm.s32 $0x12F80;
	v19 =	vadd.s32 v3, v21;
	v21 =	vperm.xlane v17, v15  }
0x641: {  	[tilespmem:s22], [sflag:$0x4] =	stream.indirect_vreg.gather [hbm4b:s10+s19], $0x80, v20, vm0, $0xb8;
	[tilespmem:$0x1BA00] =	vst v63  }
0x642: {  	s23 =	simm.s32 $0x13000;
	v17 =	vperm.xlane v17, v16;
	v20 =	vadd.s32 v3, v21  }
0x643: {  	[tilespmem:s23], [sflag:$0x4] =	stream.indirect_vreg.gather [hbm4b:s10+s19], $0x80, v18, vm0, $0xb8;
	[tilespmem:$0x1BA00] =	vst v63  }
0x644: {  	s25 =	simm.s32 $0x13080;
	v17 =	vadd.s32 v3, v17  }
0x645: {  	[tilespmem:s25], [sflag:$0x4] =	stream.indirect_vreg.gather [hbm4b:s10+s19], $0x80, v19, vm0, $0xb8;
	[tilespmem:$0x1BA00] =	vst v63  }
0x646: {  	s22 =	simm.s32 $0x13100  }
0x647: {  	[tilespmem:s22], [sflag:$0x4] =	stream.indirect_vreg.gather [hbm4b:s10+s19], $0x80, v20, vm0, $0xb8;
	[tilespmem:$0x1BA00] =	vst v63  }
0x648: {  	s23 =	simm.s32 $0x13180  }
0x649: {  	[tilespmem:s23], [sflag:$0x4] =	stream.indirect_vreg.gather [hbm4b:s10+s19], $0x80, v17, vm0, $0xb8;
	[tilespmem:$0x1BA00] =	vst v63  }
0x64a: {  	v17 =	vld [tilespmem:s20+$0xF050];
	_ =	sdelay $0x4  }
0x64b: {  	v18 =	vshrl.u32 v17, $0x3  }
0x64c: {  	v18 =	vmul.u32 $0x30, v18  }
0x64d: {  	v17 =	vand.u32 $0x7, v17  }
0x64e: {  	v17 =	vor.u32 v17, v18  }
0x64f: {  	v18 =	vperm.xlane v17, v2;
	_ =	sdelay $0x1  }
0x650: {  	v19 =	vperm.xlane v17, v4;
	v18 =	vadd.s32 v3, v18;
	_ =	sdelay $0x1  }
0x651: {  	v20 =	vperm.xlane v17, v5;
	v19 =	vadd.s32 v3, v19;
	_ =	sdelay $0x1  }
0x652: {  	s25 =	simm.s32 $0x13200;
	v21 =	vperm.xlane v17, v0;
	v20 =	vadd.s32 v3, v20  }
0x653: {  	[tilespmem:s25], [sflag:$0x4] =	stream.indirect_vreg.gather [hbm4b:s10+s19], $0x80, v18, vm0, $0xb8;
	[tilespmem:$0x1BA00] =	vst v63  }
0x654: {  	s22 =	simm.s32 $0x13280;
	v18 =	vadd.s32 v3, v21;
	v21 =	vperm.xlane v17, v6  }
0x655: {  	[tilespmem:s22], [sflag:$0x4] =	stream.indirect_vreg.gather [hbm4b:s10+s19], $0x80, v19, vm0, $0xb8;
	[tilespmem:$0x1BA00] =	vst v63  }
0x656: {  	s23 =	simm.s32 $0x13300;
	v19 =	vadd.s32 v3, v21;
	v21 =	vperm.xlane v17, v7  }
0x657: {  	[tilespmem:s23], [sflag:$0x4] =	stream.indirect_vreg.gather [hbm4b:s10+s19], $0x80, v20, vm0, $0xb8;
	[tilespmem:$0x1BA00] =	vst v63  }
0x658: {  	s25 =	simm.s32 $0x13380;
	v20 =	vadd.s32 v3, v21;
	v21 =	vperm.xlane v17, v8  }
0x659: {  	[tilespmem:s25], [sflag:$0x4] =	stream.indirect_vreg.gather [hbm4b:s10+s19], $0x80, v18, vm0, $0xb8;
	[tilespmem:$0x1BA00] =	vst v63  }
0x65a: {  	s22 =	simm.s32 $0x13400;
	v18 =	vadd.s32 v3, v21;
	v21 =	vperm.xlane v17, v1  }
0x65b: {  	[tilespmem:s22], [sflag:$0x4] =	stream.indirect_vreg.gather [hbm4b:s10+s19], $0x80, v19, vm0, $0xb8;
	[tilespmem:$0x1BA00] =	vst v63  }
0x65c: {  	s23 =	simm.s32 $0x13480;
	v19 =	vadd.s32 v3, v21;
	v21 =	vperm.xlane v17, v9  }
0x65d: {  	[tilespmem:s23], [sflag:$0x4] =	stream.indirect_vreg.gather [hbm4b:s10+s19], $0x80, v20, vm0, $0xb8;
	[tilespmem:$0x1BA00] =	vst v63  }
0x65e: {  	s25 =	simm.s32 $0x13500;
	v20 =	vadd.s32 v3, v21;
	v21 =	vperm.xlane v17, v10  }
0x65f: {  	[tilespmem:s25], [sflag:$0x4] =	stream.indirect_vreg.gather [hbm4b:s10+s19], $0x80, v18, vm0, $0xb8;
	[tilespmem:$0x1BA00] =	vst v63  }
0x660: {  	s22 =	simm.s32 $0x13580;
	v18 =	vadd.s32 v3, v21;
	v21 =	vperm.xlane v17, v11  }
0x661: {  	[tilespmem:s22], [sflag:$0x4] =	stream.indirect_vreg.gather [hbm4b:s10+s19], $0x80, v19, vm0, $0xb8;
	[tilespmem:$0x1BA00] =	vst v63  }
0x662: {  	s23 =	simm.s32 $0x13600;
	v19 =	vadd.s32 v3, v21;
	v21 =	vperm.xlane v17, v12  }
0x663: {  	[tilespmem:s23], [sflag:$0x4] =	stream.indirect_vreg.gather [hbm4b:s10+s19], $0x80, v20, vm0, $0xb8;
	[tilespmem:$0x1BA00] =	vst v63  }
0x664: {  	s25 =	simm.s32 $0x13680;
	v20 =	vadd.s32 v3, v21;
	v21 =	vperm.xlane v17, v13  }
0x665: {  	[tilespmem:s25], [sflag:$0x4] =	stream.indirect_vreg.gather [hbm4b:s10+s19], $0x80, v18, vm0, $0xb8;
	[tilespmem:$0x1BA00] =	vst v63  }
0x666: {  	s22 =	simm.s32 $0x13700;
	v18 =	vadd.s32 v3, v21;
	v21 =	vperm.xlane v17, v14  }
0x667: {  	[tilespmem:s22], [sflag:$0x4] =	stream.indirect_vreg.gather [hbm4b:s10+s19], $0x80, v19, vm0, $0xb8;
	[tilespmem:$0x1BA00] =	vst v63  }
0x668: {  	s23 =	simm.s32 $0x13780;
	v19 =	vadd.s32 v3, v21;
	v21 =	vperm.xlane v17, v15  }
0x669: {  	[tilespmem:s23], [sflag:$0x4] =	stream.indirect_vreg.gather [hbm4b:s10+s19], $0x80, v20, vm0, $0xb8;
	[tilespmem:$0x1BA00] =	vst v63  }
0x66a: {  	s25 =	simm.s32 $0x13800;
	v17 =	vperm.xlane v17, v16;
	v20 =	vadd.s32 v3, v21  }
0x66b: {  	[tilespmem:s25], [sflag:$0x4] =	stream.indirect_vreg.gather [hbm4b:s10+s19], $0x80, v18, vm0, $0xb8;
	[tilespmem:$0x1BA00] =	vst v63  }
0x66c: {  	s22 =	simm.s32 $0x13880;
	v17 =	vadd.s32 v3, v17  }
0x66d: {  	[tilespmem:s22], [sflag:$0x4] =	stream.indirect_vreg.gather [hbm4b:s10+s19], $0x80, v19, vm0, $0xb8;
	[tilespmem:$0x1BA00] =	vst v63  }
0x66e: {  	s23 =	simm.s32 $0x13900  }
0x66f: {  	[tilespmem:s23], [sflag:$0x4] =	stream.indirect_vreg.gather [hbm4b:s10+s19], $0x80, v20, vm0, $0xb8;
	[tilespmem:$0x1BA00] =	vst v63  }
0x670: {  	s25 =	simm.s32 $0x13980  }
0x671: {  	[tilespmem:s25], [sflag:$0x4] =	stream.indirect_vreg.gather [hbm4b:s10+s19], $0x80, v17, vm0, $0xb8;
	[tilespmem:$0x1BA00] =	vst v63  }
0x672: {  	v17 =	vld [tilespmem:s30+$0xC00]  }
0x673: {  	v18 =	vld [tilespmem:s30+$0xC10]  }
0x674: {  	v19 =	vld [tilespmem:s30+$0xC20]  }
0x675: {  	v24 =	vld [tilespmem:s30+$0xC70]  }
0x676: {  	v20 =	vld [tilespmem:s30+$0xC30]  }
0x677: {  	v21 =	vld [tilespmem:s30+$0xC40]  }
0x678: {  	v22 =	vld [tilespmem:s30+$0xC50]  }
0x679: {  	s4 =	simm.s32 $0x0;
	s19 =	simm.s32 $0x200;
	v23 =	vld [tilespmem:s30+$0xC60]  }
.LBB2_34:
0x67a: {  	p0 =	sne.s32 s19, $0x3E00;
	[tilespmem:s4+$0x18A70] =	vst.add.f32.msk $0xffff, v24  }
0x67b: {  	[tilespmem:s4+$0x18A00] =	vst.add.f32.msk $0xffff, v17  }
0x67c: {  	[tilespmem:s4+$0x18A10] =	vst.add.f32.msk $0xffff, v18  }
.Ltmp20:
0x67d: {  	[tilespmem:s4+$0x18A20] =	vst.add.f32.msk $0xffff, v19;
	(pc) =	sbr.rel @p0 .LBB2_34-.Ltmp20, $4  }
0x67e: {  	[tilespmem:s4+$0x18A30] =	vst.add.f32.msk $0xffff, v20  }
0x67f: {  	[tilespmem:s4+$0x18A40] =	vst.add.f32.msk $0xffff, v21  }
0x680: {  	[tilespmem:s4+$0x18A50] =	vst.add.f32.msk $0xffff, v22  }
0x681: {  	[tilespmem:s4+$0x18A60] =	vst.add.f32.msk $0xffff, v23;
	s4 =	sshra.s32 s19, $0x2;
	s19 =	sadd.s32 $0x200, s19  }
0x682: {  	[tilespmem:s4+$0x18A70] =	vst.add.f32.msk $0xffff, v24  }
0x683: {  	[tilespmem:s4+$0x18A00] =	vst.add.f32.msk $0xffff, v17  }
0x684: {  	[tilespmem:s4+$0x18A10] =	vst.add.f32.msk $0xffff, v18  }
0x685: {  	[tilespmem:s4+$0x18A20] =	vst.add.f32.msk $0xffff, v19  }
0x686: {  	[tilespmem:s4+$0x18A30] =	vst.add.f32.msk $0xffff, v20  }
0x687: {  	[tilespmem:s4+$0x18A40] =	vst.add.f32.msk $0xffff, v21  }
0x688: {  	[tilespmem:s4+$0x18A50] =	vst.add.f32.msk $0xffff, v22  }
0x689: {  	[tilespmem:s4+$0x18A60] =	vst.add.f32.msk $0xffff, v23;
	s25 =	sadd.s32 s29, s15;
	s19 =	simm.s32 $0x18A00  }
0x68a: {  	[hbm4b:s25+s28] =	stream.strided.scatter [tilespmem:s19], [sflag:$0x16], $0x1000, s31, s28, $0x38;
	[tilespmem:$0x1BA00] =	vst v63  }
0x68b: {  	s19 =	simm.s32 $0xB  }
0x68c: {  	_ =	swait.ge [sflag:s19], $0x1000  }
0x68d: {  	[sflag:s19] =	ssyncset.done $0x0  }
0x68e: {  	s22 =	simm.s32 $0x11;
	[sflag:s19] =	ssyncadd.s32 $0xFFFFF000  }
0x68f: {  	_ =	swait.ge [sflag:s22], $0x1000  }
0x690: {  	[sflag:s22] =	ssyncset.done $0x0  }
0x691: {  	[sflag:s22] =	ssyncadd.s32 $0xFFFFF000  }
0x692: {  	v17 =	vld [tilespmem:s20+$0xF040];
	_ =	sdelay $0x4  }
0x693: {  	v18 =	vshrl.u32 v17, $0x3  }
0x694: {  	v18 =	vmul.u32 $0x30, v18  }
0x695: {  	v17 =	vand.u32 $0x7, v17  }
0x696: {  	v17 =	vor.u32 v17, v18  }
0x697: {  	v18 =	vperm.xlane v17, v2;
	_ =	sdelay $0x1  }
0x698: {  	v19 =	vperm.xlane v17, v4;
	v18 =	vadd.s32 v3, v18;
	_ =	sdelay $0x1  }
0x699: {  	v20 =	vperm.xlane v17, v5;
	v19 =	vadd.s32 v3, v19;
	_ =	sdelay $0x1  }
0x69a: {  	s23 =	simm.s32 $0x13A00;
	s19 =	simm.s32 $0x0;
	v21 =	vperm.xlane v17, v0;
	v20 =	vadd.s32 v3, v20  }
0x69b: {  	[tilespmem:s23], [sflag:$0x5] =	stream.indirect_vreg.gather [hbm4b:s11+s19], $0x80, v18, vm0, $0xb8;
	[tilespmem:$0x1BA00] =	vst v63  }
0x69c: {  	s25 =	simm.s32 $0x13A80;
	v18 =	vadd.s32 v3, v21;
	v21 =	vperm.xlane v17, v6  }
0x69d: {  	[tilespmem:s25], [sflag:$0x5] =	stream.indirect_vreg.gather [hbm4b:s11+s19], $0x80, v19, vm0, $0xb8;
	[tilespmem:$0x1BA00] =	vst v63  }
0x69e: {  	s22 =	simm.s32 $0x13B00;
	v19 =	vadd.s32 v3, v21;
	v21 =	vperm.xlane v17, v7  }
0x69f: {  	[tilespmem:s22], [sflag:$0x5] =	stream.indirect_vreg.gather [hbm4b:s11+s19], $0x80, v20, vm0, $0xb8;
	[tilespmem:$0x1BA00] =	vst v63  }
0x6a0: {  	s23 =	simm.s32 $0x13B80;
	v20 =	vadd.s32 v3, v21;
	v21 =	vperm.xlane v17, v8  }
0x6a1: {  	[tilespmem:s23], [sflag:$0x5] =	stream.indirect_vreg.gather [hbm4b:s11+s19], $0x80, v18, vm0, $0xb8;
	[tilespmem:$0x1BA00] =	vst v63  }
0x6a2: {  	s25 =	simm.s32 $0x13C00;
	v18 =	vadd.s32 v3, v21;
	v21 =	vperm.xlane v17, v1  }
0x6a3: {  	[tilespmem:s25], [sflag:$0x5] =	stream.indirect_vreg.gather [hbm4b:s11+s19], $0x80, v19, vm0, $0xb8;
	[tilespmem:$0x1BA00] =	vst v63  }
0x6a4: {  	s22 =	simm.s32 $0x13C80;
	v19 =	vadd.s32 v3, v21;
	v21 =	vperm.xlane v17, v9  }
0x6a5: {  	[tilespmem:s22], [sflag:$0x5] =	stream.indirect_vreg.gather [hbm4b:s11+s19], $0x80, v20, vm0, $0xb8;
	[tilespmem:$0x1BA00] =	vst v63  }
0x6a6: {  	s23 =	simm.s32 $0x13D00;
	v20 =	vadd.s32 v3, v21;
	v21 =	vperm.xlane v17, v10  }
0x6a7: {  	[tilespmem:s23], [sflag:$0x5] =	stream.indirect_vreg.gather [hbm4b:s11+s19], $0x80, v18, vm0, $0xb8;
	[tilespmem:$0x1BA00] =	vst v63  }
0x6a8: {  	s25 =	simm.s32 $0x13D80;
	v18 =	vadd.s32 v3, v21;
	v21 =	vperm.xlane v17, v11  }
0x6a9: {  	[tilespmem:s25], [sflag:$0x5] =	stream.indirect_vreg.gather [hbm4b:s11+s19], $0x80, v19, vm0, $0xb8;
	[tilespmem:$0x1BA00] =	vst v63  }
0x6aa: {  	s22 =	simm.s32 $0x13E00;
	v19 =	vadd.s32 v3, v21;
	v21 =	vperm.xlane v17, v12  }
0x6ab: {  	[tilespmem:s22], [sflag:$0x5] =	stream.indirect_vreg.gather [hbm4b:s11+s19], $0x80, v20, vm0, $0xb8;
	[tilespmem:$0x1BA00] =	vst v63  }
0x6ac: {  	s23 =	simm.s32 $0x13E80;
	v20 =	vadd.s32 v3, v21;
	v21 =	vperm.xlane v17, v13  }
0x6ad: {  	[tilespmem:s23], [sflag:$0x5] =	stream.indirect_vreg.gather [hbm4b:s11+s19], $0x80, v18, vm0, $0xb8;
	[tilespmem:$0x1BA00] =	vst v63  }
0x6ae: {  	s25 =	simm.s32 $0x13F00;
	v18 =	vadd.s32 v3, v21;
	v21 =	vperm.xlane v17, v14  }
0x6af: {  	[tilespmem:s25], [sflag:$0x5] =	stream.indirect_vreg.gather [hbm4b:s11+s19], $0x80, v19, vm0, $0xb8;
	[tilespmem:$0x1BA00] =	vst v63  }
0x6b0: {  	s22 =	simm.s32 $0x13F80;
	v19 =	vadd.s32 v3, v21;
	v21 =	vperm.xlane v17, v15  }
0x6b1: {  	[tilespmem:s22], [sflag:$0x5] =	stream.indirect_vreg.gather [hbm4b:s11+s19], $0x80, v20, vm0, $0xb8;
	[tilespmem:$0x1BA00] =	vst v63  }
0x6b2: {  	s23 =	simm.s32 $0x14000;
	v17 =	vperm.xlane v17, v16;
	v20 =	vadd.s32 v3, v21  }
0x6b3: {  	[tilespmem:s23], [sflag:$0x5] =	stream.indirect_vreg.gather [hbm4b:s11+s19], $0x80, v18, vm0, $0xb8;
	[tilespmem:$0x1BA00] =	vst v63  }
0x6b4: {  	s25 =	simm.s32 $0x14080;
	v17 =	vadd.s32 v3, v17  }
0x6b5: {  	[tilespmem:s25], [sflag:$0x5] =	stream.indirect_vreg.gather [hbm4b:s11+s19], $0x80, v19, vm0, $0xb8;
	[tilespmem:$0x1BA00] =	vst v63  }
0x6b6: {  	s22 =	simm.s32 $0x14100  }
0x6b7: {  	[tilespmem:s22], [sflag:$0x5] =	stream.indirect_vreg.gather [hbm4b:s11+s19], $0x80, v20, vm0, $0xb8;
	[tilespmem:$0x1BA00] =	vst v63  }
0x6b8: {  	s23 =	simm.s32 $0x14180  }
0x6b9: {  	[tilespmem:s23], [sflag:$0x5] =	stream.indirect_vreg.gather [hbm4b:s11+s19], $0x80, v17, vm0, $0xb8;
	[tilespmem:$0x1BA00] =	vst v63  }
0x6ba: {  	v17 =	vld [tilespmem:s20+$0xF050];
	_ =	sdelay $0x4  }
0x6bb: {  	v18 =	vshrl.u32 v17, $0x3  }
0x6bc: {  	v18 =	vmul.u32 $0x30, v18  }
0x6bd: {  	v17 =	vand.u32 $0x7, v17  }
0x6be: {  	v17 =	vor.u32 v17, v18  }
0x6bf: {  	v18 =	vperm.xlane v17, v2;
	_ =	sdelay $0x1  }
0x6c0: {  	v19 =	vperm.xlane v17, v4;
	v18 =	vadd.s32 v3, v18;
	_ =	sdelay $0x1  }
0x6c1: {  	v20 =	vperm.xlane v17, v5;
	v19 =	vadd.s32 v3, v19;
	_ =	sdelay $0x1  }
0x6c2: {  	s25 =	simm.s32 $0x14200;
	v21 =	vperm.xlane v17, v0;
	v20 =	vadd.s32 v3, v20  }
0x6c3: {  	[tilespmem:s25], [sflag:$0x5] =	stream.indirect_vreg.gather [hbm4b:s11+s19], $0x80, v18, vm0, $0xb8;
	[tilespmem:$0x1BA00] =	vst v63  }
0x6c4: {  	s22 =	simm.s32 $0x14280;
	v18 =	vadd.s32 v3, v21;
	v21 =	vperm.xlane v17, v6  }
0x6c5: {  	[tilespmem:s22], [sflag:$0x5] =	stream.indirect_vreg.gather [hbm4b:s11+s19], $0x80, v19, vm0, $0xb8;
	[tilespmem:$0x1BA00] =	vst v63  }
0x6c6: {  	s23 =	simm.s32 $0x14300;
	v19 =	vadd.s32 v3, v21;
	v21 =	vperm.xlane v17, v7  }
0x6c7: {  	[tilespmem:s23], [sflag:$0x5] =	stream.indirect_vreg.gather [hbm4b:s11+s19], $0x80, v20, vm0, $0xb8;
	[tilespmem:$0x1BA00] =	vst v63  }
0x6c8: {  	s25 =	simm.s32 $0x14380;
	v20 =	vadd.s32 v3, v21;
	v21 =	vperm.xlane v17, v8  }
0x6c9: {  	[tilespmem:s25], [sflag:$0x5] =	stream.indirect_vreg.gather [hbm4b:s11+s19], $0x80, v18, vm0, $0xb8;
	[tilespmem:$0x1BA00] =	vst v63  }
0x6ca: {  	s22 =	simm.s32 $0x14400;
	v18 =	vadd.s32 v3, v21;
	v21 =	vperm.xlane v17, v1  }
0x6cb: {  	[tilespmem:s22], [sflag:$0x5] =	stream.indirect_vreg.gather [hbm4b:s11+s19], $0x80, v19, vm0, $0xb8;
	[tilespmem:$0x1BA00] =	vst v63  }
0x6cc: {  	s23 =	simm.s32 $0x14480;
	v19 =	vadd.s32 v3, v21;
	v21 =	vperm.xlane v17, v9  }
0x6cd: {  	[tilespmem:s23], [sflag:$0x5] =	stream.indirect_vreg.gather [hbm4b:s11+s19], $0x80, v20, vm0, $0xb8;
	[tilespmem:$0x1BA00] =	vst v63  }
0x6ce: {  	s25 =	simm.s32 $0x14500;
	v20 =	vadd.s32 v3, v21;
	v21 =	vperm.xlane v17, v10  }
0x6cf: {  	[tilespmem:s25], [sflag:$0x5] =	stream.indirect_vreg.gather [hbm4b:s11+s19], $0x80, v18, vm0, $0xb8;
	[tilespmem:$0x1BA00] =	vst v63  }
0x6d0: {  	s22 =	simm.s32 $0x14580;
	v18 =	vadd.s32 v3, v21;
	v21 =	vperm.xlane v17, v11  }
0x6d1: {  	[tilespmem:s22], [sflag:$0x5] =	stream.indirect_vreg.gather [hbm4b:s11+s19], $0x80, v19, vm0, $0xb8;
	[tilespmem:$0x1BA00] =	vst v63  }
0x6d2: {  	s23 =	simm.s32 $0x14600;
	v19 =	vadd.s32 v3, v21;
	v21 =	vperm.xlane v17, v12  }
0x6d3: {  	[tilespmem:s23], [sflag:$0x5] =	stream.indirect_vreg.gather [hbm4b:s11+s19], $0x80, v20, vm0, $0xb8;
	[tilespmem:$0x1BA00] =	vst v63  }
0x6d4: {  	s25 =	simm.s32 $0x14680;
	v20 =	vadd.s32 v3, v21;
	v21 =	vperm.xlane v17, v13  }
0x6d5: {  	[tilespmem:s25], [sflag:$0x5] =	stream.indirect_vreg.gather [hbm4b:s11+s19], $0x80, v18, vm0, $0xb8;
	[tilespmem:$0x1BA00] =	vst v63  }
0x6d6: {  	s22 =	simm.s32 $0x14700;
	v18 =	vadd.s32 v3, v21;
	v21 =	vperm.xlane v17, v14  }
0x6d7: {  	[tilespmem:s22], [sflag:$0x5] =	stream.indirect_vreg.gather [hbm4b:s11+s19], $0x80, v19, vm0, $0xb8;
	[tilespmem:$0x1BA00] =	vst v63  }
0x6d8: {  	s23 =	simm.s32 $0x14780;
	v19 =	vadd.s32 v3, v21;
	v21 =	vperm.xlane v17, v15  }
0x6d9: {  	[tilespmem:s23], [sflag:$0x5] =	stream.indirect_vreg.gather [hbm4b:s11+s19], $0x80, v20, vm0, $0xb8;
	[tilespmem:$0x1BA00] =	vst v63  }
0x6da: {  	s25 =	simm.s32 $0x14800;
	v17 =	vperm.xlane v17, v16;
	v20 =	vadd.s32 v3, v21  }
0x6db: {  	[tilespmem:s25], [sflag:$0x5] =	stream.indirect_vreg.gather [hbm4b:s11+s19], $0x80, v18, vm0, $0xb8;
	[tilespmem:$0x1BA00] =	vst v63  }
0x6dc: {  	s22 =	simm.s32 $0x14880;
	v17 =	vadd.s32 v3, v17  }
0x6dd: {  	[tilespmem:s22], [sflag:$0x5] =	stream.indirect_vreg.gather [hbm4b:s11+s19], $0x80, v19, vm0, $0xb8;
	[tilespmem:$0x1BA00] =	vst v63  }
0x6de: {  	s23 =	simm.s32 $0x14900  }
0x6df: {  	[tilespmem:s23], [sflag:$0x5] =	stream.indirect_vreg.gather [hbm4b:s11+s19], $0x80, v20, vm0, $0xb8;
	[tilespmem:$0x1BA00] =	vst v63  }
0x6e0: {  	s25 =	simm.s32 $0x14980  }
0x6e1: {  	[tilespmem:s25], [sflag:$0x5] =	stream.indirect_vreg.gather [hbm4b:s11+s19], $0x80, v17, vm0, $0xb8;
	[tilespmem:$0x1BA00] =	vst v63  }
0x6e2: {  	v17 =	vld [tilespmem:s30+$0x1000]  }
0x6e3: {  	v18 =	vld [tilespmem:s30+$0x1010]  }
0x6e4: {  	v19 =	vld [tilespmem:s30+$0x1020]  }
0x6e5: {  	v24 =	vld [tilespmem:s30+$0x1070]  }
0x6e6: {  	v20 =	vld [tilespmem:s30+$0x1030]  }
0x6e7: {  	v21 =	vld [tilespmem:s30+$0x1040]  }
0x6e8: {  	v22 =	vld [tilespmem:s30+$0x1050]  }
0x6e9: {  	s4 =	simm.s32 $0x0;
	s19 =	simm.s32 $0x200;
	v23 =	vld [tilespmem:s30+$0x1060]  }
.LBB2_36:
0x6ea: {  	p0 =	sne.s32 s19, $0x3E00;
	[tilespmem:s4+$0x19A70] =	vst.add.f32.msk $0xffff, v24  }
0x6eb: {  	[tilespmem:s4+$0x19A00] =	vst.add.f32.msk $0xffff, v17  }
0x6ec: {  	[tilespmem:s4+$0x19A10] =	vst.add.f32.msk $0xffff, v18  }
.Ltmp21:
0x6ed: {  	[tilespmem:s4+$0x19A20] =	vst.add.f32.msk $0xffff, v19;
	(pc) =	sbr.rel @p0 .LBB2_36-.Ltmp21, $4  }
0x6ee: {  	[tilespmem:s4+$0x19A30] =	vst.add.f32.msk $0xffff, v20  }
0x6ef: {  	[tilespmem:s4+$0x19A40] =	vst.add.f32.msk $0xffff, v21  }
0x6f0: {  	[tilespmem:s4+$0x19A50] =	vst.add.f32.msk $0xffff, v22  }
0x6f1: {  	[tilespmem:s4+$0x19A60] =	vst.add.f32.msk $0xffff, v23;
	s4 =	sshra.s32 s19, $0x2;
	s19 =	sadd.s32 $0x200, s19  }
0x6f2: {  	[tilespmem:s4+$0x19A70] =	vst.add.f32.msk $0xffff, v24  }
0x6f3: {  	[tilespmem:s4+$0x19A00] =	vst.add.f32.msk $0xffff, v17  }
0x6f4: {  	[tilespmem:s4+$0x19A10] =	vst.add.f32.msk $0xffff, v18  }
0x6f5: {  	[tilespmem:s4+$0x19A20] =	vst.add.f32.msk $0xffff, v19  }
0x6f6: {  	[tilespmem:s4+$0x19A30] =	vst.add.f32.msk $0xffff, v20  }
0x6f7: {  	[tilespmem:s4+$0x19A40] =	vst.add.f32.msk $0xffff, v21  }
0x6f8: {  	[tilespmem:s4+$0x19A50] =	vst.add.f32.msk $0xffff, v22  }
0x6f9: {  	[tilespmem:s4+$0x19A60] =	vst.add.f32.msk $0xffff, v23;
	s22 =	sadd.s32 s29, s16;
	s19 =	simm.s32 $0x19A00;
	s23 =	simm.s32 $0xC  }
0x6fa: {  	[hbm4b:s22+s28] =	stream.strided.scatter [tilespmem:s19], [sflag:$0x17], $0x1000, s31, s28, $0x38;
	[tilespmem:$0x1BA00] =	vst v63  }
0x6fb: {  	_ =	swait.ge [sflag:s23], $0x1000  }
0x6fc: {  	[sflag:s23] =	ssyncset.done $0x0  }
0x6fd: {  	[sflag:s23] =	ssyncadd.s32 $0xFFFFF000  }
0x6fe: {  	_ =	swait.ge [sflag:s21], $0x1000  }
0x6ff: {  	[sflag:s21] =	ssyncset.done $0x0  }
0x700: {  	[sflag:s21] =	ssyncadd.s32 $0xFFFFF000  }
0x701: {  	v17 =	vld [tilespmem:s20+$0xF040];
	_ =	sdelay $0x4  }
0x702: {  	v18 =	vshrl.u32 v17, $0x3  }
0x703: {  	v18 =	vmul.u32 $0x30, v18  }
0x704: {  	v17 =	vand.u32 $0x7, v17  }
0x705: {  	v17 =	vor.u32 v17, v18  }
0x706: {  	v18 =	vperm.xlane v17, v2;
	_ =	sdelay $0x1  }
0x707: {  	v19 =	vperm.xlane v17, v4;
	v18 =	vadd.s32 v3, v18;
	_ =	sdelay $0x1  }
0x708: {  	v20 =	vperm.xlane v17, v5;
	v19 =	vadd.s32 v3, v19;
	_ =	sdelay $0x1  }
0x709: {  	s25 =	simm.s32 $0x14A00;
	s19 =	simm.s32 $0x0;
	v21 =	vperm.xlane v17, v0;
	v20 =	vadd.s32 v3, v20  }
0x70a: {  	[tilespmem:s25], [sflag:$0x6] =	stream.indirect_vreg.gather [hbm4b:s12+s19], $0x80, v18, vm0, $0xb8;
	[tilespmem:$0x1BA00] =	vst v63  }
0x70b: {  	s22 =	simm.s32 $0x14A80;
	v18 =	vadd.s32 v3, v21;
	v21 =	vperm.xlane v17, v6  }
0x70c: {  	[tilespmem:s22], [sflag:$0x6] =	stream.indirect_vreg.gather [hbm4b:s12+s19], $0x80, v19, vm0, $0xb8;
	[tilespmem:$0x1BA00] =	vst v63  }
0x70d: {  	s23 =	simm.s32 $0x14B00;
	v19 =	vadd.s32 v3, v21;
	v21 =	vperm.xlane v17, v7  }
0x70e: {  	[tilespmem:s23], [sflag:$0x6] =	stream.indirect_vreg.gather [hbm4b:s12+s19], $0x80, v20, vm0, $0xb8;
	[tilespmem:$0x1BA00] =	vst v63  }
0x70f: {  	s25 =	simm.s32 $0x14B80;
	v20 =	vadd.s32 v3, v21;
	v21 =	vperm.xlane v17, v8  }
0x710: {  	[tilespmem:s25], [sflag:$0x6] =	stream.indirect_vreg.gather [hbm4b:s12+s19], $0x80, v18, vm0, $0xb8;
	[tilespmem:$0x1BA00] =	vst v63  }
0x711: {  	s22 =	simm.s32 $0x14C00;
	v18 =	vadd.s32 v3, v21;
	v21 =	vperm.xlane v17, v1  }
0x712: {  	[tilespmem:s22], [sflag:$0x6] =	stream.indirect_vreg.gather [hbm4b:s12+s19], $0x80, v19, vm0, $0xb8;
	[tilespmem:$0x1BA00] =	vst v63  }
0x713: {  	s23 =	simm.s32 $0x14C80;
	v19 =	vadd.s32 v3, v21;
	v21 =	vperm.xlane v17, v9  }
0x714: {  	[tilespmem:s23], [sflag:$0x6] =	stream.indirect_vreg.gather [hbm4b:s12+s19], $0x80, v20, vm0, $0xb8;
	[tilespmem:$0x1BA00] =	vst v63  }
0x715: {  	s25 =	simm.s32 $0x14D00;
	v20 =	vadd.s32 v3, v21;
	v21 =	vperm.xlane v17, v10  }
0x716: {  	[tilespmem:s25], [sflag:$0x6] =	stream.indirect_vreg.gather [hbm4b:s12+s19], $0x80, v18, vm0, $0xb8;
	[tilespmem:$0x1BA00] =	vst v63  }
0x717: {  	s22 =	simm.s32 $0x14D80;
	v18 =	vadd.s32 v3, v21;
	v21 =	vperm.xlane v17, v11  }
0x718: {  	[tilespmem:s22], [sflag:$0x6] =	stream.indirect_vreg.gather [hbm4b:s12+s19], $0x80, v19, vm0, $0xb8;
	[tilespmem:$0x1BA00] =	vst v63  }
0x719: {  	s23 =	simm.s32 $0x14E00;
	v19 =	vadd.s32 v3, v21;
	v21 =	vperm.xlane v17, v12  }
0x71a: {  	[tilespmem:s23], [sflag:$0x6] =	stream.indirect_vreg.gather [hbm4b:s12+s19], $0x80, v20, vm0, $0xb8;
	[tilespmem:$0x1BA00] =	vst v63  }
0x71b: {  	s25 =	simm.s32 $0x14E80;
	v20 =	vadd.s32 v3, v21;
	v21 =	vperm.xlane v17, v13  }
0x71c: {  	[tilespmem:s25], [sflag:$0x6] =	stream.indirect_vreg.gather [hbm4b:s12+s19], $0x80, v18, vm0, $0xb8;
	[tilespmem:$0x1BA00] =	vst v63  }
0x71d: {  	s22 =	simm.s32 $0x14F00;
	v18 =	vadd.s32 v3, v21;
	v21 =	vperm.xlane v17, v14  }
0x71e: {  	[tilespmem:s22], [sflag:$0x6] =	stream.indirect_vreg.gather [hbm4b:s12+s19], $0x80, v19, vm0, $0xb8;
	[tilespmem:$0x1BA00] =	vst v63  }
0x71f: {  	s23 =	simm.s32 $0x14F80;
	v19 =	vadd.s32 v3, v21;
	v21 =	vperm.xlane v17, v15  }
0x720: {  	[tilespmem:s23], [sflag:$0x6] =	stream.indirect_vreg.gather [hbm4b:s12+s19], $0x80, v20, vm0, $0xb8;
	[tilespmem:$0x1BA00] =	vst v63  }
0x721: {  	s25 =	simm.s32 $0x15000;
	v17 =	vperm.xlane v17, v16;
	v20 =	vadd.s32 v3, v21  }
0x722: {  	[tilespmem:s25], [sflag:$0x6] =	stream.indirect_vreg.gather [hbm4b:s12+s19], $0x80, v18, vm0, $0xb8;
	[tilespmem:$0x1BA00] =	vst v63  }
0x723: {  	s22 =	simm.s32 $0x15080;
	v17 =	vadd.s32 v3, v17  }
0x724: {  	[tilespmem:s22], [sflag:$0x6] =	stream.indirect_vreg.gather [hbm4b:s12+s19], $0x80, v19, vm0, $0xb8;
	[tilespmem:$0x1BA00] =	vst v63  }
0x725: {  	s23 =	simm.s32 $0x15100  }
0x726: {  	[tilespmem:s23], [sflag:$0x6] =	stream.indirect_vreg.gather [hbm4b:s12+s19], $0x80, v20, vm0, $0xb8;
	[tilespmem:$0x1BA00] =	vst v63  }
0x727: {  	s25 =	simm.s32 $0x15180  }
0x728: {  	[tilespmem:s25], [sflag:$0x6] =	stream.indirect_vreg.gather [hbm4b:s12+s19], $0x80, v17, vm0, $0xb8;
	[tilespmem:$0x1BA00] =	vst v63  }
0x729: {  	v17 =	vld [tilespmem:s20+$0xF050];
	_ =	sdelay $0x4  }
0x72a: {  	v18 =	vshrl.u32 v17, $0x3  }
0x72b: {  	v18 =	vmul.u32 $0x30, v18  }
0x72c: {  	v17 =	vand.u32 $0x7, v17  }
0x72d: {  	v17 =	vor.u32 v17, v18  }
0x72e: {  	v18 =	vperm.xlane v17, v2;
	_ =	sdelay $0x1  }
0x72f: {  	v19 =	vperm.xlane v17, v4;
	v18 =	vadd.s32 v3, v18;
	_ =	sdelay $0x1  }
0x730: {  	v20 =	vperm.xlane v17, v5;
	v19 =	vadd.s32 v3, v19;
	_ =	sdelay $0x1  }
0x731: {  	s20 =	simm.s32 $0x15200;
	v21 =	vperm.xlane v17, v0;
	v20 =	vadd.s32 v3, v20  }
0x732: {  	[tilespmem:s20], [sflag:$0x6] =	stream.indirect_vreg.gather [hbm4b:s12+s19], $0x80, v18, vm0, $0xb8;
	[tilespmem:$0x1BA00] =	vst v63  }
0x733: {  	s22 =	simm.s32 $0x15280;
	v18 =	vadd.s32 v3, v21;
	v21 =	vperm.xlane v17, v6  }
0x734: {  	[tilespmem:s22], [sflag:$0x6] =	stream.indirect_vreg.gather [hbm4b:s12+s19], $0x80, v19, vm0, $0xb8;
	[tilespmem:$0x1BA00] =	vst v63  }
0x735: {  	s23 =	simm.s32 $0x15300;
	v19 =	vadd.s32 v3, v21;
	v21 =	vperm.xlane v17, v7  }
0x736: {  	[tilespmem:s23], [sflag:$0x6] =	stream.indirect_vreg.gather [hbm4b:s12+s19], $0x80, v20, vm0, $0xb8;
	[tilespmem:$0x1BA00] =	vst v63  }
0x737: {  	s25 =	simm.s32 $0x15380;
	v20 =	vadd.s32 v3, v21;
	v21 =	vperm.xlane v17, v8  }
0x738: {  	[tilespmem:s25], [sflag:$0x6] =	stream.indirect_vreg.gather [hbm4b:s12+s19], $0x80, v18, vm0, $0xb8;
	[tilespmem:$0x1BA00] =	vst v63  }
0x739: {  	s20 =	simm.s32 $0x15400;
	v18 =	vadd.s32 v3, v21;
	v21 =	vperm.xlane v17, v1  }
0x73a: {  	[tilespmem:s20], [sflag:$0x6] =	stream.indirect_vreg.gather [hbm4b:s12+s19], $0x80, v19, vm0, $0xb8;
	[tilespmem:$0x1BA00] =	vst v63  }
0x73b: {  	s22 =	simm.s32 $0x15480;
	v19 =	vadd.s32 v3, v21;
	v21 =	vperm.xlane v17, v9  }
0x73c: {  	[tilespmem:s22], [sflag:$0x6] =	stream.indirect_vreg.gather [hbm4b:s12+s19], $0x80, v20, vm0, $0xb8;
	[tilespmem:$0x1BA00] =	vst v63  }
0x73d: {  	s23 =	simm.s32 $0x15500;
	v20 =	vadd.s32 v3, v21;
	v21 =	vperm.xlane v17, v10  }
0x73e: {  	[tilespmem:s23], [sflag:$0x6] =	stream.indirect_vreg.gather [hbm4b:s12+s19], $0x80, v18, vm0, $0xb8;
	[tilespmem:$0x1BA00] =	vst v63  }
0x73f: {  	s25 =	simm.s32 $0x15580;
	v18 =	vadd.s32 v3, v21;
	v21 =	vperm.xlane v17, v11  }
0x740: {  	[tilespmem:s25], [sflag:$0x6] =	stream.indirect_vreg.gather [hbm4b:s12+s19], $0x80, v19, vm0, $0xb8;
	[tilespmem:$0x1BA00] =	vst v63  }
0x741: {  	s20 =	simm.s32 $0x15600;
	v19 =	vadd.s32 v3, v21;
	v21 =	vperm.xlane v17, v12  }
0x742: {  	[tilespmem:s20], [sflag:$0x6] =	stream.indirect_vreg.gather [hbm4b:s12+s19], $0x80, v20, vm0, $0xb8;
	[tilespmem:$0x1BA00] =	vst v63  }
0x743: {  	s22 =	simm.s32 $0x15680;
	v20 =	vadd.s32 v3, v21;
	v21 =	vperm.xlane v17, v13  }
0x744: {  	[tilespmem:s22], [sflag:$0x6] =	stream.indirect_vreg.gather [hbm4b:s12+s19], $0x80, v18, vm0, $0xb8;
	[tilespmem:$0x1BA00] =	vst v63  }
0x745: {  	s23 =	simm.s32 $0x15700;
	v18 =	vadd.s32 v3, v21;
	v21 =	vperm.xlane v17, v14  }
0x746: {  	[tilespmem:s23], [sflag:$0x6] =	stream.indirect_vreg.gather [hbm4b:s12+s19], $0x80, v19, vm0, $0xb8;
	[tilespmem:$0x1BA00] =	vst v63  }
0x747: {  	s25 =	simm.s32 $0x15780;
	v19 =	vadd.s32 v3, v21;
	v21 =	vperm.xlane v17, v15  }
0x748: {  	[tilespmem:s25], [sflag:$0x6] =	stream.indirect_vreg.gather [hbm4b:s12+s19], $0x80, v20, vm0, $0xb8;
	[tilespmem:$0x1BA00] =	vst v63  }
0x749: {  	s20 =	simm.s32 $0x15800;
	v17 =	vperm.xlane v17, v16;
	v20 =	vadd.s32 v3, v21  }
0x74a: {  	[tilespmem:s20], [sflag:$0x6] =	stream.indirect_vreg.gather [hbm4b:s12+s19], $0x80, v18, vm0, $0xb8;
	[tilespmem:$0x1BA00] =	vst v63  }
0x74b: {  	s22 =	simm.s32 $0x15880;
	v17 =	vadd.s32 v3, v17  }
0x74c: {  	[tilespmem:s22], [sflag:$0x6] =	stream.indirect_vreg.gather [hbm4b:s12+s19], $0x80, v19, vm0, $0xb8;
	[tilespmem:$0x1BA00] =	vst v63  }
0x74d: {  	s23 =	simm.s32 $0x15900  }
0x74e: {  	[tilespmem:s23], [sflag:$0x6] =	stream.indirect_vreg.gather [hbm4b:s12+s19], $0x80, v20, vm0, $0xb8;
	[tilespmem:$0x1BA00] =	vst v63  }
0x74f: {  	s25 =	simm.s32 $0x15980  }
0x750: {  	[tilespmem:s25], [sflag:$0x6] =	stream.indirect_vreg.gather [hbm4b:s12+s19], $0x80, v17, vm0, $0xb8;
	[tilespmem:$0x1BA00] =	vst v63  }
0x751: {  	v17 =	vld [tilespmem:s30+$0x1400]  }
0x752: {  	v18 =	vld [tilespmem:s30+$0x1410]  }
0x753: {  	v19 =	vld [tilespmem:s30+$0x1420]  }
0x754: {  	v24 =	vld [tilespmem:s30+$0x1470]  }
0x755: {  	v20 =	vld [tilespmem:s30+$0x1430]  }
0x756: {  	v21 =	vld [tilespmem:s30+$0x1440]  }
0x757: {  	v22 =	vld [tilespmem:s30+$0x1450]  }
0x758: {  	s4 =	simm.s32 $0x0;
	s19 =	simm.s32 $0x200;
	v23 =	vld [tilespmem:s30+$0x1460]  }
.LBB2_38:
0x759: {  	p0 =	sne.s32 s19, $0x3E00;
	[tilespmem:s4+$0x1AA70] =	vst.add.f32.msk $0xffff, v24  }
0x75a: {  	[tilespmem:s4+$0x1AA00] =	vst.add.f32.msk $0xffff, v17  }
0x75b: {  	[tilespmem:s4+$0x1AA10] =	vst.add.f32.msk $0xffff, v18  }
.Ltmp22:
0x75c: {  	[tilespmem:s4+$0x1AA20] =	vst.add.f32.msk $0xffff, v19;
	(pc) =	sbr.rel @p0 .LBB2_38-.Ltmp22, $4  }
0x75d: {  	[tilespmem:s4+$0x1AA30] =	vst.add.f32.msk $0xffff, v20  }
0x75e: {  	[tilespmem:s4+$0x1AA40] =	vst.add.f32.msk $0xffff, v21  }
0x75f: {  	[tilespmem:s4+$0x1AA50] =	vst.add.f32.msk $0xffff, v22  }
0x760: {  	[tilespmem:s4+$0x1AA60] =	vst.add.f32.msk $0xffff, v23;
	s4 =	sshra.s32 s19, $0x2;
	s19 =	sadd.s32 $0x200, s19  }
0x761: {  	[tilespmem:s4+$0x1AA70] =	vst.add.f32.msk $0xffff, v24  }
0x762: {  	[tilespmem:s4+$0x1AA00] =	vst.add.f32.msk $0xffff, v17  }
0x763: {  	[tilespmem:s4+$0x1AA10] =	vst.add.f32.msk $0xffff, v18  }
0x764: {  	[tilespmem:s4+$0x1AA20] =	vst.add.f32.msk $0xffff, v19  }
.Ltmp23:
0x765: {  	[tilespmem:s4+$0x1AA30] =	vst.add.f32.msk $0xffff, v20;
	(pc) =	sbr.rel .LBB2_40-.Ltmp23, $4  }
0x766: {  	[tilespmem:s4+$0x1AA40] =	vst.add.f32.msk $0xffff, v21  }
0x767: {  	[tilespmem:s4+$0x1AA50] =	vst.add.f32.msk $0xffff, v22  }
0x768: {  	[tilespmem:s4+$0x1AA60] =	vst.add.f32.msk $0xffff, v23;
	s30 =	sadd.s32 s29, s17;
	s19 =	simm.s32 $0x1AA00  }
0x769: {  	[hbm4b:s30+s28] =	stream.strided.scatter [tilespmem:s19], [sflag:$0x18], $0x1000, s31, s28, $0x38;
	[tilespmem:$0x1BA00] =	vst v63  }
.LBB2_42:
0x76a: {  	_ =	sfence.sel $0x180000  }
0x76b: {  	[bflag:$0x0] =	sbarrier.arrive $0xFFFF  }
0x76c: {  	_ =	strace $0x90000047  }
0x76d: {  	s0 =	stileid.u32;
	[bflag:$0x2] =	sbarrier.arrive $0xFFFF  }
0x76e: {  	p0 =	sne.s32 s0, $0x0;
	s0 =	rddreg [dreg:$0x4]  }
0x76f: {  	s0 =	sadd.s32 @!p0 $0x100000, s0  }
0x770: {  	[sflag:s0] =	ssyncadd.tile.s32 @!p0 $0x1;
	_ =	shalt  }
.Lfunc_end2:
_tile_overlayer_lowered:
.L_overlay_start_2:
0x771: {  	(tag) =	ssettag $0x2  }
0x772: {  	s0 =	rddreg [dreg:$0x0];
	s2 =	stileid.u32  }
0x773: {  	s1 =	rddreg [dreg:$0x1];
	p0 =	sne.s32 s2, $0x0  }
0x774: {  	s3 =	rddreg [dreg:$0x2];
	[bflag:$0x3] =	sbarrier.arrive $0xFFFF;
	s2 =	simm.s32 @!p0 $0x1C1A  }
0x775: {  	[timem:s3], [sflag:s2] =	dma.local @!p0 [hbm:s0], s1  }
0x776: {  	s0 =	simm.s32 @!p0 $0x1A  }
0x777: {  	_ =	swait.ge @!p0 [sflag:s0], s1  }
0x778: {  	s1 =	ssub.s32 @!p0 $0x0, s1;
	[sflag:s0] =	ssyncset.done @!p0 $0x0  }
0x779: {  	[sflag:s0] =	ssyncadd.s32 @!p0 s1  }
0x77a: {  	[bflag:$0x3] =	sbarrier.arrive $0xFFFF  }
0x77b: {  	_ =	shalt  }

</sc_bundles>
